<compile_context>
chip_gen: v7x
topology: tpu7x:2x2x1
jax: 0.10.2.dev20260603
libtpu: 0.0.44.dev20260713+nightly
codegen_flags: <defaults>
</compile_context>

<pallas_src>
import functools

import jax
import jax.numpy as jnp
from jax import lax
from jax.experimental import pallas as pl
from jax.experimental.pallas import tpu as pltpu
from jax.experimental.pallas import tpu_sc as plsc

NROW_C = 128
N_C = 16777216
NC = 2
NS = 16
NW = NC * NS
PER_W = N_C // NW
CH = 32768
NCH = PER_W // CH
UNROLL = 16


def _hist_body(x_hbm, out_hbm, buf0, buf1, hist, totals, sem0, sem1):
    wid = lax.axis_index("s") * NC + lax.axis_index("c")
    base = wid * PER_W

    zeros = jnp.zeros((16,), jnp.int32)
    for i in range(NROW_C * 16 // 16):
        hist[pl.ds(i * 16, 16)] = zeros

    lane = lax.iota(jnp.int32, 16)
    ones = jnp.ones((16,), jnp.int32)
    magic = jnp.full((16,), 8388608.0, jnp.float32)
    lane_fix = (lane.astype(jnp.uint32) + jnp.uint32(0x50000000)).astype(
        jnp.uint32)
    bufs = (buf0, buf1)
    sems = (sem0, sem1)

    cps = [None, None]
    cps[0] = pltpu.async_copy(x_hbm.at[pl.ds(base, CH)], buf0, sem0)
    for c in range(NCH):
        if c + 1 < NCH:
            nb = (c + 1) % 2
            cps[nb] = pltpu.async_copy(
                x_hbm.at[pl.ds(base + (c + 1) * CH, CH)], bufs[nb], sems[nb])
        cps[c % 2].wait()
        cur = bufs[c % 2]

        @plsc.parallel_loop(0, CH // 16, unroll=UNROLL)
        def _(i, cur=cur):
            v = cur[pl.ds(i * 16, 16)]
            b = plsc.bitcast(v + magic, jnp.uint32)
            idx = plsc.bitcast(b * jnp.uint32(16) + lane_fix, jnp.int32)
            plsc.addupdate_scatter(hist, [idx], ones)

    lane16 = lane * 16
    for g in range(NROW_C // 16):
        acc = jnp.zeros((16,), jnp.int32)
        for l in range(16):
            acc = acc + plsc.load_gather(hist, [lane16 + (g * 256 + l)])
        totals[pl.ds(g * 16, 16)] = acc

    pltpu.sync_copy(totals, out_hbm.at[wid])


_hist = functools.partial(
    pl.kernel,
    out_type=jax.ShapeDtypeStruct((NW, NROW_C), jnp.int32),
    mesh=plsc.VectorSubcoreMesh(
        core_axis_name="c", subcore_axis_name="s", num_cores=NC,
        num_subcores=NS),
    scratch_types=[
        pltpu.VMEM((CH,), jnp.float32),
        pltpu.VMEM((CH,), jnp.float32),
        pltpu.VMEM((NROW_C * 16,), jnp.int32),
        pltpu.VMEM((NROW_C,), jnp.int32),
        pltpu.SemaphoreType.DMA,
        pltpu.SemaphoreType.DMA,
    ],
    compiler_params=pltpu.CompilerParams(needs_layout_passes=False),
)(_hist_body)


def _combine_body(off_ref, parts_ref, o_ref):
    counts = jnp.sum(parts_ref[...], axis=0, keepdims=True)
    row = lax.broadcasted_iota(jnp.int32, (NROW_C, NROW_C), 0)
    col = lax.broadcasted_iota(jnp.int32, (NROW_C, NROW_C), 1)
    mat = jnp.where(col <= row, jnp.broadcast_to(counts, (NROW_C, NROW_C)), 0)
    cs = jnp.sum(mat, axis=1, keepdims=True)
    off = off_ref[0]
    o_ref[...] = jnp.concatenate(
        [jnp.zeros((1, 1), jnp.int32), cs], axis=0) + off


_combine = pl.pallas_call(
    _combine_body,
    in_specs=[
        pl.BlockSpec(memory_space=pltpu.SMEM),
        pl.BlockSpec(memory_space=pltpu.VMEM),
    ],
    out_shape=jax.ShapeDtypeStruct((NROW_C + 1, 1), jnp.int32),
)


def kernel(nrow, x):
    parts = _hist(x)
    off = jnp.asarray(nrow - NROW_C, jnp.int32).reshape(1)
    return _combine(off, parts).reshape(NROW_C + 1)

# --- scband reference (transcript-rebuilt; emitter-appended) ---
"""Pipeline reference for scband-cum-sum-seq-45629732553371 (READ-ONLY COPY).

The authoritative reference and input builder live on the scoring server;
editing this copy changes nothing except your own understanding.
"""

import jax, jax.numpy as jnp
import numpy as np

NROW = 128
N = 16777216


def setup_inputs(seed: int = 0) -> dict:
    key = jax.random.key(seed)
    # x holds integer-valued bin ids stored as float32 (values in [0, NROW))
    x = jax.random.randint(key, (N,), 0, NROW).astype(jnp.float32)
    return {"nrow": NROW, "x": x}


def reference(nrow, x):
    # Faithful translation of CumSumSeq.forward:
    #   csr_row[0] = 0
    #   csr_row[i+1] = csr_row[i] + (x == i).sum()
    # which is exactly cumsum(bincount(x, nrow)) with a leading zero.
    xi = x.astype(jnp.int32)
    counts = jnp.bincount(xi, length=NROW)  # scatter-add histogram
    csr_row = jnp.concatenate([jnp.zeros((1,), dtype=counts.dtype), jnp.cumsum(counts)])
    return (csr_row + (nrow - NROW)).astype(jnp.int32)

if __name__ == "__main__":
    import jax
    _d = setup_inputs()
    print(jax.jit(kernel)(*tuple(_d.values())))

</pallas_src>

<mosaic_0001>
#map = affine_map<(d0, d1) -> (0)>
#map1 = affine_map<(d0, d1) -> (0, 0)>
module attributes {stable_mosaic.version = 14 : i64} {
  func.func @_hist_body(%arg0: i32, %arg1: i32, %arg2: memref<16777216xf32, #tpu.memory_space<hbm>>, %arg3: memref<32x128xi32, #tpu.memory_space<hbm>>, %arg4: memref<32768xf32, #tpu.memory_space<vmem>>, %arg5: memref<32768xf32, #tpu.memory_space<vmem>>, %arg6: memref<2048xi32, #tpu.memory_space<vmem>>, %arg7: memref<128xi32, #tpu.memory_space<vmem>>, %arg8: memref<!tpu.dma_semaphore, #tpu.memory_space<semaphore_mem>>, %arg9: memref<!tpu.dma_semaphore, #tpu.memory_space<semaphore_mem>>) attributes {dimension_semantics = [#tpu.dimension_semantics<core_parallel>, #tpu.dimension_semantics<subcore_parallel>], iteration_bounds = array<i64: 2, 16>, scalar_prefetch = 0 : i64, scratch_operands = 6 : i64, tpu.core_type = #tpu.core_type<sc_vector_subcore>, window_params = [{transform_indices = #map}, {transform_indices = #map1}]} {
    %mul3A = arith.constant 2 : i32
    %mul3A_0 = arith.muli %arg1, %mul3A : i32
    %add3A = arith.addi %mul3A_0, %arg0 : i32
    %mul3A_1 = arith.constant 524288 : i32
    %mul3A_2 = arith.muli %add3A, %mul3A_1 : i32
    %broadcast_in_dim3A = arith.constant 0 : i32
    %broadcast_in_dim3A_3 = vector.broadcast %broadcast_in_dim3A : i32 to vector<16xi32>
    %swap3A = arith.constant 0 : index
    %swap3A_4 = tpu.vector_load %arg6[%swap3A] {strides = array<i32>} : memref<2048xi32, #tpu.memory_space<vmem>>, vector<16xi32>,
    tpu.vector_store %arg6[%swap3A], %broadcast_in_dim3A_3 {strides = array<i32>} : memref<2048xi32, #tpu.memory_space<vmem>>, vector<16xi32>,
    %swap3A_5 = arith.constant 16 : index
    %swap3A_6 = tpu.vector_load %arg6[%swap3A_5] {strides = array<i32>} : memref<2048xi32, #tpu.memory_space<vmem>>, vector<16xi32>,
    tpu.vector_store %arg6[%swap3A_5], %broadcast_in_dim3A_3 {strides = array<i32>} : memref<2048xi32, #tpu.memory_space<vmem>>, vector<16xi32>,
    %swap3A_7 = arith.constant 32 : index
    %swap3A_8 = tpu.vector_load %arg6[%swap3A_7] {strides = array<i32>} : memref<2048xi32, #tpu.memory_space<vmem>>, vector<16xi32>,
    tpu.vector_store %arg6[%swap3A_7], %broadcast_in_dim3A_3 {strides = array<i32>} : memref<2048xi32, #tpu.memory_space<vmem>>, vector<16xi32>,
    %swap3A_9 = arith.constant 48 : index
    %swap3A_10 = tpu.vector_load %arg6[%swap3A_9] {strides = array<i32>} : memref<2048xi32, #tpu.memory_space<vmem>>, vector<16xi32>,
    tpu.vector_store %arg6[%swap3A_9], %broadcast_in_dim3A_3 {strides = array<i32>} : memref<2048xi32, #tpu.memory_space<vmem>>, vector<16xi32>,
    %swap3A_11 = arith.constant 64 : index
    %swap3A_12 = tpu.vector_load %arg6[%swap3A_11] {strides = array<i32>} : memref<2048xi32, #tpu.memory_space<vmem>>, vector<16xi32>,
    tpu.vector_store %arg6[%swap3A_11], %broadcast_in_dim3A_3 {strides = array<i32>} : memref<2048xi32, #tpu.memory_space<vmem>>, vector<16xi32>,
    %swap3A_13 = arith.constant 80 : index
    %swap3A_14 = tpu.vector_load %arg6[%swap3A_13] {strides = array<i32>} : memref<2048xi32, #tpu.memory_space<vmem>>, vector<16xi32>,
    tpu.vector_store %arg6[%swap3A_13], %broadcast_in_dim3A_3 {strides = array<i32>} : memref<2048xi32, #tpu.memory_space<vmem>>, vector<16xi32>,
    %swap3A_15 = arith.constant 96 : index
    %swap3A_16 = tpu.vector_load %arg6[%swap3A_15] {strides = array<i32>} : memref<2048xi32, #tpu.memory_space<vmem>>, vector<16xi32>,
    tpu.vector_store %arg6[%swap3A_15], %broadcast_in_dim3A_3 {strides = array<i32>} : memref<2048xi32, #tpu.memory_space<vmem>>, vector<16xi32>,
    %swap3A_17 = arith.constant 112 : index
    %swap3A_18 = tpu.vector_load %arg6[%swap3A_17] {strides = array<i32>} : memref<2048xi32, #tpu.memory_space<vmem>>, vector<16xi32>,
    tpu.vector_store %arg6[%swap3A_17], %broadcast_in_dim3A_3 {strides = array<i32>} : memref<2048xi32, #tpu.memory_space<vmem>>, vector<16xi32>,
    %swap3A_19 = arith.constant 128 : index
    %swap3A_20 = tpu.vector_load %arg6[%swap3A_19] {strides = array<i32>} : memref<2048xi32, #tpu.memory_space<vmem>>, vector<16xi32>,
    tpu.vector_store %arg6[%swap3A_19], %broadcast_in_dim3A_3 {strides = array<i32>} : memref<2048xi32, #tpu.memory_space<vmem>>, vector<16xi32>,
    %swap3A_21 = arith.constant 144 : index
    %swap3A_22 = tpu.vector_load %arg6[%swap3A_21] {strides = array<i32>} : memref<2048xi32, #tpu.memory_space<vmem>>, vector<16xi32>,
    tpu.vector_store %arg6[%swap3A_21], %broadcast_in_dim3A_3 {strides = array<i32>} : memref<2048xi32, #tpu.memory_space<vmem>>, vector<16xi32>,
    %swap3A_23 = arith.constant 160 : index
    %swap3A_24 = tpu.vector_load %arg6[%swap3A_23] {strides = array<i32>} : memref<2048xi32, #tpu.memory_space<vmem>>, vector<16xi32>,
    tpu.vector_store %arg6[%swap3A_23], %broadcast_in_dim3A_3 {strides = array<i32>} : memref<2048xi32, #tpu.memory_space<vmem>>, vector<16xi32>,
    %swap3A_25 = arith.constant 176 : index
    %swap3A_26 = tpu.vector_load %arg6[%swap3A_25] {strides = array<i32>} : memref<2048xi32, #tpu.memory_space<vmem>>, vector<16xi32>,
    tpu.vector_store %arg6[%swap3A_25], %broadcast_in_dim3A_3 {strides = array<i32>} : memref<2048xi32, #tpu.memory_space<vmem>>, vector<16xi32>,
    %swap3A_27 = arith.constant 192 : index
    %swap3A_28 = tpu.vector_load %arg6[%swap3A_27] {strides = array<i32>} : memref<2048xi32, #tpu.memory_space<vmem>>, vector<16xi32>,
    tpu.vector_store %arg6[%swap3A_27], %broadcast_in_dim3A_3 {strides = array<i32>} : memref<2048xi32, #tpu.memory_space<vmem>>, vector<16xi32>,
    %swap3A_29 = arith.constant 208 : index
    %swap3A_30 = tpu.vector_load %arg6[%swap3A_29] {strides = array<i32>} : memref<2048xi32, #tpu.memory_space<vmem>>, vector<16xi32>,
    tpu.vector_store %arg6[%swap3A_29], %broadcast_in_dim3A_3 {strides = array<i32>} : memref<2048xi32, #tpu.memory_space<vmem>>, vector<16xi32>,
    %swap3A_31 = arith.constant 224 : index
    %swap3A_32 = tpu.vector_load %arg6[%swap3A_31] {strides = array<i32>} : memref<2048xi32, #tpu.memory_space<vmem>>, vector<16xi32>,
    tpu.vector_store %arg6[%swap3A_31], %broadcast_in_dim3A_3 {strides = array<i32>} : memref<2048xi32, #tpu.memory_space<vmem>>, vector<16xi32>,
    %swap3A_33 = arith.constant 240 : index
    %swap3A_34 = tpu.vector_load %arg6[%swap3A_33] {strides = array<i32>} : memref<2048xi32, #tpu.memory_space<vmem>>, vector<16xi32>,
    tpu.vector_store %arg6[%swap3A_33], %broadcast_in_dim3A_3 {strides = array<i32>} : memref<2048xi32, #tpu.memory_space<vmem>>, vector<16xi32>,
    %swap3A_35 = arith.constant 256 : index
    %swap3A_36 = tpu.vector_load %arg6[%swap3A_35] {strides = array<i32>} : memref<2048xi32, #tpu.memory_space<vmem>>, vector<16xi32>,
    tpu.vector_store %arg6[%swap3A_35], %broadcast_in_dim3A_3 {strides = array<i32>} : memref<2048xi32, #tpu.memory_space<vmem>>, vector<16xi32>,
    %swap3A_37 = arith.constant 272 : index
    %swap3A_38 = tpu.vector_load %arg6[%swap3A_37] {strides = array<i32>} : memref<2048xi32, #tpu.memory_space<vmem>>, vector<16xi32>,
    tpu.vector_store %arg6[%swap3A_37], %broadcast_in_dim3A_3 {strides = array<i32>} : memref<2048xi32, #tpu.memory_space<vmem>>, vector<16xi32>,
    %swap3A_39 = arith.constant 288 : index
    %swap3A_40 = tpu.vector_load %arg6[%swap3A_39] {strides = array<i32>} : memref<2048xi32, #tpu.memory_space<vmem>>, vector<16xi32>,
    tpu.vector_store %arg6[%swap3A_39], %broadcast_in_dim3A_3 {strides = array<i32>} : memref<2048xi32, #tpu.memory_space<vmem>>, vector<16xi32>,
    %swap3A_41 = arith.constant 304 : index
    %swap3A_42 = tpu.vector_load %arg6[%swap3A_41] {strides = array<i32>} : memref<2048xi32, #tpu.memory_space<vmem>>, vector<16xi32>,
    tpu.vector_store %arg6[%swap3A_41], %broadcast_in_dim3A_3 {strides = array<i32>} : memref<2048xi32, #tpu.memory_space<vmem>>, vector<16xi32>,
    %swap3A_43 = arith.constant 320 : index
    %swap3A_44 = tpu.vector_load %arg6[%swap3A_43] {strides = array<i32>} : memref<2048xi32, #tpu.memory_space<vmem>>, vector<16xi32>,
    tpu.vector_store %arg6[%swap3A_43], %broadcast_in_dim3A_3 {strides = array<i32>} : memref<2048xi32, #tpu.memory_space<vmem>>, vector<16xi32>,
    %swap3A_45 = arith.constant 336 : index
    %swap3A_46 = tpu.vector_load %arg6[%swap3A_45] {strides = array<i32>} : memref<2048xi32, #tpu.memory_space<vmem>>, vector<16xi32>,
    tpu.vector_store %arg6[%swap3A_45], %broadcast_in_dim3A_3 {strides = array<i32>} : memref<2048xi32, #tpu.memory_space<vmem>>, vector<16xi32>,
    %swap3A_47 = arith.constant 352 : index
    %swap3A_48 = tpu.vector_load %arg6[%swap3A_47] {strides = array<i32>} : memref<2048xi32, #tpu.memory_space<vmem>>, vector<16xi32>,
    tpu.vector_store %arg6[%swap3A_47], %broadcast_in_dim3A_3 {strides = array<i32>} : memref<2048xi32, #tpu.memory_space<vmem>>, vector<16xi32>,
    %swap3A_49 = arith.constant 368 : index
    %swap3A_50 = tpu.vector_load %arg6[%swap3A_49] {strides = array<i32>} : memref<2048xi32, #tpu.memory_space<vmem>>, vector<16xi32>,
    tpu.vector_store %arg6[%swap3A_49], %broadcast_in_dim3A_3 {strides = array<i32>} : memref<2048xi32, #tpu.memory_space<vmem>>, vector<16xi32>,
    %swap3A_51 = arith.constant 384 : index
    %swap3A_52 = tpu.vector_load %arg6[%swap3A_51] {strides = array<i32>} : memref<2048xi32, #tpu.memory_space<vmem>>, vector<16xi32>,
    tpu.vector_store %arg6[%swap3A_51], %broadcast_in_dim3A_3 {strides = array<i32>} : memref<2048xi32, #tpu.memory_space<vmem>>, vector<16xi32>,
    %swap3A_53 = arith.constant 400 : index
    %swap3A_54 = tpu.vector_load %arg6[%swap3A_53] {strides = array<i32>} : memref<2048xi32, #tpu.memory_space<vmem>>, vector<16xi32>,
    tpu.vector_store %arg6[%swap3A_53], %broadcast_in_dim3A_3 {strides = array<i32>} : memref<2048xi32, #tpu.memory_space<vmem>>, vector<16xi32>,
    %swap3A_55 = arith.constant 416 : index
    %swap3A_56 = tpu.vector_load %arg6[%swap3A_55] {strides = array<i32>} : memref<2048xi32, #tpu.memory_space<vmem>>, vector<16xi32>,
    tpu.vector_store %arg6[%swap3A_55], %broadcast_in_dim3A_3 {strides = array<i32>} : memref<2048xi32, #tpu.memory_space<vmem>>, vector<16xi32>,
    %swap3A_57 = arith.constant 432 : index
    %swap3A_58 = tpu.vector_load %arg6[%swap3A_57] {strides = array<i32>} : memref<2048xi32, #tpu.memory_space<vmem>>, vector<16xi32>,
    tpu.vector_store %arg6[%swap3A_57], %broadcast_in_dim3A_3 {strides = array<i32>} : memref<2048xi32, #tpu.memory_space<vmem>>, vector<16xi32>,
    %swap3A_59 = arith.constant 448 : index
    %swap3A_60 = tpu.vector_load %arg6[%swap3A_59] {strides = array<i32>} : memref<2048xi32, #tpu.memory_space<vmem>>, vector<16xi32>,
    tpu.vector_store %arg6[%swap3A_59], %broadcast_in_dim3A_3 {strides = array<i32>} : memref<2048xi32, #tpu.memory_space<vmem>>, vector<16xi32>,
    %swap3A_61 = arith.constant 464 : index
    %swap3A_62 = tpu.vector_load %arg6[%swap3A_61] {strides = array<i32>} : memref<2048xi32, #tpu.memory_space<vmem>>, vector<16xi32>,
    tpu.vector_store %arg6[%swap3A_61], %broadcast_in_dim3A_3 {strides = array<i32>} : memref<2048xi32, #tpu.memory_space<vmem>>, vector<16xi32>,
    %swap3A_63 = arith.constant 480 : index
    %swap3A_64 = tpu.vector_load %arg6[%swap3A_63] {strides = array<i32>} : memref<2048xi32, #tpu.memory_space<vmem>>, vector<16xi32>,
    tpu.vector_store %arg6[%swap3A_63], %broadcast_in_dim3A_3 {strides = array<i32>} : memref<2048xi32, #tpu.memory_space<vmem>>, vector<16xi32>,
    %swap3A_65 = arith.constant 496 : index
    %swap3A_66 = tpu.vector_load %arg6[%swap3A_65] {strides = array<i32>} : memref<2048xi32, #tpu.memory_space<vmem>>, vector<16xi32>,
    tpu.vector_store %arg6[%swap3A_65], %broadcast_in_dim3A_3 {strides = array<i32>} : memref<2048xi32, #tpu.memory_space<vmem>>, vector<16xi32>,
    %swap3A_67 = arith.constant 512 : index
    %swap3A_68 = tpu.vector_load %arg6[%swap3A_67] {strides = array<i32>} : memref<2048xi32, #tpu.memory_space<vmem>>, vector<16xi32>,
    tpu.vector_store %arg6[%swap3A_67], %broadcast_in_dim3A_3 {strides = array<i32>} : memref<2048xi32, #tpu.memory_space<vmem>>, vector<16xi32>,
    %swap3A_69 = arith.constant 528 : index
    %swap3A_70 = tpu.vector_load %arg6[%swap3A_69] {strides = array<i32>} : memref<2048xi32, #tpu.memory_space<vmem>>, vector<16xi32>,
    tpu.vector_store %arg6[%swap3A_69], %broadcast_in_dim3A_3 {strides = array<i32>} : memref<2048xi32, #tpu.memory_space<vmem>>, vector<16xi32>,
    %swap3A_71 = arith.constant 544 : index
    %swap3A_72 = tpu.vector_load %arg6[%swap3A_71] {strides = array<i32>} : memref<2048xi32, #tpu.memory_space<vmem>>, vector<16xi32>,
    tpu.vector_store %arg6[%swap3A_71], %broadcast_in_dim3A_3 {strides = array<i32>} : memref<2048xi32, #tpu.memory_space<vmem>>, vector<16xi32>,
    %swap3A_73 = arith.constant 560 : index
    %swap3A_74 = tpu.vector_load %arg6[%swap3A_73] {strides = array<i32>} : memref<2048xi32, #tpu.memory_space<vmem>>, vector<16xi32>,
    tpu.vector_store %arg6[%swap3A_73], %broadcast_in_dim3A_3 {strides = array<i32>} : memref<2048xi32, #tpu.memory_space<vmem>>, vector<16xi32>,
    %swap3A_75 = arith.constant 576 : index
    %swap3A_76 = tpu.vector_load %arg6[%swap3A_75] {strides = array<i32>} : memref<2048xi32, #tpu.memory_space<vmem>>, vector<16xi32>,
    tpu.vector_store %arg6[%swap3A_75], %broadcast_in_dim3A_3 {strides = array<i32>} : memref<2048xi32, #tpu.memory_space<vmem>>, vector<16xi32>,
    %swap3A_77 = arith.constant 592 : index
    %swap3A_78 = tpu.vector_load %arg6[%swap3A_77] {strides = array<i32>} : memref<2048xi32, #tpu.memory_space<vmem>>, vector<16xi32>,
    tpu.vector_store %arg6[%swap3A_77], %broadcast_in_dim3A_3 {strides = array<i32>} : memref<2048xi32, #tpu.memory_space<vmem>>, vector<16xi32>,
    %swap3A_79 = arith.constant 608 : index
    %swap3A_80 = tpu.vector_load %arg6[%swap3A_79] {strides = array<i32>} : memref<2048xi32, #tpu.memory_space<vmem>>, vector<16xi32>,
    tpu.vector_store %arg6[%swap3A_79], %broadcast_in_dim3A_3 {strides = array<i32>} : memref<2048xi32, #tpu.memory_space<vmem>>, vector<16xi32>,
    %swap3A_81 = arith.constant 624 : index
    %swap3A_82 = tpu.vector_load %arg6[%swap3A_81] {strides = array<i32>} : memref<2048xi32, #tpu.memory_space<vmem>>, vector<16xi32>,
    tpu.vector_store %arg6[%swap3A_81], %broadcast_in_dim3A_3 {strides = array<i32>} : memref<2048xi32, #tpu.memory_space<vmem>>, vector<16xi32>,
    %swap3A_83 = arith.constant 640 : index
    %swap3A_84 = tpu.vector_load %arg6[%swap3A_83] {strides = array<i32>} : memref<2048xi32, #tpu.memory_space<vmem>>, vector<16xi32>,
    tpu.vector_store %arg6[%swap3A_83], %broadcast_in_dim3A_3 {strides = array<i32>} : memref<2048xi32, #tpu.memory_space<vmem>>, vector<16xi32>,
    %swap3A_85 = arith.constant 656 : index
    %swap3A_86 = tpu.vector_load %arg6[%swap3A_85] {strides = array<i32>} : memref<2048xi32, #tpu.memory_space<vmem>>, vector<16xi32>,
    tpu.vector_store %arg6[%swap3A_85], %broadcast_in_dim3A_3 {strides = array<i32>} : memref<2048xi32, #tpu.memory_space<vmem>>, vector<16xi32>,
    %swap3A_87 = arith.constant 672 : index
    %swap3A_88 = tpu.vector_load %arg6[%swap3A_87] {strides = array<i32>} : memref<2048xi32, #tpu.memory_space<vmem>>, vector<16xi32>,
    tpu.vector_store %arg6[%swap3A_87], %broadcast_in_dim3A_3 {strides = array<i32>} : memref<2048xi32, #tpu.memory_space<vmem>>, vector<16xi32>,
    %swap3A_89 = arith.constant 688 : index
    %swap3A_90 = tpu.vector_load %arg6[%swap3A_89] {strides = array<i32>} : memref<2048xi32, #tpu.memory_space<vmem>>, vector<16xi32>,
    tpu.vector_store %arg6[%swap3A_89], %broadcast_in_dim3A_3 {strides = array<i32>} : memref<2048xi32, #tpu.memory_space<vmem>>, vector<16xi32>,
    %swap3A_91 = arith.constant 704 : index
    %swap3A_92 = tpu.vector_load %arg6[%swap3A_91] {strides = array<i32>} : memref<2048xi32, #tpu.memory_space<vmem>>, vector<16xi32>,
    tpu.vector_store %arg6[%swap3A_91], %broadcast_in_dim3A_3 {strides = array<i32>} : memref<2048xi32, #tpu.memory_space<vmem>>, vector<16xi32>,
    %swap3A_93 = arith.constant 720 : index
    %swap3A_94 = tpu.vector_load %arg6[%swap3A_93] {strides = array<i32>} : memref<2048xi32, #tpu.memory_space<vmem>>, vector<16xi32>,
    tpu.vector_store %arg6[%swap3A_93], %broadcast_in_dim3A_3 {strides = array<i32>} : memref<2048xi32, #tpu.memory_space<vmem>>, vector<16xi32>,
    %swap3A_95 = arith.constant 736 : index
    %swap3A_96 = tpu.vector_load %arg6[%swap3A_95] {strides = array<i32>} : memref<2048xi32, #tpu.memory_space<vmem>>, vector<16xi32>,
    tpu.vector_store %arg6[%swap3A_95], %broadcast_in_dim3A_3 {strides = array<i32>} : memref<2048xi32, #tpu.memory_space<vmem>>, vector<16xi32>,
    %swap3A_97 = arith.constant 752 : index
    %swap3A_98 = tpu.vector_load %arg6[%swap3A_97] {strides = array<i32>} : memref<2048xi32, #tpu.memory_space<vmem>>, vector<16xi32>,
    tpu.vector_store %arg6[%swap3A_97], %broadcast_in_dim3A_3 {strides = array<i32>} : memref<2048xi32, #tpu.memory_space<vmem>>, vector<16xi32>,
    %swap3A_99 = arith.constant 768 : index
    %swap3A_100 = tpu.vector_load %arg6[%swap3A_99] {strides = array<i32>} : memref<2048xi32, #tpu.memory_space<vmem>>, vector<16xi32>,
    tpu.vector_store %arg6[%swap3A_99], %broadcast_in_dim3A_3 {strides = array<i32>} : memref<2048xi32, #tpu.memory_space<vmem>>, vector<16xi32>,
    %swap3A_101 = arith.constant 784 : index
    %swap3A_102 = tpu.vector_load %arg6[%swap3A_101] {strides = array<i32>} : memref<2048xi32, #tpu.memory_space<vmem>>, vector<16xi32>,
    tpu.vector_store %arg6[%swap3A_101], %broadcast_in_dim3A_3 {strides = array<i32>} : memref<2048xi32, #tpu.memory_space<vmem>>, vector<16xi32>,
    %swap3A_103 = arith.constant 800 : index
    %swap3A_104 = tpu.vector_load %arg6[%swap3A_103] {strides = array<i32>} : memref<2048xi32, #tpu.memory_space<vmem>>, vector<16xi32>,
    tpu.vector_store %arg6[%swap3A_103], %broadcast_in_dim3A_3 {strides = array<i32>} : memref<2048xi32, #tpu.memory_space<vmem>>, vector<16xi32>,
    %swap3A_105 = arith.constant 816 : index
    %swap3A_106 = tpu.vector_load %arg6[%swap3A_105] {strides = array<i32>} : memref<2048xi32, #tpu.memory_space<vmem>>, vector<16xi32>,
    tpu.vector_store %arg6[%swap3A_105], %broadcast_in_dim3A_3 {strides = array<i32>} : memref<2048xi32, #tpu.memory_space<vmem>>, vector<16xi32>,
    %swap3A_107 = arith.constant 832 : index
    %swap3A_108 = tpu.vector_load %arg6[%swap3A_107] {strides = array<i32>} : memref<2048xi32, #tpu.memory_space<vmem>>, vector<16xi32>,
    tpu.vector_store %arg6[%swap3A_107], %broadcast_in_dim3A_3 {strides = array<i32>} : memref<2048xi32, #tpu.memory_space<vmem>>, vector<16xi32>,
    %swap3A_109 = arith.constant 848 : index
    %swap3A_110 = tpu.vector_load %arg6[%swap3A_109] {strides = array<i32>} : memref<2048xi32, #tpu.memory_space<vmem>>, vector<16xi32>,
    tpu.vector_store %arg6[%swap3A_109], %broadcast_in_dim3A_3 {strides = array<i32>} : memref<2048xi32, #tpu.memory_space<vmem>>, vector<16xi32>,
    %swap3A_111 = arith.constant 864 : index
    %swap3A_112 = tpu.vector_load %arg6[%swap3A_111] {strides = array<i32>} : memref<2048xi32, #tpu.memory_space<vmem>>, vector<16xi32>,
    tpu.vector_store %arg6[%swap3A_111], %broadcast_in_dim3A_3 {strides = array<i32>} : memref<2048xi32, #tpu.memory_space<vmem>>, vector<16xi32>,
    %swap3A_113 = arith.constant 880 : index
    %swap3A_114 = tpu.vector_load %arg6[%swap3A_113] {strides = array<i32>} : memref<2048xi32, #tpu.memory_space<vmem>>, vector<16xi32>,
    tpu.vector_store %arg6[%swap3A_113], %broadcast_in_dim3A_3 {strides = array<i32>} : memref<2048xi32, #tpu.memory_space<vmem>>, vector<16xi32>,
    %swap3A_115 = arith.constant 896 : index
    %swap3A_116 = tpu.vector_load %arg6[%swap3A_115] {strides = array<i32>} : memref<2048xi32, #tpu.memory_space<vmem>>, vector<16xi32>,
    tpu.vector_store %arg6[%swap3A_115], %broadcast_in_dim3A_3 {strides = array<i32>} : memref<2048xi32, #tpu.memory_space<vmem>>, vector<16xi32>,
    %swap3A_117 = arith.constant 912 : index
    %swap3A_118 = tpu.vector_load %arg6[%swap3A_117] {strides = array<i32>} : memref<2048xi32, #tpu.memory_space<vmem>>, vector<16xi32>,
    tpu.vector_store %arg6[%swap3A_117], %broadcast_in_dim3A_3 {strides = array<i32>} : memref<2048xi32, #tpu.memory_space<vmem>>, vector<16xi32>,
    %swap3A_119 = arith.constant 928 : index
    %swap3A_120 = tpu.vector_load %arg6[%swap3A_119] {strides = array<i32>} : memref<2048xi32, #tpu.memory_space<vmem>>, vector<16xi32>,
    tpu.vector_store %arg6[%swap3A_119], %broadcast_in_dim3A_3 {strides = array<i32>} : memref<2048xi32, #tpu.memory_space<vmem>>, vector<16xi32>,
    %swap3A_121 = arith.constant 944 : index
    %swap3A_122 = tpu.vector_load %arg6[%swap3A_121] {strides = array<i32>} : memref<2048xi32, #tpu.memory_space<vmem>>, vector<16xi32>,
    tpu.vector_store %arg6[%swap3A_121], %broadcast_in_dim3A_3 {strides = array<i32>} : memref<2048xi32, #tpu.memory_space<vmem>>, vector<16xi32>,
    %swap3A_123 = arith.constant 960 : index
    %swap3A_124 = tpu.vector_load %arg6[%swap3A_123] {strides = array<i32>} : memref<2048xi32, #tpu.memory_space<vmem>>, vector<16xi32>,
    tpu.vector_store %arg6[%swap3A_123], %broadcast_in_dim3A_3 {strides = array<i32>} : memref<2048xi32, #tpu.memory_space<vmem>>, vector<16xi32>,
    %swap3A_125 = arith.constant 976 : index
    %swap3A_126 = tpu.vector_load %arg6[%swap3A_125] {strides = array<i32>} : memref<2048xi32, #tpu.memory_space<vmem>>, vector<16xi32>,
    tpu.vector_store %arg6[%swap3A_125], %broadcast_in_dim3A_3 {strides = array<i32>} : memref<2048xi32, #tpu.memory_space<vmem>>, vector<16xi32>,
    %swap3A_127 = arith.constant 992 : index
    %swap3A_128 = tpu.vector_load %arg6[%swap3A_127] {strides = array<i32>} : memref<2048xi32, #tpu.memory_space<vmem>>, vector<16xi32>,
    tpu.vector_store %arg6[%swap3A_127], %broadcast_in_dim3A_3 {strides = array<i32>} : memref<2048xi32, #tpu.memory_space<vmem>>, vector<16xi32>,
    %swap3A_129 = arith.constant 1008 : index
    %swap3A_130 = tpu.vector_load %arg6[%swap3A_129] {strides = array<i32>} : memref<2048xi32, #tpu.memory_space<vmem>>, vector<16xi32>,
    tpu.vector_store %arg6[%swap3A_129], %broadcast_in_dim3A_3 {strides = array<i32>} : memref<2048xi32, #tpu.memory_space<vmem>>, vector<16xi32>,
    %swap3A_131 = arith.constant 1024 : index
    %swap3A_132 = tpu.vector_load %arg6[%swap3A_131] {strides = array<i32>} : memref<2048xi32, #tpu.memory_space<vmem>>, vector<16xi32>,
    tpu.vector_store %arg6[%swap3A_131], %broadcast_in_dim3A_3 {strides = array<i32>} : memref<2048xi32, #tpu.memory_space<vmem>>, vector<16xi32>,
    %swap3A_133 = arith.constant 1040 : index
    %swap3A_134 = tpu.vector_load %arg6[%swap3A_133] {strides = array<i32>} : memref<2048xi32, #tpu.memory_space<vmem>>, vector<16xi32>,
    tpu.vector_store %arg6[%swap3A_133], %broadcast_in_dim3A_3 {strides = array<i32>} : memref<2048xi32, #tpu.memory_space<vmem>>, vector<16xi32>,
    %swap3A_135 = arith.constant 1056 : index
    %swap3A_136 = tpu.vector_load %arg6[%swap3A_135] {strides = array<i32>} : memref<2048xi32, #tpu.memory_space<vmem>>, vector<16xi32>,
    tpu.vector_store %arg6[%swap3A_135], %broadcast_in_dim3A_3 {strides = array<i32>} : memref<2048xi32, #tpu.memory_space<vmem>>, vector<16xi32>,
    %swap3A_137 = arith.constant 1072 : index
    %swap3A_138 = tpu.vector_load %arg6[%swap3A_137] {strides = array<i32>} : memref<2048xi32, #tpu.memory_space<vmem>>, vector<16xi32>,
    tpu.vector_store %arg6[%swap3A_137], %broadcast_in_dim3A_3 {strides = array<i32>} : memref<2048xi32, #tpu.memory_space<vmem>>, vector<16xi32>,
    %swap3A_139 = arith.constant 1088 : index
    %swap3A_140 = tpu.vector_load %arg6[%swap3A_139] {strides = array<i32>} : memref<2048xi32, #tpu.memory_space<vmem>>, vector<16xi32>,
    tpu.vector_store %arg6[%swap3A_139], %broadcast_in_dim3A_3 {strides = array<i32>} : memref<2048xi32, #tpu.memory_space<vmem>>, vector<16xi32>,
    %swap3A_141 = arith.constant 1104 : index
    %swap3A_142 = tpu.vector_load %arg6[%swap3A_141] {strides = array<i32>} : memref<2048xi32, #tpu.memory_space<vmem>>, vector<16xi32>,
    tpu.vector_store %arg6[%swap3A_141], %broadcast_in_dim3A_3 {strides = array<i32>} : memref<2048xi32, #tpu.memory_space<vmem>>, vector<16xi32>,
    %swap3A_143 = arith.constant 1120 : index
    %swap3A_144 = tpu.vector_load %arg6[%swap3A_143] {strides = array<i32>} : memref<2048xi32, #tpu.memory_space<vmem>>, vector<16xi32>,
    tpu.vector_store %arg6[%swap3A_143], %broadcast_in_dim3A_3 {strides = array<i32>} : memref<2048xi32, #tpu.memory_space<vmem>>, vector<16xi32>,
    %swap3A_145 = arith.constant 1136 : index
    %swap3A_146 = tpu.vector_load %arg6[%swap3A_145] {strides = array<i32>} : memref<2048xi32, #tpu.memory_space<vmem>>, vector<16xi32>,
    tpu.vector_store %arg6[%swap3A_145], %broadcast_in_dim3A_3 {strides = array<i32>} : memref<2048xi32, #tpu.memory_space<vmem>>, vector<16xi32>,
    %swap3A_147 = arith.constant 1152 : index
    %swap3A_148 = tpu.vector_load %arg6[%swap3A_147] {strides = array<i32>} : memref<2048xi32, #tpu.memory_space<vmem>>, vector<16xi32>,
    tpu.vector_store %arg6[%swap3A_147], %broadcast_in_dim3A_3 {strides = array<i32>} : memref<2048xi32, #tpu.memory_space<vmem>>, vector<16xi32>,
    %swap3A_149 = arith.constant 1168 : index
    %swap3A_150 = tpu.vector_load %arg6[%swap3A_149] {strides = array<i32>} : memref<2048xi32, #tpu.memory_space<vmem>>, vector<16xi32>,
    tpu.vector_store %arg6[%swap3A_149], %broadcast_in_dim3A_3 {strides = array<i32>} : memref<2048xi32, #tpu.memory_space<vmem>>, vector<16xi32>,
    %swap3A_151 = arith.constant 1184 : index
    %swap3A_152 = tpu.vector_load %arg6[%swap3A_151] {strides = array<i32>} : memref<2048xi32, #tpu.memory_space<vmem>>, vector<16xi32>,
    tpu.vector_store %arg6[%swap3A_151], %broadcast_in_dim3A_3 {strides = array<i32>} : memref<2048xi32, #tpu.memory_space<vmem>>, vector<16xi32>,
    %swap3A_153 = arith.constant 1200 : index
    %swap3A_154 = tpu.vector_load %arg6[%swap3A_153] {strides = array<i32>} : memref<2048xi32, #tpu.memory_space<vmem>>, vector<16xi32>,
    tpu.vector_store %arg6[%swap3A_153], %broadcast_in_dim3A_3 {strides = array<i32>} : memref<2048xi32, #tpu.memory_space<vmem>>, vector<16xi32>,
    %swap3A_155 = arith.constant 1216 : index
    %swap3A_156 = tpu.vector_load %arg6[%swap3A_155] {strides = array<i32>} : memref<2048xi32, #tpu.memory_space<vmem>>, vector<16xi32>,
    tpu.vector_store %arg6[%swap3A_155], %broadcast_in_dim3A_3 {strides = array<i32>} : memref<2048xi32, #tpu.memory_space<vmem>>, vector<16xi32>,
    %swap3A_157 = arith.constant 1232 : index
    %swap3A_158 = tpu.vector_load %arg6[%swap3A_157] {strides = array<i32>} : memref<2048xi32, #tpu.memory_space<vmem>>, vector<16xi32>,
    tpu.vector_store %arg6[%swap3A_157], %broadcast_in_dim3A_3 {strides = array<i32>} : memref<2048xi32, #tpu.memory_space<vmem>>, vector<16xi32>,
    %swap3A_159 = arith.constant 1248 : index
    %swap3A_160 = tpu.vector_load %arg6[%swap3A_159] {strides = array<i32>} : memref<2048xi32, #tpu.memory_space<vmem>>, vector<16xi32>,
    tpu.vector_store %arg6[%swap3A_159], %broadcast_in_dim3A_3 {strides = array<i32>} : memref<2048xi32, #tpu.memory_space<vmem>>, vector<16xi32>,
    %swap3A_161 = arith.constant 1264 : index
    %swap3A_162 = tpu.vector_load %arg6[%swap3A_161] {strides = array<i32>} : memref<2048xi32, #tpu.memory_space<vmem>>, vector<16xi32>,
    tpu.vector_store %arg6[%swap3A_161], %broadcast_in_dim3A_3 {strides = array<i32>} : memref<2048xi32, #tpu.memory_space<vmem>>, vector<16xi32>,
    %swap3A_163 = arith.constant 1280 : index
    %swap3A_164 = tpu.vector_load %arg6[%swap3A_163] {strides = array<i32>} : memref<2048xi32, #tpu.memory_space<vmem>>, vector<16xi32>,
    tpu.vector_store %arg6[%swap3A_163], %broadcast_in_dim3A_3 {strides = array<i32>} : memref<2048xi32, #tpu.memory_space<vmem>>, vector<16xi32>,
    %swap3A_165 = arith.constant 1296 : index
    %swap3A_166 = tpu.vector_load %arg6[%swap3A_165] {strides = array<i32>} : memref<2048xi32, #tpu.memory_space<vmem>>, vector<16xi32>,
    tpu.vector_store %arg6[%swap3A_165], %broadcast_in_dim3A_3 {strides = array<i32>} : memref<2048xi32, #tpu.memory_space<vmem>>, vector<16xi32>,
    %swap3A_167 = arith.constant 1312 : index
    %swap3A_168 = tpu.vector_load %arg6[%swap3A_167] {strides = array<i32>} : memref<2048xi32, #tpu.memory_space<vmem>>, vector<16xi32>,
    tpu.vector_store %arg6[%swap3A_167], %broadcast_in_dim3A_3 {strides = array<i32>} : memref<2048xi32, #tpu.memory_space<vmem>>, vector<16xi32>,
    %swap3A_169 = arith.constant 1328 : index
    %swap3A_170 = tpu.vector_load %arg6[%swap3A_169] {strides = array<i32>} : memref<2048xi32, #tpu.memory_space<vmem>>, vector<16xi32>,
    tpu.vector_store %arg6[%swap3A_169], %broadcast_in_dim3A_3 {strides = array<i32>} : memref<2048xi32, #tpu.memory_space<vmem>>, vector<16xi32>,
    %swap3A_171 = arith.constant 1344 : index
    %swap3A_172 = tpu.vector_load %arg6[%swap3A_171] {strides = array<i32>} : memref<2048xi32, #tpu.memory_space<vmem>>, vector<16xi32>,
    tpu.vector_store %arg6[%swap3A_171], %broadcast_in_dim3A_3 {strides = array<i32>} : memref<2048xi32, #tpu.memory_space<vmem>>, vector<16xi32>,
    %swap3A_173 = arith.constant 1360 : index
    %swap3A_174 = tpu.vector_load %arg6[%swap3A_173] {strides = array<i32>} : memref<2048xi32, #tpu.memory_space<vmem>>, vector<16xi32>,
    tpu.vector_store %arg6[%swap3A_173], %broadcast_in_dim3A_3 {strides = array<i32>} : memref<2048xi32, #tpu.memory_space<vmem>>, vector<16xi32>,
    %swap3A_175 = arith.constant 1376 : index
    %swap3A_176 = tpu.vector_load %arg6[%swap3A_175] {strides = array<i32>} : memref<2048xi32, #tpu.memory_space<vmem>>, vector<16xi32>,
    tpu.vector_store %arg6[%swap3A_175], %broadcast_in_dim3A_3 {strides = array<i32>} : memref<2048xi32, #tpu.memory_space<vmem>>, vector<16xi32>,
    %swap3A_177 = arith.constant 1392 : index
    %swap3A_178 = tpu.vector_load %arg6[%swap3A_177] {strides = array<i32>} : memref<2048xi32, #tpu.memory_space<vmem>>, vector<16xi32>,
    tpu.vector_store %arg6[%swap3A_177], %broadcast_in_dim3A_3 {strides = array<i32>} : memref<2048xi32, #tpu.memory_space<vmem>>, vector<16xi32>,
    %swap3A_179 = arith.constant 1408 : index
    %swap3A_180 = tpu.vector_load %arg6[%swap3A_179] {strides = array<i32>} : memref<2048xi32, #tpu.memory_space<vmem>>, vector<16xi32>,
    tpu.vector_store %arg6[%swap3A_179], %broadcast_in_dim3A_3 {strides = array<i32>} : memref<2048xi32, #tpu.memory_space<vmem>>, vector<16xi32>,
    %swap3A_181 = arith.constant 1424 : index
    %swap3A_182 = tpu.vector_load %arg6[%swap3A_181] {strides = array<i32>} : memref<2048xi32, #tpu.memory_space<vmem>>, vector<16xi32>,
    tpu.vector_store %arg6[%swap3A_181], %broadcast_in_dim3A_3 {strides = array<i32>} : memref<2048xi32, #tpu.memory_space<vmem>>, vector<16xi32>,
    %swap3A_183 = arith.constant 1440 : index
    %swap3A_184 = tpu.vector_load %arg6[%swap3A_183] {strides = array<i32>} : memref<2048xi32, #tpu.memory_space<vmem>>, vector<16xi32>,
    tpu.vector_store %arg6[%swap3A_183], %broadcast_in_dim3A_3 {strides = array<i32>} : memref<2048xi32, #tpu.memory_space<vmem>>, vector<16xi32>,
    %swap3A_185 = arith.constant 1456 : index
    %swap3A_186 = tpu.vector_load %arg6[%swap3A_185] {strides = array<i32>} : memref<2048xi32, #tpu.memory_space<vmem>>, vector<16xi32>,
    tpu.vector_store %arg6[%swap3A_185], %broadcast_in_dim3A_3 {strides = array<i32>} : memref<2048xi32, #tpu.memory_space<vmem>>, vector<16xi32>,
    %swap3A_187 = arith.constant 1472 : index
    %swap3A_188 = tpu.vector_load %arg6[%swap3A_187] {strides = array<i32>} : memref<2048xi32, #tpu.memory_space<vmem>>, vector<16xi32>,
    tpu.vector_store %arg6[%swap3A_187], %broadcast_in_dim3A_3 {strides = array<i32>} : memref<2048xi32, #tpu.memory_space<vmem>>, vector<16xi32>,
    %swap3A_189 = arith.constant 1488 : index
    %swap3A_190 = tpu.vector_load %arg6[%swap3A_189] {strides = array<i32>} : memref<2048xi32, #tpu.memory_space<vmem>>, vector<16xi32>,
    tpu.vector_store %arg6[%swap3A_189], %broadcast_in_dim3A_3 {strides = array<i32>} : memref<2048xi32, #tpu.memory_space<vmem>>, vector<16xi32>,
    %swap3A_191 = arith.constant 1504 : index
    %swap3A_192 = tpu.vector_load %arg6[%swap3A_191] {strides = array<i32>} : memref<2048xi32, #tpu.memory_space<vmem>>, vector<16xi32>,
    tpu.vector_store %arg6[%swap3A_191], %broadcast_in_dim3A_3 {strides = array<i32>} : memref<2048xi32, #tpu.memory_space<vmem>>, vector<16xi32>,
    %swap3A_193 = arith.constant 1520 : index
    %swap3A_194 = tpu.vector_load %arg6[%swap3A_193] {strides = array<i32>} : memref<2048xi32, #tpu.memory_space<vmem>>, vector<16xi32>,
    tpu.vector_store %arg6[%swap3A_193], %broadcast_in_dim3A_3 {strides = array<i32>} : memref<2048xi32, #tpu.memory_space<vmem>>, vector<16xi32>,
    %swap3A_195 = arith.constant 1536 : index
    %swap3A_196 = tpu.vector_load %arg6[%swap3A_195] {strides = array<i32>} : memref<2048xi32, #tpu.memory_space<vmem>>, vector<16xi32>,
    tpu.vector_store %arg6[%swap3A_195], %broadcast_in_dim3A_3 {strides = array<i32>} : memref<2048xi32, #tpu.memory_space<vmem>>, vector<16xi32>,
    %swap3A_197 = arith.constant 1552 : index
    %swap3A_198 = tpu.vector_load %arg6[%swap3A_197] {strides = array<i32>} : memref<2048xi32, #tpu.memory_space<vmem>>, vector<16xi32>,
    tpu.vector_store %arg6[%swap3A_197], %broadcast_in_dim3A_3 {strides = array<i32>} : memref<2048xi32, #tpu.memory_space<vmem>>, vector<16xi32>,
    %swap3A_199 = arith.constant 1568 : index
    %swap3A_200 = tpu.vector_load %arg6[%swap3A_199] {strides = array<i32>} : memref<2048xi32, #tpu.memory_space<vmem>>, vector<16xi32>,
    tpu.vector_store %arg6[%swap3A_199], %broadcast_in_dim3A_3 {strides = array<i32>} : memref<2048xi32, #tpu.memory_space<vmem>>, vector<16xi32>,
    %swap3A_201 = arith.constant 1584 : index
    %swap3A_202 = tpu.vector_load %arg6[%swap3A_201] {strides = array<i32>} : memref<2048xi32, #tpu.memory_space<vmem>>, vector<16xi32>,
    tpu.vector_store %arg6[%swap3A_201], %broadcast_in_dim3A_3 {strides = array<i32>} : memref<2048xi32, #tpu.memory_space<vmem>>, vector<16xi32>,
    %swap3A_203 = arith.constant 1600 : index
    %swap3A_204 = tpu.vector_load %arg6[%swap3A_203] {strides = array<i32>} : memref<2048xi32, #tpu.memory_space<vmem>>, vector<16xi32>,
    tpu.vector_store %arg6[%swap3A_203], %broadcast_in_dim3A_3 {strides = array<i32>} : memref<2048xi32, #tpu.memory_space<vmem>>, vector<16xi32>,
    %swap3A_205 = arith.constant 1616 : index
    %swap3A_206 = tpu.vector_load %arg6[%swap3A_205] {strides = array<i32>} : memref<2048xi32, #tpu.memory_space<vmem>>, vector<16xi32>,
    tpu.vector_store %arg6[%swap3A_205], %broadcast_in_dim3A_3 {strides = array<i32>} : memref<2048xi32, #tpu.memory_space<vmem>>, vector<16xi32>,
    %swap3A_207 = arith.constant 1632 : index
    %swap3A_208 = tpu.vector_load %arg6[%swap3A_207] {strides = array<i32>} : memref<2048xi32, #tpu.memory_space<vmem>>, vector<16xi32>,
    tpu.vector_store %arg6[%swap3A_207], %broadcast_in_dim3A_3 {strides = array<i32>} : memref<2048xi32, #tpu.memory_space<vmem>>, vector<16xi32>,
    %swap3A_209 = arith.constant 1648 : index
    %swap3A_210 = tpu.vector_load %arg6[%swap3A_209] {strides = array<i32>} : memref<2048xi32, #tpu.memory_space<vmem>>, vector<16xi32>,
    tpu.vector_store %arg6[%swap3A_209], %broadcast_in_dim3A_3 {strides = array<i32>} : memref<2048xi32, #tpu.memory_space<vmem>>, vector<16xi32>,
    %swap3A_211 = arith.constant 1664 : index
    %swap3A_212 = tpu.vector_load %arg6[%swap3A_211] {strides = array<i32>} : memref<2048xi32, #tpu.memory_space<vmem>>, vector<16xi32>,
    tpu.vector_store %arg6[%swap3A_211], %broadcast_in_dim3A_3 {strides = array<i32>} : memref<2048xi32, #tpu.memory_space<vmem>>, vector<16xi32>,
    %swap3A_213 = arith.constant 1680 : index
    %swap3A_214 = tpu.vector_load %arg6[%swap3A_213] {strides = array<i32>} : memref<2048xi32, #tpu.memory_space<vmem>>, vector<16xi32>,
    tpu.vector_store %arg6[%swap3A_213], %broadcast_in_dim3A_3 {strides = array<i32>} : memref<2048xi32, #tpu.memory_space<vmem>>, vector<16xi32>,
    %swap3A_215 = arith.constant 1696 : index
    %swap3A_216 = tpu.vector_load %arg6[%swap3A_215] {strides = array<i32>} : memref<2048xi32, #tpu.memory_space<vmem>>, vector<16xi32>,
    tpu.vector_store %arg6[%swap3A_215], %broadcast_in_dim3A_3 {strides = array<i32>} : memref<2048xi32, #tpu.memory_space<vmem>>, vector<16xi32>,
    %swap3A_217 = arith.constant 1712 : index
    %swap3A_218 = tpu.vector_load %arg6[%swap3A_217] {strides = array<i32>} : memref<2048xi32, #tpu.memory_space<vmem>>, vector<16xi32>,
    tpu.vector_store %arg6[%swap3A_217], %broadcast_in_dim3A_3 {strides = array<i32>} : memref<2048xi32, #tpu.memory_space<vmem>>, vector<16xi32>,
    %swap3A_219 = arith.constant 1728 : index
    %swap3A_220 = tpu.vector_load %arg6[%swap3A_219] {strides = array<i32>} : memref<2048xi32, #tpu.memory_space<vmem>>, vector<16xi32>,
    tpu.vector_store %arg6[%swap3A_219], %broadcast_in_dim3A_3 {strides = array<i32>} : memref<2048xi32, #tpu.memory_space<vmem>>, vector<16xi32>,
    %swap3A_221 = arith.constant 1744 : index
    %swap3A_222 = tpu.vector_load %arg6[%swap3A_221] {strides = array<i32>} : memref<2048xi32, #tpu.memory_space<vmem>>, vector<16xi32>,
    tpu.vector_store %arg6[%swap3A_221], %broadcast_in_dim3A_3 {strides = array<i32>} : memref<2048xi32, #tpu.memory_space<vmem>>, vector<16xi32>,
    %swap3A_223 = arith.constant 1760 : index
    %swap3A_224 = tpu.vector_load %arg6[%swap3A_223] {strides = array<i32>} : memref<2048xi32, #tpu.memory_space<vmem>>, vector<16xi32>,
    tpu.vector_store %arg6[%swap3A_223], %broadcast_in_dim3A_3 {strides = array<i32>} : memref<2048xi32, #tpu.memory_space<vmem>>, vector<16xi32>,
    %swap3A_225 = arith.constant 1776 : index
    %swap3A_226 = tpu.vector_load %arg6[%swap3A_225] {strides = array<i32>} : memref<2048xi32, #tpu.memory_space<vmem>>, vector<16xi32>,
    tpu.vector_store %arg6[%swap3A_225], %broadcast_in_dim3A_3 {strides = array<i32>} : memref<2048xi32, #tpu.memory_space<vmem>>, vector<16xi32>,
    %swap3A_227 = arith.constant 1792 : index
    %swap3A_228 = tpu.vector_load %arg6[%swap3A_227] {strides = array<i32>} : memref<2048xi32, #tpu.memory_space<vmem>>, vector<16xi32>,
    tpu.vector_store %arg6[%swap3A_227], %broadcast_in_dim3A_3 {strides = array<i32>} : memref<2048xi32, #tpu.memory_space<vmem>>, vector<16xi32>,
    %swap3A_229 = arith.constant 1808 : index
    %swap3A_230 = tpu.vector_load %arg6[%swap3A_229] {strides = array<i32>} : memref<2048xi32, #tpu.memory_space<vmem>>, vector<16xi32>,
    tpu.vector_store %arg6[%swap3A_229], %broadcast_in_dim3A_3 {strides = array<i32>} : memref<2048xi32, #tpu.memory_space<vmem>>, vector<16xi32>,
    %swap3A_231 = arith.constant 1824 : index
    %swap3A_232 = tpu.vector_load %arg6[%swap3A_231] {strides = array<i32>} : memref<2048xi32, #tpu.memory_space<vmem>>, vector<16xi32>,
    tpu.vector_store %arg6[%swap3A_231], %broadcast_in_dim3A_3 {strides = array<i32>} : memref<2048xi32, #tpu.memory_space<vmem>>, vector<16xi32>,
    %swap3A_233 = arith.constant 1840 : index
    %swap3A_234 = tpu.vector_load %arg6[%swap3A_233] {strides = array<i32>} : memref<2048xi32, #tpu.memory_space<vmem>>, vector<16xi32>,
    tpu.vector_store %arg6[%swap3A_233], %broadcast_in_dim3A_3 {strides = array<i32>} : memref<2048xi32, #tpu.memory_space<vmem>>, vector<16xi32>,
    %swap3A_235 = arith.constant 1856 : index
    %swap3A_236 = tpu.vector_load %arg6[%swap3A_235] {strides = array<i32>} : memref<2048xi32, #tpu.memory_space<vmem>>, vector<16xi32>,
    tpu.vector_store %arg6[%swap3A_235], %broadcast_in_dim3A_3 {strides = array<i32>} : memref<2048xi32, #tpu.memory_space<vmem>>, vector<16xi32>,
    %swap3A_237 = arith.constant 1872 : index
    %swap3A_238 = tpu.vector_load %arg6[%swap3A_237] {strides = array<i32>} : memref<2048xi32, #tpu.memory_space<vmem>>, vector<16xi32>,
    tpu.vector_store %arg6[%swap3A_237], %broadcast_in_dim3A_3 {strides = array<i32>} : memref<2048xi32, #tpu.memory_space<vmem>>, vector<16xi32>,
    %swap3A_239 = arith.constant 1888 : index
    %swap3A_240 = tpu.vector_load %arg6[%swap3A_239] {strides = array<i32>} : memref<2048xi32, #tpu.memory_space<vmem>>, vector<16xi32>,
    tpu.vector_store %arg6[%swap3A_239], %broadcast_in_dim3A_3 {strides = array<i32>} : memref<2048xi32, #tpu.memory_space<vmem>>, vector<16xi32>,
    %swap3A_241 = arith.constant 1904 : index
    %swap3A_242 = tpu.vector_load %arg6[%swap3A_241] {strides = array<i32>} : memref<2048xi32, #tpu.memory_space<vmem>>, vector<16xi32>,
    tpu.vector_store %arg6[%swap3A_241], %broadcast_in_dim3A_3 {strides = array<i32>} : memref<2048xi32, #tpu.memory_space<vmem>>, vector<16xi32>,
    %swap3A_243 = arith.constant 1920 : index
    %swap3A_244 = tpu.vector_load %arg6[%swap3A_243] {strides = array<i32>} : memref<2048xi32, #tpu.memory_space<vmem>>, vector<16xi32>,
    tpu.vector_store %arg6[%swap3A_243], %broadcast_in_dim3A_3 {strides = array<i32>} : memref<2048xi32, #tpu.memory_space<vmem>>, vector<16xi32>,
    %swap3A_245 = arith.constant 1936 : index
    %swap3A_246 = tpu.vector_load %arg6[%swap3A_245] {strides = array<i32>} : memref<2048xi32, #tpu.memory_space<vmem>>, vector<16xi32>,
    tpu.vector_store %arg6[%swap3A_245], %broadcast_in_dim3A_3 {strides = array<i32>} : memref<2048xi32, #tpu.memory_space<vmem>>, vector<16xi32>,
    %swap3A_247 = arith.constant 1952 : index
    %swap3A_248 = tpu.vector_load %arg6[%swap3A_247] {strides = array<i32>} : memref<2048xi32, #tpu.memory_space<vmem>>, vector<16xi32>,
    tpu.vector_store %arg6[%swap3A_247], %broadcast_in_dim3A_3 {strides = array<i32>} : memref<2048xi32, #tpu.memory_space<vmem>>, vector<16xi32>,
    %swap3A_249 = arith.constant 1968 : index
    %swap3A_250 = tpu.vector_load %arg6[%swap3A_249] {strides = array<i32>} : memref<2048xi32, #tpu.memory_space<vmem>>, vector<16xi32>,
    tpu.vector_store %arg6[%swap3A_249], %broadcast_in_dim3A_3 {strides = array<i32>} : memref<2048xi32, #tpu.memory_space<vmem>>, vector<16xi32>,
    %swap3A_251 = arith.constant 1984 : index
    %swap3A_252 = tpu.vector_load %arg6[%swap3A_251] {strides = array<i32>} : memref<2048xi32, #tpu.memory_space<vmem>>, vector<16xi32>,
    tpu.vector_store %arg6[%swap3A_251], %broadcast_in_dim3A_3 {strides = array<i32>} : memref<2048xi32, #tpu.memory_space<vmem>>, vector<16xi32>,
    %swap3A_253 = arith.constant 2000 : index
    %swap3A_254 = tpu.vector_load %arg6[%swap3A_253] {strides = array<i32>} : memref<2048xi32, #tpu.memory_space<vmem>>, vector<16xi32>,
    tpu.vector_store %arg6[%swap3A_253], %broadcast_in_dim3A_3 {strides = array<i32>} : memref<2048xi32, #tpu.memory_space<vmem>>, vector<16xi32>,
    %swap3A_255 = arith.constant 2016 : index
    %swap3A_256 = tpu.vector_load %arg6[%swap3A_255] {strides = array<i32>} : memref<2048xi32, #tpu.memory_space<vmem>>, vector<16xi32>,
    tpu.vector_store %arg6[%swap3A_255], %broadcast_in_dim3A_3 {strides = array<i32>} : memref<2048xi32, #tpu.memory_space<vmem>>, vector<16xi32>,
    %swap3A_257 = arith.constant 2032 : index
    %swap3A_258 = tpu.vector_load %arg6[%swap3A_257] {strides = array<i32>} : memref<2048xi32, #tpu.memory_space<vmem>>, vector<16xi32>,
    tpu.vector_store %arg6[%swap3A_257], %broadcast_in_dim3A_3 {strides = array<i32>} : memref<2048xi32, #tpu.memory_space<vmem>>, vector<16xi32>,
    %iota3A = tpu.iota {dimensions = array<i32: 0>} : vector<16xi32>
    %broadcast_in_dim3A_259 = arith.constant 1 : i32
    %broadcast_in_dim3A_260 = vector.broadcast %broadcast_in_dim3A_259 : i32 to vector<16xi32>
    %broadcast_in_dim3A_261 = arith.constant 0x4B000000 : f32
    %broadcast_in_dim3A_262 = vector.broadcast %broadcast_in_dim3A_261 : f32 to vector<16xf32>
    %add3A_263 = arith.constant 1342177280 : i32
    %add3A_264 = vector.broadcast %add3A_263 : i32 to vector<16xi32>
    %add3A_265 = arith.addi %iota3A, %add3A_264 : vector<16xi32>
    %dma_start3A = tpu.memref_slice %arg2[%mul3A_2] : memref<16777216xf32, #tpu.memory_space<hbm>> -> memref<32768xf32, #tpu.memory_space<hbm>>
    %dma_start3A_266 = tpu.memref_slice %arg2[%mul3A_2] : memref<16777216xf32, #tpu.memory_space<hbm>> -> memref<32768xf32, #tpu.memory_space<hbm>>
    tpu.enqueue_dma source(%dma_start3A_266 : memref<32768xf32, #tpu.memory_space<hbm>>) target(%arg4 : memref<32768xf32, #tpu.memory_space<vmem>>) target_semaphore(%arg8 : memref<!tpu.dma_semaphore, #tpu.memory_space<semaphore_mem>>)
    %add3A_267 = arith.constant 32768 : i32
    %add3A_268 = arith.addi %mul3A_2, %add3A_267 : i32
    %dma_start3A_269 = tpu.memref_slice %arg2[%add3A_268] : memref<16777216xf32, #tpu.memory_space<hbm>> -> memref<32768xf32, #tpu.memory_space<hbm>>
    %dma_start3A_270 = tpu.memref_slice %arg2[%add3A_268] : memref<16777216xf32, #tpu.memory_space<hbm>> -> memref<32768xf32, #tpu.memory_space<hbm>>
    tpu.enqueue_dma source(%dma_start3A_270 : memref<32768xf32, #tpu.memory_space<hbm>>) target(%arg5 : memref<32768xf32, #tpu.memory_space<vmem>>) target_semaphore(%arg9 : memref<!tpu.dma_semaphore, #tpu.memory_space<semaphore_mem>>)
    %dma_wait3A = tpu.memref_slice %arg2[%mul3A_2] : memref<16777216xf32, #tpu.memory_space<hbm>> -> memref<32768xf32, #tpu.memory_space<hbm>>
    %dma_wait3A_271 = tpu.memref_slice %arg2[%mul3A_2] : memref<16777216xf32, #tpu.memory_space<hbm>> -> memref<32768xf32, #tpu.memory_space<hbm>>
    tpu.wait_dma2 semaphore(%arg8 : memref<!tpu.dma_semaphore, #tpu.memory_space<semaphore_mem>>) src(%dma_wait3A_271 : memref<32768xf32, #tpu.memory_space<hbm>>) dst(%arg4 : memref<32768xf32, #tpu.memory_space<vmem>>)
    %parallel_loop3A = arith.constant 0 : i32
    %parallel_loop3A_272 = arith.constant 2048 : i32
    %parallel_loop3A_273 = arith.constant 1 : i32
    scf.for %parallel_loop3A_1079 = %parallel_loop3A to %parallel_loop3A_272 step %parallel_loop3A_273  : i32 {
      %parallel_loop3A_1080 = arith.constant 16 : i32
      %parallel_loop3A_1081 = arith.muli %parallel_loop3A_1079, %parallel_loop3A_1080 : i32
      %parallel_loop3A_1082 = arith.index_cast %parallel_loop3A_1081 : i32 to index
      %parallel_loop3A_1083 = tpu.vector_load %arg4[%parallel_loop3A_1082] {strides = array<i32>} : memref<32768xf32, #tpu.memory_space<vmem>>, vector<16xf32>,
      %parallel_loop3A_1084 = arith.addf %parallel_loop3A_1083, %broadcast_in_dim3A_262 : vector<16xf32>
      %parallel_loop3A_1085 = vector.bitcast %parallel_loop3A_1084 : vector<16xf32> to vector<16xi32>
      %parallel_loop3A_1086 = arith.constant 16 : i32
      %parallel_loop3A_1087 = vector.broadcast %parallel_loop3A_1086 : i32 to vector<16xi32>
      %parallel_loop3A_1088 = arith.muli %parallel_loop3A_1085, %parallel_loop3A_1087 : vector<16xi32>
      %parallel_loop3A_1089 = arith.addi %parallel_loop3A_1088, %add3A_265 : vector<16xi32>
      %parallel_loop3A_1090 = vector.bitcast %parallel_loop3A_1089 : vector<16xi32> to vector<16xi32>
      tpu.vector_store_idx %arg6[%parallel_loop3A_1090], %broadcast_in_dim3A_260 {add = true} : memref<2048xi32, #tpu.memory_space<vmem>>[vector<16xi32>], vector<16xi32>,
    } {sc.loop_unroll_factor = 16 : i64, sc.parallel_access}
    %add3A_274 = arith.constant 65536 : i32
    %add3A_275 = arith.addi %mul3A_2, %add3A_274 : i32
    %dma_start3A_276 = tpu.memref_slice %arg2[%add3A_275] : memref<16777216xf32, #tpu.memory_space<hbm>> -> memref<32768xf32, #tpu.memory_space<hbm>>
    %dma_start3A_277 = tpu.memref_slice %arg2[%add3A_275] : memref<16777216xf32, #tpu.memory_space<hbm>> -> memref<32768xf32, #tpu.memory_space<hbm>>
    tpu.enqueue_dma source(%dma_start3A_277 : memref<32768xf32, #tpu.memory_space<hbm>>) target(%arg4 : memref<32768xf32, #tpu.memory_space<vmem>>) target_semaphore(%arg8 : memref<!tpu.dma_semaphore, #tpu.memory_space<semaphore_mem>>)
    %dma_wait3A_278 = tpu.memref_slice %arg2[%add3A_268] : memref<16777216xf32, #tpu.memory_space<hbm>> -> memref<32768xf32, #tpu.memory_space<hbm>>
    %dma_wait3A_279 = tpu.memref_slice %arg2[%add3A_268] : memref<16777216xf32, #tpu.memory_space<hbm>> -> memref<32768xf32, #tpu.memory_space<hbm>>
    tpu.wait_dma2 semaphore(%arg9 : memref<!tpu.dma_semaphore, #tpu.memory_space<semaphore_mem>>) src(%dma_wait3A_279 : memref<32768xf32, #tpu.memory_space<hbm>>) dst(%arg5 : memref<32768xf32, #tpu.memory_space<vmem>>)
    %parallel_loop3A_280 = arith.constant 0 : i32
    %parallel_loop3A_281 = arith.constant 2048 : i32
    %parallel_loop3A_282 = arith.constant 1 : i32
    scf.for %parallel_loop3A_1079 = %parallel_loop3A_280 to %parallel_loop3A_281 step %parallel_loop3A_282  : i32 {
      %parallel_loop3A_1080 = arith.constant 16 : i32
      %parallel_loop3A_1081 = arith.muli %parallel_loop3A_1079, %parallel_loop3A_1080 : i32
      %parallel_loop3A_1082 = arith.index_cast %parallel_loop3A_1081 : i32 to index
      %parallel_loop3A_1083 = tpu.vector_load %arg5[%parallel_loop3A_1082] {strides = array<i32>} : memref<32768xf32, #tpu.memory_space<vmem>>, vector<16xf32>,
      %parallel_loop3A_1084 = arith.addf %parallel_loop3A_1083, %broadcast_in_dim3A_262 : vector<16xf32>
      %parallel_loop3A_1085 = vector.bitcast %parallel_loop3A_1084 : vector<16xf32> to vector<16xi32>
      %parallel_loop3A_1086 = arith.constant 16 : i32
      %parallel_loop3A_1087 = vector.broadcast %parallel_loop3A_1086 : i32 to vector<16xi32>
      %parallel_loop3A_1088 = arith.muli %parallel_loop3A_1085, %parallel_loop3A_1087 : vector<16xi32>
      %parallel_loop3A_1089 = arith.addi %parallel_loop3A_1088, %add3A_265 : vector<16xi32>
      %parallel_loop3A_1090 = vector.bitcast %parallel_loop3A_1089 : vector<16xi32> to vector<16xi32>
      tpu.vector_store_idx %arg6[%parallel_loop3A_1090], %broadcast_in_dim3A_260 {add = true} : memref<2048xi32, #tpu.memory_space<vmem>>[vector<16xi32>], vector<16xi32>,
    } {sc.loop_unroll_factor = 16 : i64, sc.parallel_access}
    %add3A_283 = arith.constant 98304 : i32
    %add3A_284 = arith.addi %mul3A_2, %add3A_283 : i32
    %dma_start3A_285 = tpu.memref_slice %arg2[%add3A_284] : memref<16777216xf32, #tpu.memory_space<hbm>> -> memref<32768xf32, #tpu.memory_space<hbm>>
    %dma_start3A_286 = tpu.memref_slice %arg2[%add3A_284] : memref<16777216xf32, #tpu.memory_space<hbm>> -> memref<32768xf32, #tpu.memory_space<hbm>>
    tpu.enqueue_dma source(%dma_start3A_286 : memref<32768xf32, #tpu.memory_space<hbm>>) target(%arg5 : memref<32768xf32, #tpu.memory_space<vmem>>) target_semaphore(%arg9 : memref<!tpu.dma_semaphore, #tpu.memory_space<semaphore_mem>>)
    %dma_wait3A_287 = tpu.memref_slice %arg2[%add3A_275] : memref<16777216xf32, #tpu.memory_space<hbm>> -> memref<32768xf32, #tpu.memory_space<hbm>>
    %dma_wait3A_288 = tpu.memref_slice %arg2[%add3A_275] : memref<16777216xf32, #tpu.memory_space<hbm>> -> memref<32768xf32, #tpu.memory_space<hbm>>
    tpu.wait_dma2 semaphore(%arg8 : memref<!tpu.dma_semaphore, #tpu.memory_space<semaphore_mem>>) src(%dma_wait3A_288 : memref<32768xf32, #tpu.memory_space<hbm>>) dst(%arg4 : memref<32768xf32, #tpu.memory_space<vmem>>)
    %parallel_loop3A_289 = arith.constant 0 : i32
    %parallel_loop3A_290 = arith.constant 2048 : i32
    %parallel_loop3A_291 = arith.constant 1 : i32
    scf.for %parallel_loop3A_1079 = %parallel_loop3A_289 to %parallel_loop3A_290 step %parallel_loop3A_291  : i32 {
      %parallel_loop3A_1080 = arith.constant 16 : i32
      %parallel_loop3A_1081 = arith.muli %parallel_loop3A_1079, %parallel_loop3A_1080 : i32
      %parallel_loop3A_1082 = arith.index_cast %parallel_loop3A_1081 : i32 to index
      %parallel_loop3A_1083 = tpu.vector_load %arg4[%parallel_loop3A_1082] {strides = array<i32>} : memref<32768xf32, #tpu.memory_space<vmem>>, vector<16xf32>,
      %parallel_loop3A_1084 = arith.addf %parallel_loop3A_1083, %broadcast_in_dim3A_262 : vector<16xf32>
      %parallel_loop3A_1085 = vector.bitcast %parallel_loop3A_1084 : vector<16xf32> to vector<16xi32>
      %parallel_loop3A_1086 = arith.constant 16 : i32
      %parallel_loop3A_1087 = vector.broadcast %parallel_loop3A_1086 : i32 to vector<16xi32>
      %parallel_loop3A_1088 = arith.muli %parallel_loop3A_1085, %parallel_loop3A_1087 : vector<16xi32>
      %parallel_loop3A_1089 = arith.addi %parallel_loop3A_1088, %add3A_265 : vector<16xi32>
      %parallel_loop3A_1090 = vector.bitcast %parallel_loop3A_1089 : vector<16xi32> to vector<16xi32>
      tpu.vector_store_idx %arg6[%parallel_loop3A_1090], %broadcast_in_dim3A_260 {add = true} : memref<2048xi32, #tpu.memory_space<vmem>>[vector<16xi32>], vector<16xi32>,
    } {sc.loop_unroll_factor = 16 : i64, sc.parallel_access}
    %add3A_292 = arith.constant 131072 : i32
    %add3A_293 = arith.addi %mul3A_2, %add3A_292 : i32
    %dma_start3A_294 = tpu.memref_slice %arg2[%add3A_293] : memref<16777216xf32, #tpu.memory_space<hbm>> -> memref<32768xf32, #tpu.memory_space<hbm>>
    %dma_start3A_295 = tpu.memref_slice %arg2[%add3A_293] : memref<16777216xf32, #tpu.memory_space<hbm>> -> memref<32768xf32, #tpu.memory_space<hbm>>
    tpu.enqueue_dma source(%dma_start3A_295 : memref<32768xf32, #tpu.memory_space<hbm>>) target(%arg4 : memref<32768xf32, #tpu.memory_space<vmem>>) target_semaphore(%arg8 : memref<!tpu.dma_semaphore, #tpu.memory_space<semaphore_mem>>)
    %dma_wait3A_296 = tpu.memref_slice %arg2[%add3A_284] : memref<16777216xf32, #tpu.memory_space<hbm>> -> memref<32768xf32, #tpu.memory_space<hbm>>
    %dma_wait3A_297 = tpu.memref_slice %arg2[%add3A_284] : memref<16777216xf32, #tpu.memory_space<hbm>> -> memref<32768xf32, #tpu.memory_space<hbm>>
    tpu.wait_dma2 semaphore(%arg9 : memref<!tpu.dma_semaphore, #tpu.memory_space<semaphore_mem>>) src(%dma_wait3A_297 : memref<32768xf32, #tpu.memory_space<hbm>>) dst(%arg5 : memref<32768xf32, #tpu.memory_space<vmem>>)
    %parallel_loop3A_298 = arith.constant 0 : i32
    %parallel_loop3A_299 = arith.constant 2048 : i32
    %parallel_loop3A_300 = arith.constant 1 : i32
    scf.for %parallel_loop3A_1079 = %parallel_loop3A_298 to %parallel_loop3A_299 step %parallel_loop3A_300  : i32 {
      %parallel_loop3A_1080 = arith.constant 16 : i32
      %parallel_loop3A_1081 = arith.muli %parallel_loop3A_1079, %parallel_loop3A_1080 : i32
      %parallel_loop3A_1082 = arith.index_cast %parallel_loop3A_1081 : i32 to index
      %parallel_loop3A_1083 = tpu.vector_load %arg5[%parallel_loop3A_1082] {strides = array<i32>} : memref<32768xf32, #tpu.memory_space<vmem>>, vector<16xf32>,
      %parallel_loop3A_1084 = arith.addf %parallel_loop3A_1083, %broadcast_in_dim3A_262 : vector<16xf32>
      %parallel_loop3A_1085 = vector.bitcast %parallel_loop3A_1084 : vector<16xf32> to vector<16xi32>
      %parallel_loop3A_1086 = arith.constant 16 : i32
      %parallel_loop3A_1087 = vector.broadcast %parallel_loop3A_1086 : i32 to vector<16xi32>
      %parallel_loop3A_1088 = arith.muli %parallel_loop3A_1085, %parallel_loop3A_1087 : vector<16xi32>
      %parallel_loop3A_1089 = arith.addi %parallel_loop3A_1088, %add3A_265 : vector<16xi32>
      %parallel_loop3A_1090 = vector.bitcast %parallel_loop3A_1089 : vector<16xi32> to vector<16xi32>
      tpu.vector_store_idx %arg6[%parallel_loop3A_1090], %broadcast_in_dim3A_260 {add = true} : memref<2048xi32, #tpu.memory_space<vmem>>[vector<16xi32>], vector<16xi32>,
    } {sc.loop_unroll_factor = 16 : i64, sc.parallel_access}
    %add3A_301 = arith.constant 163840 : i32
    %add3A_302 = arith.addi %mul3A_2, %add3A_301 : i32
    %dma_start3A_303 = tpu.memref_slice %arg2[%add3A_302] : memref<16777216xf32, #tpu.memory_space<hbm>> -> memref<32768xf32, #tpu.memory_space<hbm>>
    %dma_start3A_304 = tpu.memref_slice %arg2[%add3A_302] : memref<16777216xf32, #tpu.memory_space<hbm>> -> memref<32768xf32, #tpu.memory_space<hbm>>
    tpu.enqueue_dma source(%dma_start3A_304 : memref<32768xf32, #tpu.memory_space<hbm>>) target(%arg5 : memref<32768xf32, #tpu.memory_space<vmem>>) target_semaphore(%arg9 : memref<!tpu.dma_semaphore, #tpu.memory_space<semaphore_mem>>)
    %dma_wait3A_305 = tpu.memref_slice %arg2[%add3A_293] : memref<16777216xf32, #tpu.memory_space<hbm>> -> memref<32768xf32, #tpu.memory_space<hbm>>
    %dma_wait3A_306 = tpu.memref_slice %arg2[%add3A_293] : memref<16777216xf32, #tpu.memory_space<hbm>> -> memref<32768xf32, #tpu.memory_space<hbm>>
    tpu.wait_dma2 semaphore(%arg8 : memref<!tpu.dma_semaphore, #tpu.memory_space<semaphore_mem>>) src(%dma_wait3A_306 : memref<32768xf32, #tpu.memory_space<hbm>>) dst(%arg4 : memref<32768xf32, #tpu.memory_space<vmem>>)
    %parallel_loop3A_307 = arith.constant 0 : i32
    %parallel_loop3A_308 = arith.constant 2048 : i32
    %parallel_loop3A_309 = arith.constant 1 : i32
    scf.for %parallel_loop3A_1079 = %parallel_loop3A_307 to %parallel_loop3A_308 step %parallel_loop3A_309  : i32 {
      %parallel_loop3A_1080 = arith.constant 16 : i32
      %parallel_loop3A_1081 = arith.muli %parallel_loop3A_1079, %parallel_loop3A_1080 : i32
      %parallel_loop3A_1082 = arith.index_cast %parallel_loop3A_1081 : i32 to index
      %parallel_loop3A_1083 = tpu.vector_load %arg4[%parallel_loop3A_1082] {strides = array<i32>} : memref<32768xf32, #tpu.memory_space<vmem>>, vector<16xf32>,
      %parallel_loop3A_1084 = arith.addf %parallel_loop3A_1083, %broadcast_in_dim3A_262 : vector<16xf32>
      %parallel_loop3A_1085 = vector.bitcast %parallel_loop3A_1084 : vector<16xf32> to vector<16xi32>
      %parallel_loop3A_1086 = arith.constant 16 : i32
      %parallel_loop3A_1087 = vector.broadcast %parallel_loop3A_1086 : i32 to vector<16xi32>
      %parallel_loop3A_1088 = arith.muli %parallel_loop3A_1085, %parallel_loop3A_1087 : vector<16xi32>
      %parallel_loop3A_1089 = arith.addi %parallel_loop3A_1088, %add3A_265 : vector<16xi32>
      %parallel_loop3A_1090 = vector.bitcast %parallel_loop3A_1089 : vector<16xi32> to vector<16xi32>
      tpu.vector_store_idx %arg6[%parallel_loop3A_1090], %broadcast_in_dim3A_260 {add = true} : memref<2048xi32, #tpu.memory_space<vmem>>[vector<16xi32>], vector<16xi32>,
    } {sc.loop_unroll_factor = 16 : i64, sc.parallel_access}
    %add3A_310 = arith.constant 196608 : i32
    %add3A_311 = arith.addi %mul3A_2, %add3A_310 : i32
    %dma_start3A_312 = tpu.memref_slice %arg2[%add3A_311] : memref<16777216xf32, #tpu.memory_space<hbm>> -> memref<32768xf32, #tpu.memory_space<hbm>>
    %dma_start3A_313 = tpu.memref_slice %arg2[%add3A_311] : memref<16777216xf32, #tpu.memory_space<hbm>> -> memref<32768xf32, #tpu.memory_space<hbm>>
    tpu.enqueue_dma source(%dma_start3A_313 : memref<32768xf32, #tpu.memory_space<hbm>>) target(%arg4 : memref<32768xf32, #tpu.memory_space<vmem>>) target_semaphore(%arg8 : memref<!tpu.dma_semaphore, #tpu.memory_space<semaphore_mem>>)
    %dma_wait3A_314 = tpu.memref_slice %arg2[%add3A_302] : memref<16777216xf32, #tpu.memory_space<hbm>> -> memref<32768xf32, #tpu.memory_space<hbm>>
    %dma_wait3A_315 = tpu.memref_slice %arg2[%add3A_302] : memref<16777216xf32, #tpu.memory_space<hbm>> -> memref<32768xf32, #tpu.memory_space<hbm>>
    tpu.wait_dma2 semaphore(%arg9 : memref<!tpu.dma_semaphore, #tpu.memory_space<semaphore_mem>>) src(%dma_wait3A_315 : memref<32768xf32, #tpu.memory_space<hbm>>) dst(%arg5 : memref<32768xf32, #tpu.memory_space<vmem>>)
    %parallel_loop3A_316 = arith.constant 0 : i32
    %parallel_loop3A_317 = arith.constant 2048 : i32
    %parallel_loop3A_318 = arith.constant 1 : i32
    scf.for %parallel_loop3A_1079 = %parallel_loop3A_316 to %parallel_loop3A_317 step %parallel_loop3A_318  : i32 {
      %parallel_loop3A_1080 = arith.constant 16 : i32
      %parallel_loop3A_1081 = arith.muli %parallel_loop3A_1079, %parallel_loop3A_1080 : i32
      %parallel_loop3A_1082 = arith.index_cast %parallel_loop3A_1081 : i32 to index
      %parallel_loop3A_1083 = tpu.vector_load %arg5[%parallel_loop3A_1082] {strides = array<i32>} : memref<32768xf32, #tpu.memory_space<vmem>>, vector<16xf32>,
      %parallel_loop3A_1084 = arith.addf %parallel_loop3A_1083, %broadcast_in_dim3A_262 : vector<16xf32>
      %parallel_loop3A_1085 = vector.bitcast %parallel_loop3A_1084 : vector<16xf32> to vector<16xi32>
      %parallel_loop3A_1086 = arith.constant 16 : i32
      %parallel_loop3A_1087 = vector.broadcast %parallel_loop3A_1086 : i32 to vector<16xi32>
      %parallel_loop3A_1088 = arith.muli %parallel_loop3A_1085, %parallel_loop3A_1087 : vector<16xi32>
      %parallel_loop3A_1089 = arith.addi %parallel_loop3A_1088, %add3A_265 : vector<16xi32>
      %parallel_loop3A_1090 = vector.bitcast %parallel_loop3A_1089 : vector<16xi32> to vector<16xi32>
      tpu.vector_store_idx %arg6[%parallel_loop3A_1090], %broadcast_in_dim3A_260 {add = true} : memref<2048xi32, #tpu.memory_space<vmem>>[vector<16xi32>], vector<16xi32>,
    } {sc.loop_unroll_factor = 16 : i64, sc.parallel_access}
    %add3A_319 = arith.constant 229376 : i32
    %add3A_320 = arith.addi %mul3A_2, %add3A_319 : i32
    %dma_start3A_321 = tpu.memref_slice %arg2[%add3A_320] : memref<16777216xf32, #tpu.memory_space<hbm>> -> memref<32768xf32, #tpu.memory_space<hbm>>
    %dma_start3A_322 = tpu.memref_slice %arg2[%add3A_320] : memref<16777216xf32, #tpu.memory_space<hbm>> -> memref<32768xf32, #tpu.memory_space<hbm>>
    tpu.enqueue_dma source(%dma_start3A_322 : memref<32768xf32, #tpu.memory_space<hbm>>) target(%arg5 : memref<32768xf32, #tpu.memory_space<vmem>>) target_semaphore(%arg9 : memref<!tpu.dma_semaphore, #tpu.memory_space<semaphore_mem>>)
    %dma_wait3A_323 = tpu.memref_slice %arg2[%add3A_311] : memref<16777216xf32, #tpu.memory_space<hbm>> -> memref<32768xf32, #tpu.memory_space<hbm>>
    %dma_wait3A_324 = tpu.memref_slice %arg2[%add3A_311] : memref<16777216xf32, #tpu.memory_space<hbm>> -> memref<32768xf32, #tpu.memory_space<hbm>>
    tpu.wait_dma2 semaphore(%arg8 : memref<!tpu.dma_semaphore, #tpu.memory_space<semaphore_mem>>) src(%dma_wait3A_324 : memref<32768xf32, #tpu.memory_space<hbm>>) dst(%arg4 : memref<32768xf32, #tpu.memory_space<vmem>>)
    %parallel_loop3A_325 = arith.constant 0 : i32
    %parallel_loop3A_326 = arith.constant 2048 : i32
    %parallel_loop3A_327 = arith.constant 1 : i32
    scf.for %parallel_loop3A_1079 = %parallel_loop3A_325 to %parallel_loop3A_326 step %parallel_loop3A_327  : i32 {
      %parallel_loop3A_1080 = arith.constant 16 : i32
      %parallel_loop3A_1081 = arith.muli %parallel_loop3A_1079, %parallel_loop3A_1080 : i32
      %parallel_loop3A_1082 = arith.index_cast %parallel_loop3A_1081 : i32 to index
      %parallel_loop3A_1083 = tpu.vector_load %arg4[%parallel_loop3A_1082] {strides = array<i32>} : memref<32768xf32, #tpu.memory_space<vmem>>, vector<16xf32>,
      %parallel_loop3A_1084 = arith.addf %parallel_loop3A_1083, %broadcast_in_dim3A_262 : vector<16xf32>
      %parallel_loop3A_1085 = vector.bitcast %parallel_loop3A_1084 : vector<16xf32> to vector<16xi32>
      %parallel_loop3A_1086 = arith.constant 16 : i32
      %parallel_loop3A_1087 = vector.broadcast %parallel_loop3A_1086 : i32 to vector<16xi32>
      %parallel_loop3A_1088 = arith.muli %parallel_loop3A_1085, %parallel_loop3A_1087 : vector<16xi32>
      %parallel_loop3A_1089 = arith.addi %parallel_loop3A_1088, %add3A_265 : vector<16xi32>
      %parallel_loop3A_1090 = vector.bitcast %parallel_loop3A_1089 : vector<16xi32> to vector<16xi32>
      tpu.vector_store_idx %arg6[%parallel_loop3A_1090], %broadcast_in_dim3A_260 {add = true} : memref<2048xi32, #tpu.memory_space<vmem>>[vector<16xi32>], vector<16xi32>,
    } {sc.loop_unroll_factor = 16 : i64, sc.parallel_access}
    %add3A_328 = arith.constant 262144 : i32
    %add3A_329 = arith.addi %mul3A_2, %add3A_328 : i32
    %dma_start3A_330 = tpu.memref_slice %arg2[%add3A_329] : memref<16777216xf32, #tpu.memory_space<hbm>> -> memref<32768xf32, #tpu.memory_space<hbm>>
    %dma_start3A_331 = tpu.memref_slice %arg2[%add3A_329] : memref<16777216xf32, #tpu.memory_space<hbm>> -> memref<32768xf32, #tpu.memory_space<hbm>>
    tpu.enqueue_dma source(%dma_start3A_331 : memref<32768xf32, #tpu.memory_space<hbm>>) target(%arg4 : memref<32768xf32, #tpu.memory_space<vmem>>) target_semaphore(%arg8 : memref<!tpu.dma_semaphore, #tpu.memory_space<semaphore_mem>>)
    %dma_wait3A_332 = tpu.memref_slice %arg2[%add3A_320] : memref<16777216xf32, #tpu.memory_space<hbm>> -> memref<32768xf32, #tpu.memory_space<hbm>>
    %dma_wait3A_333 = tpu.memref_slice %arg2[%add3A_320] : memref<16777216xf32, #tpu.memory_space<hbm>> -> memref<32768xf32, #tpu.memory_space<hbm>>
    tpu.wait_dma2 semaphore(%arg9 : memref<!tpu.dma_semaphore, #tpu.memory_space<semaphore_mem>>) src(%dma_wait3A_333 : memref<32768xf32, #tpu.memory_space<hbm>>) dst(%arg5 : memref<32768xf32, #tpu.memory_space<vmem>>)
    %parallel_loop3A_334 = arith.constant 0 : i32
    %parallel_loop3A_335 = arith.constant 2048 : i32
    %parallel_loop3A_336 = arith.constant 1 : i32
    scf.for %parallel_loop3A_1079 = %parallel_loop3A_334 to %parallel_loop3A_335 step %parallel_loop3A_336  : i32 {
      %parallel_loop3A_1080 = arith.constant 16 : i32
      %parallel_loop3A_1081 = arith.muli %parallel_loop3A_1079, %parallel_loop3A_1080 : i32
      %parallel_loop3A_1082 = arith.index_cast %parallel_loop3A_1081 : i32 to index
      %parallel_loop3A_1083 = tpu.vector_load %arg5[%parallel_loop3A_1082] {strides = array<i32>} : memref<32768xf32, #tpu.memory_space<vmem>>, vector<16xf32>,
      %parallel_loop3A_1084 = arith.addf %parallel_loop3A_1083, %broadcast_in_dim3A_262 : vector<16xf32>
      %parallel_loop3A_1085 = vector.bitcast %parallel_loop3A_1084 : vector<16xf32> to vector<16xi32>
      %parallel_loop3A_1086 = arith.constant 16 : i32
      %parallel_loop3A_1087 = vector.broadcast %parallel_loop3A_1086 : i32 to vector<16xi32>
      %parallel_loop3A_1088 = arith.muli %parallel_loop3A_1085, %parallel_loop3A_1087 : vector<16xi32>
      %parallel_loop3A_1089 = arith.addi %parallel_loop3A_1088, %add3A_265 : vector<16xi32>
      %parallel_loop3A_1090 = vector.bitcast %parallel_loop3A_1089 : vector<16xi32> to vector<16xi32>
      tpu.vector_store_idx %arg6[%parallel_loop3A_1090], %broadcast_in_dim3A_260 {add = true} : memref<2048xi32, #tpu.memory_space<vmem>>[vector<16xi32>], vector<16xi32>,
    } {sc.loop_unroll_factor = 16 : i64, sc.parallel_access}
    %add3A_337 = arith.constant 294912 : i32
    %add3A_338 = arith.addi %mul3A_2, %add3A_337 : i32
    %dma_start3A_339 = tpu.memref_slice %arg2[%add3A_338] : memref<16777216xf32, #tpu.memory_space<hbm>> -> memref<32768xf32, #tpu.memory_space<hbm>>
    %dma_start3A_340 = tpu.memref_slice %arg2[%add3A_338] : memref<16777216xf32, #tpu.memory_space<hbm>> -> memref<32768xf32, #tpu.memory_space<hbm>>
    tpu.enqueue_dma source(%dma_start3A_340 : memref<32768xf32, #tpu.memory_space<hbm>>) target(%arg5 : memref<32768xf32, #tpu.memory_space<vmem>>) target_semaphore(%arg9 : memref<!tpu.dma_semaphore, #tpu.memory_space<semaphore_mem>>)
    %dma_wait3A_341 = tpu.memref_slice %arg2[%add3A_329] : memref<16777216xf32, #tpu.memory_space<hbm>> -> memref<32768xf32, #tpu.memory_space<hbm>>
    %dma_wait3A_342 = tpu.memref_slice %arg2[%add3A_329] : memref<16777216xf32, #tpu.memory_space<hbm>> -> memref<32768xf32, #tpu.memory_space<hbm>>
    tpu.wait_dma2 semaphore(%arg8 : memref<!tpu.dma_semaphore, #tpu.memory_space<semaphore_mem>>) src(%dma_wait3A_342 : memref<32768xf32, #tpu.memory_space<hbm>>) dst(%arg4 : memref<32768xf32, #tpu.memory_space<vmem>>)
    %parallel_loop3A_343 = arith.constant 0 : i32
    %parallel_loop3A_344 = arith.constant 2048 : i32
    %parallel_loop3A_345 = arith.constant 1 : i32
    scf.for %parallel_loop3A_1079 = %parallel_loop3A_343 to %parallel_loop3A_344 step %parallel_loop3A_345  : i32 {
      %parallel_loop3A_1080 = arith.constant 16 : i32
      %parallel_loop3A_1081 = arith.muli %parallel_loop3A_1079, %parallel_loop3A_1080 : i32
      %parallel_loop3A_1082 = arith.index_cast %parallel_loop3A_1081 : i32 to index
      %parallel_loop3A_1083 = tpu.vector_load %arg4[%parallel_loop3A_1082] {strides = array<i32>} : memref<32768xf32, #tpu.memory_space<vmem>>, vector<16xf32>,
      %parallel_loop3A_1084 = arith.addf %parallel_loop3A_1083, %broadcast_in_dim3A_262 : vector<16xf32>
      %parallel_loop3A_1085 = vector.bitcast %parallel_loop3A_1084 : vector<16xf32> to vector<16xi32>
      %parallel_loop3A_1086 = arith.constant 16 : i32
      %parallel_loop3A_1087 = vector.broadcast %parallel_loop3A_1086 : i32 to vector<16xi32>
      %parallel_loop3A_1088 = arith.muli %parallel_loop3A_1085, %parallel_loop3A_1087 : vector<16xi32>
      %parallel_loop3A_1089 = arith.addi %parallel_loop3A_1088, %add3A_265 : vector<16xi32>
      %parallel_loop3A_1090 = vector.bitcast %parallel_loop3A_1089 : vector<16xi32> to vector<16xi32>
      tpu.vector_store_idx %arg6[%parallel_loop3A_1090], %broadcast_in_dim3A_260 {add = true} : memref<2048xi32, #tpu.memory_space<vmem>>[vector<16xi32>], vector<16xi32>,
    } {sc.loop_unroll_factor = 16 : i64, sc.parallel_access}
    %add3A_346 = arith.constant 327680 : i32
    %add3A_347 = arith.addi %mul3A_2, %add3A_346 : i32
    %dma_start3A_348 = tpu.memref_slice %arg2[%add3A_347] : memref<16777216xf32, #tpu.memory_space<hbm>> -> memref<32768xf32, #tpu.memory_space<hbm>>
    %dma_start3A_349 = tpu.memref_slice %arg2[%add3A_347] : memref<16777216xf32, #tpu.memory_space<hbm>> -> memref<32768xf32, #tpu.memory_space<hbm>>
    tpu.enqueue_dma source(%dma_start3A_349 : memref<32768xf32, #tpu.memory_space<hbm>>) target(%arg4 : memref<32768xf32, #tpu.memory_space<vmem>>) target_semaphore(%arg8 : memref<!tpu.dma_semaphore, #tpu.memory_space<semaphore_mem>>)
    %dma_wait3A_350 = tpu.memref_slice %arg2[%add3A_338] : memref<16777216xf32, #tpu.memory_space<hbm>> -> memref<32768xf32, #tpu.memory_space<hbm>>
    %dma_wait3A_351 = tpu.memref_slice %arg2[%add3A_338] : memref<16777216xf32, #tpu.memory_space<hbm>> -> memref<32768xf32, #tpu.memory_space<hbm>>
    tpu.wait_dma2 semaphore(%arg9 : memref<!tpu.dma_semaphore, #tpu.memory_space<semaphore_mem>>) src(%dma_wait3A_351 : memref<32768xf32, #tpu.memory_space<hbm>>) dst(%arg5 : memref<32768xf32, #tpu.memory_space<vmem>>)
    %parallel_loop3A_352 = arith.constant 0 : i32
    %parallel_loop3A_353 = arith.constant 2048 : i32
    %parallel_loop3A_354 = arith.constant 1 : i32
    scf.for %parallel_loop3A_1079 = %parallel_loop3A_352 to %parallel_loop3A_353 step %parallel_loop3A_354  : i32 {
      %parallel_loop3A_1080 = arith.constant 16 : i32
      %parallel_loop3A_1081 = arith.muli %parallel_loop3A_1079, %parallel_loop3A_1080 : i32
      %parallel_loop3A_1082 = arith.index_cast %parallel_loop3A_1081 : i32 to index
      %parallel_loop3A_1083 = tpu.vector_load %arg5[%parallel_loop3A_1082] {strides = array<i32>} : memref<32768xf32, #tpu.memory_space<vmem>>, vector<16xf32>,
      %parallel_loop3A_1084 = arith.addf %parallel_loop3A_1083, %broadcast_in_dim3A_262 : vector<16xf32>
      %parallel_loop3A_1085 = vector.bitcast %parallel_loop3A_1084 : vector<16xf32> to vector<16xi32>
      %parallel_loop3A_1086 = arith.constant 16 : i32
      %parallel_loop3A_1087 = vector.broadcast %parallel_loop3A_1086 : i32 to vector<16xi32>
      %parallel_loop3A_1088 = arith.muli %parallel_loop3A_1085, %parallel_loop3A_1087 : vector<16xi32>
      %parallel_loop3A_1089 = arith.addi %parallel_loop3A_1088, %add3A_265 : vector<16xi32>
      %parallel_loop3A_1090 = vector.bitcast %parallel_loop3A_1089 : vector<16xi32> to vector<16xi32>
      tpu.vector_store_idx %arg6[%parallel_loop3A_1090], %broadcast_in_dim3A_260 {add = true} : memref<2048xi32, #tpu.memory_space<vmem>>[vector<16xi32>], vector<16xi32>,
    } {sc.loop_unroll_factor = 16 : i64, sc.parallel_access}
    %add3A_355 = arith.constant 360448 : i32
    %add3A_356 = arith.addi %mul3A_2, %add3A_355 : i32
    %dma_start3A_357 = tpu.memref_slice %arg2[%add3A_356] : memref<16777216xf32, #tpu.memory_space<hbm>> -> memref<32768xf32, #tpu.memory_space<hbm>>
    %dma_start3A_358 = tpu.memref_slice %arg2[%add3A_356] : memref<16777216xf32, #tpu.memory_space<hbm>> -> memref<32768xf32, #tpu.memory_space<hbm>>
    tpu.enqueue_dma source(%dma_start3A_358 : memref<32768xf32, #tpu.memory_space<hbm>>) target(%arg5 : memref<32768xf32, #tpu.memory_space<vmem>>) target_semaphore(%arg9 : memref<!tpu.dma_semaphore, #tpu.memory_space<semaphore_mem>>)
    %dma_wait3A_359 = tpu.memref_slice %arg2[%add3A_347] : memref<16777216xf32, #tpu.memory_space<hbm>> -> memref<32768xf32, #tpu.memory_space<hbm>>
    %dma_wait3A_360 = tpu.memref_slice %arg2[%add3A_347] : memref<16777216xf32, #tpu.memory_space<hbm>> -> memref<32768xf32, #tpu.memory_space<hbm>>
    tpu.wait_dma2 semaphore(%arg8 : memref<!tpu.dma_semaphore, #tpu.memory_space<semaphore_mem>>) src(%dma_wait3A_360 : memref<32768xf32, #tpu.memory_space<hbm>>) dst(%arg4 : memref<32768xf32, #tpu.memory_space<vmem>>)
    %parallel_loop3A_361 = arith.constant 0 : i32
    %parallel_loop3A_362 = arith.constant 2048 : i32
    %parallel_loop3A_363 = arith.constant 1 : i32
    scf.for %parallel_loop3A_1079 = %parallel_loop3A_361 to %parallel_loop3A_362 step %parallel_loop3A_363  : i32 {
      %parallel_loop3A_1080 = arith.constant 16 : i32
      %parallel_loop3A_1081 = arith.muli %parallel_loop3A_1079, %parallel_loop3A_1080 : i32
      %parallel_loop3A_1082 = arith.index_cast %parallel_loop3A_1081 : i32 to index
      %parallel_loop3A_1083 = tpu.vector_load %arg4[%parallel_loop3A_1082] {strides = array<i32>} : memref<32768xf32, #tpu.memory_space<vmem>>, vector<16xf32>,
      %parallel_loop3A_1084 = arith.addf %parallel_loop3A_1083, %broadcast_in_dim3A_262 : vector<16xf32>
      %parallel_loop3A_1085 = vector.bitcast %parallel_loop3A_1084 : vector<16xf32> to vector<16xi32>
      %parallel_loop3A_1086 = arith.constant 16 : i32
      %parallel_loop3A_1087 = vector.broadcast %parallel_loop3A_1086 : i32 to vector<16xi32>
      %parallel_loop3A_1088 = arith.muli %parallel_loop3A_1085, %parallel_loop3A_1087 : vector<16xi32>
      %parallel_loop3A_1089 = arith.addi %parallel_loop3A_1088, %add3A_265 : vector<16xi32>
      %parallel_loop3A_1090 = vector.bitcast %parallel_loop3A_1089 : vector<16xi32> to vector<16xi32>
      tpu.vector_store_idx %arg6[%parallel_loop3A_1090], %broadcast_in_dim3A_260 {add = true} : memref<2048xi32, #tpu.memory_space<vmem>>[vector<16xi32>], vector<16xi32>,
    } {sc.loop_unroll_factor = 16 : i64, sc.parallel_access}
    %add3A_364 = arith.constant 393216 : i32
    %add3A_365 = arith.addi %mul3A_2, %add3A_364 : i32
    %dma_start3A_366 = tpu.memref_slice %arg2[%add3A_365] : memref<16777216xf32, #tpu.memory_space<hbm>> -> memref<32768xf32, #tpu.memory_space<hbm>>
    %dma_start3A_367 = tpu.memref_slice %arg2[%add3A_365] : memref<16777216xf32, #tpu.memory_space<hbm>> -> memref<32768xf32, #tpu.memory_space<hbm>>
    tpu.enqueue_dma source(%dma_start3A_367 : memref<32768xf32, #tpu.memory_space<hbm>>) target(%arg4 : memref<32768xf32, #tpu.memory_space<vmem>>) target_semaphore(%arg8 : memref<!tpu.dma_semaphore, #tpu.memory_space<semaphore_mem>>)
    %dma_wait3A_368 = tpu.memref_slice %arg2[%add3A_356] : memref<16777216xf32, #tpu.memory_space<hbm>> -> memref<32768xf32, #tpu.memory_space<hbm>>
    %dma_wait3A_369 = tpu.memref_slice %arg2[%add3A_356] : memref<16777216xf32, #tpu.memory_space<hbm>> -> memref<32768xf32, #tpu.memory_space<hbm>>
    tpu.wait_dma2 semaphore(%arg9 : memref<!tpu.dma_semaphore, #tpu.memory_space<semaphore_mem>>) src(%dma_wait3A_369 : memref<32768xf32, #tpu.memory_space<hbm>>) dst(%arg5 : memref<32768xf32, #tpu.memory_space<vmem>>)
    %parallel_loop3A_370 = arith.constant 0 : i32
    %parallel_loop3A_371 = arith.constant 2048 : i32
    %parallel_loop3A_372 = arith.constant 1 : i32
    scf.for %parallel_loop3A_1079 = %parallel_loop3A_370 to %parallel_loop3A_371 step %parallel_loop3A_372  : i32 {
      %parallel_loop3A_1080 = arith.constant 16 : i32
      %parallel_loop3A_1081 = arith.muli %parallel_loop3A_1079, %parallel_loop3A_1080 : i32
      %parallel_loop3A_1082 = arith.index_cast %parallel_loop3A_1081 : i32 to index
      %parallel_loop3A_1083 = tpu.vector_load %arg5[%parallel_loop3A_1082] {strides = array<i32>} : memref<32768xf32, #tpu.memory_space<vmem>>, vector<16xf32>,
      %parallel_loop3A_1084 = arith.addf %parallel_loop3A_1083, %broadcast_in_dim3A_262 : vector<16xf32>
      %parallel_loop3A_1085 = vector.bitcast %parallel_loop3A_1084 : vector<16xf32> to vector<16xi32>
      %parallel_loop3A_1086 = arith.constant 16 : i32
      %parallel_loop3A_1087 = vector.broadcast %parallel_loop3A_1086 : i32 to vector<16xi32>
      %parallel_loop3A_1088 = arith.muli %parallel_loop3A_1085, %parallel_loop3A_1087 : vector<16xi32>
      %parallel_loop3A_1089 = arith.addi %parallel_loop3A_1088, %add3A_265 : vector<16xi32>
      %parallel_loop3A_1090 = vector.bitcast %parallel_loop3A_1089 : vector<16xi32> to vector<16xi32>
      tpu.vector_store_idx %arg6[%parallel_loop3A_1090], %broadcast_in_dim3A_260 {add = true} : memref<2048xi32, #tpu.memory_space<vmem>>[vector<16xi32>], vector<16xi32>,
    } {sc.loop_unroll_factor = 16 : i64, sc.parallel_access}
    %add3A_373 = arith.constant 425984 : i32
    %add3A_374 = arith.addi %mul3A_2, %add3A_373 : i32
    %dma_start3A_375 = tpu.memref_slice %arg2[%add3A_374] : memref<16777216xf32, #tpu.memory_space<hbm>> -> memref<32768xf32, #tpu.memory_space<hbm>>
    %dma_start3A_376 = tpu.memref_slice %arg2[%add3A_374] : memref<16777216xf32, #tpu.memory_space<hbm>> -> memref<32768xf32, #tpu.memory_space<hbm>>
    tpu.enqueue_dma source(%dma_start3A_376 : memref<32768xf32, #tpu.memory_space<hbm>>) target(%arg5 : memref<32768xf32, #tpu.memory_space<vmem>>) target_semaphore(%arg9 : memref<!tpu.dma_semaphore, #tpu.memory_space<semaphore_mem>>)
    %dma_wait3A_377 = tpu.memref_slice %arg2[%add3A_365] : memref<16777216xf32, #tpu.memory_space<hbm>> -> memref<32768xf32, #tpu.memory_space<hbm>>
    %dma_wait3A_378 = tpu.memref_slice %arg2[%add3A_365] : memref<16777216xf32, #tpu.memory_space<hbm>> -> memref<32768xf32, #tpu.memory_space<hbm>>
    tpu.wait_dma2 semaphore(%arg8 : memref<!tpu.dma_semaphore, #tpu.memory_space<semaphore_mem>>) src(%dma_wait3A_378 : memref<32768xf32, #tpu.memory_space<hbm>>) dst(%arg4 : memref<32768xf32, #tpu.memory_space<vmem>>)
    %parallel_loop3A_379 = arith.constant 0 : i32
    %parallel_loop3A_380 = arith.constant 2048 : i32
    %parallel_loop3A_381 = arith.constant 1 : i32
    scf.for %parallel_loop3A_1079 = %parallel_loop3A_379 to %parallel_loop3A_380 step %parallel_loop3A_381  : i32 {
      %parallel_loop3A_1080 = arith.constant 16 : i32
      %parallel_loop3A_1081 = arith.muli %parallel_loop3A_1079, %parallel_loop3A_1080 : i32
      %parallel_loop3A_1082 = arith.index_cast %parallel_loop3A_1081 : i32 to index
      %parallel_loop3A_1083 = tpu.vector_load %arg4[%parallel_loop3A_1082] {strides = array<i32>} : memref<32768xf32, #tpu.memory_space<vmem>>, vector<16xf32>,
      %parallel_loop3A_1084 = arith.addf %parallel_loop3A_1083, %broadcast_in_dim3A_262 : vector<16xf32>
      %parallel_loop3A_1085 = vector.bitcast %parallel_loop3A_1084 : vector<16xf32> to vector<16xi32>
      %parallel_loop3A_1086 = arith.constant 16 : i32
      %parallel_loop3A_1087 = vector.broadcast %parallel_loop3A_1086 : i32 to vector<16xi32>
      %parallel_loop3A_1088 = arith.muli %parallel_loop3A_1085, %parallel_loop3A_1087 : vector<16xi32>
      %parallel_loop3A_1089 = arith.addi %parallel_loop3A_1088, %add3A_265 : vector<16xi32>
      %parallel_loop3A_1090 = vector.bitcast %parallel_loop3A_1089 : vector<16xi32> to vector<16xi32>
      tpu.vector_store_idx %arg6[%parallel_loop3A_1090], %broadcast_in_dim3A_260 {add = true} : memref<2048xi32, #tpu.memory_space<vmem>>[vector<16xi32>], vector<16xi32>,
    } {sc.loop_unroll_factor = 16 : i64, sc.parallel_access}
    %add3A_382 = arith.constant 458752 : i32
    %add3A_383 = arith.addi %mul3A_2, %add3A_382 : i32
    %dma_start3A_384 = tpu.memref_slice %arg2[%add3A_383] : memref<16777216xf32, #tpu.memory_space<hbm>> -> memref<32768xf32, #tpu.memory_space<hbm>>
    %dma_start3A_385 = tpu.memref_slice %arg2[%add3A_383] : memref<16777216xf32, #tpu.memory_space<hbm>> -> memref<32768xf32, #tpu.memory_space<hbm>>
    tpu.enqueue_dma source(%dma_start3A_385 : memref<32768xf32, #tpu.memory_space<hbm>>) target(%arg4 : memref<32768xf32, #tpu.memory_space<vmem>>) target_semaphore(%arg8 : memref<!tpu.dma_semaphore, #tpu.memory_space<semaphore_mem>>)
    %dma_wait3A_386 = tpu.memref_slice %arg2[%add3A_374] : memref<16777216xf32, #tpu.memory_space<hbm>> -> memref<32768xf32, #tpu.memory_space<hbm>>
    %dma_wait3A_387 = tpu.memref_slice %arg2[%add3A_374] : memref<16777216xf32, #tpu.memory_space<hbm>> -> memref<32768xf32, #tpu.memory_space<hbm>>
    tpu.wait_dma2 semaphore(%arg9 : memref<!tpu.dma_semaphore, #tpu.memory_space<semaphore_mem>>) src(%dma_wait3A_387 : memref<32768xf32, #tpu.memory_space<hbm>>) dst(%arg5 : memref<32768xf32, #tpu.memory_space<vmem>>)
    %parallel_loop3A_388 = arith.constant 0 : i32
    %parallel_loop3A_389 = arith.constant 2048 : i32
    %parallel_loop3A_390 = arith.constant 1 : i32
    scf.for %parallel_loop3A_1079 = %parallel_loop3A_388 to %parallel_loop3A_389 step %parallel_loop3A_390  : i32 {
      %parallel_loop3A_1080 = arith.constant 16 : i32
      %parallel_loop3A_1081 = arith.muli %parallel_loop3A_1079, %parallel_loop3A_1080 : i32
      %parallel_loop3A_1082 = arith.index_cast %parallel_loop3A_1081 : i32 to index
      %parallel_loop3A_1083 = tpu.vector_load %arg5[%parallel_loop3A_1082] {strides = array<i32>} : memref<32768xf32, #tpu.memory_space<vmem>>, vector<16xf32>,
      %parallel_loop3A_1084 = arith.addf %parallel_loop3A_1083, %broadcast_in_dim3A_262 : vector<16xf32>
      %parallel_loop3A_1085 = vector.bitcast %parallel_loop3A_1084 : vector<16xf32> to vector<16xi32>
      %parallel_loop3A_1086 = arith.constant 16 : i32
      %parallel_loop3A_1087 = vector.broadcast %parallel_loop3A_1086 : i32 to vector<16xi32>
      %parallel_loop3A_1088 = arith.muli %parallel_loop3A_1085, %parallel_loop3A_1087 : vector<16xi32>
      %parallel_loop3A_1089 = arith.addi %parallel_loop3A_1088, %add3A_265 : vector<16xi32>
      %parallel_loop3A_1090 = vector.bitcast %parallel_loop3A_1089 : vector<16xi32> to vector<16xi32>
      tpu.vector_store_idx %arg6[%parallel_loop3A_1090], %broadcast_in_dim3A_260 {add = true} : memref<2048xi32, #tpu.memory_space<vmem>>[vector<16xi32>], vector<16xi32>,
    } {sc.loop_unroll_factor = 16 : i64, sc.parallel_access}
    %add3A_391 = arith.constant 491520 : i32
    %add3A_392 = arith.addi %mul3A_2, %add3A_391 : i32
    %dma_start3A_393 = tpu.memref_slice %arg2[%add3A_392] : memref<16777216xf32, #tpu.memory_space<hbm>> -> memref<32768xf32, #tpu.memory_space<hbm>>
    %dma_start3A_394 = tpu.memref_slice %arg2[%add3A_392] : memref<16777216xf32, #tpu.memory_space<hbm>> -> memref<32768xf32, #tpu.memory_space<hbm>>
    tpu.enqueue_dma source(%dma_start3A_394 : memref<32768xf32, #tpu.memory_space<hbm>>) target(%arg5 : memref<32768xf32, #tpu.memory_space<vmem>>) target_semaphore(%arg9 : memref<!tpu.dma_semaphore, #tpu.memory_space<semaphore_mem>>)
    %dma_wait3A_395 = tpu.memref_slice %arg2[%add3A_383] : memref<16777216xf32, #tpu.memory_space<hbm>> -> memref<32768xf32, #tpu.memory_space<hbm>>
    %dma_wait3A_396 = tpu.memref_slice %arg2[%add3A_383] : memref<16777216xf32, #tpu.memory_space<hbm>> -> memref<32768xf32, #tpu.memory_space<hbm>>
    tpu.wait_dma2 semaphore(%arg8 : memref<!tpu.dma_semaphore, #tpu.memory_space<semaphore_mem>>) src(%dma_wait3A_396 : memref<32768xf32, #tpu.memory_space<hbm>>) dst(%arg4 : memref<32768xf32, #tpu.memory_space<vmem>>)
    %parallel_loop3A_397 = arith.constant 0 : i32
    %parallel_loop3A_398 = arith.constant 2048 : i32
    %parallel_loop3A_399 = arith.constant 1 : i32
    scf.for %parallel_loop3A_1079 = %parallel_loop3A_397 to %parallel_loop3A_398 step %parallel_loop3A_399  : i32 {
      %parallel_loop3A_1080 = arith.constant 16 : i32
      %parallel_loop3A_1081 = arith.muli %parallel_loop3A_1079, %parallel_loop3A_1080 : i32
      %parallel_loop3A_1082 = arith.index_cast %parallel_loop3A_1081 : i32 to index
      %parallel_loop3A_1083 = tpu.vector_load %arg4[%parallel_loop3A_1082] {strides = array<i32>} : memref<32768xf32, #tpu.memory_space<vmem>>, vector<16xf32>,
      %parallel_loop3A_1084 = arith.addf %parallel_loop3A_1083, %broadcast_in_dim3A_262 : vector<16xf32>
      %parallel_loop3A_1085 = vector.bitcast %parallel_loop3A_1084 : vector<16xf32> to vector<16xi32>
      %parallel_loop3A_1086 = arith.constant 16 : i32
      %parallel_loop3A_1087 = vector.broadcast %parallel_loop3A_1086 : i32 to vector<16xi32>
      %parallel_loop3A_1088 = arith.muli %parallel_loop3A_1085, %parallel_loop3A_1087 : vector<16xi32>
      %parallel_loop3A_1089 = arith.addi %parallel_loop3A_1088, %add3A_265 : vector<16xi32>
      %parallel_loop3A_1090 = vector.bitcast %parallel_loop3A_1089 : vector<16xi32> to vector<16xi32>
      tpu.vector_store_idx %arg6[%parallel_loop3A_1090], %broadcast_in_dim3A_260 {add = true} : memref<2048xi32, #tpu.memory_space<vmem>>[vector<16xi32>], vector<16xi32>,
    } {sc.loop_unroll_factor = 16 : i64, sc.parallel_access}
    %dma_wait3A_400 = tpu.memref_slice %arg2[%add3A_392] : memref<16777216xf32, #tpu.memory_space<hbm>> -> memref<32768xf32, #tpu.memory_space<hbm>>
    %dma_wait3A_401 = tpu.memref_slice %arg2[%add3A_392] : memref<16777216xf32, #tpu.memory_space<hbm>> -> memref<32768xf32, #tpu.memory_space<hbm>>
    tpu.wait_dma2 semaphore(%arg9 : memref<!tpu.dma_semaphore, #tpu.memory_space<semaphore_mem>>) src(%dma_wait3A_401 : memref<32768xf32, #tpu.memory_space<hbm>>) dst(%arg5 : memref<32768xf32, #tpu.memory_space<vmem>>)
    %parallel_loop3A_402 = arith.constant 0 : i32
    %parallel_loop3A_403 = arith.constant 2048 : i32
    %parallel_loop3A_404 = arith.constant 1 : i32
    scf.for %parallel_loop3A_1079 = %parallel_loop3A_402 to %parallel_loop3A_403 step %parallel_loop3A_404  : i32 {
      %parallel_loop3A_1080 = arith.constant 16 : i32
      %parallel_loop3A_1081 = arith.muli %parallel_loop3A_1079, %parallel_loop3A_1080 : i32
      %parallel_loop3A_1082 = arith.index_cast %parallel_loop3A_1081 : i32 to index
      %parallel_loop3A_1083 = tpu.vector_load %arg5[%parallel_loop3A_1082] {strides = array<i32>} : memref<32768xf32, #tpu.memory_space<vmem>>, vector<16xf32>,
      %parallel_loop3A_1084 = arith.addf %parallel_loop3A_1083, %broadcast_in_dim3A_262 : vector<16xf32>
      %parallel_loop3A_1085 = vector.bitcast %parallel_loop3A_1084 : vector<16xf32> to vector<16xi32>
      %parallel_loop3A_1086 = arith.constant 16 : i32
      %parallel_loop3A_1087 = vector.broadcast %parallel_loop3A_1086 : i32 to vector<16xi32>
      %parallel_loop3A_1088 = arith.muli %parallel_loop3A_1085, %parallel_loop3A_1087 : vector<16xi32>
      %parallel_loop3A_1089 = arith.addi %parallel_loop3A_1088, %add3A_265 : vector<16xi32>
      %parallel_loop3A_1090 = vector.bitcast %parallel_loop3A_1089 : vector<16xi32> to vector<16xi32>
      tpu.vector_store_idx %arg6[%parallel_loop3A_1090], %broadcast_in_dim3A_260 {add = true} : memref<2048xi32, #tpu.memory_space<vmem>>[vector<16xi32>], vector<16xi32>,
    } {sc.loop_unroll_factor = 16 : i64, sc.parallel_access}
    %mul3A_405 = arith.constant 16 : i32
    %mul3A_406 = vector.broadcast %mul3A_405 : i32 to vector<16xi32>
    %mul3A_407 = arith.muli %iota3A, %mul3A_406 : vector<16xi32>
    %broadcast_in_dim3A_408 = arith.constant 0 : i32
    %broadcast_in_dim3A_409 = vector.broadcast %broadcast_in_dim3A_408 : i32 to vector<16xi32>
    %add3A_410 = arith.constant 0 : i32
    %add3A_411 = vector.broadcast %add3A_410 : i32 to vector<16xi32>
    %add3A_412 = arith.addi %mul3A_407, %add3A_411 : vector<16xi32>
    %gather3A = tpu.vector_load_idx %arg6[%add3A_412] : memref<2048xi32, #tpu.memory_space<vmem>>[vector<16xi32>], vector<16xi32>,
    %add3A_413 = arith.addi %broadcast_in_dim3A_409, %gather3A : vector<16xi32>
    %add3A_414 = arith.constant 1 : i32
    %add3A_415 = vector.broadcast %add3A_414 : i32 to vector<16xi32>
    %add3A_416 = arith.addi %mul3A_407, %add3A_415 : vector<16xi32>
    %gather3A_417 = tpu.vector_load_idx %arg6[%add3A_416] : memref<2048xi32, #tpu.memory_space<vmem>>[vector<16xi32>], vector<16xi32>,
    %add3A_418 = arith.addi %add3A_413, %gather3A_417 : vector<16xi32>
    %add3A_419 = arith.constant 2 : i32
    %add3A_420 = vector.broadcast %add3A_419 : i32 to vector<16xi32>
    %add3A_421 = arith.addi %mul3A_407, %add3A_420 : vector<16xi32>
    %gather3A_422 = tpu.vector_load_idx %arg6[%add3A_421] : memref<2048xi32, #tpu.memory_space<vmem>>[vector<16xi32>], vector<16xi32>,
    %add3A_423 = arith.addi %add3A_418, %gather3A_422 : vector<16xi32>
    %add3A_424 = arith.constant 3 : i32
    %add3A_425 = vector.broadcast %add3A_424 : i32 to vector<16xi32>
    %add3A_426 = arith.addi %mul3A_407, %add3A_425 : vector<16xi32>
    %gather3A_427 = tpu.vector_load_idx %arg6[%add3A_426] : memref<2048xi32, #tpu.memory_space<vmem>>[vector<16xi32>], vector<16xi32>,
    %add3A_428 = arith.addi %add3A_423, %gather3A_427 : vector<16xi32>
    %add3A_429 = arith.constant 4 : i32
    %add3A_430 = vector.broadcast %add3A_429 : i32 to vector<16xi32>
    %add3A_431 = arith.addi %mul3A_407, %add3A_430 : vector<16xi32>
    %gather3A_432 = tpu.vector_load_idx %arg6[%add3A_431] : memref<2048xi32, #tpu.memory_space<vmem>>[vector<16xi32>], vector<16xi32>,
    %add3A_433 = arith.addi %add3A_428, %gather3A_432 : vector<16xi32>
    %add3A_434 = arith.constant 5 : i32
    %add3A_435 = vector.broadcast %add3A_434 : i32 to vector<16xi32>
    %add3A_436 = arith.addi %mul3A_407, %add3A_435 : vector<16xi32>
    %gather3A_437 = tpu.vector_load_idx %arg6[%add3A_436] : memref<2048xi32, #tpu.memory_space<vmem>>[vector<16xi32>], vector<16xi32>,
    %add3A_438 = arith.addi %add3A_433, %gather3A_437 : vector<16xi32>
    %add3A_439 = arith.constant 6 : i32
    %add3A_440 = vector.broadcast %add3A_439 : i32 to vector<16xi32>
    %add3A_441 = arith.addi %mul3A_407, %add3A_440 : vector<16xi32>
    %gather3A_442 = tpu.vector_load_idx %arg6[%add3A_441] : memref<2048xi32, #tpu.memory_space<vmem>>[vector<16xi32>], vector<16xi32>,
    %add3A_443 = arith.addi %add3A_438, %gather3A_442 : vector<16xi32>
    %add3A_444 = arith.constant 7 : i32
    %add3A_445 = vector.broadcast %add3A_444 : i32 to vector<16xi32>
    %add3A_446 = arith.addi %mul3A_407, %add3A_445 : vector<16xi32>
    %gather3A_447 = tpu.vector_load_idx %arg6[%add3A_446] : memref<2048xi32, #tpu.memory_space<vmem>>[vector<16xi32>], vector<16xi32>,
    %add3A_448 = arith.addi %add3A_443, %gather3A_447 : vector<16xi32>
    %add3A_449 = arith.constant 8 : i32
    %add3A_450 = vector.broadcast %add3A_449 : i32 to vector<16xi32>
    %add3A_451 = arith.addi %mul3A_407, %add3A_450 : vector<16xi32>
    %gather3A_452 = tpu.vector_load_idx %arg6[%add3A_451] : memref<2048xi32, #tpu.memory_space<vmem>>[vector<16xi32>], vector<16xi32>,
    %add3A_453 = arith.addi %add3A_448, %gather3A_452 : vector<16xi32>
    %add3A_454 = arith.constant 9 : i32
    %add3A_455 = vector.broadcast %add3A_454 : i32 to vector<16xi32>
    %add3A_456 = arith.addi %mul3A_407, %add3A_455 : vector<16xi32>
    %gather3A_457 = tpu.vector_load_idx %arg6[%add3A_456] : memref<2048xi32, #tpu.memory_space<vmem>>[vector<16xi32>], vector<16xi32>,
    %add3A_458 = arith.addi %add3A_453, %gather3A_457 : vector<16xi32>
    %add3A_459 = arith.constant 10 : i32
    %add3A_460 = vector.broadcast %add3A_459 : i32 to vector<16xi32>
    %add3A_461 = arith.addi %mul3A_407, %add3A_460 : vector<16xi32>
    %gather3A_462 = tpu.vector_load_idx %arg6[%add3A_461] : memref<2048xi32, #tpu.memory_space<vmem>>[vector<16xi32>], vector<16xi32>,
    %add3A_463 = arith.addi %add3A_458, %gather3A_462 : vector<16xi32>
    %add3A_464 = arith.constant 11 : i32
    %add3A_465 = vector.broadcast %add3A_464 : i32 to vector<16xi32>
    %add3A_466 = arith.addi %mul3A_407, %add3A_465 : vector<16xi32>
    %gather3A_467 = tpu.vector_load_idx %arg6[%add3A_466] : memref<2048xi32, #tpu.memory_space<vmem>>[vector<16xi32>], vector<16xi32>,
    %add3A_468 = arith.addi %add3A_463, %gather3A_467 : vector<16xi32>
    %add3A_469 = arith.constant 12 : i32
    %add3A_470 = vector.broadcast %add3A_469 : i32 to vector<16xi32>
    %add3A_471 = arith.addi %mul3A_407, %add3A_470 : vector<16xi32>
    %gather3A_472 = tpu.vector_load_idx %arg6[%add3A_471] : memref<2048xi32, #tpu.memory_space<vmem>>[vector<16xi32>], vector<16xi32>,
    %add3A_473 = arith.addi %add3A_468, %gather3A_472 : vector<16xi32>
    %add3A_474 = arith.constant 13 : i32
    %add3A_475 = vector.broadcast %add3A_474 : i32 to vector<16xi32>
    %add3A_476 = arith.addi %mul3A_407, %add3A_475 : vector<16xi32>
    %gather3A_477 = tpu.vector_load_idx %arg6[%add3A_476] : memref<2048xi32, #tpu.memory_space<vmem>>[vector<16xi32>], vector<16xi32>,
    %add3A_478 = arith.addi %add3A_473, %gather3A_477 : vector<16xi32>
    %add3A_479 = arith.constant 14 : i32
    %add3A_480 = vector.broadcast %add3A_479 : i32 to vector<16xi32>
    %add3A_481 = arith.addi %mul3A_407, %add3A_480 : vector<16xi32>
    %gather3A_482 = tpu.vector_load_idx %arg6[%add3A_481] : memref<2048xi32, #tpu.memory_space<vmem>>[vector<16xi32>], vector<16xi32>,
    %add3A_483 = arith.addi %add3A_478, %gather3A_482 : vector<16xi32>
    %add3A_484 = arith.constant 15 : i32
    %add3A_485 = vector.broadcast %add3A_484 : i32 to vector<16xi32>
    %add3A_486 = arith.addi %mul3A_407, %add3A_485 : vector<16xi32>
    %gather3A_487 = tpu.vector_load_idx %arg6[%add3A_486] : memref<2048xi32, #tpu.memory_space<vmem>>[vector<16xi32>], vector<16xi32>,
    %add3A_488 = arith.addi %add3A_483, %gather3A_487 : vector<16xi32>
    %swap3A_489 = arith.constant 0 : index
    %swap3A_490 = tpu.vector_load %arg7[%swap3A_489] {strides = array<i32>} : memref<128xi32, #tpu.memory_space<vmem>>, vector<16xi32>,
    tpu.vector_store %arg7[%swap3A_489], %add3A_488 {strides = array<i32>} : memref<128xi32, #tpu.memory_space<vmem>>, vector<16xi32>,
    %broadcast_in_dim3A_491 = arith.constant 0 : i32
    %broadcast_in_dim3A_492 = vector.broadcast %broadcast_in_dim3A_491 : i32 to vector<16xi32>
    %add3A_493 = arith.constant 256 : i32
    %add3A_494 = vector.broadcast %add3A_493 : i32 to vector<16xi32>
    %add3A_495 = arith.addi %mul3A_407, %add3A_494 : vector<16xi32>
    %gather3A_496 = tpu.vector_load_idx %arg6[%add3A_495] : memref<2048xi32, #tpu.memory_space<vmem>>[vector<16xi32>], vector<16xi32>,
    %add3A_497 = arith.addi %broadcast_in_dim3A_492, %gather3A_496 : vector<16xi32>
    %add3A_498 = arith.constant 257 : i32
    %add3A_499 = vector.broadcast %add3A_498 : i32 to vector<16xi32>
    %add3A_500 = arith.addi %mul3A_407, %add3A_499 : vector<16xi32>
    %gather3A_501 = tpu.vector_load_idx %arg6[%add3A_500] : memref<2048xi32, #tpu.memory_space<vmem>>[vector<16xi32>], vector<16xi32>,
    %add3A_502 = arith.addi %add3A_497, %gather3A_501 : vector<16xi32>
    %add3A_503 = arith.constant 258 : i32
    %add3A_504 = vector.broadcast %add3A_503 : i32 to vector<16xi32>
    %add3A_505 = arith.addi %mul3A_407, %add3A_504 : vector<16xi32>
    %gather3A_506 = tpu.vector_load_idx %arg6[%add3A_505] : memref<2048xi32, #tpu.memory_space<vmem>>[vector<16xi32>], vector<16xi32>,
    %add3A_507 = arith.addi %add3A_502, %gather3A_506 : vector<16xi32>
    %add3A_508 = arith.constant 259 : i32
    %add3A_509 = vector.broadcast %add3A_508 : i32 to vector<16xi32>
    %add3A_510 = arith.addi %mul3A_407, %add3A_509 : vector<16xi32>
    %gather3A_511 = tpu.vector_load_idx %arg6[%add3A_510] : memref<2048xi32, #tpu.memory_space<vmem>>[vector<16xi32>], vector<16xi32>,
    %add3A_512 = arith.addi %add3A_507, %gather3A_511 : vector<16xi32>
    %add3A_513 = arith.constant 260 : i32
    %add3A_514 = vector.broadcast %add3A_513 : i32 to vector<16xi32>
    %add3A_515 = arith.addi %mul3A_407, %add3A_514 : vector<16xi32>
    %gather3A_516 = tpu.vector_load_idx %arg6[%add3A_515] : memref<2048xi32, #tpu.memory_space<vmem>>[vector<16xi32>], vector<16xi32>,
    %add3A_517 = arith.addi %add3A_512, %gather3A_516 : vector<16xi32>
    %add3A_518 = arith.constant 261 : i32
    %add3A_519 = vector.broadcast %add3A_518 : i32 to vector<16xi32>
    %add3A_520 = arith.addi %mul3A_407, %add3A_519 : vector<16xi32>
    %gather3A_521 = tpu.vector_load_idx %arg6[%add3A_520] : memref<2048xi32, #tpu.memory_space<vmem>>[vector<16xi32>], vector<16xi32>,
    %add3A_522 = arith.addi %add3A_517, %gather3A_521 : vector<16xi32>
    %add3A_523 = arith.constant 262 : i32
    %add3A_524 = vector.broadcast %add3A_523 : i32 to vector<16xi32>
    %add3A_525 = arith.addi %mul3A_407, %add3A_524 : vector<16xi32>
    %gather3A_526 = tpu.vector_load_idx %arg6[%add3A_525] : memref<2048xi32, #tpu.memory_space<vmem>>[vector<16xi32>], vector<16xi32>,
    %add3A_527 = arith.addi %add3A_522, %gather3A_526 : vector<16xi32>
    %add3A_528 = arith.constant 263 : i32
    %add3A_529 = vector.broadcast %add3A_528 : i32 to vector<16xi32>
    %add3A_530 = arith.addi %mul3A_407, %add3A_529 : vector<16xi32>
    %gather3A_531 = tpu.vector_load_idx %arg6[%add3A_530] : memref<2048xi32, #tpu.memory_space<vmem>>[vector<16xi32>], vector<16xi32>,
    %add3A_532 = arith.addi %add3A_527, %gather3A_531 : vector<16xi32>
    %add3A_533 = arith.constant 264 : i32
    %add3A_534 = vector.broadcast %add3A_533 : i32 to vector<16xi32>
    %add3A_535 = arith.addi %mul3A_407, %add3A_534 : vector<16xi32>
    %gather3A_536 = tpu.vector_load_idx %arg6[%add3A_535] : memref<2048xi32, #tpu.memory_space<vmem>>[vector<16xi32>], vector<16xi32>,
    %add3A_537 = arith.addi %add3A_532, %gather3A_536 : vector<16xi32>
    %add3A_538 = arith.constant 265 : i32
    %add3A_539 = vector.broadcast %add3A_538 : i32 to vector<16xi32>
    %add3A_540 = arith.addi %mul3A_407, %add3A_539 : vector<16xi32>
    %gather3A_541 = tpu.vector_load_idx %arg6[%add3A_540] : memref<2048xi32, #tpu.memory_space<vmem>>[vector<16xi32>], vector<16xi32>,
    %add3A_542 = arith.addi %add3A_537, %gather3A_541 : vector<16xi32>
    %add3A_543 = arith.constant 266 : i32
    %add3A_544 = vector.broadcast %add3A_543 : i32 to vector<16xi32>
    %add3A_545 = arith.addi %mul3A_407, %add3A_544 : vector<16xi32>
    %gather3A_546 = tpu.vector_load_idx %arg6[%add3A_545] : memref<2048xi32, #tpu.memory_space<vmem>>[vector<16xi32>], vector<16xi32>,
    %add3A_547 = arith.addi %add3A_542, %gather3A_546 : vector<16xi32>
    %add3A_548 = arith.constant 267 : i32
    %add3A_549 = vector.broadcast %add3A_548 : i32 to vector<16xi32>
    %add3A_550 = arith.addi %mul3A_407, %add3A_549 : vector<16xi32>
    %gather3A_551 = tpu.vector_load_idx %arg6[%add3A_550] : memref<2048xi32, #tpu.memory_space<vmem>>[vector<16xi32>], vector<16xi32>,
    %add3A_552 = arith.addi %add3A_547, %gather3A_551 : vector<16xi32>
    %add3A_553 = arith.constant 268 : i32
    %add3A_554 = vector.broadcast %add3A_553 : i32 to vector<16xi32>
    %add3A_555 = arith.addi %mul3A_407, %add3A_554 : vector<16xi32>
    %gather3A_556 = tpu.vector_load_idx %arg6[%add3A_555] : memref<2048xi32, #tpu.memory_space<vmem>>[vector<16xi32>], vector<16xi32>,
    %add3A_557 = arith.addi %add3A_552, %gather3A_556 : vector<16xi32>
    %add3A_558 = arith.constant 269 : i32
    %add3A_559 = vector.broadcast %add3A_558 : i32 to vector<16xi32>
    %add3A_560 = arith.addi %mul3A_407, %add3A_559 : vector<16xi32>
    %gather3A_561 = tpu.vector_load_idx %arg6[%add3A_560] : memref<2048xi32, #tpu.memory_space<vmem>>[vector<16xi32>], vector<16xi32>,
    %add3A_562 = arith.addi %add3A_557, %gather3A_561 : vector<16xi32>
    %add3A_563 = arith.constant 270 : i32
    %add3A_564 = vector.broadcast %add3A_563 : i32 to vector<16xi32>
    %add3A_565 = arith.addi %mul3A_407, %add3A_564 : vector<16xi32>
    %gather3A_566 = tpu.vector_load_idx %arg6[%add3A_565] : memref<2048xi32, #tpu.memory_space<vmem>>[vector<16xi32>], vector<16xi32>,
    %add3A_567 = arith.addi %add3A_562, %gather3A_566 : vector<16xi32>
    %add3A_568 = arith.constant 271 : i32
    %add3A_569 = vector.broadcast %add3A_568 : i32 to vector<16xi32>
    %add3A_570 = arith.addi %mul3A_407, %add3A_569 : vector<16xi32>
    %gather3A_571 = tpu.vector_load_idx %arg6[%add3A_570] : memref<2048xi32, #tpu.memory_space<vmem>>[vector<16xi32>], vector<16xi32>,
    %add3A_572 = arith.addi %add3A_567, %gather3A_571 : vector<16xi32>
    %swap3A_573 = arith.constant 16 : index
    %swap3A_574 = tpu.vector_load %arg7[%swap3A_573] {strides = array<i32>} : memref<128xi32, #tpu.memory_space<vmem>>, vector<16xi32>,
    tpu.vector_store %arg7[%swap3A_573], %add3A_572 {strides = array<i32>} : memref<128xi32, #tpu.memory_space<vmem>>, vector<16xi32>,
    %broadcast_in_dim3A_575 = arith.constant 0 : i32
    %broadcast_in_dim3A_576 = vector.broadcast %broadcast_in_dim3A_575 : i32 to vector<16xi32>
    %add3A_577 = arith.constant 512 : i32
    %add3A_578 = vector.broadcast %add3A_577 : i32 to vector<16xi32>
    %add3A_579 = arith.addi %mul3A_407, %add3A_578 : vector<16xi32>
    %gather3A_580 = tpu.vector_load_idx %arg6[%add3A_579] : memref<2048xi32, #tpu.memory_space<vmem>>[vector<16xi32>], vector<16xi32>,
    %add3A_581 = arith.addi %broadcast_in_dim3A_576, %gather3A_580 : vector<16xi32>
    %add3A_582 = arith.constant 513 : i32
    %add3A_583 = vector.broadcast %add3A_582 : i32 to vector<16xi32>
    %add3A_584 = arith.addi %mul3A_407, %add3A_583 : vector<16xi32>
    %gather3A_585 = tpu.vector_load_idx %arg6[%add3A_584] : memref<2048xi32, #tpu.memory_space<vmem>>[vector<16xi32>], vector<16xi32>,
    %add3A_586 = arith.addi %add3A_581, %gather3A_585 : vector<16xi32>
    %add3A_587 = arith.constant 514 : i32
    %add3A_588 = vector.broadcast %add3A_587 : i32 to vector<16xi32>
    %add3A_589 = arith.addi %mul3A_407, %add3A_588 : vector<16xi32>
    %gather3A_590 = tpu.vector_load_idx %arg6[%add3A_589] : memref<2048xi32, #tpu.memory_space<vmem>>[vector<16xi32>], vector<16xi32>,
    %add3A_591 = arith.addi %add3A_586, %gather3A_590 : vector<16xi32>
    %add3A_592 = arith.constant 515 : i32
    %add3A_593 = vector.broadcast %add3A_592 : i32 to vector<16xi32>
    %add3A_594 = arith.addi %mul3A_407, %add3A_593 : vector<16xi32>
    %gather3A_595 = tpu.vector_load_idx %arg6[%add3A_594] : memref<2048xi32, #tpu.memory_space<vmem>>[vector<16xi32>], vector<16xi32>,
    %add3A_596 = arith.addi %add3A_591, %gather3A_595 : vector<16xi32>
    %add3A_597 = arith.constant 516 : i32
    %add3A_598 = vector.broadcast %add3A_597 : i32 to vector<16xi32>
    %add3A_599 = arith.addi %mul3A_407, %add3A_598 : vector<16xi32>
    %gather3A_600 = tpu.vector_load_idx %arg6[%add3A_599] : memref<2048xi32, #tpu.memory_space<vmem>>[vector<16xi32>], vector<16xi32>,
    %add3A_601 = arith.addi %add3A_596, %gather3A_600 : vector<16xi32>
    %add3A_602 = arith.constant 517 : i32
    %add3A_603 = vector.broadcast %add3A_602 : i32 to vector<16xi32>
    %add3A_604 = arith.addi %mul3A_407, %add3A_603 : vector<16xi32>
    %gather3A_605 = tpu.vector_load_idx %arg6[%add3A_604] : memref<2048xi32, #tpu.memory_space<vmem>>[vector<16xi32>], vector<16xi32>,
    %add3A_606 = arith.addi %add3A_601, %gather3A_605 : vector<16xi32>
    %add3A_607 = arith.constant 518 : i32
    %add3A_608 = vector.broadcast %add3A_607 : i32 to vector<16xi32>
    %add3A_609 = arith.addi %mul3A_407, %add3A_608 : vector<16xi32>
    %gather3A_610 = tpu.vector_load_idx %arg6[%add3A_609] : memref<2048xi32, #tpu.memory_space<vmem>>[vector<16xi32>], vector<16xi32>,
    %add3A_611 = arith.addi %add3A_606, %gather3A_610 : vector<16xi32>
    %add3A_612 = arith.constant 519 : i32
    %add3A_613 = vector.broadcast %add3A_612 : i32 to vector<16xi32>
    %add3A_614 = arith.addi %mul3A_407, %add3A_613 : vector<16xi32>
    %gather3A_615 = tpu.vector_load_idx %arg6[%add3A_614] : memref<2048xi32, #tpu.memory_space<vmem>>[vector<16xi32>], vector<16xi32>,
    %add3A_616 = arith.addi %add3A_611, %gather3A_615 : vector<16xi32>
    %add3A_617 = arith.constant 520 : i32
    %add3A_618 = vector.broadcast %add3A_617 : i32 to vector<16xi32>
    %add3A_619 = arith.addi %mul3A_407, %add3A_618 : vector<16xi32>
    %gather3A_620 = tpu.vector_load_idx %arg6[%add3A_619] : memref<2048xi32, #tpu.memory_space<vmem>>[vector<16xi32>], vector<16xi32>,
    %add3A_621 = arith.addi %add3A_616, %gather3A_620 : vector<16xi32>
    %add3A_622 = arith.constant 521 : i32
    %add3A_623 = vector.broadcast %add3A_622 : i32 to vector<16xi32>
    %add3A_624 = arith.addi %mul3A_407, %add3A_623 : vector<16xi32>
    %gather3A_625 = tpu.vector_load_idx %arg6[%add3A_624] : memref<2048xi32, #tpu.memory_space<vmem>>[vector<16xi32>], vector<16xi32>,
    %add3A_626 = arith.addi %add3A_621, %gather3A_625 : vector<16xi32>
    %add3A_627 = arith.constant 522 : i32
    %add3A_628 = vector.broadcast %add3A_627 : i32 to vector<16xi32>
    %add3A_629 = arith.addi %mul3A_407, %add3A_628 : vector<16xi32>
    %gather3A_630 = tpu.vector_load_idx %arg6[%add3A_629] : memref<2048xi32, #tpu.memory_space<vmem>>[vector<16xi32>], vector<16xi32>,
    %add3A_631 = arith.addi %add3A_626, %gather3A_630 : vector<16xi32>
    %add3A_632 = arith.constant 523 : i32
    %add3A_633 = vector.broadcast %add3A_632 : i32 to vector<16xi32>
    %add3A_634 = arith.addi %mul3A_407, %add3A_633 : vector<16xi32>
    %gather3A_635 = tpu.vector_load_idx %arg6[%add3A_634] : memref<2048xi32, #tpu.memory_space<vmem>>[vector<16xi32>], vector<16xi32>,
    %add3A_636 = arith.addi %add3A_631, %gather3A_635 : vector<16xi32>
    %add3A_637 = arith.constant 524 : i32
    %add3A_638 = vector.broadcast %add3A_637 : i32 to vector<16xi32>
    %add3A_639 = arith.addi %mul3A_407, %add3A_638 : vector<16xi32>
    %gather3A_640 = tpu.vector_load_idx %arg6[%add3A_639] : memref<2048xi32, #tpu.memory_space<vmem>>[vector<16xi32>], vector<16xi32>,
    %add3A_641 = arith.addi %add3A_636, %gather3A_640 : vector<16xi32>
    %add3A_642 = arith.constant 525 : i32
    %add3A_643 = vector.broadcast %add3A_642 : i32 to vector<16xi32>
    %add3A_644 = arith.addi %mul3A_407, %add3A_643 : vector<16xi32>
    %gather3A_645 = tpu.vector_load_idx %arg6[%add3A_644] : memref<2048xi32, #tpu.memory_space<vmem>>[vector<16xi32>], vector<16xi32>,
    %add3A_646 = arith.addi %add3A_641, %gather3A_645 : vector<16xi32>
    %add3A_647 = arith.constant 526 : i32
    %add3A_648 = vector.broadcast %add3A_647 : i32 to vector<16xi32>
    %add3A_649 = arith.addi %mul3A_407, %add3A_648 : vector<16xi32>
    %gather3A_650 = tpu.vector_load_idx %arg6[%add3A_649] : memref<2048xi32, #tpu.memory_space<vmem>>[vector<16xi32>], vector<16xi32>,
    %add3A_651 = arith.addi %add3A_646, %gather3A_650 : vector<16xi32>
    %add3A_652 = arith.constant 527 : i32
    %add3A_653 = vector.broadcast %add3A_652 : i32 to vector<16xi32>
    %add3A_654 = arith.addi %mul3A_407, %add3A_653 : vector<16xi32>
    %gather3A_655 = tpu.vector_load_idx %arg6[%add3A_654] : memref<2048xi32, #tpu.memory_space<vmem>>[vector<16xi32>], vector<16xi32>,
    %add3A_656 = arith.addi %add3A_651, %gather3A_655 : vector<16xi32>
    %swap3A_657 = arith.constant 32 : index
    %swap3A_658 = tpu.vector_load %arg7[%swap3A_657] {strides = array<i32>} : memref<128xi32, #tpu.memory_space<vmem>>, vector<16xi32>,
    tpu.vector_store %arg7[%swap3A_657], %add3A_656 {strides = array<i32>} : memref<128xi32, #tpu.memory_space<vmem>>, vector<16xi32>,
    %broadcast_in_dim3A_659 = arith.constant 0 : i32
    %broadcast_in_dim3A_660 = vector.broadcast %broadcast_in_dim3A_659 : i32 to vector<16xi32>
    %add3A_661 = arith.constant 768 : i32
    %add3A_662 = vector.broadcast %add3A_661 : i32 to vector<16xi32>
    %add3A_663 = arith.addi %mul3A_407, %add3A_662 : vector<16xi32>
    %gather3A_664 = tpu.vector_load_idx %arg6[%add3A_663] : memref<2048xi32, #tpu.memory_space<vmem>>[vector<16xi32>], vector<16xi32>,
    %add3A_665 = arith.addi %broadcast_in_dim3A_660, %gather3A_664 : vector<16xi32>
    %add3A_666 = arith.constant 769 : i32
    %add3A_667 = vector.broadcast %add3A_666 : i32 to vector<16xi32>
    %add3A_668 = arith.addi %mul3A_407, %add3A_667 : vector<16xi32>
    %gather3A_669 = tpu.vector_load_idx %arg6[%add3A_668] : memref<2048xi32, #tpu.memory_space<vmem>>[vector<16xi32>], vector<16xi32>,
    %add3A_670 = arith.addi %add3A_665, %gather3A_669 : vector<16xi32>
    %add3A_671 = arith.constant 770 : i32
    %add3A_672 = vector.broadcast %add3A_671 : i32 to vector<16xi32>
    %add3A_673 = arith.addi %mul3A_407, %add3A_672 : vector<16xi32>
    %gather3A_674 = tpu.vector_load_idx %arg6[%add3A_673] : memref<2048xi32, #tpu.memory_space<vmem>>[vector<16xi32>], vector<16xi32>,
    %add3A_675 = arith.addi %add3A_670, %gather3A_674 : vector<16xi32>
    %add3A_676 = arith.constant 771 : i32
    %add3A_677 = vector.broadcast %add3A_676 : i32 to vector<16xi32>
    %add3A_678 = arith.addi %mul3A_407, %add3A_677 : vector<16xi32>
    %gather3A_679 = tpu.vector_load_idx %arg6[%add3A_678] : memref<2048xi32, #tpu.memory_space<vmem>>[vector<16xi32>], vector<16xi32>,
    %add3A_680 = arith.addi %add3A_675, %gather3A_679 : vector<16xi32>
    %add3A_681 = arith.constant 772 : i32
    %add3A_682 = vector.broadcast %add3A_681 : i32 to vector<16xi32>
    %add3A_683 = arith.addi %mul3A_407, %add3A_682 : vector<16xi32>
    %gather3A_684 = tpu.vector_load_idx %arg6[%add3A_683] : memref<2048xi32, #tpu.memory_space<vmem>>[vector<16xi32>], vector<16xi32>,
    %add3A_685 = arith.addi %add3A_680, %gather3A_684 : vector<16xi32>
    %add3A_686 = arith.constant 773 : i32
    %add3A_687 = vector.broadcast %add3A_686 : i32 to vector<16xi32>
    %add3A_688 = arith.addi %mul3A_407, %add3A_687 : vector<16xi32>
    %gather3A_689 = tpu.vector_load_idx %arg6[%add3A_688] : memref<2048xi32, #tpu.memory_space<vmem>>[vector<16xi32>], vector<16xi32>,
    %add3A_690 = arith.addi %add3A_685, %gather3A_689 : vector<16xi32>
    %add3A_691 = arith.constant 774 : i32
    %add3A_692 = vector.broadcast %add3A_691 : i32 to vector<16xi32>
    %add3A_693 = arith.addi %mul3A_407, %add3A_692 : vector<16xi32>
    %gather3A_694 = tpu.vector_load_idx %arg6[%add3A_693] : memref<2048xi32, #tpu.memory_space<vmem>>[vector<16xi32>], vector<16xi32>,
    %add3A_695 = arith.addi %add3A_690, %gather3A_694 : vector<16xi32>
    %add3A_696 = arith.constant 775 : i32
    %add3A_697 = vector.broadcast %add3A_696 : i32 to vector<16xi32>
    %add3A_698 = arith.addi %mul3A_407, %add3A_697 : vector<16xi32>
    %gather3A_699 = tpu.vector_load_idx %arg6[%add3A_698] : memref<2048xi32, #tpu.memory_space<vmem>>[vector<16xi32>], vector<16xi32>,
    %add3A_700 = arith.addi %add3A_695, %gather3A_699 : vector<16xi32>
    %add3A_701 = arith.constant 776 : i32
    %add3A_702 = vector.broadcast %add3A_701 : i32 to vector<16xi32>
    %add3A_703 = arith.addi %mul3A_407, %add3A_702 : vector<16xi32>
    %gather3A_704 = tpu.vector_load_idx %arg6[%add3A_703] : memref<2048xi32, #tpu.memory_space<vmem>>[vector<16xi32>], vector<16xi32>,
    %add3A_705 = arith.addi %add3A_700, %gather3A_704 : vector<16xi32>
    %add3A_706 = arith.constant 777 : i32
    %add3A_707 = vector.broadcast %add3A_706 : i32 to vector<16xi32>
    %add3A_708 = arith.addi %mul3A_407, %add3A_707 : vector<16xi32>
    %gather3A_709 = tpu.vector_load_idx %arg6[%add3A_708] : memref<2048xi32, #tpu.memory_space<vmem>>[vector<16xi32>], vector<16xi32>,
    %add3A_710 = arith.addi %add3A_705, %gather3A_709 : vector<16xi32>
    %add3A_711 = arith.constant 778 : i32
    %add3A_712 = vector.broadcast %add3A_711 : i32 to vector<16xi32>
    %add3A_713 = arith.addi %mul3A_407, %add3A_712 : vector<16xi32>
    %gather3A_714 = tpu.vector_load_idx %arg6[%add3A_713] : memref<2048xi32, #tpu.memory_space<vmem>>[vector<16xi32>], vector<16xi32>,
    %add3A_715 = arith.addi %add3A_710, %gather3A_714 : vector<16xi32>
    %add3A_716 = arith.constant 779 : i32
    %add3A_717 = vector.broadcast %add3A_716 : i32 to vector<16xi32>
    %add3A_718 = arith.addi %mul3A_407, %add3A_717 : vector<16xi32>
    %gather3A_719 = tpu.vector_load_idx %arg6[%add3A_718] : memref<2048xi32, #tpu.memory_space<vmem>>[vector<16xi32>], vector<16xi32>,
    %add3A_720 = arith.addi %add3A_715, %gather3A_719 : vector<16xi32>
    %add3A_721 = arith.constant 780 : i32
    %add3A_722 = vector.broadcast %add3A_721 : i32 to vector<16xi32>
    %add3A_723 = arith.addi %mul3A_407, %add3A_722 : vector<16xi32>
    %gather3A_724 = tpu.vector_load_idx %arg6[%add3A_723] : memref<2048xi32, #tpu.memory_space<vmem>>[vector<16xi32>], vector<16xi32>,
    %add3A_725 = arith.addi %add3A_720, %gather3A_724 : vector<16xi32>
    %add3A_726 = arith.constant 781 : i32
    %add3A_727 = vector.broadcast %add3A_726 : i32 to vector<16xi32>
    %add3A_728 = arith.addi %mul3A_407, %add3A_727 : vector<16xi32>
    %gather3A_729 = tpu.vector_load_idx %arg6[%add3A_728] : memref<2048xi32, #tpu.memory_space<vmem>>[vector<16xi32>], vector<16xi32>,
    %add3A_730 = arith.addi %add3A_725, %gather3A_729 : vector<16xi32>
    %add3A_731 = arith.constant 782 : i32
    %add3A_732 = vector.broadcast %add3A_731 : i32 to vector<16xi32>
    %add3A_733 = arith.addi %mul3A_407, %add3A_732 : vector<16xi32>
    %gather3A_734 = tpu.vector_load_idx %arg6[%add3A_733] : memref<2048xi32, #tpu.memory_space<vmem>>[vector<16xi32>], vector<16xi32>,
    %add3A_735 = arith.addi %add3A_730, %gather3A_734 : vector<16xi32>
    %add3A_736 = arith.constant 783 : i32
    %add3A_737 = vector.broadcast %add3A_736 : i32 to vector<16xi32>
    %add3A_738 = arith.addi %mul3A_407, %add3A_737 : vector<16xi32>
    %gather3A_739 = tpu.vector_load_idx %arg6[%add3A_738] : memref<2048xi32, #tpu.memory_space<vmem>>[vector<16xi32>], vector<16xi32>,
    %add3A_740 = arith.addi %add3A_735, %gather3A_739 : vector<16xi32>
    %swap3A_741 = arith.constant 48 : index
    %swap3A_742 = tpu.vector_load %arg7[%swap3A_741] {strides = array<i32>} : memref<128xi32, #tpu.memory_space<vmem>>, vector<16xi32>,
    tpu.vector_store %arg7[%swap3A_741], %add3A_740 {strides = array<i32>} : memref<128xi32, #tpu.memory_space<vmem>>, vector<16xi32>,
    %broadcast_in_dim3A_743 = arith.constant 0 : i32
    %broadcast_in_dim3A_744 = vector.broadcast %broadcast_in_dim3A_743 : i32 to vector<16xi32>
    %add3A_745 = arith.constant 1024 : i32
    %add3A_746 = vector.broadcast %add3A_745 : i32 to vector<16xi32>
    %add3A_747 = arith.addi %mul3A_407, %add3A_746 : vector<16xi32>
    %gather3A_748 = tpu.vector_load_idx %arg6[%add3A_747] : memref<2048xi32, #tpu.memory_space<vmem>>[vector<16xi32>], vector<16xi32>,
    %add3A_749 = arith.addi %broadcast_in_dim3A_744, %gather3A_748 : vector<16xi32>
    %add3A_750 = arith.constant 1025 : i32
    %add3A_751 = vector.broadcast %add3A_750 : i32 to vector<16xi32>
    %add3A_752 = arith.addi %mul3A_407, %add3A_751 : vector<16xi32>
    %gather3A_753 = tpu.vector_load_idx %arg6[%add3A_752] : memref<2048xi32, #tpu.memory_space<vmem>>[vector<16xi32>], vector<16xi32>,
    %add3A_754 = arith.addi %add3A_749, %gather3A_753 : vector<16xi32>
    %add3A_755 = arith.constant 1026 : i32
    %add3A_756 = vector.broadcast %add3A_755 : i32 to vector<16xi32>
    %add3A_757 = arith.addi %mul3A_407, %add3A_756 : vector<16xi32>
    %gather3A_758 = tpu.vector_load_idx %arg6[%add3A_757] : memref<2048xi32, #tpu.memory_space<vmem>>[vector<16xi32>], vector<16xi32>,
    %add3A_759 = arith.addi %add3A_754, %gather3A_758 : vector<16xi32>
    %add3A_760 = arith.constant 1027 : i32
    %add3A_761 = vector.broadcast %add3A_760 : i32 to vector<16xi32>
    %add3A_762 = arith.addi %mul3A_407, %add3A_761 : vector<16xi32>
    %gather3A_763 = tpu.vector_load_idx %arg6[%add3A_762] : memref<2048xi32, #tpu.memory_space<vmem>>[vector<16xi32>], vector<16xi32>,
    %add3A_764 = arith.addi %add3A_759, %gather3A_763 : vector<16xi32>
    %add3A_765 = arith.constant 1028 : i32
    %add3A_766 = vector.broadcast %add3A_765 : i32 to vector<16xi32>
    %add3A_767 = arith.addi %mul3A_407, %add3A_766 : vector<16xi32>
    %gather3A_768 = tpu.vector_load_idx %arg6[%add3A_767] : memref<2048xi32, #tpu.memory_space<vmem>>[vector<16xi32>], vector<16xi32>,
    %add3A_769 = arith.addi %add3A_764, %gather3A_768 : vector<16xi32>
    %add3A_770 = arith.constant 1029 : i32
    %add3A_771 = vector.broadcast %add3A_770 : i32 to vector<16xi32>
    %add3A_772 = arith.addi %mul3A_407, %add3A_771 : vector<16xi32>
    %gather3A_773 = tpu.vector_load_idx %arg6[%add3A_772] : memref<2048xi32, #tpu.memory_space<vmem>>[vector<16xi32>], vector<16xi32>,
    %add3A_774 = arith.addi %add3A_769, %gather3A_773 : vector<16xi32>
    %add3A_775 = arith.constant 1030 : i32
    %add3A_776 = vector.broadcast %add3A_775 : i32 to vector<16xi32>
    %add3A_777 = arith.addi %mul3A_407, %add3A_776 : vector<16xi32>
    %gather3A_778 = tpu.vector_load_idx %arg6[%add3A_777] : memref<2048xi32, #tpu.memory_space<vmem>>[vector<16xi32>], vector<16xi32>,
    %add3A_779 = arith.addi %add3A_774, %gather3A_778 : vector<16xi32>
    %add3A_780 = arith.constant 1031 : i32
    %add3A_781 = vector.broadcast %add3A_780 : i32 to vector<16xi32>
    %add3A_782 = arith.addi %mul3A_407, %add3A_781 : vector<16xi32>
    %gather3A_783 = tpu.vector_load_idx %arg6[%add3A_782] : memref<2048xi32, #tpu.memory_space<vmem>>[vector<16xi32>], vector<16xi32>,
    %add3A_784 = arith.addi %add3A_779, %gather3A_783 : vector<16xi32>
    %add3A_785 = arith.constant 1032 : i32
    %add3A_786 = vector.broadcast %add3A_785 : i32 to vector<16xi32>
    %add3A_787 = arith.addi %mul3A_407, %add3A_786 : vector<16xi32>
    %gather3A_788 = tpu.vector_load_idx %arg6[%add3A_787] : memref<2048xi32, #tpu.memory_space<vmem>>[vector<16xi32>], vector<16xi32>,
    %add3A_789 = arith.addi %add3A_784, %gather3A_788 : vector<16xi32>
    %add3A_790 = arith.constant 1033 : i32
    %add3A_791 = vector.broadcast %add3A_790 : i32 to vector<16xi32>
    %add3A_792 = arith.addi %mul3A_407, %add3A_791 : vector<16xi32>
    %gather3A_793 = tpu.vector_load_idx %arg6[%add3A_792] : memref<2048xi32, #tpu.memory_space<vmem>>[vector<16xi32>], vector<16xi32>,
    %add3A_794 = arith.addi %add3A_789, %gather3A_793 : vector<16xi32>
    %add3A_795 = arith.constant 1034 : i32
    %add3A_796 = vector.broadcast %add3A_795 : i32 to vector<16xi32>
    %add3A_797 = arith.addi %mul3A_407, %add3A_796 : vector<16xi32>
    %gather3A_798 = tpu.vector_load_idx %arg6[%add3A_797] : memref<2048xi32, #tpu.memory_space<vmem>>[vector<16xi32>], vector<16xi32>,
    %add3A_799 = arith.addi %add3A_794, %gather3A_798 : vector<16xi32>
    %add3A_800 = arith.constant 1035 : i32
    %add3A_801 = vector.broadcast %add3A_800 : i32 to vector<16xi32>
    %add3A_802 = arith.addi %mul3A_407, %add3A_801 : vector<16xi32>
    %gather3A_803 = tpu.vector_load_idx %arg6[%add3A_802] : memref<2048xi32, #tpu.memory_space<vmem>>[vector<16xi32>], vector<16xi32>,
    %add3A_804 = arith.addi %add3A_799, %gather3A_803 : vector<16xi32>
    %add3A_805 = arith.constant 1036 : i32
    %add3A_806 = vector.broadcast %add3A_805 : i32 to vector<16xi32>
    %add3A_807 = arith.addi %mul3A_407, %add3A_806 : vector<16xi32>
    %gather3A_808 = tpu.vector_load_idx %arg6[%add3A_807] : memref<2048xi32, #tpu.memory_space<vmem>>[vector<16xi32>], vector<16xi32>,
    %add3A_809 = arith.addi %add3A_804, %gather3A_808 : vector<16xi32>
    %add3A_810 = arith.constant 1037 : i32
    %add3A_811 = vector.broadcast %add3A_810 : i32 to vector<16xi32>
    %add3A_812 = arith.addi %mul3A_407, %add3A_811 : vector<16xi32>
    %gather3A_813 = tpu.vector_load_idx %arg6[%add3A_812] : memref<2048xi32, #tpu.memory_space<vmem>>[vector<16xi32>], vector<16xi32>,
    %add3A_814 = arith.addi %add3A_809, %gather3A_813 : vector<16xi32>
    %add3A_815 = arith.constant 1038 : i32
    %add3A_816 = vector.broadcast %add3A_815 : i32 to vector<16xi32>
    %add3A_817 = arith.addi %mul3A_407, %add3A_816 : vector<16xi32>
    %gather3A_818 = tpu.vector_load_idx %arg6[%add3A_817] : memref<2048xi32, #tpu.memory_space<vmem>>[vector<16xi32>], vector<16xi32>,
    %add3A_819 = arith.addi %add3A_814, %gather3A_818 : vector<16xi32>
    %add3A_820 = arith.constant 1039 : i32
    %add3A_821 = vector.broadcast %add3A_820 : i32 to vector<16xi32>
    %add3A_822 = arith.addi %mul3A_407, %add3A_821 : vector<16xi32>
    %gather3A_823 = tpu.vector_load_idx %arg6[%add3A_822] : memref<2048xi32, #tpu.memory_space<vmem>>[vector<16xi32>], vector<16xi32>,
    %add3A_824 = arith.addi %add3A_819, %gather3A_823 : vector<16xi32>
    %swap3A_825 = arith.constant 64 : index
    %swap3A_826 = tpu.vector_load %arg7[%swap3A_825] {strides = array<i32>} : memref<128xi32, #tpu.memory_space<vmem>>, vector<16xi32>,
    tpu.vector_store %arg7[%swap3A_825], %add3A_824 {strides = array<i32>} : memref<128xi32, #tpu.memory_space<vmem>>, vector<16xi32>,
    %broadcast_in_dim3A_827 = arith.constant 0 : i32
    %broadcast_in_dim3A_828 = vector.broadcast %broadcast_in_dim3A_827 : i32 to vector<16xi32>
    %add3A_829 = arith.constant 1280 : i32
    %add3A_830 = vector.broadcast %add3A_829 : i32 to vector<16xi32>
    %add3A_831 = arith.addi %mul3A_407, %add3A_830 : vector<16xi32>
    %gather3A_832 = tpu.vector_load_idx %arg6[%add3A_831] : memref<2048xi32, #tpu.memory_space<vmem>>[vector<16xi32>], vector<16xi32>,
    %add3A_833 = arith.addi %broadcast_in_dim3A_828, %gather3A_832 : vector<16xi32>
    %add3A_834 = arith.constant 1281 : i32
    %add3A_835 = vector.broadcast %add3A_834 : i32 to vector<16xi32>
    %add3A_836 = arith.addi %mul3A_407, %add3A_835 : vector<16xi32>
    %gather3A_837 = tpu.vector_load_idx %arg6[%add3A_836] : memref<2048xi32, #tpu.memory_space<vmem>>[vector<16xi32>], vector<16xi32>,
    %add3A_838 = arith.addi %add3A_833, %gather3A_837 : vector<16xi32>
    %add3A_839 = arith.constant 1282 : i32
    %add3A_840 = vector.broadcast %add3A_839 : i32 to vector<16xi32>
    %add3A_841 = arith.addi %mul3A_407, %add3A_840 : vector<16xi32>
    %gather3A_842 = tpu.vector_load_idx %arg6[%add3A_841] : memref<2048xi32, #tpu.memory_space<vmem>>[vector<16xi32>], vector<16xi32>,
    %add3A_843 = arith.addi %add3A_838, %gather3A_842 : vector<16xi32>
    %add3A_844 = arith.constant 1283 : i32
    %add3A_845 = vector.broadcast %add3A_844 : i32 to vector<16xi32>
    %add3A_846 = arith.addi %mul3A_407, %add3A_845 : vector<16xi32>
    %gather3A_847 = tpu.vector_load_idx %arg6[%add3A_846] : memref<2048xi32, #tpu.memory_space<vmem>>[vector<16xi32>], vector<16xi32>,
    %add3A_848 = arith.addi %add3A_843, %gather3A_847 : vector<16xi32>
    %add3A_849 = arith.constant 1284 : i32
    %add3A_850 = vector.broadcast %add3A_849 : i32 to vector<16xi32>
    %add3A_851 = arith.addi %mul3A_407, %add3A_850 : vector<16xi32>
    %gather3A_852 = tpu.vector_load_idx %arg6[%add3A_851] : memref<2048xi32, #tpu.memory_space<vmem>>[vector<16xi32>], vector<16xi32>,
    %add3A_853 = arith.addi %add3A_848, %gather3A_852 : vector<16xi32>
    %add3A_854 = arith.constant 1285 : i32
    %add3A_855 = vector.broadcast %add3A_854 : i32 to vector<16xi32>
    %add3A_856 = arith.addi %mul3A_407, %add3A_855 : vector<16xi32>
    %gather3A_857 = tpu.vector_load_idx %arg6[%add3A_856] : memref<2048xi32, #tpu.memory_space<vmem>>[vector<16xi32>], vector<16xi32>,
    %add3A_858 = arith.addi %add3A_853, %gather3A_857 : vector<16xi32>
    %add3A_859 = arith.constant 1286 : i32
    %add3A_860 = vector.broadcast %add3A_859 : i32 to vector<16xi32>
    %add3A_861 = arith.addi %mul3A_407, %add3A_860 : vector<16xi32>
    %gather3A_862 = tpu.vector_load_idx %arg6[%add3A_861] : memref<2048xi32, #tpu.memory_space<vmem>>[vector<16xi32>], vector<16xi32>,
    %add3A_863 = arith.addi %add3A_858, %gather3A_862 : vector<16xi32>
    %add3A_864 = arith.constant 1287 : i32
    %add3A_865 = vector.broadcast %add3A_864 : i32 to vector<16xi32>
    %add3A_866 = arith.addi %mul3A_407, %add3A_865 : vector<16xi32>
    %gather3A_867 = tpu.vector_load_idx %arg6[%add3A_866] : memref<2048xi32, #tpu.memory_space<vmem>>[vector<16xi32>], vector<16xi32>,
    %add3A_868 = arith.addi %add3A_863, %gather3A_867 : vector<16xi32>
    %add3A_869 = arith.constant 1288 : i32
    %add3A_870 = vector.broadcast %add3A_869 : i32 to vector<16xi32>
    %add3A_871 = arith.addi %mul3A_407, %add3A_870 : vector<16xi32>
    %gather3A_872 = tpu.vector_load_idx %arg6[%add3A_871] : memref<2048xi32, #tpu.memory_space<vmem>>[vector<16xi32>], vector<16xi32>,
    %add3A_873 = arith.addi %add3A_868, %gather3A_872 : vector<16xi32>
    %add3A_874 = arith.constant 1289 : i32
    %add3A_875 = vector.broadcast %add3A_874 : i32 to vector<16xi32>
    %add3A_876 = arith.addi %mul3A_407, %add3A_875 : vector<16xi32>
    %gather3A_877 = tpu.vector_load_idx %arg6[%add3A_876] : memref<2048xi32, #tpu.memory_space<vmem>>[vector<16xi32>], vector<16xi32>,
    %add3A_878 = arith.addi %add3A_873, %gather3A_877 : vector<16xi32>
    %add3A_879 = arith.constant 1290 : i32
    %add3A_880 = vector.broadcast %add3A_879 : i32 to vector<16xi32>
    %add3A_881 = arith.addi %mul3A_407, %add3A_880 : vector<16xi32>
    %gather3A_882 = tpu.vector_load_idx %arg6[%add3A_881] : memref<2048xi32, #tpu.memory_space<vmem>>[vector<16xi32>], vector<16xi32>,
    %add3A_883 = arith.addi %add3A_878, %gather3A_882 : vector<16xi32>
    %add3A_884 = arith.constant 1291 : i32
    %add3A_885 = vector.broadcast %add3A_884 : i32 to vector<16xi32>
    %add3A_886 = arith.addi %mul3A_407, %add3A_885 : vector<16xi32>
    %gather3A_887 = tpu.vector_load_idx %arg6[%add3A_886] : memref<2048xi32, #tpu.memory_space<vmem>>[vector<16xi32>], vector<16xi32>,
    %add3A_888 = arith.addi %add3A_883, %gather3A_887 : vector<16xi32>
    %add3A_889 = arith.constant 1292 : i32
    %add3A_890 = vector.broadcast %add3A_889 : i32 to vector<16xi32>
    %add3A_891 = arith.addi %mul3A_407, %add3A_890 : vector<16xi32>
    %gather3A_892 = tpu.vector_load_idx %arg6[%add3A_891] : memref<2048xi32, #tpu.memory_space<vmem>>[vector<16xi32>], vector<16xi32>,
    %add3A_893 = arith.addi %add3A_888, %gather3A_892 : vector<16xi32>
    %add3A_894 = arith.constant 1293 : i32
    %add3A_895 = vector.broadcast %add3A_894 : i32 to vector<16xi32>
    %add3A_896 = arith.addi %mul3A_407, %add3A_895 : vector<16xi32>
    %gather3A_897 = tpu.vector_load_idx %arg6[%add3A_896] : memref<2048xi32, #tpu.memory_space<vmem>>[vector<16xi32>], vector<16xi32>,
    %add3A_898 = arith.addi %add3A_893, %gather3A_897 : vector<16xi32>
    %add3A_899 = arith.constant 1294 : i32
    %add3A_900 = vector.broadcast %add3A_899 : i32 to vector<16xi32>
    %add3A_901 = arith.addi %mul3A_407, %add3A_900 : vector<16xi32>
    %gather3A_902 = tpu.vector_load_idx %arg6[%add3A_901] : memref<2048xi32, #tpu.memory_space<vmem>>[vector<16xi32>], vector<16xi32>,
    %add3A_903 = arith.addi %add3A_898, %gather3A_902 : vector<16xi32>
    %add3A_904 = arith.constant 1295 : i32
    %add3A_905 = vector.broadcast %add3A_904 : i32 to vector<16xi32>
    %add3A_906 = arith.addi %mul3A_407, %add3A_905 : vector<16xi32>
    %gather3A_907 = tpu.vector_load_idx %arg6[%add3A_906] : memref<2048xi32, #tpu.memory_space<vmem>>[vector<16xi32>], vector<16xi32>,
    %add3A_908 = arith.addi %add3A_903, %gather3A_907 : vector<16xi32>
    %swap3A_909 = arith.constant 80 : index
    %swap3A_910 = tpu.vector_load %arg7[%swap3A_909] {strides = array<i32>} : memref<128xi32, #tpu.memory_space<vmem>>, vector<16xi32>,
    tpu.vector_store %arg7[%swap3A_909], %add3A_908 {strides = array<i32>} : memref<128xi32, #tpu.memory_space<vmem>>, vector<16xi32>,
    %broadcast_in_dim3A_911 = arith.constant 0 : i32
    %broadcast_in_dim3A_912 = vector.broadcast %broadcast_in_dim3A_911 : i32 to vector<16xi32>
    %add3A_913 = arith.constant 1536 : i32
    %add3A_914 = vector.broadcast %add3A_913 : i32 to vector<16xi32>
    %add3A_915 = arith.addi %mul3A_407, %add3A_914 : vector<16xi32>
    %gather3A_916 = tpu.vector_load_idx %arg6[%add3A_915] : memref<2048xi32, #tpu.memory_space<vmem>>[vector<16xi32>], vector<16xi32>,
    %add3A_917 = arith.addi %broadcast_in_dim3A_912, %gather3A_916 : vector<16xi32>
    %add3A_918 = arith.constant 1537 : i32
    %add3A_919 = vector.broadcast %add3A_918 : i32 to vector<16xi32>
    %add3A_920 = arith.addi %mul3A_407, %add3A_919 : vector<16xi32>
    %gather3A_921 = tpu.vector_load_idx %arg6[%add3A_920] : memref<2048xi32, #tpu.memory_space<vmem>>[vector<16xi32>], vector<16xi32>,
    %add3A_922 = arith.addi %add3A_917, %gather3A_921 : vector<16xi32>
    %add3A_923 = arith.constant 1538 : i32
    %add3A_924 = vector.broadcast %add3A_923 : i32 to vector<16xi32>
    %add3A_925 = arith.addi %mul3A_407, %add3A_924 : vector<16xi32>
    %gather3A_926 = tpu.vector_load_idx %arg6[%add3A_925] : memref<2048xi32, #tpu.memory_space<vmem>>[vector<16xi32>], vector<16xi32>,
    %add3A_927 = arith.addi %add3A_922, %gather3A_926 : vector<16xi32>
    %add3A_928 = arith.constant 1539 : i32
    %add3A_929 = vector.broadcast %add3A_928 : i32 to vector<16xi32>
    %add3A_930 = arith.addi %mul3A_407, %add3A_929 : vector<16xi32>
    %gather3A_931 = tpu.vector_load_idx %arg6[%add3A_930] : memref<2048xi32, #tpu.memory_space<vmem>>[vector<16xi32>], vector<16xi32>,
    %add3A_932 = arith.addi %add3A_927, %gather3A_931 : vector<16xi32>
    %add3A_933 = arith.constant 1540 : i32
    %add3A_934 = vector.broadcast %add3A_933 : i32 to vector<16xi32>
    %add3A_935 = arith.addi %mul3A_407, %add3A_934 : vector<16xi32>
    %gather3A_936 = tpu.vector_load_idx %arg6[%add3A_935] : memref<2048xi32, #tpu.memory_space<vmem>>[vector<16xi32>], vector<16xi32>,
    %add3A_937 = arith.addi %add3A_932, %gather3A_936 : vector<16xi32>
    %add3A_938 = arith.constant 1541 : i32
    %add3A_939 = vector.broadcast %add3A_938 : i32 to vector<16xi32>
    %add3A_940 = arith.addi %mul3A_407, %add3A_939 : vector<16xi32>
    %gather3A_941 = tpu.vector_load_idx %arg6[%add3A_940] : memref<2048xi32, #tpu.memory_space<vmem>>[vector<16xi32>], vector<16xi32>,
    %add3A_942 = arith.addi %add3A_937, %gather3A_941 : vector<16xi32>
    %add3A_943 = arith.constant 1542 : i32
    %add3A_944 = vector.broadcast %add3A_943 : i32 to vector<16xi32>
    %add3A_945 = arith.addi %mul3A_407, %add3A_944 : vector<16xi32>
    %gather3A_946 = tpu.vector_load_idx %arg6[%add3A_945] : memref<2048xi32, #tpu.memory_space<vmem>>[vector<16xi32>], vector<16xi32>,
    %add3A_947 = arith.addi %add3A_942, %gather3A_946 : vector<16xi32>
    %add3A_948 = arith.constant 1543 : i32
    %add3A_949 = vector.broadcast %add3A_948 : i32 to vector<16xi32>
    %add3A_950 = arith.addi %mul3A_407, %add3A_949 : vector<16xi32>
    %gather3A_951 = tpu.vector_load_idx %arg6[%add3A_950] : memref<2048xi32, #tpu.memory_space<vmem>>[vector<16xi32>], vector<16xi32>,
    %add3A_952 = arith.addi %add3A_947, %gather3A_951 : vector<16xi32>
    %add3A_953 = arith.constant 1544 : i32
    %add3A_954 = vector.broadcast %add3A_953 : i32 to vector<16xi32>
    %add3A_955 = arith.addi %mul3A_407, %add3A_954 : vector<16xi32>
    %gather3A_956 = tpu.vector_load_idx %arg6[%add3A_955] : memref<2048xi32, #tpu.memory_space<vmem>>[vector<16xi32>], vector<16xi32>,
    %add3A_957 = arith.addi %add3A_952, %gather3A_956 : vector<16xi32>
    %add3A_958 = arith.constant 1545 : i32
    %add3A_959 = vector.broadcast %add3A_958 : i32 to vector<16xi32>
    %add3A_960 = arith.addi %mul3A_407, %add3A_959 : vector<16xi32>
    %gather3A_961 = tpu.vector_load_idx %arg6[%add3A_960] : memref<2048xi32, #tpu.memory_space<vmem>>[vector<16xi32>], vector<16xi32>,
    %add3A_962 = arith.addi %add3A_957, %gather3A_961 : vector<16xi32>
    %add3A_963 = arith.constant 1546 : i32
    %add3A_964 = vector.broadcast %add3A_963 : i32 to vector<16xi32>
    %add3A_965 = arith.addi %mul3A_407, %add3A_964 : vector<16xi32>
    %gather3A_966 = tpu.vector_load_idx %arg6[%add3A_965] : memref<2048xi32, #tpu.memory_space<vmem>>[vector<16xi32>], vector<16xi32>,
    %add3A_967 = arith.addi %add3A_962, %gather3A_966 : vector<16xi32>
    %add3A_968 = arith.constant 1547 : i32
    %add3A_969 = vector.broadcast %add3A_968 : i32 to vector<16xi32>
    %add3A_970 = arith.addi %mul3A_407, %add3A_969 : vector<16xi32>
    %gather3A_971 = tpu.vector_load_idx %arg6[%add3A_970] : memref<2048xi32, #tpu.memory_space<vmem>>[vector<16xi32>], vector<16xi32>,
    %add3A_972 = arith.addi %add3A_967, %gather3A_971 : vector<16xi32>
    %add3A_973 = arith.constant 1548 : i32
    %add3A_974 = vector.broadcast %add3A_973 : i32 to vector<16xi32>
    %add3A_975 = arith.addi %mul3A_407, %add3A_974 : vector<16xi32>
    %gather3A_976 = tpu.vector_load_idx %arg6[%add3A_975] : memref<2048xi32, #tpu.memory_space<vmem>>[vector<16xi32>], vector<16xi32>,
    %add3A_977 = arith.addi %add3A_972, %gather3A_976 : vector<16xi32>
    %add3A_978 = arith.constant 1549 : i32
    %add3A_979 = vector.broadcast %add3A_978 : i32 to vector<16xi32>
    %add3A_980 = arith.addi %mul3A_407, %add3A_979 : vector<16xi32>
    %gather3A_981 = tpu.vector_load_idx %arg6[%add3A_980] : memref<2048xi32, #tpu.memory_space<vmem>>[vector<16xi32>], vector<16xi32>,
    %add3A_982 = arith.addi %add3A_977, %gather3A_981 : vector<16xi32>
    %add3A_983 = arith.constant 1550 : i32
    %add3A_984 = vector.broadcast %add3A_983 : i32 to vector<16xi32>
    %add3A_985 = arith.addi %mul3A_407, %add3A_984 : vector<16xi32>
    %gather3A_986 = tpu.vector_load_idx %arg6[%add3A_985] : memref<2048xi32, #tpu.memory_space<vmem>>[vector<16xi32>], vector<16xi32>,
    %add3A_987 = arith.addi %add3A_982, %gather3A_986 : vector<16xi32>
    %add3A_988 = arith.constant 1551 : i32
    %add3A_989 = vector.broadcast %add3A_988 : i32 to vector<16xi32>
    %add3A_990 = arith.addi %mul3A_407, %add3A_989 : vector<16xi32>
    %gather3A_991 = tpu.vector_load_idx %arg6[%add3A_990] : memref<2048xi32, #tpu.memory_space<vmem>>[vector<16xi32>], vector<16xi32>,
    %add3A_992 = arith.addi %add3A_987, %gather3A_991 : vector<16xi32>
    %swap3A_993 = arith.constant 96 : index
    %swap3A_994 = tpu.vector_load %arg7[%swap3A_993] {strides = array<i32>} : memref<128xi32, #tpu.memory_space<vmem>>, vector<16xi32>,
    tpu.vector_store %arg7[%swap3A_993], %add3A_992 {strides = array<i32>} : memref<128xi32, #tpu.memory_space<vmem>>, vector<16xi32>,
    %broadcast_in_dim3A_995 = arith.constant 0 : i32
    %broadcast_in_dim3A_996 = vector.broadcast %broadcast_in_dim3A_995 : i32 to vector<16xi32>
    %add3A_997 = arith.constant 1792 : i32
    %add3A_998 = vector.broadcast %add3A_997 : i32 to vector<16xi32>
    %add3A_999 = arith.addi %mul3A_407, %add3A_998 : vector<16xi32>
    %gather3A_1000 = tpu.vector_load_idx %arg6[%add3A_999] : memref<2048xi32, #tpu.memory_space<vmem>>[vector<16xi32>], vector<16xi32>,
    %add3A_1001 = arith.addi %broadcast_in_dim3A_996, %gather3A_1000 : vector<16xi32>
    %add3A_1002 = arith.constant 1793 : i32
    %add3A_1003 = vector.broadcast %add3A_1002 : i32 to vector<16xi32>
    %add3A_1004 = arith.addi %mul3A_407, %add3A_1003 : vector<16xi32>
    %gather3A_1005 = tpu.vector_load_idx %arg6[%add3A_1004] : memref<2048xi32, #tpu.memory_space<vmem>>[vector<16xi32>], vector<16xi32>,
    %add3A_1006 = arith.addi %add3A_1001, %gather3A_1005 : vector<16xi32>
    %add3A_1007 = arith.constant 1794 : i32
    %add3A_1008 = vector.broadcast %add3A_1007 : i32 to vector<16xi32>
    %add3A_1009 = arith.addi %mul3A_407, %add3A_1008 : vector<16xi32>
    %gather3A_1010 = tpu.vector_load_idx %arg6[%add3A_1009] : memref<2048xi32, #tpu.memory_space<vmem>>[vector<16xi32>], vector<16xi32>,
    %add3A_1011 = arith.addi %add3A_1006, %gather3A_1010 : vector<16xi32>
    %add3A_1012 = arith.constant 1795 : i32
    %add3A_1013 = vector.broadcast %add3A_1012 : i32 to vector<16xi32>
    %add3A_1014 = arith.addi %mul3A_407, %add3A_1013 : vector<16xi32>
    %gather3A_1015 = tpu.vector_load_idx %arg6[%add3A_1014] : memref<2048xi32, #tpu.memory_space<vmem>>[vector<16xi32>], vector<16xi32>,
    %add3A_1016 = arith.addi %add3A_1011, %gather3A_1015 : vector<16xi32>
    %add3A_1017 = arith.constant 1796 : i32
    %add3A_1018 = vector.broadcast %add3A_1017 : i32 to vector<16xi32>
    %add3A_1019 = arith.addi %mul3A_407, %add3A_1018 : vector<16xi32>
    %gather3A_1020 = tpu.vector_load_idx %arg6[%add3A_1019] : memref<2048xi32, #tpu.memory_space<vmem>>[vector<16xi32>], vector<16xi32>,
    %add3A_1021 = arith.addi %add3A_1016, %gather3A_1020 : vector<16xi32>
    %add3A_1022 = arith.constant 1797 : i32
    %add3A_1023 = vector.broadcast %add3A_1022 : i32 to vector<16xi32>
    %add3A_1024 = arith.addi %mul3A_407, %add3A_1023 : vector<16xi32>
    %gather3A_1025 = tpu.vector_load_idx %arg6[%add3A_1024] : memref<2048xi32, #tpu.memory_space<vmem>>[vector<16xi32>], vector<16xi32>,
    %add3A_1026 = arith.addi %add3A_1021, %gather3A_1025 : vector<16xi32>
    %add3A_1027 = arith.constant 1798 : i32
    %add3A_1028 = vector.broadcast %add3A_1027 : i32 to vector<16xi32>
    %add3A_1029 = arith.addi %mul3A_407, %add3A_1028 : vector<16xi32>
    %gather3A_1030 = tpu.vector_load_idx %arg6[%add3A_1029] : memref<2048xi32, #tpu.memory_space<vmem>>[vector<16xi32>], vector<16xi32>,
    %add3A_1031 = arith.addi %add3A_1026, %gather3A_1030 : vector<16xi32>
    %add3A_1032 = arith.constant 1799 : i32
    %add3A_1033 = vector.broadcast %add3A_1032 : i32 to vector<16xi32>
    %add3A_1034 = arith.addi %mul3A_407, %add3A_1033 : vector<16xi32>
    %gather3A_1035 = tpu.vector_load_idx %arg6[%add3A_1034] : memref<2048xi32, #tpu.memory_space<vmem>>[vector<16xi32>], vector<16xi32>,
    %add3A_1036 = arith.addi %add3A_1031, %gather3A_1035 : vector<16xi32>
    %add3A_1037 = arith.constant 1800 : i32
    %add3A_1038 = vector.broadcast %add3A_1037 : i32 to vector<16xi32>
    %add3A_1039 = arith.addi %mul3A_407, %add3A_1038 : vector<16xi32>
    %gather3A_1040 = tpu.vector_load_idx %arg6[%add3A_1039] : memref<2048xi32, #tpu.memory_space<vmem>>[vector<16xi32>], vector<16xi32>,
    %add3A_1041 = arith.addi %add3A_1036, %gather3A_1040 : vector<16xi32>
    %add3A_1042 = arith.constant 1801 : i32
    %add3A_1043 = vector.broadcast %add3A_1042 : i32 to vector<16xi32>
    %add3A_1044 = arith.addi %mul3A_407, %add3A_1043 : vector<16xi32>
    %gather3A_1045 = tpu.vector_load_idx %arg6[%add3A_1044] : memref<2048xi32, #tpu.memory_space<vmem>>[vector<16xi32>], vector<16xi32>,
    %add3A_1046 = arith.addi %add3A_1041, %gather3A_1045 : vector<16xi32>
    %add3A_1047 = arith.constant 1802 : i32
    %add3A_1048 = vector.broadcast %add3A_1047 : i32 to vector<16xi32>
    %add3A_1049 = arith.addi %mul3A_407, %add3A_1048 : vector<16xi32>
    %gather3A_1050 = tpu.vector_load_idx %arg6[%add3A_1049] : memref<2048xi32, #tpu.memory_space<vmem>>[vector<16xi32>], vector<16xi32>,
    %add3A_1051 = arith.addi %add3A_1046, %gather3A_1050 : vector<16xi32>
    %add3A_1052 = arith.constant 1803 : i32
    %add3A_1053 = vector.broadcast %add3A_1052 : i32 to vector<16xi32>
    %add3A_1054 = arith.addi %mul3A_407, %add3A_1053 : vector<16xi32>
    %gather3A_1055 = tpu.vector_load_idx %arg6[%add3A_1054] : memref<2048xi32, #tpu.memory_space<vmem>>[vector<16xi32>], vector<16xi32>,
    %add3A_1056 = arith.addi %add3A_1051, %gather3A_1055 : vector<16xi32>
    %add3A_1057 = arith.constant 1804 : i32
    %add3A_1058 = vector.broadcast %add3A_1057 : i32 to vector<16xi32>
    %add3A_1059 = arith.addi %mul3A_407, %add3A_1058 : vector<16xi32>
    %gather3A_1060 = tpu.vector_load_idx %arg6[%add3A_1059] : memref<2048xi32, #tpu.memory_space<vmem>>[vector<16xi32>], vector<16xi32>,
    %add3A_1061 = arith.addi %add3A_1056, %gather3A_1060 : vector<16xi32>
    %add3A_1062 = arith.constant 1805 : i32
    %add3A_1063 = vector.broadcast %add3A_1062 : i32 to vector<16xi32>
    %add3A_1064 = arith.addi %mul3A_407, %add3A_1063 : vector<16xi32>
    %gather3A_1065 = tpu.vector_load_idx %arg6[%add3A_1064] : memref<2048xi32, #tpu.memory_space<vmem>>[vector<16xi32>], vector<16xi32>,
    %add3A_1066 = arith.addi %add3A_1061, %gather3A_1065 : vector<16xi32>
    %add3A_1067 = arith.constant 1806 : i32
    %add3A_1068 = vector.broadcast %add3A_1067 : i32 to vector<16xi32>
    %add3A_1069 = arith.addi %mul3A_407, %add3A_1068 : vector<16xi32>
    %gather3A_1070 = tpu.vector_load_idx %arg6[%add3A_1069] : memref<2048xi32, #tpu.memory_space<vmem>>[vector<16xi32>], vector<16xi32>,
    %add3A_1071 = arith.addi %add3A_1066, %gather3A_1070 : vector<16xi32>
    %add3A_1072 = arith.constant 1807 : i32
    %add3A_1073 = vector.broadcast %add3A_1072 : i32 to vector<16xi32>
    %add3A_1074 = arith.addi %mul3A_407, %add3A_1073 : vector<16xi32>
    %gather3A_1075 = tpu.vector_load_idx %arg6[%add3A_1074] : memref<2048xi32, #tpu.memory_space<vmem>>[vector<16xi32>], vector<16xi32>,
    %add3A_1076 = arith.addi %add3A_1071, %gather3A_1075 : vector<16xi32>
    %swap3A_1077 = arith.constant 112 : index
    %swap3A_1078 = tpu.vector_load %arg7[%swap3A_1077] {strides = array<i32>} : memref<128xi32, #tpu.memory_space<vmem>>, vector<16xi32>,
    tpu.vector_store %arg7[%swap3A_1077], %add3A_1076 {strides = array<i32>} : memref<128xi32, #tpu.memory_space<vmem>>, vector<16xi32>,
    "tpu.region"() ({
      %run_scoped3A = tpu.sem_alloc : memref<!tpu.dma_semaphore, #tpu.memory_space<semaphore_mem>>
      %dma_start3A_1079 = arith.constant 0 : i32
      %dma_start3A_1080 = tpu.memref_slice %arg3[%add3A, %dma_start3A_1079] : memref<32x128xi32, #tpu.memory_space<hbm>> -> memref<1x128xi32, #tpu.memory_space<hbm>>
      %dma_start3A_1081 = tpu.memref_squeeze %dma_start3A_1080 : memref<1x128xi32, #tpu.memory_space<hbm>> -> memref<128xi32, #tpu.memory_space<hbm>>
      %dma_start3A_1082 = arith.constant 0 : i32
      %dma_start3A_1083 = tpu.memref_slice %arg3[%add3A, %dma_start3A_1082] : memref<32x128xi32, #tpu.memory_space<hbm>> -> memref<1x128xi32, #tpu.memory_space<hbm>>
      %dma_start3A_1084 = tpu.memref_squeeze %dma_start3A_1083 : memref<1x128xi32, #tpu.memory_space<hbm>> -> memref<128xi32, #tpu.memory_space<hbm>>
      tpu.enqueue_dma source(%arg7 : memref<128xi32, #tpu.memory_space<vmem>>) target(%dma_start3A_1084 : memref<128xi32, #tpu.memory_space<hbm>>) target_semaphore(%run_scoped3A : memref<!tpu.dma_semaphore, #tpu.memory_space<semaphore_mem>>)
      %dma_wait3A_1085 = arith.constant 0 : i32
      %dma_wait3A_1086 = tpu.memref_slice %arg3[%add3A, %dma_wait3A_1085] : memref<32x128xi32, #tpu.memory_space<hbm>> -> memref<1x128xi32, #tpu.memory_space<hbm>>
      %dma_wait3A_1087 = tpu.memref_squeeze %dma_wait3A_1086 : memref<1x128xi32, #tpu.memory_space<hbm>> -> memref<128xi32, #tpu.memory_space<hbm>>
      %dma_wait3A_1088 = arith.constant 0 : i32
      %dma_wait3A_1089 = tpu.memref_slice %arg3[%add3A, %dma_wait3A_1088] : memref<32x128xi32, #tpu.memory_space<hbm>> -> memref<1x128xi32, #tpu.memory_space<hbm>>
      %dma_wait3A_1090 = tpu.memref_squeeze %dma_wait3A_1089 : memref<1x128xi32, #tpu.memory_space<hbm>> -> memref<128xi32, #tpu.memory_space<hbm>>
      tpu.wait_dma2 semaphore(%run_scoped3A : memref<!tpu.dma_semaphore, #tpu.memory_space<semaphore_mem>>) src(%arg7 : memref<128xi32, #tpu.memory_space<vmem>>) dst(%dma_wait3A_1090 : memref<128xi32, #tpu.memory_space<hbm>>)
      tpu.yield
    }) : () -> ()
    return
  }
}

module attributes {stable_mosaic.version = 14 : i64} {
  func.func @_combine_body(%arg0: memref<1xi32, #tpu.memory_space<smem>>, %arg1: memref<32x128xi32, #tpu.memory_space<vmem>>, %arg2: memref<129x1xi32, #tpu.memory_space<vmem>>) attributes {dimension_semantics = [], scalar_prefetch = 0 : i64, scratch_operands = 0 : i64, tpu.core_type = #tpu.core_type<tc>} {
    %get3A = arith.constant 0 : index
    %get3A_0 = arith.constant 0 : index
    %get3A_1 = vector.load %arg1[%get3A, %get3A_0] : memref<32x128xi32, #tpu.memory_space<vmem>>, vector<32x128xi32>
    %reduce_sum3A = arith.constant dense<0> : vector<128xi32>
    %reduce_sum3A_2 = vector.multi_reduction <add>, %get3A_1, %reduce_sum3A [0] : vector<32x128xi32> to vector<128xi32>
    %broadcast_in_dim3A = vector.shape_cast %reduce_sum3A_2 : vector<128xi32> to vector<1x128xi32>
    %iota3A = tpu.iota {dimensions = array<i32: 0>} : vector<128x128xi32>
    %iota3A_3 = tpu.iota {dimensions = array<i32: 1>} : vector<128x128xi32>
    %le3A = arith.cmpi sle, %iota3A_3, %iota3A : vector<128x128xi32>
    %broadcast_in_dim3A_4 = vector.shape_cast %broadcast_in_dim3A : vector<1x128xi32> to vector<1x128xi32>
    %broadcast_in_dim3A_5 = vector.broadcast %broadcast_in_dim3A_4 : vector<1x128xi32> to vector<128x128xi32>
    %jit3A = arith.constant 0 : i32
    %broadcast_in_dim3A_6 = vector.broadcast %jit3A : i32 to vector<128x128xi32>
    %select_n3A = arith.select %le3A, %broadcast_in_dim3A_5, %broadcast_in_dim3A_6 : vector<128x128xi1>, vector<128x128xi32>
    %reduce_sum3A_7 = arith.constant dense<0> : vector<128xi32>
    %reduce_sum3A_8 = vector.multi_reduction <add>, %select_n3A, %reduce_sum3A_7 [1] : vector<128x128xi32> to vector<128xi32>
    %broadcast_in_dim3A_9 = vector.shape_cast %reduce_sum3A_8 : vector<128xi32> to vector<128x1xi32>
    %get3A_10 = arith.constant 0 : index
    %get3A_11 = memref.load %arg0[%get3A_10] : memref<1xi32, #tpu.memory_space<smem>>
    %broadcast_in_dim3A_12 = arith.constant 0 : i32
    %broadcast_in_dim3A_13 = vector.broadcast %broadcast_in_dim3A_12 : i32 to vector<1x1xi32>
    %concatenate3A = tpu.concatenate %broadcast_in_dim3A_13, %broadcast_in_dim3A_9 in 0 : vector<1x1xi32>, vector<128x1xi32> -> vector<129x1xi32>
    %add3A = vector.broadcast %get3A_11 : i32 to vector<129x1xi32>
    %add3A_14 = arith.addi %concatenate3A, %add3A : vector<129x1xi32>
    %swap3A = arith.constant 0 : index
    %swap3A_15 = arith.constant 0 : index
    %swap3A_16 = vector.load %arg2[%swap3A, %swap3A_15] : memref<129x1xi32, #tpu.memory_space<vmem>>, vector<129x1xi32>
    tpu.vector_store %arg2[%swap3A, %swap3A_15], %add3A_14 {strides = array<i32>} : memref<129x1xi32, #tpu.memory_space<vmem>>, vector<129x1xi32>,
    return
  }
}

</mosaic_0001>

<sc_bundles>
// kernel: kernel.4.cloned.1.call-start
scs
__scs_entry_jumppad:
0x0: {  	(pc) =	sbr.rel $0x88, $3  }
0x1: {  	(tag) =	ssettag $0x0;
	lr =	simm.s32 $0x1  }
0x2: {  	[smem:$0x3F9F] =	sst lr;
	_ =	strace $0xD0000000  }
0x3: {  	_ = 	snop  }
0x4: {  	_ = 	snop  }
0x5: {  	_ = 	snop  }
0x6: {  	_ = 	snop  }
0x7: {  	_ = 	snop  }
__scs_overlays_trampoline_lowered:
0x8: {  	[smem:$0x3FAE] =	sst s0  }
0x9: {  	[smem:$0x3FAF] =	sst s1  }
0xa: {  	[smem:$0x3FB0] =	sst s2  }
0xb: {  	[smem:$0x3FB1] =	sst s3  }
0xc: {  	[smem:$0x3FB2] =	sst s4  }
0xd: {  	[smem:$0x3FB3] =	sst s5  }
0xe: {  	[smem:$0x3FB4] =	sst s6  }
0xf: {  	[smem:$0x3FB5] =	sst s7  }
0x10: {  	[smem:$0x3FB6] =	sst s8  }
0x11: {  	[smem:$0x3FB7] =	sst s9;
	s0 =	simm.s32 @!p0 $0x0  }
0x12: {  	s1 =	sld [smem:$0x3F9D];
	s0 =	simm.s32 @p0 $0x1  }
0x13: {  	[smem:$0x3FB8] =	sst s0;
	s0 =	simm.s32 @!p1 $0x0  }
0x14: {  	s2 =	sld [smem:$0x3F9C];
	s0 =	simm.s32 @p1 $0x1  }
0x15: {  	[smem:$0x3FB9] =	sst s0;
	s0 =	simm.s32 @!p2 $0x0  }
0x16: {  	s3 =	sld [smem:$0x3FDB];
	s0 =	simm.s32 @p2 $0x1  }
0x17: {  	s4 =	simm.s32 $0x1BF5;
	[smem:$0x3FBB] =	sst s0  }
0x18: {  	s0 =	sld [smem:$0x3F9E];
	_ =	swait.ge [sflag:s4], $0x0  }
0x19: {  	s7 =	sld [smem:$0x3F9F]  }
0x1a: {  	s8 =	sadd.s32 $0xFFFFE003, lr  }
0x1b: {  	s9 =	sadd.s32 $0xFFFFFEF7, lr;
	s5 =	simm.s32 $0xFFFFFFFF;
	p2 =	slt.u32 s8, $0xFFFFF086  }
0x1c: {  	p1 =	slt.u32 s9, $0xF7A;
	s5 =	simm.s32 @!p2 $0x0  }
0x1d: {  	s5 =	simm.s32 @p1 $0x1;
	p0 =	seq.s32 s7, s2  }
0x1e: {  	s7 =	smul.u32 @!p0 $0xF7A, s2;
	p2 =	seq.s32 @!p0 s5, $0x0  }
0x1f: {  	s9 =	smul.u32 $0xF7A, s1;
	s8 =	simm.s32 @!p0 $0x1BF5;
	p2 =	por !p2, p0  }
0x20: {  	[sflag:s8] =	ssyncset.s32 @!p0 $0xFFFFF086;
	s6 =	sadd.s32 @!p0 s3, s7;
	s7 =	simm.s32 @!p0 $0x108  }
0x21: {  	s3 =	sadd.s32 s3, s9;
	s6 =	sadd.s32 @!p0 $0x88, s6;
	s7 =	simm.s32 @p2 $0x1082  }
0x22: {  	[simem:s7], [sflag:s8] =	dma.local @!p0 [hbm:s6], $0xF7A  }
0x23: {  	s9 =	sor.u32 $0xD0000000, s2;
	s6 =	simm.s32 $0x108;
	_ =	swait.ge @!p0 [sflag:s8], $0x0  }
0x24: {  	s3 =	sadd.s32 $0x88, s3;
	s6 =	simm.s32 @!p1 $0x1082;
	[sflag:s4] =	ssyncset.s32 $0xFFFFF086  }
0x25: {  	[simem:s6], [sflag:s4] =	dma.local [hbm:s3], $0xF7A  }
0x26: {  	[smem:$0x3F9F] =	sst s1;
	(tag) =	ssettag s2;
	_ =	strace s9  }
0x27: {  	s1 =	sld [smem:$0x3FAF]  }
0x28: {  	s2 =	sld [smem:$0x3FB0]  }
0x29: {  	s4 =	sld [smem:$0x3FB2]  }
0x2a: {  	p0 =	seq.s32 s5, $0x0;
	s5 =	sld [smem:$0x3FB3]  }
0x2b: {  	s6 =	sld [smem:$0x3FB4]  }
0x2c: {  	s7 =	sld [smem:$0x3FB5]  }
0x2d: {  	s3 =	simm.s32 $0x108;
	s8 =	sld [smem:$0x3FB6]  }
0x2e: {  	s3 =	simm.s32 @!p0 $0x1082;
	s9 =	sld [smem:$0x3FB7]  }
0x2f: {  	lr =	sadd.s32 s0, s3;
	s0 =	sld [smem:$0x3FAE]  }
0x30: {  	s3 =	sld [smem:$0x3FB1]  }
0x31: {  	[smem:$0x3FBA] =	sst s10  }
0x32: {  	s10 =	sld [smem:$0x3FB8];
	_ =	sdelay $0x3  }
0x33: {  	p0 =	seq.s32 s10, $0x1;
	s10 =	sld [smem:$0x3FBA];
	_ =	sdelay $0x3  }
0x34: {  	[smem:$0x3FBA] =	sst s10  }
0x35: {  	s10 =	sld [smem:$0x3FB9];
	_ =	sdelay $0x3  }
0x36: {  	p1 =	seq.s32 s10, $0x1;
	s10 =	sld [smem:$0x3FBA];
	_ =	sdelay $0x3  }
0x37: {  	[smem:$0x3FBA] =	sst s10  }
0x38: {  	s10 =	sld [smem:$0x3FBB]  }
0x39: {  	_ = 	snop;
	(pc) =	sbr.ind lr, $3  }
0x3a: {  	_ = 	snop  }
0x3b: {  	_ = 	snop  }
0x3c: {  	p2 =	seq.s32 s10, $0x1;
	s10 =	sld [smem:$0x3FBA]  }
0x3d: {  	_ =	shalt  }
0x3e: {  	_ =	shalt  }
0x3f: {  	_ =	shalt  }
0x40: {  	_ =	shalt  }
0x41: {  	_ =	shalt  }
0x42: {  	_ =	shalt  }
0x43: {  	_ =	shalt  }
0x44: {  	_ =	shalt  }
0x45: {  	_ =	shalt  }
0x46: {  	_ =	shalt  }
0x47: {  	_ =	shalt  }
0x48: {  	_ =	shalt  }
0x49: {  	_ =	shalt  }
0x4a: {  	_ =	shalt  }
0x4b: {  	_ =	shalt  }
0x4c: {  	_ =	shalt  }
0x4d: {  	_ =	shalt  }
0x4e: {  	_ =	shalt  }
0x4f: {  	_ =	shalt  }
0x50: {  	_ =	shalt  }
0x51: {  	_ =	shalt  }
0x52: {  	_ =	shalt  }
0x53: {  	_ =	shalt  }
0x54: {  	_ =	shalt  }
0x55: {  	_ =	shalt  }
0x56: {  	_ =	shalt  }
0x57: {  	_ =	shalt  }
0x58: {  	_ =	shalt  }
0x59: {  	_ =	shalt  }
0x5a: {  	_ =	shalt  }
0x5b: {  	_ =	shalt  }
0x5c: {  	_ =	shalt  }
0x5d: {  	_ =	shalt  }
0x5e: {  	_ =	shalt  }
0x5f: {  	_ =	shalt  }
0x60: {  	_ =	shalt  }
0x61: {  	_ =	shalt  }
0x62: {  	_ =	shalt  }
0x63: {  	_ =	shalt  }
0x64: {  	_ =	shalt  }
0x65: {  	_ =	shalt  }
0x66: {  	_ =	shalt  }
0x67: {  	_ =	shalt  }
0x68: {  	_ =	shalt  }
0x69: {  	_ =	shalt  }
0x6a: {  	_ =	shalt  }
0x6b: {  	_ =	shalt  }
0x6c: {  	_ =	shalt  }
0x6d: {  	_ =	shalt  }
0x6e: {  	_ =	shalt  }
0x6f: {  	_ =	shalt  }
0x70: {  	_ =	shalt  }
0x71: {  	_ =	shalt  }
0x72: {  	_ =	shalt  }
0x73: {  	_ =	shalt  }
0x74: {  	_ =	shalt  }
0x75: {  	_ =	shalt  }
0x76: {  	_ =	shalt  }
0x77: {  	_ =	shalt  }
0x78: {  	_ =	shalt  }
0x79: {  	_ =	shalt  }
0x7a: {  	_ =	shalt  }
0x7b: {  	_ =	shalt  }
0x7c: {  	_ =	shalt  }
0x7d: {  	_ =	shalt  }
0x7e: {  	_ =	shalt  }
0x7f: {  	_ =	shalt  }
0x80: {  	_ =	shalt  }
0x81: {  	_ =	shalt  }
0x82: {  	_ =	shalt  }
0x83: {  	_ =	shalt  }
0x84: {  	_ =	shalt  }
0x85: {  	_ =	shalt  }
0x86: {  	_ =	shalt  }
0x87: {  	_ =	shalt  }
.Lfunc_end0:
.L_simem_size_0:
called_computation_lowered:
.L_overlay_start_0:
0x88: {  	s2 =	sld [smem:$0x3FD9]  }
0x89: {  	s3 =	sld [smem:$0x3FFE];
	_ =	sdelay $0x1  }
0x8a: {  	s1 =	srdreg.scid  }
0x8b: {  	s0 =	sand.u32 $0x1, s1  }
0x8c: {  	s17 =	sshll.u32 s0, $0xA;
	s2 =	sadd.s32 s3, s2  }
0x8d: {  	s2 =	sadd.s32 s2, s17  }
0x8e: {  	[smem:$0x3FC6] =	sst s2  }
0x8f: {  	_ = 	snop  }
0x90: {  	s2 =	sld [smem:$0x3FC8];
	(tm) =	ssettm $0x1  }
0x91: {  	s18 =	sld [smem:$0x3FFB];
	_ =	sdelay $0x3  }
0x92: {  	_ =	strace s18  }
0x93: {  	s3 =	sld [smem:$0x3FFC];
	_ =	sdelay $0x3  }
0x94: {  	_ =	strace s3  }
0x95: {  	s3 =	sld [smem:$0x3FFD];
	_ =	sdelay $0x3  }
0x96: {  	_ =	strace s3  }
0x97: {  	_ =	strace $0x8FFFFFFF  }
0x98: {  	s19 =	sld [smem:$0x3FDB];
	_ =	sdelay $0x1  }
0x99: {  	s4 =	simm.s32 $_scs_section_size  }
0x9a: {  	s5 =	simm.s32 $_size__tile_overlayer_lowered;
	s6 =	simm.s32 $_tile_overlayer_lowered  }
0x9b: {  	s22 =	simm.s32 $0x1BFF;
	s21 =	sshll.u32 s6, $0x1;
	s3 =	sadd.s32 s4, s19  }
0x9c: {  	s7 =	simm.s32 $0x0;
	s20 =	sshll.u32 s5, $0x1;
	s5 =	sadd.s32 s21, s3  }
0x9d: {  	[timem:s7], [sflag:s22] =	dma.local [hbm:s5], s20  }
0x9e: {  	_ =	swait.ge [sflag:s22], s20  }
0x9f: {  	s4 =	ssub.s32 $0x0, s20;
	[sflag:s22] =	ssyncset.done $0x0  }
0xa0: {  	[sflag:s22] =	ssyncadd.s32 s4;
	_ =	sdelay $0x1  }
0xa1: {  	s23 =	simm.s32 $0x1B8B  }
0xa2: {  	_ =	swait.ge [sflag:s23], $0x1  }
0xa3: {  	[sflag:s23] =	ssyncset.done $0x0  }
0xa4: {  	s25 =	simm.s32 $0x1B8E;
	s24 =	sld [smem:$0x3FFE];
	[sflag:s23] =	ssyncadd.s32 $0xFFFFFFFF  }
0xa5: {  	s26 =	simm.s32 $execute0_lowered;
	[smem:$0x3FD2] =	sst s25  }
0xa6: {  	s5 =	sshll.u32 s26, $0x1;
	_ =	strace $0x80000046;
	[dreg:$0x1] =	wrdreg $0xFFFFFFFF  }
0xa7: {  	s28 =	simm.s32 $_size_execute0_lowered;
	s3 =	sadd.s32 s3, s5;
	[dreg:$0x0] =	wrdreg $0x0  }
0xa8: {  	s5 =	sshll.u32 s28, $0x1;
	[dreg:$0x2] =	wrdreg s3  }
0xa9: {  	[dreg:$0x3] =	wrdreg s5  }
0xaa: {  	[dreg:$0x4] =	wrdreg $0xC0  }
0xab: {  	_ =	task [dreg:s7], $0x5FFFF  }
0xac: {  	[dreg:$0x1] =	wrdreg $0xFFFFFFFF  }
0xad: {  	[dreg:$0x0] =	wrdreg $0x60  }
0xae: {  	[dreg:$0x2] =	wrdreg s2  }
0xaf: {  	[dreg:$0x3] =	wrdreg s24  }
0xb0: {  	[dreg:$0x4] =	wrdreg $0x9  }
0xb1: {  	_ =	task.clear_ibuf [dreg:s7], $0x5FFFF;
	_ =	strace $0x90000046  }
0xb2: {  	s29 =	simm.s32 $0x9;
	_ =	strace $0x80000048  }
0xb3: {  	_ =	swait.ge [sflag:s29], $0x1  }
0xb4: {  	[sflag:s29] =	ssyncadd.s32 $0xFFFFFFFF  }
0xb5: {  	_ =	strace $0x90000048  }
0xb6: {  	_ =	sfence  }
0xb7: {  	s30 =	sld [smem:$0x0];
	_ =	sdelay $0x2  }
0xb8: {  	s31 =	sshll.u32 s1, $0xD;
	s1 =	sshrl.u32 s1, $0x2  }
0xb9: {  	s3 =	sand.u32 $0x4000, s31;
	s1 =	sadd.s32 s1, s30  }
0xba: {  	s0 =	sor.u32 s3, s0;
	s1 =	sshll.u32 s1, $0x11  }
0xbb: {  	s0 =	sor.u32 s1, s0  }
0xbc: {  	s0 =	sadd.s32 $0x8F2B, s0  }
0xbd: {  	[sflag:s0] =	ssyncadd.remote.s32 $0x1  }
0xbe: {  	_ =	sfence.sel $0xFFFF  }
0xbf: {  	[dreg:$0x0] =	wrdreg $0xFFFFFFFF;
	(pc) =	sbr.abs _section_cstart, $3  }
0xc0: {  	[dreg:$0x1] =	wrdreg $0xFFFFFFFF  }
0xc1: {  	_ =	task.clear_ibuf [dreg:s7], $0x2FFFF;
	_ =	strace $0x9FFFFFFF  }
0xc2: {  	(tm) =	ssettm $0x7FFFFFFF  }
0xc3: {  	_ =	shalt  }
tec
execute0_lowered:
.L_overlay_start_1:
0x0: {  	(tag) =	ssettag $0x1  }
0x1: {  	v2 =	vlaneseq.u32  }
0x2: {  	v0 =	vmul.u32 $0x10, v2;
	_ =	sdelay $0x1  }
0x3: {  	v2 =	vor.u32 $0x50000000, v2;
	v4 =	vor.u32 $0x1, v0;
	v19 =	vor.u32 $0x100, v0  }
0x4: {  	v20 =	vor.u32 $0x101, v0;
	v21 =	vor.u32 $0x102, v0;
	v22 =	vor.u32 $0x103, v0  }
0x5: {  	v23 =	vor.u32 $0x104, v0;
	v24 =	vor.u32 $0x105, v0;
	v25 =	vor.u32 $0x106, v0  }
0x6: {  	v26 =	vor.u32 $0x107, v0;
	v27 =	vor.u32 $0x108, v0;
	v28 =	vor.u32 $0x109, v0  }
0x7: {  	v29 =	vor.u32 $0x10A, v0;
	v30 =	vor.u32 $0x10B, v0;
	v31 =	vor.u32 $0x10C, v0  }
0x8: {  	v32 =	vor.u32 $0x10D, v0;
	v33 =	vor.u32 $0x10E, v0;
	v34 =	vor.u32 $0x10F, v0  }
0x9: {  	s3 =	rddreg [dreg:$0x0];
	v35 =	vor.u32 $0x200, v0;
	v36 =	vor.u32 $0x201, v0;
	[tilespmem:$0x1FF10] =	vst v4;
	v4 =	vor.u32 $0x2, v0  }
0xa: {  	s4 =	rddreg [dreg:$0x1];
	v37 =	vor.u32 $0x202, v0;
	v38 =	vor.u32 $0x203, v0;
	[tilespmem:$0x1FF20] =	vst v4;
	v4 =	vor.u32 $0x3, v0  }
0xb: {  	s0 =	rddreg [dreg:$0x2];
	v39 =	vor.u32 $0x204, v0;
	v40 =	vor.u32 $0x205, v0;
	[tilespmem:$0x1FF30] =	vst v4;
	v4 =	vor.u32 $0x4, v0  }
0xc: {  	s2 =	simm.s32 $0x0;
	s5 =	srdreg.scid;
	s1 =	stileid.u32;
	v41 =	vor.u32 $0x206, v0;
	v42 =	vor.u32 $0x207, v0;
	[tilespmem:$0x1FF40] =	vst v4;
	v4 =	vor.u32 $0x5, v0  }
0xd: {  	s21 =	simm.s32 $0x8000;
	s22 =	simm.s32 $0x1;
	s23 =	simm.s32 $0x10000;
	v43 =	vor.u32 $0x208, v0;
	v44 =	vor.u32 $0x209, v0;
	[tilespmem:$0x1FF50] =	vst v4;
	v4 =	vor.u32 $0x6, v0  }
0xe: {  	s24 =	simm.s32 $0x2;
	s25 =	simm.s32 $0x10800;
	s26 =	simm.s32 $0x3;
	v45 =	vor.u32 $0x20A, v0;
	v46 =	vor.u32 $0x20B, v0;
	[tilespmem:$0x1FF60] =	vst v4;
	v4 =	vor.u32 $0x7, v0  }
0xf: {  	s28 =	simm.s32 $0x0;
	s5 =	sand.u32 $0x1, s5;
	s6 =	sshll.u32 s1, $0x1;
	v47 =	vor.u32 $0x20C, v0;
	v48 =	vor.u32 $0x20D, v0;
	[tilespmem:$0x1FF70] =	vst v4;
	v4 =	vor.u32 $0x8, v0  }
0x10: {  	[smem:$0x7FF] =	sst s2;
	s6 =	sor.u32 s5, s6;
	s5 =	ssub.s32 $0x2, s5;
	v49 =	vor.u32 $0x20E, v0;
	v50 =	vor.u32 $0x20F, v0;
	[tilespmem:$0x1FF80] =	vst v4;
	v4 =	vor.u32 $0x9, v0  }
0x11: {  	s7 =	sshll.u32 s6, $0x4;
	s8 =	sshrl.u32 s5, $0x1;
	s6 =	sshll.u32 s6, $0x10;
	v51 =	vor.u32 $0x300, v0;
	v52 =	vor.u32 $0x301, v0;
	[tilespmem:$0x1FF90] =	vst v4;
	v4 =	vor.u32 $0xA, v0  }
0x12: {  	v53 =	vor.u32 $0x302, v0;
	v54 =	vor.u32 $0x303, v0;
	s19 =	sadd.s32 s7, s4;
	s20 =	ssub.s32 s5, s8;
	s3 =	sadd.s32 s3, s6;
	[tilespmem:$0x1FFA0] =	vst v4;
	v4 =	vor.u32 $0xB, v0  }
0x13: {  	v55 =	vor.u32 $0x304, v0;
	s4 =	sadd.s32 $0x1000, s3;
	s5 =	sadd.s32 $0x2000, s3;
	s6 =	sadd.s32 $0x3000, s3;
	[tilespmem:$0x1FFB0] =	vst v4;
	v4 =	vor.u32 $0xC, v0  }
0x14: {  	v56 =	vor.u32 $0x305, v0;
	s7 =	sadd.s32 $0x4000, s3;
	s8 =	sadd.s32 $0x5000, s3;
	s9 =	sadd.s32 $0x6000, s3;
	[tilespmem:$0x1FFC0] =	vst v4;
	v4 =	vor.u32 $0xD, v0  }
0x15: {  	v57 =	vor.u32 $0x306, v0;
	s10 =	sadd.s32 $0x7000, s3;
	s11 =	sadd.s32 $0x8000, s3;
	s12 =	sadd.s32 $0x9000, s3;
	[tilespmem:$0x1FFD0] =	vst v4;
	v4 =	vor.u32 $0xE, v0  }
0x16: {  	v1 =	vimm.s32 $0x0;
	v58 =	vor.u32 $0x307, v0;
	s13 =	sadd.s32 $0xA000, s3;
	s14 =	sadd.s32 $0xB000, s3;
	s15 =	sadd.s32 $0xC000, s3;
	[tilespmem:$0x1FFE0] =	vst v4;
	v4 =	vor.u32 $0xF, v0  }
0x17: {  	v3 =	vimm.s32 $0x1;
	v59 =	vor.u32 $0x308, v0;
	v60 =	vor.u32 $0x309, v0;
	s16 =	sadd.s32 $0xD000, s3;
	s17 =	sadd.s32 $0xE000, s3;
	s18 =	sadd.s32 $0xF000, s3;
	[tilespmem:$0x1FFF0] =	vst v4  }
0x18: {  	v61 =	vor.u32 $0x30A, v0;
	v62 =	vor.u32 $0x30B, v0;
	v63 =	vor.u32 $0x30C, v0;
	s19 =	sadd.s32 $0x200, s19;
	s20 =	smax.u32 s20, $0x1;
	_ =	strace $0x80000047  }
.LBB2_1:
0x19: {  	[tilespmem:$0x10000] =	vst v1  }
0x1a: {  	[tilespmem:$0x10010] =	vst v1  }
0x1b: {  	[tilespmem:$0x10020] =	vst v1  }
0x1c: {  	[tilespmem:$0x10030] =	vst v1  }
0x1d: {  	[tilespmem:$0x10040] =	vst v1  }
0x1e: {  	[tilespmem:$0x10050] =	vst v1  }
0x1f: {  	[tilespmem:$0x10060] =	vst v1  }
0x20: {  	[tilespmem:$0x10070] =	vst v1  }
0x21: {  	[tilespmem:$0x10080] =	vst v1  }
0x22: {  	[tilespmem:$0x10090] =	vst v1  }
0x23: {  	[tilespmem:$0x100A0] =	vst v1  }
0x24: {  	[tilespmem:$0x100B0] =	vst v1  }
0x25: {  	[tilespmem:$0x100C0] =	vst v1  }
0x26: {  	[tilespmem:$0x100D0] =	vst v1  }
0x27: {  	[tilespmem:$0x100E0] =	vst v1  }
0x28: {  	[tilespmem:$0x100F0] =	vst v1  }
0x29: {  	[tilespmem:$0x10100] =	vst v1  }
0x2a: {  	[tilespmem:$0x10110] =	vst v1  }
0x2b: {  	[tilespmem:$0x10120] =	vst v1  }
0x2c: {  	[tilespmem:$0x10130] =	vst v1  }
0x2d: {  	[tilespmem:$0x10140] =	vst v1  }
0x2e: {  	[tilespmem:$0x10150] =	vst v1  }
0x2f: {  	[tilespmem:$0x10160] =	vst v1  }
0x30: {  	[tilespmem:$0x10170] =	vst v1  }
0x31: {  	[tilespmem:$0x10180] =	vst v1  }
0x32: {  	[tilespmem:$0x10190] =	vst v1  }
0x33: {  	[tilespmem:$0x101A0] =	vst v1  }
0x34: {  	[tilespmem:$0x101B0] =	vst v1  }
0x35: {  	[tilespmem:$0x101C0] =	vst v1  }
0x36: {  	[tilespmem:$0x101D0] =	vst v1  }
0x37: {  	[tilespmem:$0x101E0] =	vst v1  }
0x38: {  	[tilespmem:$0x101F0] =	vst v1  }
0x39: {  	[tilespmem:$0x10200] =	vst v1  }
0x3a: {  	[tilespmem:$0x10210] =	vst v1  }
0x3b: {  	[tilespmem:$0x10220] =	vst v1  }
0x3c: {  	[tilespmem:$0x10230] =	vst v1  }
0x3d: {  	[tilespmem:$0x10240] =	vst v1  }
0x3e: {  	[tilespmem:$0x10250] =	vst v1  }
0x3f: {  	[tilespmem:$0x10260] =	vst v1  }
0x40: {  	[tilespmem:$0x10270] =	vst v1  }
0x41: {  	[tilespmem:$0x10280] =	vst v1  }
0x42: {  	[tilespmem:$0x10290] =	vst v1  }
0x43: {  	[tilespmem:$0x102A0] =	vst v1  }
0x44: {  	[tilespmem:$0x102B0] =	vst v1  }
0x45: {  	[tilespmem:$0x102C0] =	vst v1  }
0x46: {  	[tilespmem:$0x102D0] =	vst v1  }
0x47: {  	[tilespmem:$0x102E0] =	vst v1  }
0x48: {  	[tilespmem:$0x102F0] =	vst v1  }
0x49: {  	[tilespmem:$0x10300] =	vst v1  }
0x4a: {  	[tilespmem:$0x10310] =	vst v1  }
0x4b: {  	[tilespmem:$0x10320] =	vst v1  }
0x4c: {  	[tilespmem:$0x10330] =	vst v1  }
0x4d: {  	[tilespmem:$0x10340] =	vst v1  }
0x4e: {  	[tilespmem:$0x10350] =	vst v1  }
0x4f: {  	[tilespmem:$0x10360] =	vst v1  }
0x50: {  	[tilespmem:$0x10370] =	vst v1  }
0x51: {  	[tilespmem:$0x10380] =	vst v1  }
0x52: {  	[tilespmem:$0x10390] =	vst v1  }
0x53: {  	[tilespmem:$0x103A0] =	vst v1  }
0x54: {  	[tilespmem:$0x103B0] =	vst v1  }
0x55: {  	[tilespmem:$0x103C0] =	vst v1  }
0x56: {  	[tilespmem:$0x103D0] =	vst v1  }
0x57: {  	[tilespmem:$0x103E0] =	vst v1  }
0x58: {  	[tilespmem:$0x103F0] =	vst v1  }
0x59: {  	[tilespmem:$0x10400] =	vst v1  }
0x5a: {  	[tilespmem:$0x10410] =	vst v1  }
0x5b: {  	[tilespmem:$0x10420] =	vst v1  }
0x5c: {  	[tilespmem:$0x10430] =	vst v1  }
0x5d: {  	[tilespmem:$0x10440] =	vst v1  }
0x5e: {  	[tilespmem:$0x10450] =	vst v1  }
0x5f: {  	[tilespmem:$0x10460] =	vst v1  }
0x60: {  	[tilespmem:$0x10470] =	vst v1  }
0x61: {  	[tilespmem:$0x10480] =	vst v1  }
0x62: {  	[tilespmem:$0x10490] =	vst v1  }
0x63: {  	[tilespmem:$0x104A0] =	vst v1  }
0x64: {  	[tilespmem:$0x104B0] =	vst v1  }
0x65: {  	[tilespmem:$0x104C0] =	vst v1  }
0x66: {  	[tilespmem:$0x104D0] =	vst v1  }
0x67: {  	[tilespmem:$0x104E0] =	vst v1  }
0x68: {  	[tilespmem:$0x104F0] =	vst v1  }
0x69: {  	[tilespmem:$0x10500] =	vst v1  }
0x6a: {  	[tilespmem:$0x10510] =	vst v1  }
0x6b: {  	[tilespmem:$0x10520] =	vst v1  }
0x6c: {  	[tilespmem:$0x10530] =	vst v1  }
0x6d: {  	[tilespmem:$0x10540] =	vst v1  }
0x6e: {  	[tilespmem:$0x10550] =	vst v1  }
0x6f: {  	[tilespmem:$0x10560] =	vst v1  }
0x70: {  	[tilespmem:$0x10570] =	vst v1  }
0x71: {  	[tilespmem:$0x10580] =	vst v1  }
0x72: {  	[tilespmem:$0x10590] =	vst v1  }
0x73: {  	[tilespmem:$0x105A0] =	vst v1  }
0x74: {  	[tilespmem:$0x105B0] =	vst v1  }
0x75: {  	[tilespmem:$0x105C0] =	vst v1  }
0x76: {  	[tilespmem:$0x105D0] =	vst v1  }
0x77: {  	[tilespmem:$0x105E0] =	vst v1  }
0x78: {  	[tilespmem:$0x105F0] =	vst v1  }
0x79: {  	[tilespmem:$0x10600] =	vst v1  }
0x7a: {  	[tilespmem:$0x10610] =	vst v1  }
0x7b: {  	[tilespmem:$0x10620] =	vst v1  }
0x7c: {  	[tilespmem:$0x10630] =	vst v1  }
0x7d: {  	[tilespmem:$0x10640] =	vst v1  }
0x7e: {  	[tilespmem:$0x10650] =	vst v1  }
0x7f: {  	[tilespmem:$0x10660] =	vst v1  }
0x80: {  	[tilespmem:$0x10670] =	vst v1  }
0x81: {  	[tilespmem:$0x10680] =	vst v1  }
0x82: {  	[tilespmem:$0x10690] =	vst v1  }
0x83: {  	[tilespmem:$0x106A0] =	vst v1  }
0x84: {  	[tilespmem:$0x106B0] =	vst v1  }
0x85: {  	[tilespmem:$0x106C0] =	vst v1  }
0x86: {  	[tilespmem:$0x106D0] =	vst v1  }
0x87: {  	[tilespmem:$0x106E0] =	vst v1  }
0x88: {  	[tilespmem:$0x106F0] =	vst v1  }
0x89: {  	[tilespmem:$0x10700] =	vst v1  }
0x8a: {  	[tilespmem:$0x10710] =	vst v1  }
0x8b: {  	[tilespmem:$0x10720] =	vst v1  }
0x8c: {  	[tilespmem:$0x10730] =	vst v1  }
0x8d: {  	[tilespmem:$0x10740] =	vst v1  }
0x8e: {  	[tilespmem:$0x10750] =	vst v1  }
0x8f: {  	[tilespmem:$0x10760] =	vst v1  }
0x90: {  	[tilespmem:$0x10770] =	vst v1  }
0x91: {  	[tilespmem:$0x10780] =	vst v1  }
0x92: {  	[tilespmem:$0x10790] =	vst v1  }
0x93: {  	[tilespmem:$0x107A0] =	vst v1  }
0x94: {  	[tilespmem:$0x107B0] =	vst v1  }
0x95: {  	[tilespmem:$0x107C0] =	vst v1  }
0x96: {  	[tilespmem:$0x107D0] =	vst v1  }
0x97: {  	[tilespmem:$0x107E0] =	vst v1  }
0x98: {  	[tilespmem:$0x107F0] =	vst v1  }
0x99: {  	[tilespmem:s2], [sflag:$0x1] =	stream.linear.gather [hbm4b:s3+s2], $0x8000, $0x38;
	[tilespmem:$0x10880] =	vst v63  }
0x9a: {  	_ = 	snop  }
0x9b: {  	[tilespmem:s21], [sflag:$0x2] =	stream.linear.gather [hbm4b:s4+s2], $0x8000, $0x38;
	[tilespmem:$0x10880] =	vst v63  }
0x9c: {  	_ =	swait.ge [sflag:s22], $0x8000  }
0x9d: {  	[sflag:s22] =	ssyncset.done $0x0  }
0x9e: {  	s29 =	simm.s32 $0x80;
	[sflag:s22] =	ssyncadd.s32 $0xFFFF8000  }
0x9f: {  	v4 =	vld [tilespmem:s29+$0xFFFFFFA0]  }
0xa0: {  	v5 =	vld [tilespmem:s29+$0xFFFFFFB0]  }
0xa1: {  	v6 =	vld [tilespmem:s29+$0xFFFFFF80]  }
0xa2: {  	v7 =	vld [tilespmem:s29+$0x70]  }
0xa3: {  	v9 =	vld [tilespmem:s29+$0x50]  }
0xa4: {  	v10 =	vld [tilespmem:s29+$0x40]  }
0xa5: {  	v11 =	vld [tilespmem:s29+$0x30]  }
0xa6: {  	v12 =	vld [tilespmem:s29+$0x20];
	v6 =	vadd.f32 $8.388608000e+06, v6  }
0xa7: {  	v8 =	vld [tilespmem:s29+$0x60];
	v7 =	vadd.f32 $8.388608000e+06, v7  }
0xa8: {  	v13 =	vld [tilespmem:s29+$0x10];
	v6 =	vshll.u32 v6, $0x4  }
0xa9: {  	v14 =	vld [tilespmem:s29+$0x0];
	v9 =	vadd.f32 $8.388608000e+06, v9;
	v7 =	vshll.u32 v7, $0x4;
	v6 =	vadd.s32 v2, v6  }
0xaa: {  	v15 =	vld [tilespmem:s29+$0xFFFFFFF0];
	v10 =	vadd.f32 $8.388608000e+06, v10;
	v7 =	vadd.s32 v2, v7  }
0xab: {  	v16 =	vld [tilespmem:s29+$0xFFFFFFE0];
	v11 =	vadd.f32 $8.388608000e+06, v11;
	v12 =	vadd.f32 $8.388608000e+06, v12;
	v9 =	vshll.u32 v9, $0x4  }
0xac: {  	v17 =	vld [tilespmem:s29+$0xFFFFFFD0];
	v8 =	vadd.f32 $8.388608000e+06, v8;
	v10 =	vshll.u32 v10, $0x4;
	v9 =	vadd.s32 v2, v9  }
0xad: {  	v18 =	vld [tilespmem:s29+$0xFFFFFFC0];
	v5 =	vadd.f32 $8.388608000e+06, v5;
	v11 =	vshll.u32 v11, $0x4;
	v10 =	vadd.s32 v2, v10  }
0xae: {  	v12 =	vshll.u32 v12, $0x4;
	v11 =	vadd.s32 v2, v11;
	[tilespmem:v6+s23+$0x0] =	vst.idx.add.s32.msk $0xffff, v3;
	v6 =	vadd.f32 $8.388608000e+06, v14  }
0xaf: {  	v4 =	vadd.f32 $8.388608000e+06, v4;
	v8 =	vshll.u32 v8, $0x4;
	v12 =	vadd.s32 v2, v12;
	[tilespmem:v7+s23+$0x0] =	vst.idx.add.s32.msk $0xffff, v3  }
0xb0: {  	v14 =	vadd.f32 $8.388608000e+06, v15;
	v7 =	vadd.s32 v2, v8;
	v8 =	vld [tilespmem:s29+$0xFFFFFF90];
	v6 =	vshll.u32 v6, $0x4  }
0xb1: {  	v5 =	vshll.u32 v5, $0x4;
	v15 =	vadd.f32 $8.388608000e+06, v16;
	[tilespmem:v9+s23+$0x0] =	vst.idx.add.s32.msk $0xffff, v3;
	v6 =	vadd.s32 v2, v6  }
0xb2: {  	v5 =	vadd.s32 v2, v5;
	v16 =	vadd.f32 $8.388608000e+06, v17;
	[tilespmem:v10+s23+$0x0] =	vst.idx.add.s32.msk $0xffff, v3;
	v14 =	vshll.u32 v14, $0x4  }
0xb3: {  	v9 =	vadd.f32 $8.388608000e+06, v18;
	[tilespmem:v11+s23+$0x0] =	vst.idx.add.s32.msk $0xffff, v3;
	v15 =	vshll.u32 v15, $0x4;
	v14 =	vadd.s32 v2, v14  }
0xb4: {  	v4 =	vshll.u32 v4, $0x4;
	[tilespmem:v12+s23+$0x0] =	vst.idx.add.s32.msk $0xffff, v3;
	v10 =	vshll.u32 v16, $0x4;
	v15 =	vadd.s32 v2, v15  }
0xb5: {  	v9 =	vshll.u32 v9, $0x4;
	v10 =	vadd.s32 v2, v10;
	[tilespmem:v7+s23+$0x0] =	vst.idx.add.s32.msk $0xffff, v3;
	v7 =	vadd.f32 $8.388608000e+06, v8  }
0xb6: {  	v9 =	vadd.s32 v2, v9;
	[tilespmem:v6+s23+$0x0] =	vst.idx.add.s32.msk $0xffff, v3;
	v6 =	vadd.s32 v2, v4;
	v4 =	vadd.f32 $8.388608000e+06, v13  }
0xb7: {  	[tilespmem:v5+s23+$0x0] =	vst.idx.add.s32.msk $0xffff, v3;
	v7 =	vshll.u32 v7, $0x4  }
0xb8: {  	[tilespmem:v14+s23+$0x0] =	vst.idx.add.s32.msk $0xffff, v3;
	v5 =	vadd.s32 v2, v7;
	v4 =	vshll.u32 v4, $0x4  }
0xb9: {  	[tilespmem:v15+s23+$0x0] =	vst.idx.add.s32.msk $0xffff, v3;
	v4 =	vadd.s32 v2, v4  }
0xba: {  	[tilespmem:v10+s23+$0x0] =	vst.idx.add.s32.msk $0xffff, v3  }
0xbb: {  	[tilespmem:v9+s23+$0x0] =	vst.idx.add.s32.msk $0xffff, v3  }
0xbc: {  	s30 =	simm.s32 $0x0;
	[tilespmem:v6+s23+$0x0] =	vst.idx.add.s32.msk $0xffff, v3  }
.LBB2_2:
0xbd: {  	s30 =	sadd.s32 $0x10, s30;
	[tilespmem:v5+s23+$0x0] =	vst.idx.add.s32.msk $0xffff, v3;
	s29 =	sadd.s32 $0x100, s29  }
0xbe: {  	p0 =	slt.u32 s30, $0x7F0;
	[tilespmem:v4+s23+$0x0] =	vst.idx.add.s32.msk $0xffff, v3  }
0xbf: {  	v4 =	vld [tilespmem:s29+$0xFFFFFFA0]  }
0xc0: {  	v5 =	vld [tilespmem:s29+$0xFFFFFFB0]  }
0xc1: {  	v6 =	vld [tilespmem:s29+$0xFFFFFF80]  }
0xc2: {  	v7 =	vld [tilespmem:s29+$0x70]  }
0xc3: {  	v8 =	vld [tilespmem:s29+$0x60]  }
0xc4: {  	v9 =	vld [tilespmem:s29+$0x50]  }
0xc5: {  	v10 =	vld [tilespmem:s29+$0x40]  }
0xc6: {  	v6 =	vadd.f32 $8.388608000e+06, v6;
	v11 =	vld [tilespmem:s29+$0x30]  }
0xc7: {  	v12 =	vld [tilespmem:s29+$0x20];
	v7 =	vadd.f32 $8.388608000e+06, v7  }
0xc8: {  	v6 =	vshll.u32 v6, $0x4;
	v13 =	vld [tilespmem:s29+$0x10];
	v8 =	vadd.f32 $8.388608000e+06, v8  }
0xc9: {  	v6 =	vadd.s32 v2, v6;
	v14 =	vld [tilespmem:s29+$0x0];
	v9 =	vadd.f32 $8.388608000e+06, v9;
	v7 =	vshll.u32 v7, $0x4  }
0xca: {  	v15 =	vld [tilespmem:s29+$0xFFFFFFF0];
	v10 =	vadd.f32 $8.388608000e+06, v10;
	v7 =	vadd.s32 v2, v7  }
0xcb: {  	v8 =	vshll.u32 v8, $0x4;
	v16 =	vld [tilespmem:s29+$0xFFFFFFE0];
	v11 =	vadd.f32 $8.388608000e+06, v11;
	v9 =	vshll.u32 v9, $0x4  }
0xcc: {  	v17 =	vld [tilespmem:s29+$0xFFFFFFD0];
	v12 =	vadd.f32 $8.388608000e+06, v12;
	v10 =	vshll.u32 v10, $0x4;
	v9 =	vadd.s32 v2, v9  }
0xcd: {  	v18 =	vld [tilespmem:s29+$0xFFFFFFC0];
	v13 =	vadd.f32 $8.388608000e+06, v13;
	v11 =	vshll.u32 v11, $0x4;
	v10 =	vadd.s32 v2, v10  }
0xce: {  	[tilespmem:v6+s23+$0x0] =	vst.idx.add.s32.msk $0xffff, v3;
	v6 =	vadd.f32 $8.388608000e+06, v14;
	v12 =	vshll.u32 v12, $0x4;
	v11 =	vadd.s32 v2, v11  }
0xcf: {  	v8 =	vadd.s32 v2, v8;
	v14 =	vadd.f32 $8.388608000e+06, v15;
	v12 =	vadd.s32 v2, v12;
	[tilespmem:v7+s23+$0x0] =	vst.idx.add.s32.msk $0xffff, v3  }
0xd0: {  	v13 =	vshll.u32 v13, $0x4;
	v7 =	vld [tilespmem:s29+$0xFFFFFF90];
	v15 =	vadd.f32 $8.388608000e+06, v16;
	v6 =	vshll.u32 v6, $0x4  }
0xd1: {  	v16 =	vadd.f32 $8.388608000e+06, v17;
	v14 =	vshll.u32 v14, $0x4;
	v6 =	vadd.s32 v2, v6;
	[tilespmem:v9+s23+$0x0] =	vst.idx.add.s32.msk $0xffff, v3  }
0xd2: {  	v9 =	vadd.f32 $8.388608000e+06, v18;
	v15 =	vshll.u32 v15, $0x4;
	v14 =	vadd.s32 v2, v14;
	[tilespmem:v10+s23+$0x0] =	vst.idx.add.s32.msk $0xffff, v3  }
0xd3: {  	v5 =	vadd.f32 $8.388608000e+06, v5;
	v10 =	vshll.u32 v16, $0x4;
	v15 =	vadd.s32 v2, v15;
	[tilespmem:v11+s23+$0x0] =	vst.idx.add.s32.msk $0xffff, v3  }
0xd4: {  	v4 =	vadd.f32 $8.388608000e+06, v4;
	v9 =	vshll.u32 v9, $0x4;
	v10 =	vadd.s32 v2, v10;
	[tilespmem:v12+s23+$0x0] =	vst.idx.add.s32.msk $0xffff, v3  }
0xd5: {  	v5 =	vshll.u32 v5, $0x4;
	v7 =	vadd.f32 $8.388608000e+06, v7;
	v9 =	vadd.s32 v2, v9;
	[tilespmem:v8+s23+$0x0] =	vst.idx.add.s32.msk $0xffff, v3  }
0xd6: {  	v4 =	vshll.u32 v4, $0x4;
	v8 =	vadd.s32 v2, v5;
	[tilespmem:v6+s23+$0x0] =	vst.idx.add.s32.msk $0xffff, v3  }
0xd7: {  	v6 =	vadd.s32 v2, v4;
	v5 =	vshll.u32 v7, $0x4;
	[tilespmem:v14+s23+$0x0] =	vst.idx.add.s32.msk $0xffff, v3  }
.Ltmp0:
0xd8: {  	v4 =	vadd.s32 v2, v13;
	v5 =	vadd.s32 v2, v5;
	[tilespmem:v15+s23+$0x0] =	vst.idx.add.s32.msk $0xffff, v3;
	(pc) =	sbr.rel @p0 .LBB2_2-.Ltmp0, $4  }
0xd9: {  	[tilespmem:v10+s23+$0x0] =	vst.idx.add.s32.msk $0xffff, v3  }
0xda: {  	[tilespmem:v9+s23+$0x0] =	vst.idx.add.s32.msk $0xffff, v3  }
0xdb: {  	[tilespmem:v8+s23+$0x0] =	vst.idx.add.s32.msk $0xffff, v3  }
0xdc: {  	[tilespmem:v6+s23+$0x0] =	vst.idx.add.s32.msk $0xffff, v3  }
0xdd: {  	_ =	sdelay $0x3  }
0xde: {  	[tilespmem:v5+s23+$0x0] =	vst.idx.add.s32.msk $0xffff, v3  }
0xdf: {  	[tilespmem:v4+s23+$0x0] =	vst.idx.add.s32.msk $0xffff, v3  }
0xe0: {  	[tilespmem:s2], [sflag:$0x1] =	stream.linear.gather [hbm4b:s5+s2], $0x8000, $0x38;
	[tilespmem:$0x10880] =	vst v63  }
0xe1: {  	_ =	swait.ge [sflag:s24], $0x8000  }
0xe2: {  	[sflag:s24] =	ssyncset.done $0x0  }
0xe3: {  	s29 =	simm.s32 $0x8080;
	[sflag:s24] =	ssyncadd.s32 $0xFFFF8000  }
0xe4: {  	v4 =	vld [tilespmem:s29+$0xFFFFFFA0]  }
0xe5: {  	v5 =	vld [tilespmem:s29+$0xFFFFFFB0]  }
0xe6: {  	v6 =	vld [tilespmem:s29+$0xFFFFFF80]  }
0xe7: {  	v7 =	vld [tilespmem:s29+$0x70]  }
0xe8: {  	v9 =	vld [tilespmem:s29+$0x50]  }
0xe9: {  	v10 =	vld [tilespmem:s29+$0x40]  }
0xea: {  	v11 =	vld [tilespmem:s29+$0x30]  }
0xeb: {  	v12 =	vld [tilespmem:s29+$0x20];
	v6 =	vadd.f32 $8.388608000e+06, v6  }
0xec: {  	v8 =	vld [tilespmem:s29+$0x60];
	v7 =	vadd.f32 $8.388608000e+06, v7  }
0xed: {  	v13 =	vld [tilespmem:s29+$0x10];
	v6 =	vshll.u32 v6, $0x4  }
0xee: {  	v14 =	vld [tilespmem:s29+$0x0];
	v9 =	vadd.f32 $8.388608000e+06, v9;
	v7 =	vshll.u32 v7, $0x4;
	v6 =	vadd.s32 v2, v6  }
0xef: {  	v15 =	vld [tilespmem:s29+$0xFFFFFFF0];
	v10 =	vadd.f32 $8.388608000e+06, v10;
	v7 =	vadd.s32 v2, v7  }
0xf0: {  	v16 =	vld [tilespmem:s29+$0xFFFFFFE0];
	v11 =	vadd.f32 $8.388608000e+06, v11;
	v12 =	vadd.f32 $8.388608000e+06, v12;
	v9 =	vshll.u32 v9, $0x4  }
0xf1: {  	v17 =	vld [tilespmem:s29+$0xFFFFFFD0];
	v8 =	vadd.f32 $8.388608000e+06, v8;
	v10 =	vshll.u32 v10, $0x4;
	v9 =	vadd.s32 v2, v9  }
0xf2: {  	v18 =	vld [tilespmem:s29+$0xFFFFFFC0];
	v5 =	vadd.f32 $8.388608000e+06, v5;
	v11 =	vshll.u32 v11, $0x4;
	v10 =	vadd.s32 v2, v10  }
0xf3: {  	v12 =	vshll.u32 v12, $0x4;
	v11 =	vadd.s32 v2, v11;
	[tilespmem:v6+s23+$0x0] =	vst.idx.add.s32.msk $0xffff, v3;
	v6 =	vadd.f32 $8.388608000e+06, v14  }
0xf4: {  	v4 =	vadd.f32 $8.388608000e+06, v4;
	v8 =	vshll.u32 v8, $0x4;
	v12 =	vadd.s32 v2, v12;
	[tilespmem:v7+s23+$0x0] =	vst.idx.add.s32.msk $0xffff, v3  }
0xf5: {  	v14 =	vadd.f32 $8.388608000e+06, v15;
	v7 =	vadd.s32 v2, v8;
	v8 =	vld [tilespmem:s29+$0xFFFFFF90];
	v6 =	vshll.u32 v6, $0x4  }
0xf6: {  	v5 =	vshll.u32 v5, $0x4;
	v15 =	vadd.f32 $8.388608000e+06, v16;
	[tilespmem:v9+s23+$0x0] =	vst.idx.add.s32.msk $0xffff, v3;
	v6 =	vadd.s32 v2, v6  }
0xf7: {  	v5 =	vadd.s32 v2, v5;
	v16 =	vadd.f32 $8.388608000e+06, v17;
	[tilespmem:v10+s23+$0x0] =	vst.idx.add.s32.msk $0xffff, v3;
	v14 =	vshll.u32 v14, $0x4  }
0xf8: {  	v9 =	vadd.f32 $8.388608000e+06, v18;
	[tilespmem:v11+s23+$0x0] =	vst.idx.add.s32.msk $0xffff, v3;
	v15 =	vshll.u32 v15, $0x4;
	v14 =	vadd.s32 v2, v14  }
0xf9: {  	v4 =	vshll.u32 v4, $0x4;
	[tilespmem:v12+s23+$0x0] =	vst.idx.add.s32.msk $0xffff, v3;
	v10 =	vshll.u32 v16, $0x4;
	v15 =	vadd.s32 v2, v15  }
0xfa: {  	v9 =	vshll.u32 v9, $0x4;
	v10 =	vadd.s32 v2, v10;
	[tilespmem:v7+s23+$0x0] =	vst.idx.add.s32.msk $0xffff, v3;
	v7 =	vadd.f32 $8.388608000e+06, v8  }
0xfb: {  	v9 =	vadd.s32 v2, v9;
	[tilespmem:v6+s23+$0x0] =	vst.idx.add.s32.msk $0xffff, v3;
	v6 =	vadd.s32 v2, v4;
	v4 =	vadd.f32 $8.388608000e+06, v13  }
0xfc: {  	[tilespmem:v5+s23+$0x0] =	vst.idx.add.s32.msk $0xffff, v3;
	v7 =	vshll.u32 v7, $0x4  }
0xfd: {  	[tilespmem:v14+s23+$0x0] =	vst.idx.add.s32.msk $0xffff, v3;
	v5 =	vadd.s32 v2, v7;
	v4 =	vshll.u32 v4, $0x4  }
0xfe: {  	[tilespmem:v15+s23+$0x0] =	vst.idx.add.s32.msk $0xffff, v3;
	v4 =	vadd.s32 v2, v4  }
0xff: {  	[tilespmem:v10+s23+$0x0] =	vst.idx.add.s32.msk $0xffff, v3  }
0x100: {  	[tilespmem:v9+s23+$0x0] =	vst.idx.add.s32.msk $0xffff, v3  }
0x101: {  	s30 =	simm.s32 $0x0;
	[tilespmem:v6+s23+$0x0] =	vst.idx.add.s32.msk $0xffff, v3  }
.LBB2_4:
0x102: {  	s30 =	sadd.s32 $0x10, s30;
	[tilespmem:v5+s23+$0x0] =	vst.idx.add.s32.msk $0xffff, v3;
	s29 =	sadd.s32 $0x100, s29  }
0x103: {  	p0 =	slt.u32 s30, $0x7F0;
	[tilespmem:v4+s23+$0x0] =	vst.idx.add.s32.msk $0xffff, v3  }
0x104: {  	v4 =	vld [tilespmem:s29+$0xFFFFFFA0]  }
0x105: {  	v5 =	vld [tilespmem:s29+$0xFFFFFFB0]  }
0x106: {  	v6 =	vld [tilespmem:s29+$0xFFFFFF80]  }
0x107: {  	v7 =	vld [tilespmem:s29+$0x70]  }
0x108: {  	v8 =	vld [tilespmem:s29+$0x60]  }
0x109: {  	v9 =	vld [tilespmem:s29+$0x50]  }
0x10a: {  	v10 =	vld [tilespmem:s29+$0x40]  }
0x10b: {  	v6 =	vadd.f32 $8.388608000e+06, v6;
	v11 =	vld [tilespmem:s29+$0x30]  }
0x10c: {  	v12 =	vld [tilespmem:s29+$0x20];
	v7 =	vadd.f32 $8.388608000e+06, v7  }
0x10d: {  	v6 =	vshll.u32 v6, $0x4;
	v13 =	vld [tilespmem:s29+$0x10];
	v8 =	vadd.f32 $8.388608000e+06, v8  }
0x10e: {  	v6 =	vadd.s32 v2, v6;
	v14 =	vld [tilespmem:s29+$0x0];
	v9 =	vadd.f32 $8.388608000e+06, v9;
	v7 =	vshll.u32 v7, $0x4  }
0x10f: {  	v15 =	vld [tilespmem:s29+$0xFFFFFFF0];
	v10 =	vadd.f32 $8.388608000e+06, v10;
	v7 =	vadd.s32 v2, v7  }
0x110: {  	v8 =	vshll.u32 v8, $0x4;
	v16 =	vld [tilespmem:s29+$0xFFFFFFE0];
	v11 =	vadd.f32 $8.388608000e+06, v11;
	v9 =	vshll.u32 v9, $0x4  }
0x111: {  	v17 =	vld [tilespmem:s29+$0xFFFFFFD0];
	v12 =	vadd.f32 $8.388608000e+06, v12;
	v10 =	vshll.u32 v10, $0x4;
	v9 =	vadd.s32 v2, v9  }
0x112: {  	v18 =	vld [tilespmem:s29+$0xFFFFFFC0];
	v13 =	vadd.f32 $8.388608000e+06, v13;
	v11 =	vshll.u32 v11, $0x4;
	v10 =	vadd.s32 v2, v10  }
0x113: {  	[tilespmem:v6+s23+$0x0] =	vst.idx.add.s32.msk $0xffff, v3;
	v6 =	vadd.f32 $8.388608000e+06, v14;
	v12 =	vshll.u32 v12, $0x4;
	v11 =	vadd.s32 v2, v11  }
0x114: {  	v8 =	vadd.s32 v2, v8;
	v14 =	vadd.f32 $8.388608000e+06, v15;
	v12 =	vadd.s32 v2, v12;
	[tilespmem:v7+s23+$0x0] =	vst.idx.add.s32.msk $0xffff, v3  }
0x115: {  	v13 =	vshll.u32 v13, $0x4;
	v7 =	vld [tilespmem:s29+$0xFFFFFF90];
	v15 =	vadd.f32 $8.388608000e+06, v16;
	v6 =	vshll.u32 v6, $0x4  }
0x116: {  	v16 =	vadd.f32 $8.388608000e+06, v17;
	v14 =	vshll.u32 v14, $0x4;
	v6 =	vadd.s32 v2, v6;
	[tilespmem:v9+s23+$0x0] =	vst.idx.add.s32.msk $0xffff, v3  }
0x117: {  	v9 =	vadd.f32 $8.388608000e+06, v18;
	v15 =	vshll.u32 v15, $0x4;
	v14 =	vadd.s32 v2, v14;
	[tilespmem:v10+s23+$0x0] =	vst.idx.add.s32.msk $0xffff, v3  }
0x118: {  	v5 =	vadd.f32 $8.388608000e+06, v5;
	v10 =	vshll.u32 v16, $0x4;
	v15 =	vadd.s32 v2, v15;
	[tilespmem:v11+s23+$0x0] =	vst.idx.add.s32.msk $0xffff, v3  }
0x119: {  	v4 =	vadd.f32 $8.388608000e+06, v4;
	v9 =	vshll.u32 v9, $0x4;
	v10 =	vadd.s32 v2, v10;
	[tilespmem:v12+s23+$0x0] =	vst.idx.add.s32.msk $0xffff, v3  }
0x11a: {  	v5 =	vshll.u32 v5, $0x4;
	v7 =	vadd.f32 $8.388608000e+06, v7;
	v9 =	vadd.s32 v2, v9;
	[tilespmem:v8+s23+$0x0] =	vst.idx.add.s32.msk $0xffff, v3  }
0x11b: {  	v4 =	vshll.u32 v4, $0x4;
	v8 =	vadd.s32 v2, v5;
	[tilespmem:v6+s23+$0x0] =	vst.idx.add.s32.msk $0xffff, v3  }
0x11c: {  	v6 =	vadd.s32 v2, v4;
	v5 =	vshll.u32 v7, $0x4;
	[tilespmem:v14+s23+$0x0] =	vst.idx.add.s32.msk $0xffff, v3  }
.Ltmp1:
0x11d: {  	v4 =	vadd.s32 v2, v13;
	v5 =	vadd.s32 v2, v5;
	[tilespmem:v15+s23+$0x0] =	vst.idx.add.s32.msk $0xffff, v3;
	(pc) =	sbr.rel @p0 .LBB2_4-.Ltmp1, $4  }
0x11e: {  	[tilespmem:v10+s23+$0x0] =	vst.idx.add.s32.msk $0xffff, v3  }
0x11f: {  	[tilespmem:v9+s23+$0x0] =	vst.idx.add.s32.msk $0xffff, v3  }
0x120: {  	[tilespmem:v8+s23+$0x0] =	vst.idx.add.s32.msk $0xffff, v3  }
0x121: {  	[tilespmem:v6+s23+$0x0] =	vst.idx.add.s32.msk $0xffff, v3  }
0x122: {  	_ =	sdelay $0x3  }
0x123: {  	[tilespmem:v5+s23+$0x0] =	vst.idx.add.s32.msk $0xffff, v3  }
0x124: {  	[tilespmem:v4+s23+$0x0] =	vst.idx.add.s32.msk $0xffff, v3  }
0x125: {  	[tilespmem:s21], [sflag:$0x2] =	stream.linear.gather [hbm4b:s6+s2], $0x8000, $0x38;
	[tilespmem:$0x10880] =	vst v63  }
0x126: {  	_ =	swait.ge [sflag:s22], $0x8000  }
0x127: {  	[sflag:s22] =	ssyncset.done $0x0  }
0x128: {  	s29 =	simm.s32 $0x80;
	[sflag:s22] =	ssyncadd.s32 $0xFFFF8000  }
0x129: {  	v4 =	vld [tilespmem:s29+$0xFFFFFFA0]  }
0x12a: {  	v5 =	vld [tilespmem:s29+$0xFFFFFFB0]  }
0x12b: {  	v6 =	vld [tilespmem:s29+$0xFFFFFF80]  }
0x12c: {  	v7 =	vld [tilespmem:s29+$0x70]  }
0x12d: {  	v9 =	vld [tilespmem:s29+$0x50]  }
0x12e: {  	v10 =	vld [tilespmem:s29+$0x40]  }
0x12f: {  	v11 =	vld [tilespmem:s29+$0x30]  }
0x130: {  	v12 =	vld [tilespmem:s29+$0x20];
	v6 =	vadd.f32 $8.388608000e+06, v6  }
0x131: {  	v8 =	vld [tilespmem:s29+$0x60];
	v7 =	vadd.f32 $8.388608000e+06, v7  }
0x132: {  	v13 =	vld [tilespmem:s29+$0x10];
	v6 =	vshll.u32 v6, $0x4  }
0x133: {  	v14 =	vld [tilespmem:s29+$0x0];
	v9 =	vadd.f32 $8.388608000e+06, v9;
	v7 =	vshll.u32 v7, $0x4;
	v6 =	vadd.s32 v2, v6  }
0x134: {  	v15 =	vld [tilespmem:s29+$0xFFFFFFF0];
	v10 =	vadd.f32 $8.388608000e+06, v10;
	v7 =	vadd.s32 v2, v7  }
0x135: {  	v16 =	vld [tilespmem:s29+$0xFFFFFFE0];
	v11 =	vadd.f32 $8.388608000e+06, v11;
	v12 =	vadd.f32 $8.388608000e+06, v12;
	v9 =	vshll.u32 v9, $0x4  }
0x136: {  	v17 =	vld [tilespmem:s29+$0xFFFFFFD0];
	v8 =	vadd.f32 $8.388608000e+06, v8;
	v10 =	vshll.u32 v10, $0x4;
	v9 =	vadd.s32 v2, v9  }
0x137: {  	v18 =	vld [tilespmem:s29+$0xFFFFFFC0];
	v5 =	vadd.f32 $8.388608000e+06, v5;
	v11 =	vshll.u32 v11, $0x4;
	v10 =	vadd.s32 v2, v10  }
0x138: {  	v12 =	vshll.u32 v12, $0x4;
	v11 =	vadd.s32 v2, v11;
	[tilespmem:v6+s23+$0x0] =	vst.idx.add.s32.msk $0xffff, v3;
	v6 =	vadd.f32 $8.388608000e+06, v14  }
0x139: {  	v4 =	vadd.f32 $8.388608000e+06, v4;
	v8 =	vshll.u32 v8, $0x4;
	v12 =	vadd.s32 v2, v12;
	[tilespmem:v7+s23+$0x0] =	vst.idx.add.s32.msk $0xffff, v3  }
0x13a: {  	v14 =	vadd.f32 $8.388608000e+06, v15;
	v7 =	vadd.s32 v2, v8;
	v8 =	vld [tilespmem:s29+$0xFFFFFF90];
	v6 =	vshll.u32 v6, $0x4  }
0x13b: {  	v5 =	vshll.u32 v5, $0x4;
	v15 =	vadd.f32 $8.388608000e+06, v16;
	[tilespmem:v9+s23+$0x0] =	vst.idx.add.s32.msk $0xffff, v3;
	v6 =	vadd.s32 v2, v6  }
0x13c: {  	v5 =	vadd.s32 v2, v5;
	v16 =	vadd.f32 $8.388608000e+06, v17;
	[tilespmem:v10+s23+$0x0] =	vst.idx.add.s32.msk $0xffff, v3;
	v14 =	vshll.u32 v14, $0x4  }
0x13d: {  	v9 =	vadd.f32 $8.388608000e+06, v18;
	[tilespmem:v11+s23+$0x0] =	vst.idx.add.s32.msk $0xffff, v3;
	v15 =	vshll.u32 v15, $0x4;
	v14 =	vadd.s32 v2, v14  }
0x13e: {  	v4 =	vshll.u32 v4, $0x4;
	[tilespmem:v12+s23+$0x0] =	vst.idx.add.s32.msk $0xffff, v3;
	v10 =	vshll.u32 v16, $0x4;
	v15 =	vadd.s32 v2, v15  }
0x13f: {  	v9 =	vshll.u32 v9, $0x4;
	v10 =	vadd.s32 v2, v10;
	[tilespmem:v7+s23+$0x0] =	vst.idx.add.s32.msk $0xffff, v3;
	v7 =	vadd.f32 $8.388608000e+06, v8  }
0x140: {  	v9 =	vadd.s32 v2, v9;
	[tilespmem:v6+s23+$0x0] =	vst.idx.add.s32.msk $0xffff, v3;
	v6 =	vadd.s32 v2, v4;
	v4 =	vadd.f32 $8.388608000e+06, v13  }
0x141: {  	[tilespmem:v5+s23+$0x0] =	vst.idx.add.s32.msk $0xffff, v3;
	v7 =	vshll.u32 v7, $0x4  }
0x142: {  	[tilespmem:v14+s23+$0x0] =	vst.idx.add.s32.msk $0xffff, v3;
	v5 =	vadd.s32 v2, v7;
	v4 =	vshll.u32 v4, $0x4  }
0x143: {  	[tilespmem:v15+s23+$0x0] =	vst.idx.add.s32.msk $0xffff, v3;
	v4 =	vadd.s32 v2, v4  }
0x144: {  	[tilespmem:v10+s23+$0x0] =	vst.idx.add.s32.msk $0xffff, v3  }
0x145: {  	[tilespmem:v9+s23+$0x0] =	vst.idx.add.s32.msk $0xffff, v3  }
0x146: {  	s30 =	simm.s32 $0x0;
	[tilespmem:v6+s23+$0x0] =	vst.idx.add.s32.msk $0xffff, v3  }
.LBB2_6:
0x147: {  	s30 =	sadd.s32 $0x10, s30;
	[tilespmem:v5+s23+$0x0] =	vst.idx.add.s32.msk $0xffff, v3;
	s29 =	sadd.s32 $0x100, s29  }
0x148: {  	p0 =	slt.u32 s30, $0x7F0;
	[tilespmem:v4+s23+$0x0] =	vst.idx.add.s32.msk $0xffff, v3  }
0x149: {  	v4 =	vld [tilespmem:s29+$0xFFFFFFA0]  }
0x14a: {  	v5 =	vld [tilespmem:s29+$0xFFFFFFB0]  }
0x14b: {  	v6 =	vld [tilespmem:s29+$0xFFFFFF80]  }
0x14c: {  	v7 =	vld [tilespmem:s29+$0x70]  }
0x14d: {  	v8 =	vld [tilespmem:s29+$0x60]  }
0x14e: {  	v9 =	vld [tilespmem:s29+$0x50]  }
0x14f: {  	v10 =	vld [tilespmem:s29+$0x40]  }
0x150: {  	v6 =	vadd.f32 $8.388608000e+06, v6;
	v11 =	vld [tilespmem:s29+$0x30]  }
0x151: {  	v12 =	vld [tilespmem:s29+$0x20];
	v7 =	vadd.f32 $8.388608000e+06, v7  }
0x152: {  	v6 =	vshll.u32 v6, $0x4;
	v13 =	vld [tilespmem:s29+$0x10];
	v8 =	vadd.f32 $8.388608000e+06, v8  }
0x153: {  	v6 =	vadd.s32 v2, v6;
	v14 =	vld [tilespmem:s29+$0x0];
	v9 =	vadd.f32 $8.388608000e+06, v9;
	v7 =	vshll.u32 v7, $0x4  }
0x154: {  	v15 =	vld [tilespmem:s29+$0xFFFFFFF0];
	v10 =	vadd.f32 $8.388608000e+06, v10;
	v7 =	vadd.s32 v2, v7  }
0x155: {  	v8 =	vshll.u32 v8, $0x4;
	v16 =	vld [tilespmem:s29+$0xFFFFFFE0];
	v11 =	vadd.f32 $8.388608000e+06, v11;
	v9 =	vshll.u32 v9, $0x4  }
0x156: {  	v17 =	vld [tilespmem:s29+$0xFFFFFFD0];
	v12 =	vadd.f32 $8.388608000e+06, v12;
	v10 =	vshll.u32 v10, $0x4;
	v9 =	vadd.s32 v2, v9  }
0x157: {  	v18 =	vld [tilespmem:s29+$0xFFFFFFC0];
	v13 =	vadd.f32 $8.388608000e+06, v13;
	v11 =	vshll.u32 v11, $0x4;
	v10 =	vadd.s32 v2, v10  }
0x158: {  	[tilespmem:v6+s23+$0x0] =	vst.idx.add.s32.msk $0xffff, v3;
	v6 =	vadd.f32 $8.388608000e+06, v14;
	v12 =	vshll.u32 v12, $0x4;
	v11 =	vadd.s32 v2, v11  }
0x159: {  	v8 =	vadd.s32 v2, v8;
	v14 =	vadd.f32 $8.388608000e+06, v15;
	v12 =	vadd.s32 v2, v12;
	[tilespmem:v7+s23+$0x0] =	vst.idx.add.s32.msk $0xffff, v3  }
0x15a: {  	v13 =	vshll.u32 v13, $0x4;
	v7 =	vld [tilespmem:s29+$0xFFFFFF90];
	v15 =	vadd.f32 $8.388608000e+06, v16;
	v6 =	vshll.u32 v6, $0x4  }
0x15b: {  	v16 =	vadd.f32 $8.388608000e+06, v17;
	v14 =	vshll.u32 v14, $0x4;
	v6 =	vadd.s32 v2, v6;
	[tilespmem:v9+s23+$0x0] =	vst.idx.add.s32.msk $0xffff, v3  }
0x15c: {  	v9 =	vadd.f32 $8.388608000e+06, v18;
	v15 =	vshll.u32 v15, $0x4;
	v14 =	vadd.s32 v2, v14;
	[tilespmem:v10+s23+$0x0] =	vst.idx.add.s32.msk $0xffff, v3  }
0x15d: {  	v5 =	vadd.f32 $8.388608000e+06, v5;
	v10 =	vshll.u32 v16, $0x4;
	v15 =	vadd.s32 v2, v15;
	[tilespmem:v11+s23+$0x0] =	vst.idx.add.s32.msk $0xffff, v3  }
0x15e: {  	v4 =	vadd.f32 $8.388608000e+06, v4;
	v9 =	vshll.u32 v9, $0x4;
	v10 =	vadd.s32 v2, v10;
	[tilespmem:v12+s23+$0x0] =	vst.idx.add.s32.msk $0xffff, v3  }
0x15f: {  	v5 =	vshll.u32 v5, $0x4;
	v7 =	vadd.f32 $8.388608000e+06, v7;
	v9 =	vadd.s32 v2, v9;
	[tilespmem:v8+s23+$0x0] =	vst.idx.add.s32.msk $0xffff, v3  }
0x160: {  	v4 =	vshll.u32 v4, $0x4;
	v8 =	vadd.s32 v2, v5;
	[tilespmem:v6+s23+$0x0] =	vst.idx.add.s32.msk $0xffff, v3  }
0x161: {  	v6 =	vadd.s32 v2, v4;
	v5 =	vshll.u32 v7, $0x4;
	[tilespmem:v14+s23+$0x0] =	vst.idx.add.s32.msk $0xffff, v3  }
.Ltmp2:
0x162: {  	v4 =	vadd.s32 v2, v13;
	v5 =	vadd.s32 v2, v5;
	[tilespmem:v15+s23+$0x0] =	vst.idx.add.s32.msk $0xffff, v3;
	(pc) =	sbr.rel @p0 .LBB2_6-.Ltmp2, $4  }
0x163: {  	[tilespmem:v10+s23+$0x0] =	vst.idx.add.s32.msk $0xffff, v3  }
0x164: {  	[tilespmem:v9+s23+$0x0] =	vst.idx.add.s32.msk $0xffff, v3  }
0x165: {  	[tilespmem:v8+s23+$0x0] =	vst.idx.add.s32.msk $0xffff, v3  }
0x166: {  	[tilespmem:v6+s23+$0x0] =	vst.idx.add.s32.msk $0xffff, v3  }
0x167: {  	_ =	sdelay $0x3  }
0x168: {  	[tilespmem:v5+s23+$0x0] =	vst.idx.add.s32.msk $0xffff, v3  }
0x169: {  	[tilespmem:v4+s23+$0x0] =	vst.idx.add.s32.msk $0xffff, v3  }
0x16a: {  	[tilespmem:s2], [sflag:$0x1] =	stream.linear.gather [hbm4b:s7+s2], $0x8000, $0x38;
	[tilespmem:$0x10880] =	vst v63  }
0x16b: {  	_ =	swait.ge [sflag:s24], $0x8000  }
0x16c: {  	[sflag:s24] =	ssyncset.done $0x0  }
0x16d: {  	s29 =	simm.s32 $0x8080;
	[sflag:s24] =	ssyncadd.s32 $0xFFFF8000  }
0x16e: {  	v4 =	vld [tilespmem:s29+$0xFFFFFFA0]  }
0x16f: {  	v5 =	vld [tilespmem:s29+$0xFFFFFFB0]  }
0x170: {  	v6 =	vld [tilespmem:s29+$0xFFFFFF80]  }
0x171: {  	v7 =	vld [tilespmem:s29+$0x70]  }
0x172: {  	v9 =	vld [tilespmem:s29+$0x50]  }
0x173: {  	v10 =	vld [tilespmem:s29+$0x40]  }
0x174: {  	v11 =	vld [tilespmem:s29+$0x30]  }
0x175: {  	v12 =	vld [tilespmem:s29+$0x20];
	v6 =	vadd.f32 $8.388608000e+06, v6  }
0x176: {  	v8 =	vld [tilespmem:s29+$0x60];
	v7 =	vadd.f32 $8.388608000e+06, v7  }
0x177: {  	v13 =	vld [tilespmem:s29+$0x10];
	v6 =	vshll.u32 v6, $0x4  }
0x178: {  	v14 =	vld [tilespmem:s29+$0x0];
	v9 =	vadd.f32 $8.388608000e+06, v9;
	v7 =	vshll.u32 v7, $0x4;
	v6 =	vadd.s32 v2, v6  }
0x179: {  	v15 =	vld [tilespmem:s29+$0xFFFFFFF0];
	v10 =	vadd.f32 $8.388608000e+06, v10;
	v7 =	vadd.s32 v2, v7  }
0x17a: {  	v16 =	vld [tilespmem:s29+$0xFFFFFFE0];
	v11 =	vadd.f32 $8.388608000e+06, v11;
	v12 =	vadd.f32 $8.388608000e+06, v12;
	v9 =	vshll.u32 v9, $0x4  }
0x17b: {  	v17 =	vld [tilespmem:s29+$0xFFFFFFD0];
	v8 =	vadd.f32 $8.388608000e+06, v8;
	v10 =	vshll.u32 v10, $0x4;
	v9 =	vadd.s32 v2, v9  }
0x17c: {  	v18 =	vld [tilespmem:s29+$0xFFFFFFC0];
	v5 =	vadd.f32 $8.388608000e+06, v5;
	v11 =	vshll.u32 v11, $0x4;
	v10 =	vadd.s32 v2, v10  }
0x17d: {  	v12 =	vshll.u32 v12, $0x4;
	v11 =	vadd.s32 v2, v11;
	[tilespmem:v6+s23+$0x0] =	vst.idx.add.s32.msk $0xffff, v3;
	v6 =	vadd.f32 $8.388608000e+06, v14  }
0x17e: {  	v4 =	vadd.f32 $8.388608000e+06, v4;
	v8 =	vshll.u32 v8, $0x4;
	v12 =	vadd.s32 v2, v12;
	[tilespmem:v7+s23+$0x0] =	vst.idx.add.s32.msk $0xffff, v3  }
0x17f: {  	v14 =	vadd.f32 $8.388608000e+06, v15;
	v7 =	vadd.s32 v2, v8;
	v8 =	vld [tilespmem:s29+$0xFFFFFF90];
	v6 =	vshll.u32 v6, $0x4  }
0x180: {  	v5 =	vshll.u32 v5, $0x4;
	v15 =	vadd.f32 $8.388608000e+06, v16;
	[tilespmem:v9+s23+$0x0] =	vst.idx.add.s32.msk $0xffff, v3;
	v6 =	vadd.s32 v2, v6  }
0x181: {  	v5 =	vadd.s32 v2, v5;
	v16 =	vadd.f32 $8.388608000e+06, v17;
	[tilespmem:v10+s23+$0x0] =	vst.idx.add.s32.msk $0xffff, v3;
	v14 =	vshll.u32 v14, $0x4  }
0x182: {  	v9 =	vadd.f32 $8.388608000e+06, v18;
	[tilespmem:v11+s23+$0x0] =	vst.idx.add.s32.msk $0xffff, v3;
	v15 =	vshll.u32 v15, $0x4;
	v14 =	vadd.s32 v2, v14  }
0x183: {  	v4 =	vshll.u32 v4, $0x4;
	[tilespmem:v12+s23+$0x0] =	vst.idx.add.s32.msk $0xffff, v3;
	v10 =	vshll.u32 v16, $0x4;
	v15 =	vadd.s32 v2, v15  }
0x184: {  	v9 =	vshll.u32 v9, $0x4;
	v10 =	vadd.s32 v2, v10;
	[tilespmem:v7+s23+$0x0] =	vst.idx.add.s32.msk $0xffff, v3;
	v7 =	vadd.f32 $8.388608000e+06, v8  }
0x185: {  	v9 =	vadd.s32 v2, v9;
	[tilespmem:v6+s23+$0x0] =	vst.idx.add.s32.msk $0xffff, v3;
	v6 =	vadd.s32 v2, v4;
	v4 =	vadd.f32 $8.388608000e+06, v13  }
0x186: {  	[tilespmem:v5+s23+$0x0] =	vst.idx.add.s32.msk $0xffff, v3;
	v7 =	vshll.u32 v7, $0x4  }
0x187: {  	[tilespmem:v14+s23+$0x0] =	vst.idx.add.s32.msk $0xffff, v3;
	v5 =	vadd.s32 v2, v7;
	v4 =	vshll.u32 v4, $0x4  }
0x188: {  	[tilespmem:v15+s23+$0x0] =	vst.idx.add.s32.msk $0xffff, v3;
	v4 =	vadd.s32 v2, v4  }
0x189: {  	[tilespmem:v10+s23+$0x0] =	vst.idx.add.s32.msk $0xffff, v3  }
0x18a: {  	[tilespmem:v9+s23+$0x0] =	vst.idx.add.s32.msk $0xffff, v3  }
0x18b: {  	s30 =	simm.s32 $0x0;
	[tilespmem:v6+s23+$0x0] =	vst.idx.add.s32.msk $0xffff, v3  }
.LBB2_8:
0x18c: {  	s30 =	sadd.s32 $0x10, s30;
	[tilespmem:v5+s23+$0x0] =	vst.idx.add.s32.msk $0xffff, v3;
	s29 =	sadd.s32 $0x100, s29  }
0x18d: {  	p0 =	slt.u32 s30, $0x7F0;
	[tilespmem:v4+s23+$0x0] =	vst.idx.add.s32.msk $0xffff, v3  }
0x18e: {  	v4 =	vld [tilespmem:s29+$0xFFFFFFA0]  }
0x18f: {  	v5 =	vld [tilespmem:s29+$0xFFFFFFB0]  }
0x190: {  	v6 =	vld [tilespmem:s29+$0xFFFFFF80]  }
0x191: {  	v7 =	vld [tilespmem:s29+$0x70]  }
0x192: {  	v8 =	vld [tilespmem:s29+$0x60]  }
0x193: {  	v9 =	vld [tilespmem:s29+$0x50]  }
0x194: {  	v10 =	vld [tilespmem:s29+$0x40]  }
0x195: {  	v6 =	vadd.f32 $8.388608000e+06, v6;
	v11 =	vld [tilespmem:s29+$0x30]  }
0x196: {  	v12 =	vld [tilespmem:s29+$0x20];
	v7 =	vadd.f32 $8.388608000e+06, v7  }
0x197: {  	v6 =	vshll.u32 v6, $0x4;
	v13 =	vld [tilespmem:s29+$0x10];
	v8 =	vadd.f32 $8.388608000e+06, v8  }
0x198: {  	v6 =	vadd.s32 v2, v6;
	v14 =	vld [tilespmem:s29+$0x0];
	v9 =	vadd.f32 $8.388608000e+06, v9;
	v7 =	vshll.u32 v7, $0x4  }
0x199: {  	v15 =	vld [tilespmem:s29+$0xFFFFFFF0];
	v10 =	vadd.f32 $8.388608000e+06, v10;
	v7 =	vadd.s32 v2, v7  }
0x19a: {  	v8 =	vshll.u32 v8, $0x4;
	v16 =	vld [tilespmem:s29+$0xFFFFFFE0];
	v11 =	vadd.f32 $8.388608000e+06, v11;
	v9 =	vshll.u32 v9, $0x4  }
0x19b: {  	v17 =	vld [tilespmem:s29+$0xFFFFFFD0];
	v12 =	vadd.f32 $8.388608000e+06, v12;
	v10 =	vshll.u32 v10, $0x4;
	v9 =	vadd.s32 v2, v9  }
0x19c: {  	v18 =	vld [tilespmem:s29+$0xFFFFFFC0];
	v13 =	vadd.f32 $8.388608000e+06, v13;
	v11 =	vshll.u32 v11, $0x4;
	v10 =	vadd.s32 v2, v10  }
0x19d: {  	[tilespmem:v6+s23+$0x0] =	vst.idx.add.s32.msk $0xffff, v3;
	v6 =	vadd.f32 $8.388608000e+06, v14;
	v12 =	vshll.u32 v12, $0x4;
	v11 =	vadd.s32 v2, v11  }
0x19e: {  	v8 =	vadd.s32 v2, v8;
	v14 =	vadd.f32 $8.388608000e+06, v15;
	v12 =	vadd.s32 v2, v12;
	[tilespmem:v7+s23+$0x0] =	vst.idx.add.s32.msk $0xffff, v3  }
0x19f: {  	v13 =	vshll.u32 v13, $0x4;
	v7 =	vld [tilespmem:s29+$0xFFFFFF90];
	v15 =	vadd.f32 $8.388608000e+06, v16;
	v6 =	vshll.u32 v6, $0x4  }
0x1a0: {  	v16 =	vadd.f32 $8.388608000e+06, v17;
	v14 =	vshll.u32 v14, $0x4;
	v6 =	vadd.s32 v2, v6;
	[tilespmem:v9+s23+$0x0] =	vst.idx.add.s32.msk $0xffff, v3  }
0x1a1: {  	v9 =	vadd.f32 $8.388608000e+06, v18;
	v15 =	vshll.u32 v15, $0x4;
	v14 =	vadd.s32 v2, v14;
	[tilespmem:v10+s23+$0x0] =	vst.idx.add.s32.msk $0xffff, v3  }
0x1a2: {  	v5 =	vadd.f32 $8.388608000e+06, v5;
	v10 =	vshll.u32 v16, $0x4;
	v15 =	vadd.s32 v2, v15;
	[tilespmem:v11+s23+$0x0] =	vst.idx.add.s32.msk $0xffff, v3  }
0x1a3: {  	v4 =	vadd.f32 $8.388608000e+06, v4;
	v9 =	vshll.u32 v9, $0x4;
	v10 =	vadd.s32 v2, v10;
	[tilespmem:v12+s23+$0x0] =	vst.idx.add.s32.msk $0xffff, v3  }
0x1a4: {  	v5 =	vshll.u32 v5, $0x4;
	v7 =	vadd.f32 $8.388608000e+06, v7;
	v9 =	vadd.s32 v2, v9;
	[tilespmem:v8+s23+$0x0] =	vst.idx.add.s32.msk $0xffff, v3  }
0x1a5: {  	v4 =	vshll.u32 v4, $0x4;
	v8 =	vadd.s32 v2, v5;
	[tilespmem:v6+s23+$0x0] =	vst.idx.add.s32.msk $0xffff, v3  }
0x1a6: {  	v6 =	vadd.s32 v2, v4;
	v5 =	vshll.u32 v7, $0x4;
	[tilespmem:v14+s23+$0x0] =	vst.idx.add.s32.msk $0xffff, v3  }
.Ltmp3:
0x1a7: {  	v4 =	vadd.s32 v2, v13;
	v5 =	vadd.s32 v2, v5;
	[tilespmem:v15+s23+$0x0] =	vst.idx.add.s32.msk $0xffff, v3;
	(pc) =	sbr.rel @p0 .LBB2_8-.Ltmp3, $4  }
0x1a8: {  	[tilespmem:v10+s23+$0x0] =	vst.idx.add.s32.msk $0xffff, v3  }
0x1a9: {  	[tilespmem:v9+s23+$0x0] =	vst.idx.add.s32.msk $0xffff, v3  }
0x1aa: {  	[tilespmem:v8+s23+$0x0] =	vst.idx.add.s32.msk $0xffff, v3  }
0x1ab: {  	[tilespmem:v6+s23+$0x0] =	vst.idx.add.s32.msk $0xffff, v3  }
0x1ac: {  	_ =	sdelay $0x3  }
0x1ad: {  	[tilespmem:v5+s23+$0x0] =	vst.idx.add.s32.msk $0xffff, v3  }
0x1ae: {  	[tilespmem:v4+s23+$0x0] =	vst.idx.add.s32.msk $0xffff, v3  }
0x1af: {  	[tilespmem:s21], [sflag:$0x2] =	stream.linear.gather [hbm4b:s8+s2], $0x8000, $0x38;
	[tilespmem:$0x10880] =	vst v63  }
0x1b0: {  	_ =	swait.ge [sflag:s22], $0x8000  }
0x1b1: {  	[sflag:s22] =	ssyncset.done $0x0  }
0x1b2: {  	s29 =	simm.s32 $0x80;
	[sflag:s22] =	ssyncadd.s32 $0xFFFF8000  }
0x1b3: {  	v4 =	vld [tilespmem:s29+$0xFFFFFFA0]  }
0x1b4: {  	v5 =	vld [tilespmem:s29+$0xFFFFFFB0]  }
0x1b5: {  	v6 =	vld [tilespmem:s29+$0xFFFFFF80]  }
0x1b6: {  	v7 =	vld [tilespmem:s29+$0x70]  }
0x1b7: {  	v9 =	vld [tilespmem:s29+$0x50]  }
0x1b8: {  	v10 =	vld [tilespmem:s29+$0x40]  }
0x1b9: {  	v11 =	vld [tilespmem:s29+$0x30]  }
0x1ba: {  	v12 =	vld [tilespmem:s29+$0x20];
	v6 =	vadd.f32 $8.388608000e+06, v6  }
0x1bb: {  	v8 =	vld [tilespmem:s29+$0x60];
	v7 =	vadd.f32 $8.388608000e+06, v7  }
0x1bc: {  	v13 =	vld [tilespmem:s29+$0x10];
	v6 =	vshll.u32 v6, $0x4  }
0x1bd: {  	v14 =	vld [tilespmem:s29+$0x0];
	v9 =	vadd.f32 $8.388608000e+06, v9;
	v7 =	vshll.u32 v7, $0x4;
	v6 =	vadd.s32 v2, v6  }
0x1be: {  	v15 =	vld [tilespmem:s29+$0xFFFFFFF0];
	v10 =	vadd.f32 $8.388608000e+06, v10;
	v7 =	vadd.s32 v2, v7  }
0x1bf: {  	v16 =	vld [tilespmem:s29+$0xFFFFFFE0];
	v11 =	vadd.f32 $8.388608000e+06, v11;
	v12 =	vadd.f32 $8.388608000e+06, v12;
	v9 =	vshll.u32 v9, $0x4  }
0x1c0: {  	v17 =	vld [tilespmem:s29+$0xFFFFFFD0];
	v8 =	vadd.f32 $8.388608000e+06, v8;
	v10 =	vshll.u32 v10, $0x4;
	v9 =	vadd.s32 v2, v9  }
0x1c1: {  	v18 =	vld [tilespmem:s29+$0xFFFFFFC0];
	v5 =	vadd.f32 $8.388608000e+06, v5;
	v11 =	vshll.u32 v11, $0x4;
	v10 =	vadd.s32 v2, v10  }
0x1c2: {  	v12 =	vshll.u32 v12, $0x4;
	v11 =	vadd.s32 v2, v11;
	[tilespmem:v6+s23+$0x0] =	vst.idx.add.s32.msk $0xffff, v3;
	v6 =	vadd.f32 $8.388608000e+06, v14  }
0x1c3: {  	v4 =	vadd.f32 $8.388608000e+06, v4;
	v8 =	vshll.u32 v8, $0x4;
	v12 =	vadd.s32 v2, v12;
	[tilespmem:v7+s23+$0x0] =	vst.idx.add.s32.msk $0xffff, v3  }
0x1c4: {  	v14 =	vadd.f32 $8.388608000e+06, v15;
	v7 =	vadd.s32 v2, v8;
	v8 =	vld [tilespmem:s29+$0xFFFFFF90];
	v6 =	vshll.u32 v6, $0x4  }
0x1c5: {  	v5 =	vshll.u32 v5, $0x4;
	v15 =	vadd.f32 $8.388608000e+06, v16;
	[tilespmem:v9+s23+$0x0] =	vst.idx.add.s32.msk $0xffff, v3;
	v6 =	vadd.s32 v2, v6  }
0x1c6: {  	v5 =	vadd.s32 v2, v5;
	v16 =	vadd.f32 $8.388608000e+06, v17;
	[tilespmem:v10+s23+$0x0] =	vst.idx.add.s32.msk $0xffff, v3;
	v14 =	vshll.u32 v14, $0x4  }
0x1c7: {  	v9 =	vadd.f32 $8.388608000e+06, v18;
	[tilespmem:v11+s23+$0x0] =	vst.idx.add.s32.msk $0xffff, v3;
	v15 =	vshll.u32 v15, $0x4;
	v14 =	vadd.s32 v2, v14  }
0x1c8: {  	v4 =	vshll.u32 v4, $0x4;
	[tilespmem:v12+s23+$0x0] =	vst.idx.add.s32.msk $0xffff, v3;
	v10 =	vshll.u32 v16, $0x4;
	v15 =	vadd.s32 v2, v15  }
0x1c9: {  	v9 =	vshll.u32 v9, $0x4;
	v10 =	vadd.s32 v2, v10;
	[tilespmem:v7+s23+$0x0] =	vst.idx.add.s32.msk $0xffff, v3;
	v7 =	vadd.f32 $8.388608000e+06, v8  }
0x1ca: {  	v9 =	vadd.s32 v2, v9;
	[tilespmem:v6+s23+$0x0] =	vst.idx.add.s32.msk $0xffff, v3;
	v6 =	vadd.s32 v2, v4;
	v4 =	vadd.f32 $8.388608000e+06, v13  }
0x1cb: {  	[tilespmem:v5+s23+$0x0] =	vst.idx.add.s32.msk $0xffff, v3;
	v7 =	vshll.u32 v7, $0x4  }
0x1cc: {  	[tilespmem:v14+s23+$0x0] =	vst.idx.add.s32.msk $0xffff, v3;
	v5 =	vadd.s32 v2, v7;
	v4 =	vshll.u32 v4, $0x4  }
0x1cd: {  	[tilespmem:v15+s23+$0x0] =	vst.idx.add.s32.msk $0xffff, v3;
	v4 =	vadd.s32 v2, v4  }
0x1ce: {  	[tilespmem:v10+s23+$0x0] =	vst.idx.add.s32.msk $0xffff, v3  }
0x1cf: {  	[tilespmem:v9+s23+$0x0] =	vst.idx.add.s32.msk $0xffff, v3  }
0x1d0: {  	s30 =	simm.s32 $0x0;
	[tilespmem:v6+s23+$0x0] =	vst.idx.add.s32.msk $0xffff, v3  }
.LBB2_10:
0x1d1: {  	s30 =	sadd.s32 $0x10, s30;
	[tilespmem:v5+s23+$0x0] =	vst.idx.add.s32.msk $0xffff, v3;
	s29 =	sadd.s32 $0x100, s29  }
0x1d2: {  	p0 =	slt.u32 s30, $0x7F0;
	[tilespmem:v4+s23+$0x0] =	vst.idx.add.s32.msk $0xffff, v3  }
0x1d3: {  	v4 =	vld [tilespmem:s29+$0xFFFFFFA0]  }
0x1d4: {  	v5 =	vld [tilespmem:s29+$0xFFFFFFB0]  }
0x1d5: {  	v6 =	vld [tilespmem:s29+$0xFFFFFF80]  }
0x1d6: {  	v7 =	vld [tilespmem:s29+$0x70]  }
0x1d7: {  	v8 =	vld [tilespmem:s29+$0x60]  }
0x1d8: {  	v9 =	vld [tilespmem:s29+$0x50]  }
0x1d9: {  	v10 =	vld [tilespmem:s29+$0x40]  }
0x1da: {  	v6 =	vadd.f32 $8.388608000e+06, v6;
	v11 =	vld [tilespmem:s29+$0x30]  }
0x1db: {  	v12 =	vld [tilespmem:s29+$0x20];
	v7 =	vadd.f32 $8.388608000e+06, v7  }
0x1dc: {  	v6 =	vshll.u32 v6, $0x4;
	v13 =	vld [tilespmem:s29+$0x10];
	v8 =	vadd.f32 $8.388608000e+06, v8  }
0x1dd: {  	v6 =	vadd.s32 v2, v6;
	v14 =	vld [tilespmem:s29+$0x0];
	v9 =	vadd.f32 $8.388608000e+06, v9;
	v7 =	vshll.u32 v7, $0x4  }
0x1de: {  	v15 =	vld [tilespmem:s29+$0xFFFFFFF0];
	v10 =	vadd.f32 $8.388608000e+06, v10;
	v7 =	vadd.s32 v2, v7  }
0x1df: {  	v8 =	vshll.u32 v8, $0x4;
	v16 =	vld [tilespmem:s29+$0xFFFFFFE0];
	v11 =	vadd.f32 $8.388608000e+06, v11;
	v9 =	vshll.u32 v9, $0x4  }
0x1e0: {  	v17 =	vld [tilespmem:s29+$0xFFFFFFD0];
	v12 =	vadd.f32 $8.388608000e+06, v12;
	v10 =	vshll.u32 v10, $0x4;
	v9 =	vadd.s32 v2, v9  }
0x1e1: {  	v18 =	vld [tilespmem:s29+$0xFFFFFFC0];
	v13 =	vadd.f32 $8.388608000e+06, v13;
	v11 =	vshll.u32 v11, $0x4;
	v10 =	vadd.s32 v2, v10  }
0x1e2: {  	[tilespmem:v6+s23+$0x0] =	vst.idx.add.s32.msk $0xffff, v3;
	v6 =	vadd.f32 $8.388608000e+06, v14;
	v12 =	vshll.u32 v12, $0x4;
	v11 =	vadd.s32 v2, v11  }
0x1e3: {  	v8 =	vadd.s32 v2, v8;
	v14 =	vadd.f32 $8.388608000e+06, v15;
	v12 =	vadd.s32 v2, v12;
	[tilespmem:v7+s23+$0x0] =	vst.idx.add.s32.msk $0xffff, v3  }
0x1e4: {  	v13 =	vshll.u32 v13, $0x4;
	v7 =	vld [tilespmem:s29+$0xFFFFFF90];
	v15 =	vadd.f32 $8.388608000e+06, v16;
	v6 =	vshll.u32 v6, $0x4  }
0x1e5: {  	v16 =	vadd.f32 $8.388608000e+06, v17;
	v14 =	vshll.u32 v14, $0x4;
	v6 =	vadd.s32 v2, v6;
	[tilespmem:v9+s23+$0x0] =	vst.idx.add.s32.msk $0xffff, v3  }
0x1e6: {  	v9 =	vadd.f32 $8.388608000e+06, v18;
	v15 =	vshll.u32 v15, $0x4;
	v14 =	vadd.s32 v2, v14;
	[tilespmem:v10+s23+$0x0] =	vst.idx.add.s32.msk $0xffff, v3  }
0x1e7: {  	v5 =	vadd.f32 $8.388608000e+06, v5;
	v10 =	vshll.u32 v16, $0x4;
	v15 =	vadd.s32 v2, v15;
	[tilespmem:v11+s23+$0x0] =	vst.idx.add.s32.msk $0xffff, v3  }
0x1e8: {  	v4 =	vadd.f32 $8.388608000e+06, v4;
	v9 =	vshll.u32 v9, $0x4;
	v10 =	vadd.s32 v2, v10;
	[tilespmem:v12+s23+$0x0] =	vst.idx.add.s32.msk $0xffff, v3  }
0x1e9: {  	v5 =	vshll.u32 v5, $0x4;
	v7 =	vadd.f32 $8.388608000e+06, v7;
	v9 =	vadd.s32 v2, v9;
	[tilespmem:v8+s23+$0x0] =	vst.idx.add.s32.msk $0xffff, v3  }
0x1ea: {  	v4 =	vshll.u32 v4, $0x4;
	v8 =	vadd.s32 v2, v5;
	[tilespmem:v6+s23+$0x0] =	vst.idx.add.s32.msk $0xffff, v3  }
0x1eb: {  	v6 =	vadd.s32 v2, v4;
	v5 =	vshll.u32 v7, $0x4;
	[tilespmem:v14+s23+$0x0] =	vst.idx.add.s32.msk $0xffff, v3  }
.Ltmp4:
0x1ec: {  	v4 =	vadd.s32 v2, v13;
	v5 =	vadd.s32 v2, v5;
	[tilespmem:v15+s23+$0x0] =	vst.idx.add.s32.msk $0xffff, v3;
	(pc) =	sbr.rel @p0 .LBB2_10-.Ltmp4, $4  }
0x1ed: {  	[tilespmem:v10+s23+$0x0] =	vst.idx.add.s32.msk $0xffff, v3  }
0x1ee: {  	[tilespmem:v9+s23+$0x0] =	vst.idx.add.s32.msk $0xffff, v3  }
0x1ef: {  	[tilespmem:v8+s23+$0x0] =	vst.idx.add.s32.msk $0xffff, v3  }
0x1f0: {  	[tilespmem:v6+s23+$0x0] =	vst.idx.add.s32.msk $0xffff, v3  }
0x1f1: {  	_ =	sdelay $0x3  }
0x1f2: {  	[tilespmem:v5+s23+$0x0] =	vst.idx.add.s32.msk $0xffff, v3  }
0x1f3: {  	[tilespmem:v4+s23+$0x0] =	vst.idx.add.s32.msk $0xffff, v3  }
0x1f4: {  	[tilespmem:s2], [sflag:$0x1] =	stream.linear.gather [hbm4b:s9+s2], $0x8000, $0x38;
	[tilespmem:$0x10880] =	vst v63  }
0x1f5: {  	_ =	swait.ge [sflag:s24], $0x8000  }
0x1f6: {  	[sflag:s24] =	ssyncset.done $0x0  }
0x1f7: {  	s29 =	simm.s32 $0x8080;
	[sflag:s24] =	ssyncadd.s32 $0xFFFF8000  }
0x1f8: {  	v4 =	vld [tilespmem:s29+$0xFFFFFFA0]  }
0x1f9: {  	v5 =	vld [tilespmem:s29+$0xFFFFFFB0]  }
0x1fa: {  	v6 =	vld [tilespmem:s29+$0xFFFFFF80]  }
0x1fb: {  	v7 =	vld [tilespmem:s29+$0x70]  }
0x1fc: {  	v9 =	vld [tilespmem:s29+$0x50]  }
0x1fd: {  	v10 =	vld [tilespmem:s29+$0x40]  }
0x1fe: {  	v11 =	vld [tilespmem:s29+$0x30]  }
0x1ff: {  	v12 =	vld [tilespmem:s29+$0x20];
	v6 =	vadd.f32 $8.388608000e+06, v6  }
0x200: {  	v8 =	vld [tilespmem:s29+$0x60];
	v7 =	vadd.f32 $8.388608000e+06, v7  }
0x201: {  	v13 =	vld [tilespmem:s29+$0x10];
	v6 =	vshll.u32 v6, $0x4  }
0x202: {  	v14 =	vld [tilespmem:s29+$0x0];
	v9 =	vadd.f32 $8.388608000e+06, v9;
	v7 =	vshll.u32 v7, $0x4;
	v6 =	vadd.s32 v2, v6  }
0x203: {  	v15 =	vld [tilespmem:s29+$0xFFFFFFF0];
	v10 =	vadd.f32 $8.388608000e+06, v10;
	v7 =	vadd.s32 v2, v7  }
0x204: {  	v16 =	vld [tilespmem:s29+$0xFFFFFFE0];
	v11 =	vadd.f32 $8.388608000e+06, v11;
	v12 =	vadd.f32 $8.388608000e+06, v12;
	v9 =	vshll.u32 v9, $0x4  }
0x205: {  	v17 =	vld [tilespmem:s29+$0xFFFFFFD0];
	v8 =	vadd.f32 $8.388608000e+06, v8;
	v10 =	vshll.u32 v10, $0x4;
	v9 =	vadd.s32 v2, v9  }
0x206: {  	v18 =	vld [tilespmem:s29+$0xFFFFFFC0];
	v5 =	vadd.f32 $8.388608000e+06, v5;
	v11 =	vshll.u32 v11, $0x4;
	v10 =	vadd.s32 v2, v10  }
0x207: {  	v12 =	vshll.u32 v12, $0x4;
	v11 =	vadd.s32 v2, v11;
	[tilespmem:v6+s23+$0x0] =	vst.idx.add.s32.msk $0xffff, v3;
	v6 =	vadd.f32 $8.388608000e+06, v14  }
0x208: {  	v4 =	vadd.f32 $8.388608000e+06, v4;
	v8 =	vshll.u32 v8, $0x4;
	v12 =	vadd.s32 v2, v12;
	[tilespmem:v7+s23+$0x0] =	vst.idx.add.s32.msk $0xffff, v3  }
0x209: {  	v14 =	vadd.f32 $8.388608000e+06, v15;
	v7 =	vadd.s32 v2, v8;
	v8 =	vld [tilespmem:s29+$0xFFFFFF90];
	v6 =	vshll.u32 v6, $0x4  }
0x20a: {  	v5 =	vshll.u32 v5, $0x4;
	v15 =	vadd.f32 $8.388608000e+06, v16;
	[tilespmem:v9+s23+$0x0] =	vst.idx.add.s32.msk $0xffff, v3;
	v6 =	vadd.s32 v2, v6  }
0x20b: {  	v5 =	vadd.s32 v2, v5;
	v16 =	vadd.f32 $8.388608000e+06, v17;
	[tilespmem:v10+s23+$0x0] =	vst.idx.add.s32.msk $0xffff, v3;
	v14 =	vshll.u32 v14, $0x4  }
0x20c: {  	v9 =	vadd.f32 $8.388608000e+06, v18;
	[tilespmem:v11+s23+$0x0] =	vst.idx.add.s32.msk $0xffff, v3;
	v15 =	vshll.u32 v15, $0x4;
	v14 =	vadd.s32 v2, v14  }
0x20d: {  	v4 =	vshll.u32 v4, $0x4;
	[tilespmem:v12+s23+$0x0] =	vst.idx.add.s32.msk $0xffff, v3;
	v10 =	vshll.u32 v16, $0x4;
	v15 =	vadd.s32 v2, v15  }
0x20e: {  	v9 =	vshll.u32 v9, $0x4;
	v10 =	vadd.s32 v2, v10;
	[tilespmem:v7+s23+$0x0] =	vst.idx.add.s32.msk $0xffff, v3;
	v7 =	vadd.f32 $8.388608000e+06, v8  }
0x20f: {  	v9 =	vadd.s32 v2, v9;
	[tilespmem:v6+s23+$0x0] =	vst.idx.add.s32.msk $0xffff, v3;
	v6 =	vadd.s32 v2, v4;
	v4 =	vadd.f32 $8.388608000e+06, v13  }
0x210: {  	[tilespmem:v5+s23+$0x0] =	vst.idx.add.s32.msk $0xffff, v3;
	v7 =	vshll.u32 v7, $0x4  }
0x211: {  	[tilespmem:v14+s23+$0x0] =	vst.idx.add.s32.msk $0xffff, v3;
	v5 =	vadd.s32 v2, v7;
	v4 =	vshll.u32 v4, $0x4  }
0x212: {  	[tilespmem:v15+s23+$0x0] =	vst.idx.add.s32.msk $0xffff, v3;
	v4 =	vadd.s32 v2, v4  }
0x213: {  	[tilespmem:v10+s23+$0x0] =	vst.idx.add.s32.msk $0xffff, v3  }
0x214: {  	[tilespmem:v9+s23+$0x0] =	vst.idx.add.s32.msk $0xffff, v3  }
0x215: {  	s30 =	simm.s32 $0x0;
	[tilespmem:v6+s23+$0x0] =	vst.idx.add.s32.msk $0xffff, v3  }
.LBB2_12:
0x216: {  	s30 =	sadd.s32 $0x10, s30;
	[tilespmem:v5+s23+$0x0] =	vst.idx.add.s32.msk $0xffff, v3;
	s29 =	sadd.s32 $0x100, s29  }
0x217: {  	p0 =	slt.u32 s30, $0x7F0;
	[tilespmem:v4+s23+$0x0] =	vst.idx.add.s32.msk $0xffff, v3  }
0x218: {  	v4 =	vld [tilespmem:s29+$0xFFFFFFA0]  }
0x219: {  	v5 =	vld [tilespmem:s29+$0xFFFFFFB0]  }
0x21a: {  	v6 =	vld [tilespmem:s29+$0xFFFFFF80]  }
0x21b: {  	v7 =	vld [tilespmem:s29+$0x70]  }
0x21c: {  	v8 =	vld [tilespmem:s29+$0x60]  }
0x21d: {  	v9 =	vld [tilespmem:s29+$0x50]  }
0x21e: {  	v10 =	vld [tilespmem:s29+$0x40]  }
0x21f: {  	v6 =	vadd.f32 $8.388608000e+06, v6;
	v11 =	vld [tilespmem:s29+$0x30]  }
0x220: {  	v12 =	vld [tilespmem:s29+$0x20];
	v7 =	vadd.f32 $8.388608000e+06, v7  }
0x221: {  	v6 =	vshll.u32 v6, $0x4;
	v13 =	vld [tilespmem:s29+$0x10];
	v8 =	vadd.f32 $8.388608000e+06, v8  }
0x222: {  	v6 =	vadd.s32 v2, v6;
	v14 =	vld [tilespmem:s29+$0x0];
	v9 =	vadd.f32 $8.388608000e+06, v9;
	v7 =	vshll.u32 v7, $0x4  }
0x223: {  	v15 =	vld [tilespmem:s29+$0xFFFFFFF0];
	v10 =	vadd.f32 $8.388608000e+06, v10;
	v7 =	vadd.s32 v2, v7  }
0x224: {  	v8 =	vshll.u32 v8, $0x4;
	v16 =	vld [tilespmem:s29+$0xFFFFFFE0];
	v11 =	vadd.f32 $8.388608000e+06, v11;
	v9 =	vshll.u32 v9, $0x4  }
0x225: {  	v17 =	vld [tilespmem:s29+$0xFFFFFFD0];
	v12 =	vadd.f32 $8.388608000e+06, v12;
	v10 =	vshll.u32 v10, $0x4;
	v9 =	vadd.s32 v2, v9  }
0x226: {  	v18 =	vld [tilespmem:s29+$0xFFFFFFC0];
	v13 =	vadd.f32 $8.388608000e+06, v13;
	v11 =	vshll.u32 v11, $0x4;
	v10 =	vadd.s32 v2, v10  }
0x227: {  	[tilespmem:v6+s23+$0x0] =	vst.idx.add.s32.msk $0xffff, v3;
	v6 =	vadd.f32 $8.388608000e+06, v14;
	v12 =	vshll.u32 v12, $0x4;
	v11 =	vadd.s32 v2, v11  }
0x228: {  	v8 =	vadd.s32 v2, v8;
	v14 =	vadd.f32 $8.388608000e+06, v15;
	v12 =	vadd.s32 v2, v12;
	[tilespmem:v7+s23+$0x0] =	vst.idx.add.s32.msk $0xffff, v3  }
0x229: {  	v13 =	vshll.u32 v13, $0x4;
	v7 =	vld [tilespmem:s29+$0xFFFFFF90];
	v15 =	vadd.f32 $8.388608000e+06, v16;
	v6 =	vshll.u32 v6, $0x4  }
0x22a: {  	v16 =	vadd.f32 $8.388608000e+06, v17;
	v14 =	vshll.u32 v14, $0x4;
	v6 =	vadd.s32 v2, v6;
	[tilespmem:v9+s23+$0x0] =	vst.idx.add.s32.msk $0xffff, v3  }
0x22b: {  	v9 =	vadd.f32 $8.388608000e+06, v18;
	v15 =	vshll.u32 v15, $0x4;
	v14 =	vadd.s32 v2, v14;
	[tilespmem:v10+s23+$0x0] =	vst.idx.add.s32.msk $0xffff, v3  }
0x22c: {  	v5 =	vadd.f32 $8.388608000e+06, v5;
	v10 =	vshll.u32 v16, $0x4;
	v15 =	vadd.s32 v2, v15;
	[tilespmem:v11+s23+$0x0] =	vst.idx.add.s32.msk $0xffff, v3  }
0x22d: {  	v4 =	vadd.f32 $8.388608000e+06, v4;
	v9 =	vshll.u32 v9, $0x4;
	v10 =	vadd.s32 v2, v10;
	[tilespmem:v12+s23+$0x0] =	vst.idx.add.s32.msk $0xffff, v3  }
0x22e: {  	v5 =	vshll.u32 v5, $0x4;
	v7 =	vadd.f32 $8.388608000e+06, v7;
	v9 =	vadd.s32 v2, v9;
	[tilespmem:v8+s23+$0x0] =	vst.idx.add.s32.msk $0xffff, v3  }
0x22f: {  	v4 =	vshll.u32 v4, $0x4;
	v8 =	vadd.s32 v2, v5;
	[tilespmem:v6+s23+$0x0] =	vst.idx.add.s32.msk $0xffff, v3  }
0x230: {  	v6 =	vadd.s32 v2, v4;
	v5 =	vshll.u32 v7, $0x4;
	[tilespmem:v14+s23+$0x0] =	vst.idx.add.s32.msk $0xffff, v3  }
.Ltmp5:
0x231: {  	v4 =	vadd.s32 v2, v13;
	v5 =	vadd.s32 v2, v5;
	[tilespmem:v15+s23+$0x0] =	vst.idx.add.s32.msk $0xffff, v3;
	(pc) =	sbr.rel @p0 .LBB2_12-.Ltmp5, $4  }
0x232: {  	[tilespmem:v10+s23+$0x0] =	vst.idx.add.s32.msk $0xffff, v3  }
0x233: {  	[tilespmem:v9+s23+$0x0] =	vst.idx.add.s32.msk $0xffff, v3  }
0x234: {  	[tilespmem:v8+s23+$0x0] =	vst.idx.add.s32.msk $0xffff, v3  }
0x235: {  	[tilespmem:v6+s23+$0x0] =	vst.idx.add.s32.msk $0xffff, v3  }
0x236: {  	_ =	sdelay $0x3  }
0x237: {  	[tilespmem:v5+s23+$0x0] =	vst.idx.add.s32.msk $0xffff, v3  }
0x238: {  	[tilespmem:v4+s23+$0x0] =	vst.idx.add.s32.msk $0xffff, v3  }
0x239: {  	[tilespmem:s21], [sflag:$0x2] =	stream.linear.gather [hbm4b:s10+s2], $0x8000, $0x38;
	[tilespmem:$0x10880] =	vst v63  }
0x23a: {  	_ =	swait.ge [sflag:s22], $0x8000  }
0x23b: {  	[sflag:s22] =	ssyncset.done $0x0  }
0x23c: {  	s29 =	simm.s32 $0x80;
	[sflag:s22] =	ssyncadd.s32 $0xFFFF8000  }
0x23d: {  	v4 =	vld [tilespmem:s29+$0xFFFFFFA0]  }
0x23e: {  	v5 =	vld [tilespmem:s29+$0xFFFFFFB0]  }
0x23f: {  	v6 =	vld [tilespmem:s29+$0xFFFFFF80]  }
0x240: {  	v7 =	vld [tilespmem:s29+$0x70]  }
0x241: {  	v9 =	vld [tilespmem:s29+$0x50]  }
0x242: {  	v10 =	vld [tilespmem:s29+$0x40]  }
0x243: {  	v11 =	vld [tilespmem:s29+$0x30]  }
0x244: {  	v12 =	vld [tilespmem:s29+$0x20];
	v6 =	vadd.f32 $8.388608000e+06, v6  }
0x245: {  	v8 =	vld [tilespmem:s29+$0x60];
	v7 =	vadd.f32 $8.388608000e+06, v7  }
0x246: {  	v13 =	vld [tilespmem:s29+$0x10];
	v6 =	vshll.u32 v6, $0x4  }
0x247: {  	v14 =	vld [tilespmem:s29+$0x0];
	v9 =	vadd.f32 $8.388608000e+06, v9;
	v7 =	vshll.u32 v7, $0x4;
	v6 =	vadd.s32 v2, v6  }
0x248: {  	v15 =	vld [tilespmem:s29+$0xFFFFFFF0];
	v10 =	vadd.f32 $8.388608000e+06, v10;
	v7 =	vadd.s32 v2, v7  }
0x249: {  	v16 =	vld [tilespmem:s29+$0xFFFFFFE0];
	v11 =	vadd.f32 $8.388608000e+06, v11;
	v12 =	vadd.f32 $8.388608000e+06, v12;
	v9 =	vshll.u32 v9, $0x4  }
0x24a: {  	v17 =	vld [tilespmem:s29+$0xFFFFFFD0];
	v8 =	vadd.f32 $8.388608000e+06, v8;
	v10 =	vshll.u32 v10, $0x4;
	v9 =	vadd.s32 v2, v9  }
0x24b: {  	v18 =	vld [tilespmem:s29+$0xFFFFFFC0];
	v5 =	vadd.f32 $8.388608000e+06, v5;
	v11 =	vshll.u32 v11, $0x4;
	v10 =	vadd.s32 v2, v10  }
0x24c: {  	v12 =	vshll.u32 v12, $0x4;
	v11 =	vadd.s32 v2, v11;
	[tilespmem:v6+s23+$0x0] =	vst.idx.add.s32.msk $0xffff, v3;
	v6 =	vadd.f32 $8.388608000e+06, v14  }
0x24d: {  	v4 =	vadd.f32 $8.388608000e+06, v4;
	v8 =	vshll.u32 v8, $0x4;
	v12 =	vadd.s32 v2, v12;
	[tilespmem:v7+s23+$0x0] =	vst.idx.add.s32.msk $0xffff, v3  }
0x24e: {  	v14 =	vadd.f32 $8.388608000e+06, v15;
	v7 =	vadd.s32 v2, v8;
	v8 =	vld [tilespmem:s29+$0xFFFFFF90];
	v6 =	vshll.u32 v6, $0x4  }
0x24f: {  	v5 =	vshll.u32 v5, $0x4;
	v15 =	vadd.f32 $8.388608000e+06, v16;
	[tilespmem:v9+s23+$0x0] =	vst.idx.add.s32.msk $0xffff, v3;
	v6 =	vadd.s32 v2, v6  }
0x250: {  	v5 =	vadd.s32 v2, v5;
	v16 =	vadd.f32 $8.388608000e+06, v17;
	[tilespmem:v10+s23+$0x0] =	vst.idx.add.s32.msk $0xffff, v3;
	v14 =	vshll.u32 v14, $0x4  }
0x251: {  	v9 =	vadd.f32 $8.388608000e+06, v18;
	[tilespmem:v11+s23+$0x0] =	vst.idx.add.s32.msk $0xffff, v3;
	v15 =	vshll.u32 v15, $0x4;
	v14 =	vadd.s32 v2, v14  }
0x252: {  	v4 =	vshll.u32 v4, $0x4;
	[tilespmem:v12+s23+$0x0] =	vst.idx.add.s32.msk $0xffff, v3;
	v10 =	vshll.u32 v16, $0x4;
	v15 =	vadd.s32 v2, v15  }
0x253: {  	v9 =	vshll.u32 v9, $0x4;
	v10 =	vadd.s32 v2, v10;
	[tilespmem:v7+s23+$0x0] =	vst.idx.add.s32.msk $0xffff, v3;
	v7 =	vadd.f32 $8.388608000e+06, v8  }
0x254: {  	v9 =	vadd.s32 v2, v9;
	[tilespmem:v6+s23+$0x0] =	vst.idx.add.s32.msk $0xffff, v3;
	v6 =	vadd.s32 v2, v4;
	v4 =	vadd.f32 $8.388608000e+06, v13  }
0x255: {  	[tilespmem:v5+s23+$0x0] =	vst.idx.add.s32.msk $0xffff, v3;
	v7 =	vshll.u32 v7, $0x4  }
0x256: {  	[tilespmem:v14+s23+$0x0] =	vst.idx.add.s32.msk $0xffff, v3;
	v5 =	vadd.s32 v2, v7;
	v4 =	vshll.u32 v4, $0x4  }
0x257: {  	[tilespmem:v15+s23+$0x0] =	vst.idx.add.s32.msk $0xffff, v3;
	v4 =	vadd.s32 v2, v4  }
0x258: {  	[tilespmem:v10+s23+$0x0] =	vst.idx.add.s32.msk $0xffff, v3  }
0x259: {  	[tilespmem:v9+s23+$0x0] =	vst.idx.add.s32.msk $0xffff, v3  }
0x25a: {  	s30 =	simm.s32 $0x0;
	[tilespmem:v6+s23+$0x0] =	vst.idx.add.s32.msk $0xffff, v3  }
.LBB2_14:
0x25b: {  	s30 =	sadd.s32 $0x10, s30;
	[tilespmem:v5+s23+$0x0] =	vst.idx.add.s32.msk $0xffff, v3;
	s29 =	sadd.s32 $0x100, s29  }
0x25c: {  	p0 =	slt.u32 s30, $0x7F0;
	[tilespmem:v4+s23+$0x0] =	vst.idx.add.s32.msk $0xffff, v3  }
0x25d: {  	v4 =	vld [tilespmem:s29+$0xFFFFFFA0]  }
0x25e: {  	v5 =	vld [tilespmem:s29+$0xFFFFFFB0]  }
0x25f: {  	v6 =	vld [tilespmem:s29+$0xFFFFFF80]  }
0x260: {  	v7 =	vld [tilespmem:s29+$0x70]  }
0x261: {  	v8 =	vld [tilespmem:s29+$0x60]  }
0x262: {  	v9 =	vld [tilespmem:s29+$0x50]  }
0x263: {  	v10 =	vld [tilespmem:s29+$0x40]  }
0x264: {  	v6 =	vadd.f32 $8.388608000e+06, v6;
	v11 =	vld [tilespmem:s29+$0x30]  }
0x265: {  	v12 =	vld [tilespmem:s29+$0x20];
	v7 =	vadd.f32 $8.388608000e+06, v7  }
0x266: {  	v6 =	vshll.u32 v6, $0x4;
	v13 =	vld [tilespmem:s29+$0x10];
	v8 =	vadd.f32 $8.388608000e+06, v8  }
0x267: {  	v6 =	vadd.s32 v2, v6;
	v14 =	vld [tilespmem:s29+$0x0];
	v9 =	vadd.f32 $8.388608000e+06, v9;
	v7 =	vshll.u32 v7, $0x4  }
0x268: {  	v15 =	vld [tilespmem:s29+$0xFFFFFFF0];
	v10 =	vadd.f32 $8.388608000e+06, v10;
	v7 =	vadd.s32 v2, v7  }
0x269: {  	v8 =	vshll.u32 v8, $0x4;
	v16 =	vld [tilespmem:s29+$0xFFFFFFE0];
	v11 =	vadd.f32 $8.388608000e+06, v11;
	v9 =	vshll.u32 v9, $0x4  }
0x26a: {  	v17 =	vld [tilespmem:s29+$0xFFFFFFD0];
	v12 =	vadd.f32 $8.388608000e+06, v12;
	v10 =	vshll.u32 v10, $0x4;
	v9 =	vadd.s32 v2, v9  }
0x26b: {  	v18 =	vld [tilespmem:s29+$0xFFFFFFC0];
	v13 =	vadd.f32 $8.388608000e+06, v13;
	v11 =	vshll.u32 v11, $0x4;
	v10 =	vadd.s32 v2, v10  }
0x26c: {  	[tilespmem:v6+s23+$0x0] =	vst.idx.add.s32.msk $0xffff, v3;
	v6 =	vadd.f32 $8.388608000e+06, v14;
	v12 =	vshll.u32 v12, $0x4;
	v11 =	vadd.s32 v2, v11  }
0x26d: {  	v8 =	vadd.s32 v2, v8;
	v14 =	vadd.f32 $8.388608000e+06, v15;
	v12 =	vadd.s32 v2, v12;
	[tilespmem:v7+s23+$0x0] =	vst.idx.add.s32.msk $0xffff, v3  }
0x26e: {  	v13 =	vshll.u32 v13, $0x4;
	v7 =	vld [tilespmem:s29+$0xFFFFFF90];
	v15 =	vadd.f32 $8.388608000e+06, v16;
	v6 =	vshll.u32 v6, $0x4  }
0x26f: {  	v16 =	vadd.f32 $8.388608000e+06, v17;
	v14 =	vshll.u32 v14, $0x4;
	v6 =	vadd.s32 v2, v6;
	[tilespmem:v9+s23+$0x0] =	vst.idx.add.s32.msk $0xffff, v3  }
0x270: {  	v9 =	vadd.f32 $8.388608000e+06, v18;
	v15 =	vshll.u32 v15, $0x4;
	v14 =	vadd.s32 v2, v14;
	[tilespmem:v10+s23+$0x0] =	vst.idx.add.s32.msk $0xffff, v3  }
0x271: {  	v5 =	vadd.f32 $8.388608000e+06, v5;
	v10 =	vshll.u32 v16, $0x4;
	v15 =	vadd.s32 v2, v15;
	[tilespmem:v11+s23+$0x0] =	vst.idx.add.s32.msk $0xffff, v3  }
0x272: {  	v4 =	vadd.f32 $8.388608000e+06, v4;
	v9 =	vshll.u32 v9, $0x4;
	v10 =	vadd.s32 v2, v10;
	[tilespmem:v12+s23+$0x0] =	vst.idx.add.s32.msk $0xffff, v3  }
0x273: {  	v5 =	vshll.u32 v5, $0x4;
	v7 =	vadd.f32 $8.388608000e+06, v7;
	v9 =	vadd.s32 v2, v9;
	[tilespmem:v8+s23+$0x0] =	vst.idx.add.s32.msk $0xffff, v3  }
0x274: {  	v4 =	vshll.u32 v4, $0x4;
	v8 =	vadd.s32 v2, v5;
	[tilespmem:v6+s23+$0x0] =	vst.idx.add.s32.msk $0xffff, v3  }
0x275: {  	v6 =	vadd.s32 v2, v4;
	v5 =	vshll.u32 v7, $0x4;
	[tilespmem:v14+s23+$0x0] =	vst.idx.add.s32.msk $0xffff, v3  }
.Ltmp6:
0x276: {  	v4 =	vadd.s32 v2, v13;
	v5 =	vadd.s32 v2, v5;
	[tilespmem:v15+s23+$0x0] =	vst.idx.add.s32.msk $0xffff, v3;
	(pc) =	sbr.rel @p0 .LBB2_14-.Ltmp6, $4  }
0x277: {  	[tilespmem:v10+s23+$0x0] =	vst.idx.add.s32.msk $0xffff, v3  }
0x278: {  	[tilespmem:v9+s23+$0x0] =	vst.idx.add.s32.msk $0xffff, v3  }
0x279: {  	[tilespmem:v8+s23+$0x0] =	vst.idx.add.s32.msk $0xffff, v3  }
0x27a: {  	[tilespmem:v6+s23+$0x0] =	vst.idx.add.s32.msk $0xffff, v3  }
0x27b: {  	_ =	sdelay $0x3  }
0x27c: {  	[tilespmem:v5+s23+$0x0] =	vst.idx.add.s32.msk $0xffff, v3  }
0x27d: {  	[tilespmem:v4+s23+$0x0] =	vst.idx.add.s32.msk $0xffff, v3  }
0x27e: {  	[tilespmem:s2], [sflag:$0x1] =	stream.linear.gather [hbm4b:s11+s2], $0x8000, $0x38;
	[tilespmem:$0x10880] =	vst v63  }
0x27f: {  	_ =	swait.ge [sflag:s24], $0x8000  }
0x280: {  	[sflag:s24] =	ssyncset.done $0x0  }
0x281: {  	s29 =	simm.s32 $0x8080;
	[sflag:s24] =	ssyncadd.s32 $0xFFFF8000  }
0x282: {  	v4 =	vld [tilespmem:s29+$0xFFFFFFA0]  }
0x283: {  	v5 =	vld [tilespmem:s29+$0xFFFFFFB0]  }
0x284: {  	v6 =	vld [tilespmem:s29+$0xFFFFFF80]  }
0x285: {  	v7 =	vld [tilespmem:s29+$0x70]  }
0x286: {  	v9 =	vld [tilespmem:s29+$0x50]  }
0x287: {  	v10 =	vld [tilespmem:s29+$0x40]  }
0x288: {  	v11 =	vld [tilespmem:s29+$0x30]  }
0x289: {  	v12 =	vld [tilespmem:s29+$0x20];
	v6 =	vadd.f32 $8.388608000e+06, v6  }
0x28a: {  	v8 =	vld [tilespmem:s29+$0x60];
	v7 =	vadd.f32 $8.388608000e+06, v7  }
0x28b: {  	v13 =	vld [tilespmem:s29+$0x10];
	v6 =	vshll.u32 v6, $0x4  }
0x28c: {  	v14 =	vld [tilespmem:s29+$0x0];
	v9 =	vadd.f32 $8.388608000e+06, v9;
	v7 =	vshll.u32 v7, $0x4;
	v6 =	vadd.s32 v2, v6  }
0x28d: {  	v15 =	vld [tilespmem:s29+$0xFFFFFFF0];
	v10 =	vadd.f32 $8.388608000e+06, v10;
	v7 =	vadd.s32 v2, v7  }
0x28e: {  	v16 =	vld [tilespmem:s29+$0xFFFFFFE0];
	v11 =	vadd.f32 $8.388608000e+06, v11;
	v12 =	vadd.f32 $8.388608000e+06, v12;
	v9 =	vshll.u32 v9, $0x4  }
0x28f: {  	v17 =	vld [tilespmem:s29+$0xFFFFFFD0];
	v8 =	vadd.f32 $8.388608000e+06, v8;
	v10 =	vshll.u32 v10, $0x4;
	v9 =	vadd.s32 v2, v9  }
0x290: {  	v18 =	vld [tilespmem:s29+$0xFFFFFFC0];
	v5 =	vadd.f32 $8.388608000e+06, v5;
	v11 =	vshll.u32 v11, $0x4;
	v10 =	vadd.s32 v2, v10  }
0x291: {  	v12 =	vshll.u32 v12, $0x4;
	v11 =	vadd.s32 v2, v11;
	[tilespmem:v6+s23+$0x0] =	vst.idx.add.s32.msk $0xffff, v3;
	v6 =	vadd.f32 $8.388608000e+06, v14  }
0x292: {  	v4 =	vadd.f32 $8.388608000e+06, v4;
	v8 =	vshll.u32 v8, $0x4;
	v12 =	vadd.s32 v2, v12;
	[tilespmem:v7+s23+$0x0] =	vst.idx.add.s32.msk $0xffff, v3  }
0x293: {  	v14 =	vadd.f32 $8.388608000e+06, v15;
	v7 =	vadd.s32 v2, v8;
	v8 =	vld [tilespmem:s29+$0xFFFFFF90];
	v6 =	vshll.u32 v6, $0x4  }
0x294: {  	v5 =	vshll.u32 v5, $0x4;
	v15 =	vadd.f32 $8.388608000e+06, v16;
	[tilespmem:v9+s23+$0x0] =	vst.idx.add.s32.msk $0xffff, v3;
	v6 =	vadd.s32 v2, v6  }
0x295: {  	v5 =	vadd.s32 v2, v5;
	v16 =	vadd.f32 $8.388608000e+06, v17;
	[tilespmem:v10+s23+$0x0] =	vst.idx.add.s32.msk $0xffff, v3;
	v14 =	vshll.u32 v14, $0x4  }
0x296: {  	v9 =	vadd.f32 $8.388608000e+06, v18;
	[tilespmem:v11+s23+$0x0] =	vst.idx.add.s32.msk $0xffff, v3;
	v15 =	vshll.u32 v15, $0x4;
	v14 =	vadd.s32 v2, v14  }
0x297: {  	v4 =	vshll.u32 v4, $0x4;
	[tilespmem:v12+s23+$0x0] =	vst.idx.add.s32.msk $0xffff, v3;
	v10 =	vshll.u32 v16, $0x4;
	v15 =	vadd.s32 v2, v15  }
0x298: {  	v9 =	vshll.u32 v9, $0x4;
	v10 =	vadd.s32 v2, v10;
	[tilespmem:v7+s23+$0x0] =	vst.idx.add.s32.msk $0xffff, v3;
	v7 =	vadd.f32 $8.388608000e+06, v8  }
0x299: {  	v9 =	vadd.s32 v2, v9;
	[tilespmem:v6+s23+$0x0] =	vst.idx.add.s32.msk $0xffff, v3;
	v6 =	vadd.s32 v2, v4;
	v4 =	vadd.f32 $8.388608000e+06, v13  }
0x29a: {  	[tilespmem:v5+s23+$0x0] =	vst.idx.add.s32.msk $0xffff, v3;
	v7 =	vshll.u32 v7, $0x4  }
0x29b: {  	[tilespmem:v14+s23+$0x0] =	vst.idx.add.s32.msk $0xffff, v3;
	v5 =	vadd.s32 v2, v7;
	v4 =	vshll.u32 v4, $0x4  }
0x29c: {  	[tilespmem:v15+s23+$0x0] =	vst.idx.add.s32.msk $0xffff, v3;
	v4 =	vadd.s32 v2, v4  }
0x29d: {  	[tilespmem:v10+s23+$0x0] =	vst.idx.add.s32.msk $0xffff, v3  }
0x29e: {  	[tilespmem:v9+s23+$0x0] =	vst.idx.add.s32.msk $0xffff, v3  }
0x29f: {  	s30 =	simm.s32 $0x0;
	[tilespmem:v6+s23+$0x0] =	vst.idx.add.s32.msk $0xffff, v3  }
.LBB2_16:
0x2a0: {  	s30 =	sadd.s32 $0x10, s30;
	[tilespmem:v5+s23+$0x0] =	vst.idx.add.s32.msk $0xffff, v3;
	s29 =	sadd.s32 $0x100, s29  }
0x2a1: {  	p0 =	slt.u32 s30, $0x7F0;
	[tilespmem:v4+s23+$0x0] =	vst.idx.add.s32.msk $0xffff, v3  }
0x2a2: {  	v4 =	vld [tilespmem:s29+$0xFFFFFFA0]  }
0x2a3: {  	v5 =	vld [tilespmem:s29+$0xFFFFFFB0]  }
0x2a4: {  	v6 =	vld [tilespmem:s29+$0xFFFFFF80]  }
0x2a5: {  	v7 =	vld [tilespmem:s29+$0x70]  }
0x2a6: {  	v8 =	vld [tilespmem:s29+$0x60]  }
0x2a7: {  	v9 =	vld [tilespmem:s29+$0x50]  }
0x2a8: {  	v10 =	vld [tilespmem:s29+$0x40]  }
0x2a9: {  	v6 =	vadd.f32 $8.388608000e+06, v6;
	v11 =	vld [tilespmem:s29+$0x30]  }
0x2aa: {  	v12 =	vld [tilespmem:s29+$0x20];
	v7 =	vadd.f32 $8.388608000e+06, v7  }
0x2ab: {  	v6 =	vshll.u32 v6, $0x4;
	v13 =	vld [tilespmem:s29+$0x10];
	v8 =	vadd.f32 $8.388608000e+06, v8  }
0x2ac: {  	v6 =	vadd.s32 v2, v6;
	v14 =	vld [tilespmem:s29+$0x0];
	v9 =	vadd.f32 $8.388608000e+06, v9;
	v7 =	vshll.u32 v7, $0x4  }
0x2ad: {  	v15 =	vld [tilespmem:s29+$0xFFFFFFF0];
	v10 =	vadd.f32 $8.388608000e+06, v10;
	v7 =	vadd.s32 v2, v7  }
0x2ae: {  	v8 =	vshll.u32 v8, $0x4;
	v16 =	vld [tilespmem:s29+$0xFFFFFFE0];
	v11 =	vadd.f32 $8.388608000e+06, v11;
	v9 =	vshll.u32 v9, $0x4  }
0x2af: {  	v17 =	vld [tilespmem:s29+$0xFFFFFFD0];
	v12 =	vadd.f32 $8.388608000e+06, v12;
	v10 =	vshll.u32 v10, $0x4;
	v9 =	vadd.s32 v2, v9  }
0x2b0: {  	v18 =	vld [tilespmem:s29+$0xFFFFFFC0];
	v13 =	vadd.f32 $8.388608000e+06, v13;
	v11 =	vshll.u32 v11, $0x4;
	v10 =	vadd.s32 v2, v10  }
0x2b1: {  	[tilespmem:v6+s23+$0x0] =	vst.idx.add.s32.msk $0xffff, v3;
	v6 =	vadd.f32 $8.388608000e+06, v14;
	v12 =	vshll.u32 v12, $0x4;
	v11 =	vadd.s32 v2, v11  }
0x2b2: {  	v8 =	vadd.s32 v2, v8;
	v14 =	vadd.f32 $8.388608000e+06, v15;
	v12 =	vadd.s32 v2, v12;
	[tilespmem:v7+s23+$0x0] =	vst.idx.add.s32.msk $0xffff, v3  }
0x2b3: {  	v13 =	vshll.u32 v13, $0x4;
	v7 =	vld [tilespmem:s29+$0xFFFFFF90];
	v15 =	vadd.f32 $8.388608000e+06, v16;
	v6 =	vshll.u32 v6, $0x4  }
0x2b4: {  	v16 =	vadd.f32 $8.388608000e+06, v17;
	v14 =	vshll.u32 v14, $0x4;
	v6 =	vadd.s32 v2, v6;
	[tilespmem:v9+s23+$0x0] =	vst.idx.add.s32.msk $0xffff, v3  }
0x2b5: {  	v9 =	vadd.f32 $8.388608000e+06, v18;
	v15 =	vshll.u32 v15, $0x4;
	v14 =	vadd.s32 v2, v14;
	[tilespmem:v10+s23+$0x0] =	vst.idx.add.s32.msk $0xffff, v3  }
0x2b6: {  	v5 =	vadd.f32 $8.388608000e+06, v5;
	v10 =	vshll.u32 v16, $0x4;
	v15 =	vadd.s32 v2, v15;
	[tilespmem:v11+s23+$0x0] =	vst.idx.add.s32.msk $0xffff, v3  }
0x2b7: {  	v4 =	vadd.f32 $8.388608000e+06, v4;
	v9 =	vshll.u32 v9, $0x4;
	v10 =	vadd.s32 v2, v10;
	[tilespmem:v12+s23+$0x0] =	vst.idx.add.s32.msk $0xffff, v3  }
0x2b8: {  	v5 =	vshll.u32 v5, $0x4;
	v7 =	vadd.f32 $8.388608000e+06, v7;
	v9 =	vadd.s32 v2, v9;
	[tilespmem:v8+s23+$0x0] =	vst.idx.add.s32.msk $0xffff, v3  }
0x2b9: {  	v4 =	vshll.u32 v4, $0x4;
	v8 =	vadd.s32 v2, v5;
	[tilespmem:v6+s23+$0x0] =	vst.idx.add.s32.msk $0xffff, v3  }
0x2ba: {  	v6 =	vadd.s32 v2, v4;
	v5 =	vshll.u32 v7, $0x4;
	[tilespmem:v14+s23+$0x0] =	vst.idx.add.s32.msk $0xffff, v3  }
.Ltmp7:
0x2bb: {  	v4 =	vadd.s32 v2, v13;
	v5 =	vadd.s32 v2, v5;
	[tilespmem:v15+s23+$0x0] =	vst.idx.add.s32.msk $0xffff, v3;
	(pc) =	sbr.rel @p0 .LBB2_16-.Ltmp7, $4  }
0x2bc: {  	[tilespmem:v10+s23+$0x0] =	vst.idx.add.s32.msk $0xffff, v3  }
0x2bd: {  	[tilespmem:v9+s23+$0x0] =	vst.idx.add.s32.msk $0xffff, v3  }
0x2be: {  	[tilespmem:v8+s23+$0x0] =	vst.idx.add.s32.msk $0xffff, v3  }
0x2bf: {  	[tilespmem:v6+s23+$0x0] =	vst.idx.add.s32.msk $0xffff, v3  }
0x2c0: {  	_ =	sdelay $0x3  }
0x2c1: {  	[tilespmem:v5+s23+$0x0] =	vst.idx.add.s32.msk $0xffff, v3  }
0x2c2: {  	[tilespmem:v4+s23+$0x0] =	vst.idx.add.s32.msk $0xffff, v3  }
0x2c3: {  	[tilespmem:s21], [sflag:$0x2] =	stream.linear.gather [hbm4b:s12+s2], $0x8000, $0x38;
	[tilespmem:$0x10880] =	vst v63  }
0x2c4: {  	_ =	swait.ge [sflag:s22], $0x8000  }
0x2c5: {  	[sflag:s22] =	ssyncset.done $0x0  }
0x2c6: {  	s29 =	simm.s32 $0x80;
	[sflag:s22] =	ssyncadd.s32 $0xFFFF8000  }
0x2c7: {  	v4 =	vld [tilespmem:s29+$0xFFFFFFA0]  }
0x2c8: {  	v5 =	vld [tilespmem:s29+$0xFFFFFFB0]  }
0x2c9: {  	v6 =	vld [tilespmem:s29+$0xFFFFFF80]  }
0x2ca: {  	v7 =	vld [tilespmem:s29+$0x70]  }
0x2cb: {  	v9 =	vld [tilespmem:s29+$0x50]  }
0x2cc: {  	v10 =	vld [tilespmem:s29+$0x40]  }
0x2cd: {  	v11 =	vld [tilespmem:s29+$0x30]  }
0x2ce: {  	v12 =	vld [tilespmem:s29+$0x20];
	v6 =	vadd.f32 $8.388608000e+06, v6  }
0x2cf: {  	v8 =	vld [tilespmem:s29+$0x60];
	v7 =	vadd.f32 $8.388608000e+06, v7  }
0x2d0: {  	v13 =	vld [tilespmem:s29+$0x10];
	v6 =	vshll.u32 v6, $0x4  }
0x2d1: {  	v14 =	vld [tilespmem:s29+$0x0];
	v9 =	vadd.f32 $8.388608000e+06, v9;
	v7 =	vshll.u32 v7, $0x4;
	v6 =	vadd.s32 v2, v6  }
0x2d2: {  	v15 =	vld [tilespmem:s29+$0xFFFFFFF0];
	v10 =	vadd.f32 $8.388608000e+06, v10;
	v7 =	vadd.s32 v2, v7  }
0x2d3: {  	v16 =	vld [tilespmem:s29+$0xFFFFFFE0];
	v11 =	vadd.f32 $8.388608000e+06, v11;
	v12 =	vadd.f32 $8.388608000e+06, v12;
	v9 =	vshll.u32 v9, $0x4  }
0x2d4: {  	v17 =	vld [tilespmem:s29+$0xFFFFFFD0];
	v8 =	vadd.f32 $8.388608000e+06, v8;
	v10 =	vshll.u32 v10, $0x4;
	v9 =	vadd.s32 v2, v9  }
0x2d5: {  	v18 =	vld [tilespmem:s29+$0xFFFFFFC0];
	v5 =	vadd.f32 $8.388608000e+06, v5;
	v11 =	vshll.u32 v11, $0x4;
	v10 =	vadd.s32 v2, v10  }
0x2d6: {  	v12 =	vshll.u32 v12, $0x4;
	v11 =	vadd.s32 v2, v11;
	[tilespmem:v6+s23+$0x0] =	vst.idx.add.s32.msk $0xffff, v3;
	v6 =	vadd.f32 $8.388608000e+06, v14  }
0x2d7: {  	v4 =	vadd.f32 $8.388608000e+06, v4;
	v8 =	vshll.u32 v8, $0x4;
	v12 =	vadd.s32 v2, v12;
	[tilespmem:v7+s23+$0x0] =	vst.idx.add.s32.msk $0xffff, v3  }
0x2d8: {  	v14 =	vadd.f32 $8.388608000e+06, v15;
	v7 =	vadd.s32 v2, v8;
	v8 =	vld [tilespmem:s29+$0xFFFFFF90];
	v6 =	vshll.u32 v6, $0x4  }
0x2d9: {  	v5 =	vshll.u32 v5, $0x4;
	v15 =	vadd.f32 $8.388608000e+06, v16;
	[tilespmem:v9+s23+$0x0] =	vst.idx.add.s32.msk $0xffff, v3;
	v6 =	vadd.s32 v2, v6  }
0x2da: {  	v5 =	vadd.s32 v2, v5;
	v16 =	vadd.f32 $8.388608000e+06, v17;
	[tilespmem:v10+s23+$0x0] =	vst.idx.add.s32.msk $0xffff, v3;
	v14 =	vshll.u32 v14, $0x4  }
0x2db: {  	v9 =	vadd.f32 $8.388608000e+06, v18;
	[tilespmem:v11+s23+$0x0] =	vst.idx.add.s32.msk $0xffff, v3;
	v15 =	vshll.u32 v15, $0x4;
	v14 =	vadd.s32 v2, v14  }
0x2dc: {  	v4 =	vshll.u32 v4, $0x4;
	[tilespmem:v12+s23+$0x0] =	vst.idx.add.s32.msk $0xffff, v3;
	v10 =	vshll.u32 v16, $0x4;
	v15 =	vadd.s32 v2, v15  }
0x2dd: {  	v9 =	vshll.u32 v9, $0x4;
	v10 =	vadd.s32 v2, v10;
	[tilespmem:v7+s23+$0x0] =	vst.idx.add.s32.msk $0xffff, v3;
	v7 =	vadd.f32 $8.388608000e+06, v8  }
0x2de: {  	v9 =	vadd.s32 v2, v9;
	[tilespmem:v6+s23+$0x0] =	vst.idx.add.s32.msk $0xffff, v3;
	v6 =	vadd.s32 v2, v4;
	v4 =	vadd.f32 $8.388608000e+06, v13  }
0x2df: {  	[tilespmem:v5+s23+$0x0] =	vst.idx.add.s32.msk $0xffff, v3;
	v7 =	vshll.u32 v7, $0x4  }
0x2e0: {  	[tilespmem:v14+s23+$0x0] =	vst.idx.add.s32.msk $0xffff, v3;
	v5 =	vadd.s32 v2, v7;
	v4 =	vshll.u32 v4, $0x4  }
0x2e1: {  	[tilespmem:v15+s23+$0x0] =	vst.idx.add.s32.msk $0xffff, v3;
	v4 =	vadd.s32 v2, v4  }
0x2e2: {  	[tilespmem:v10+s23+$0x0] =	vst.idx.add.s32.msk $0xffff, v3  }
0x2e3: {  	[tilespmem:v9+s23+$0x0] =	vst.idx.add.s32.msk $0xffff, v3  }
0x2e4: {  	s30 =	simm.s32 $0x0;
	[tilespmem:v6+s23+$0x0] =	vst.idx.add.s32.msk $0xffff, v3  }
.LBB2_18:
0x2e5: {  	s30 =	sadd.s32 $0x10, s30;
	[tilespmem:v5+s23+$0x0] =	vst.idx.add.s32.msk $0xffff, v3;
	s29 =	sadd.s32 $0x100, s29  }
0x2e6: {  	p0 =	slt.u32 s30, $0x7F0;
	[tilespmem:v4+s23+$0x0] =	vst.idx.add.s32.msk $0xffff, v3  }
0x2e7: {  	v4 =	vld [tilespmem:s29+$0xFFFFFFA0]  }
0x2e8: {  	v5 =	vld [tilespmem:s29+$0xFFFFFFB0]  }
0x2e9: {  	v6 =	vld [tilespmem:s29+$0xFFFFFF80]  }
0x2ea: {  	v7 =	vld [tilespmem:s29+$0x70]  }
0x2eb: {  	v8 =	vld [tilespmem:s29+$0x60]  }
0x2ec: {  	v9 =	vld [tilespmem:s29+$0x50]  }
0x2ed: {  	v10 =	vld [tilespmem:s29+$0x40]  }
0x2ee: {  	v6 =	vadd.f32 $8.388608000e+06, v6;
	v11 =	vld [tilespmem:s29+$0x30]  }
0x2ef: {  	v12 =	vld [tilespmem:s29+$0x20];
	v7 =	vadd.f32 $8.388608000e+06, v7  }
0x2f0: {  	v6 =	vshll.u32 v6, $0x4;
	v13 =	vld [tilespmem:s29+$0x10];
	v8 =	vadd.f32 $8.388608000e+06, v8  }
0x2f1: {  	v6 =	vadd.s32 v2, v6;
	v14 =	vld [tilespmem:s29+$0x0];
	v9 =	vadd.f32 $8.388608000e+06, v9;
	v7 =	vshll.u32 v7, $0x4  }
0x2f2: {  	v15 =	vld [tilespmem:s29+$0xFFFFFFF0];
	v10 =	vadd.f32 $8.388608000e+06, v10;
	v7 =	vadd.s32 v2, v7  }
0x2f3: {  	v8 =	vshll.u32 v8, $0x4;
	v16 =	vld [tilespmem:s29+$0xFFFFFFE0];
	v11 =	vadd.f32 $8.388608000e+06, v11;
	v9 =	vshll.u32 v9, $0x4  }
0x2f4: {  	v17 =	vld [tilespmem:s29+$0xFFFFFFD0];
	v12 =	vadd.f32 $8.388608000e+06, v12;
	v10 =	vshll.u32 v10, $0x4;
	v9 =	vadd.s32 v2, v9  }
0x2f5: {  	v18 =	vld [tilespmem:s29+$0xFFFFFFC0];
	v13 =	vadd.f32 $8.388608000e+06, v13;
	v11 =	vshll.u32 v11, $0x4;
	v10 =	vadd.s32 v2, v10  }
0x2f6: {  	[tilespmem:v6+s23+$0x0] =	vst.idx.add.s32.msk $0xffff, v3;
	v6 =	vadd.f32 $8.388608000e+06, v14;
	v12 =	vshll.u32 v12, $0x4;
	v11 =	vadd.s32 v2, v11  }
0x2f7: {  	v8 =	vadd.s32 v2, v8;
	v14 =	vadd.f32 $8.388608000e+06, v15;
	v12 =	vadd.s32 v2, v12;
	[tilespmem:v7+s23+$0x0] =	vst.idx.add.s32.msk $0xffff, v3  }
0x2f8: {  	v13 =	vshll.u32 v13, $0x4;
	v7 =	vld [tilespmem:s29+$0xFFFFFF90];
	v15 =	vadd.f32 $8.388608000e+06, v16;
	v6 =	vshll.u32 v6, $0x4  }
0x2f9: {  	v16 =	vadd.f32 $8.388608000e+06, v17;
	v14 =	vshll.u32 v14, $0x4;
	v6 =	vadd.s32 v2, v6;
	[tilespmem:v9+s23+$0x0] =	vst.idx.add.s32.msk $0xffff, v3  }
0x2fa: {  	v9 =	vadd.f32 $8.388608000e+06, v18;
	v15 =	vshll.u32 v15, $0x4;
	v14 =	vadd.s32 v2, v14;
	[tilespmem:v10+s23+$0x0] =	vst.idx.add.s32.msk $0xffff, v3  }
0x2fb: {  	v5 =	vadd.f32 $8.388608000e+06, v5;
	v10 =	vshll.u32 v16, $0x4;
	v15 =	vadd.s32 v2, v15;
	[tilespmem:v11+s23+$0x0] =	vst.idx.add.s32.msk $0xffff, v3  }
0x2fc: {  	v4 =	vadd.f32 $8.388608000e+06, v4;
	v9 =	vshll.u32 v9, $0x4;
	v10 =	vadd.s32 v2, v10;
	[tilespmem:v12+s23+$0x0] =	vst.idx.add.s32.msk $0xffff, v3  }
0x2fd: {  	v5 =	vshll.u32 v5, $0x4;
	v7 =	vadd.f32 $8.388608000e+06, v7;
	v9 =	vadd.s32 v2, v9;
	[tilespmem:v8+s23+$0x0] =	vst.idx.add.s32.msk $0xffff, v3  }
0x2fe: {  	v4 =	vshll.u32 v4, $0x4;
	v8 =	vadd.s32 v2, v5;
	[tilespmem:v6+s23+$0x0] =	vst.idx.add.s32.msk $0xffff, v3  }
0x2ff: {  	v6 =	vadd.s32 v2, v4;
	v5 =	vshll.u32 v7, $0x4;
	[tilespmem:v14+s23+$0x0] =	vst.idx.add.s32.msk $0xffff, v3  }
.Ltmp8:
0x300: {  	v4 =	vadd.s32 v2, v13;
	v5 =	vadd.s32 v2, v5;
	[tilespmem:v15+s23+$0x0] =	vst.idx.add.s32.msk $0xffff, v3;
	(pc) =	sbr.rel @p0 .LBB2_18-.Ltmp8, $4  }
0x301: {  	[tilespmem:v10+s23+$0x0] =	vst.idx.add.s32.msk $0xffff, v3  }
0x302: {  	[tilespmem:v9+s23+$0x0] =	vst.idx.add.s32.msk $0xffff, v3  }
0x303: {  	[tilespmem:v8+s23+$0x0] =	vst.idx.add.s32.msk $0xffff, v3  }
0x304: {  	[tilespmem:v6+s23+$0x0] =	vst.idx.add.s32.msk $0xffff, v3  }
0x305: {  	_ =	sdelay $0x3  }
0x306: {  	[tilespmem:v5+s23+$0x0] =	vst.idx.add.s32.msk $0xffff, v3  }
0x307: {  	[tilespmem:v4+s23+$0x0] =	vst.idx.add.s32.msk $0xffff, v3  }
0x308: {  	[tilespmem:s2], [sflag:$0x1] =	stream.linear.gather [hbm4b:s13+s2], $0x8000, $0x38;
	[tilespmem:$0x10880] =	vst v63  }
0x309: {  	_ =	swait.ge [sflag:s24], $0x8000  }
0x30a: {  	[sflag:s24] =	ssyncset.done $0x0  }
0x30b: {  	s29 =	simm.s32 $0x8080;
	[sflag:s24] =	ssyncadd.s32 $0xFFFF8000  }
0x30c: {  	v4 =	vld [tilespmem:s29+$0xFFFFFFA0]  }
0x30d: {  	v5 =	vld [tilespmem:s29+$0xFFFFFFB0]  }
0x30e: {  	v6 =	vld [tilespmem:s29+$0xFFFFFF80]  }
0x30f: {  	v7 =	vld [tilespmem:s29+$0x70]  }
0x310: {  	v9 =	vld [tilespmem:s29+$0x50]  }
0x311: {  	v10 =	vld [tilespmem:s29+$0x40]  }
0x312: {  	v11 =	vld [tilespmem:s29+$0x30]  }
0x313: {  	v12 =	vld [tilespmem:s29+$0x20];
	v6 =	vadd.f32 $8.388608000e+06, v6  }
0x314: {  	v8 =	vld [tilespmem:s29+$0x60];
	v7 =	vadd.f32 $8.388608000e+06, v7  }
0x315: {  	v13 =	vld [tilespmem:s29+$0x10];
	v6 =	vshll.u32 v6, $0x4  }
0x316: {  	v14 =	vld [tilespmem:s29+$0x0];
	v9 =	vadd.f32 $8.388608000e+06, v9;
	v7 =	vshll.u32 v7, $0x4;
	v6 =	vadd.s32 v2, v6  }
0x317: {  	v15 =	vld [tilespmem:s29+$0xFFFFFFF0];
	v10 =	vadd.f32 $8.388608000e+06, v10;
	v7 =	vadd.s32 v2, v7  }
0x318: {  	v16 =	vld [tilespmem:s29+$0xFFFFFFE0];
	v11 =	vadd.f32 $8.388608000e+06, v11;
	v12 =	vadd.f32 $8.388608000e+06, v12;
	v9 =	vshll.u32 v9, $0x4  }
0x319: {  	v17 =	vld [tilespmem:s29+$0xFFFFFFD0];
	v8 =	vadd.f32 $8.388608000e+06, v8;
	v10 =	vshll.u32 v10, $0x4;
	v9 =	vadd.s32 v2, v9  }
0x31a: {  	v18 =	vld [tilespmem:s29+$0xFFFFFFC0];
	v5 =	vadd.f32 $8.388608000e+06, v5;
	v11 =	vshll.u32 v11, $0x4;
	v10 =	vadd.s32 v2, v10  }
0x31b: {  	v12 =	vshll.u32 v12, $0x4;
	v11 =	vadd.s32 v2, v11;
	[tilespmem:v6+s23+$0x0] =	vst.idx.add.s32.msk $0xffff, v3;
	v6 =	vadd.f32 $8.388608000e+06, v14  }
0x31c: {  	v4 =	vadd.f32 $8.388608000e+06, v4;
	v8 =	vshll.u32 v8, $0x4;
	v12 =	vadd.s32 v2, v12;
	[tilespmem:v7+s23+$0x0] =	vst.idx.add.s32.msk $0xffff, v3  }
0x31d: {  	v14 =	vadd.f32 $8.388608000e+06, v15;
	v7 =	vadd.s32 v2, v8;
	v8 =	vld [tilespmem:s29+$0xFFFFFF90];
	v6 =	vshll.u32 v6, $0x4  }
0x31e: {  	v5 =	vshll.u32 v5, $0x4;
	v15 =	vadd.f32 $8.388608000e+06, v16;
	[tilespmem:v9+s23+$0x0] =	vst.idx.add.s32.msk $0xffff, v3;
	v6 =	vadd.s32 v2, v6  }
0x31f: {  	v5 =	vadd.s32 v2, v5;
	v16 =	vadd.f32 $8.388608000e+06, v17;
	[tilespmem:v10+s23+$0x0] =	vst.idx.add.s32.msk $0xffff, v3;
	v14 =	vshll.u32 v14, $0x4  }
0x320: {  	v9 =	vadd.f32 $8.388608000e+06, v18;
	[tilespmem:v11+s23+$0x0] =	vst.idx.add.s32.msk $0xffff, v3;
	v15 =	vshll.u32 v15, $0x4;
	v14 =	vadd.s32 v2, v14  }
0x321: {  	v4 =	vshll.u32 v4, $0x4;
	[tilespmem:v12+s23+$0x0] =	vst.idx.add.s32.msk $0xffff, v3;
	v10 =	vshll.u32 v16, $0x4;
	v15 =	vadd.s32 v2, v15  }
0x322: {  	v9 =	vshll.u32 v9, $0x4;
	v10 =	vadd.s32 v2, v10;
	[tilespmem:v7+s23+$0x0] =	vst.idx.add.s32.msk $0xffff, v3;
	v7 =	vadd.f32 $8.388608000e+06, v8  }
0x323: {  	v9 =	vadd.s32 v2, v9;
	[tilespmem:v6+s23+$0x0] =	vst.idx.add.s32.msk $0xffff, v3;
	v6 =	vadd.s32 v2, v4;
	v4 =	vadd.f32 $8.388608000e+06, v13  }
0x324: {  	[tilespmem:v5+s23+$0x0] =	vst.idx.add.s32.msk $0xffff, v3;
	v7 =	vshll.u32 v7, $0x4  }
0x325: {  	[tilespmem:v14+s23+$0x0] =	vst.idx.add.s32.msk $0xffff, v3;
	v5 =	vadd.s32 v2, v7;
	v4 =	vshll.u32 v4, $0x4  }
0x326: {  	[tilespmem:v15+s23+$0x0] =	vst.idx.add.s32.msk $0xffff, v3;
	v4 =	vadd.s32 v2, v4  }
0x327: {  	[tilespmem:v10+s23+$0x0] =	vst.idx.add.s32.msk $0xffff, v3  }
0x328: {  	[tilespmem:v9+s23+$0x0] =	vst.idx.add.s32.msk $0xffff, v3  }
0x329: {  	s30 =	simm.s32 $0x0;
	[tilespmem:v6+s23+$0x0] =	vst.idx.add.s32.msk $0xffff, v3  }
.LBB2_20:
0x32a: {  	s30 =	sadd.s32 $0x10, s30;
	[tilespmem:v5+s23+$0x0] =	vst.idx.add.s32.msk $0xffff, v3;
	s29 =	sadd.s32 $0x100, s29  }
0x32b: {  	p0 =	slt.u32 s30, $0x7F0;
	[tilespmem:v4+s23+$0x0] =	vst.idx.add.s32.msk $0xffff, v3  }
0x32c: {  	v4 =	vld [tilespmem:s29+$0xFFFFFFA0]  }
0x32d: {  	v5 =	vld [tilespmem:s29+$0xFFFFFFB0]  }
0x32e: {  	v6 =	vld [tilespmem:s29+$0xFFFFFF80]  }
0x32f: {  	v7 =	vld [tilespmem:s29+$0x70]  }
0x330: {  	v8 =	vld [tilespmem:s29+$0x60]  }
0x331: {  	v9 =	vld [tilespmem:s29+$0x50]  }
0x332: {  	v10 =	vld [tilespmem:s29+$0x40]  }
0x333: {  	v6 =	vadd.f32 $8.388608000e+06, v6;
	v11 =	vld [tilespmem:s29+$0x30]  }
0x334: {  	v12 =	vld [tilespmem:s29+$0x20];
	v7 =	vadd.f32 $8.388608000e+06, v7  }
0x335: {  	v6 =	vshll.u32 v6, $0x4;
	v13 =	vld [tilespmem:s29+$0x10];
	v8 =	vadd.f32 $8.388608000e+06, v8  }
0x336: {  	v6 =	vadd.s32 v2, v6;
	v14 =	vld [tilespmem:s29+$0x0];
	v9 =	vadd.f32 $8.388608000e+06, v9;
	v7 =	vshll.u32 v7, $0x4  }
0x337: {  	v15 =	vld [tilespmem:s29+$0xFFFFFFF0];
	v10 =	vadd.f32 $8.388608000e+06, v10;
	v7 =	vadd.s32 v2, v7  }
0x338: {  	v8 =	vshll.u32 v8, $0x4;
	v16 =	vld [tilespmem:s29+$0xFFFFFFE0];
	v11 =	vadd.f32 $8.388608000e+06, v11;
	v9 =	vshll.u32 v9, $0x4  }
0x339: {  	v17 =	vld [tilespmem:s29+$0xFFFFFFD0];
	v12 =	vadd.f32 $8.388608000e+06, v12;
	v10 =	vshll.u32 v10, $0x4;
	v9 =	vadd.s32 v2, v9  }
0x33a: {  	v18 =	vld [tilespmem:s29+$0xFFFFFFC0];
	v13 =	vadd.f32 $8.388608000e+06, v13;
	v11 =	vshll.u32 v11, $0x4;
	v10 =	vadd.s32 v2, v10  }
0x33b: {  	[tilespmem:v6+s23+$0x0] =	vst.idx.add.s32.msk $0xffff, v3;
	v6 =	vadd.f32 $8.388608000e+06, v14;
	v12 =	vshll.u32 v12, $0x4;
	v11 =	vadd.s32 v2, v11  }
0x33c: {  	v8 =	vadd.s32 v2, v8;
	v14 =	vadd.f32 $8.388608000e+06, v15;
	v12 =	vadd.s32 v2, v12;
	[tilespmem:v7+s23+$0x0] =	vst.idx.add.s32.msk $0xffff, v3  }
0x33d: {  	v13 =	vshll.u32 v13, $0x4;
	v7 =	vld [tilespmem:s29+$0xFFFFFF90];
	v15 =	vadd.f32 $8.388608000e+06, v16;
	v6 =	vshll.u32 v6, $0x4  }
0x33e: {  	v16 =	vadd.f32 $8.388608000e+06, v17;
	v14 =	vshll.u32 v14, $0x4;
	v6 =	vadd.s32 v2, v6;
	[tilespmem:v9+s23+$0x0] =	vst.idx.add.s32.msk $0xffff, v3  }
0x33f: {  	v9 =	vadd.f32 $8.388608000e+06, v18;
	v15 =	vshll.u32 v15, $0x4;
	v14 =	vadd.s32 v2, v14;
	[tilespmem:v10+s23+$0x0] =	vst.idx.add.s32.msk $0xffff, v3  }
0x340: {  	v5 =	vadd.f32 $8.388608000e+06, v5;
	v10 =	vshll.u32 v16, $0x4;
	v15 =	vadd.s32 v2, v15;
	[tilespmem:v11+s23+$0x0] =	vst.idx.add.s32.msk $0xffff, v3  }
0x341: {  	v4 =	vadd.f32 $8.388608000e+06, v4;
	v9 =	vshll.u32 v9, $0x4;
	v10 =	vadd.s32 v2, v10;
	[tilespmem:v12+s23+$0x0] =	vst.idx.add.s32.msk $0xffff, v3  }
0x342: {  	v5 =	vshll.u32 v5, $0x4;
	v7 =	vadd.f32 $8.388608000e+06, v7;
	v9 =	vadd.s32 v2, v9;
	[tilespmem:v8+s23+$0x0] =	vst.idx.add.s32.msk $0xffff, v3  }
0x343: {  	v4 =	vshll.u32 v4, $0x4;
	v8 =	vadd.s32 v2, v5;
	[tilespmem:v6+s23+$0x0] =	vst.idx.add.s32.msk $0xffff, v3  }
0x344: {  	v6 =	vadd.s32 v2, v4;
	v5 =	vshll.u32 v7, $0x4;
	[tilespmem:v14+s23+$0x0] =	vst.idx.add.s32.msk $0xffff, v3  }
.Ltmp9:
0x345: {  	v4 =	vadd.s32 v2, v13;
	v5 =	vadd.s32 v2, v5;
	[tilespmem:v15+s23+$0x0] =	vst.idx.add.s32.msk $0xffff, v3;
	(pc) =	sbr.rel @p0 .LBB2_20-.Ltmp9, $4  }
0x346: {  	[tilespmem:v10+s23+$0x0] =	vst.idx.add.s32.msk $0xffff, v3  }
0x347: {  	[tilespmem:v9+s23+$0x0] =	vst.idx.add.s32.msk $0xffff, v3  }
0x348: {  	[tilespmem:v8+s23+$0x0] =	vst.idx.add.s32.msk $0xffff, v3  }
0x349: {  	[tilespmem:v6+s23+$0x0] =	vst.idx.add.s32.msk $0xffff, v3  }
0x34a: {  	_ =	sdelay $0x3  }
0x34b: {  	[tilespmem:v5+s23+$0x0] =	vst.idx.add.s32.msk $0xffff, v3  }
0x34c: {  	[tilespmem:v4+s23+$0x0] =	vst.idx.add.s32.msk $0xffff, v3  }
0x34d: {  	[tilespmem:s21], [sflag:$0x2] =	stream.linear.gather [hbm4b:s14+s2], $0x8000, $0x38;
	[tilespmem:$0x10880] =	vst v63  }
0x34e: {  	_ =	swait.ge [sflag:s22], $0x8000  }
0x34f: {  	[sflag:s22] =	ssyncset.done $0x0  }
0x350: {  	s29 =	simm.s32 $0x80;
	[sflag:s22] =	ssyncadd.s32 $0xFFFF8000  }
0x351: {  	v4 =	vld [tilespmem:s29+$0xFFFFFFA0]  }
0x352: {  	v5 =	vld [tilespmem:s29+$0xFFFFFFB0]  }
0x353: {  	v6 =	vld [tilespmem:s29+$0xFFFFFF80]  }
0x354: {  	v7 =	vld [tilespmem:s29+$0x70]  }
0x355: {  	v9 =	vld [tilespmem:s29+$0x50]  }
0x356: {  	v10 =	vld [tilespmem:s29+$0x40]  }
0x357: {  	v11 =	vld [tilespmem:s29+$0x30]  }
0x358: {  	v12 =	vld [tilespmem:s29+$0x20];
	v6 =	vadd.f32 $8.388608000e+06, v6  }
0x359: {  	v8 =	vld [tilespmem:s29+$0x60];
	v7 =	vadd.f32 $8.388608000e+06, v7  }
0x35a: {  	v13 =	vld [tilespmem:s29+$0x10];
	v6 =	vshll.u32 v6, $0x4  }
0x35b: {  	v14 =	vld [tilespmem:s29+$0x0];
	v9 =	vadd.f32 $8.388608000e+06, v9;
	v7 =	vshll.u32 v7, $0x4;
	v6 =	vadd.s32 v2, v6  }
0x35c: {  	v15 =	vld [tilespmem:s29+$0xFFFFFFF0];
	v10 =	vadd.f32 $8.388608000e+06, v10;
	v7 =	vadd.s32 v2, v7  }
0x35d: {  	v16 =	vld [tilespmem:s29+$0xFFFFFFE0];
	v11 =	vadd.f32 $8.388608000e+06, v11;
	v12 =	vadd.f32 $8.388608000e+06, v12;
	v9 =	vshll.u32 v9, $0x4  }
0x35e: {  	v17 =	vld [tilespmem:s29+$0xFFFFFFD0];
	v8 =	vadd.f32 $8.388608000e+06, v8;
	v10 =	vshll.u32 v10, $0x4;
	v9 =	vadd.s32 v2, v9  }
0x35f: {  	v18 =	vld [tilespmem:s29+$0xFFFFFFC0];
	v5 =	vadd.f32 $8.388608000e+06, v5;
	v11 =	vshll.u32 v11, $0x4;
	v10 =	vadd.s32 v2, v10  }
0x360: {  	v12 =	vshll.u32 v12, $0x4;
	v11 =	vadd.s32 v2, v11;
	[tilespmem:v6+s23+$0x0] =	vst.idx.add.s32.msk $0xffff, v3;
	v6 =	vadd.f32 $8.388608000e+06, v14  }
0x361: {  	v4 =	vadd.f32 $8.388608000e+06, v4;
	v8 =	vshll.u32 v8, $0x4;
	v12 =	vadd.s32 v2, v12;
	[tilespmem:v7+s23+$0x0] =	vst.idx.add.s32.msk $0xffff, v3  }
0x362: {  	v14 =	vadd.f32 $8.388608000e+06, v15;
	v7 =	vadd.s32 v2, v8;
	v8 =	vld [tilespmem:s29+$0xFFFFFF90];
	v6 =	vshll.u32 v6, $0x4  }
0x363: {  	v5 =	vshll.u32 v5, $0x4;
	v15 =	vadd.f32 $8.388608000e+06, v16;
	[tilespmem:v9+s23+$0x0] =	vst.idx.add.s32.msk $0xffff, v3;
	v6 =	vadd.s32 v2, v6  }
0x364: {  	v5 =	vadd.s32 v2, v5;
	v16 =	vadd.f32 $8.388608000e+06, v17;
	[tilespmem:v10+s23+$0x0] =	vst.idx.add.s32.msk $0xffff, v3;
	v14 =	vshll.u32 v14, $0x4  }
0x365: {  	v9 =	vadd.f32 $8.388608000e+06, v18;
	[tilespmem:v11+s23+$0x0] =	vst.idx.add.s32.msk $0xffff, v3;
	v15 =	vshll.u32 v15, $0x4;
	v14 =	vadd.s32 v2, v14  }
0x366: {  	v4 =	vshll.u32 v4, $0x4;
	[tilespmem:v12+s23+$0x0] =	vst.idx.add.s32.msk $0xffff, v3;
	v10 =	vshll.u32 v16, $0x4;
	v15 =	vadd.s32 v2, v15  }
0x367: {  	v9 =	vshll.u32 v9, $0x4;
	v10 =	vadd.s32 v2, v10;
	[tilespmem:v7+s23+$0x0] =	vst.idx.add.s32.msk $0xffff, v3;
	v7 =	vadd.f32 $8.388608000e+06, v8  }
0x368: {  	v9 =	vadd.s32 v2, v9;
	[tilespmem:v6+s23+$0x0] =	vst.idx.add.s32.msk $0xffff, v3;
	v6 =	vadd.s32 v2, v4;
	v4 =	vadd.f32 $8.388608000e+06, v13  }
0x369: {  	[tilespmem:v5+s23+$0x0] =	vst.idx.add.s32.msk $0xffff, v3;
	v7 =	vshll.u32 v7, $0x4  }
0x36a: {  	[tilespmem:v14+s23+$0x0] =	vst.idx.add.s32.msk $0xffff, v3;
	v5 =	vadd.s32 v2, v7;
	v4 =	vshll.u32 v4, $0x4  }
0x36b: {  	[tilespmem:v15+s23+$0x0] =	vst.idx.add.s32.msk $0xffff, v3;
	v4 =	vadd.s32 v2, v4  }
0x36c: {  	[tilespmem:v10+s23+$0x0] =	vst.idx.add.s32.msk $0xffff, v3  }
0x36d: {  	[tilespmem:v9+s23+$0x0] =	vst.idx.add.s32.msk $0xffff, v3  }
0x36e: {  	s30 =	simm.s32 $0x0;
	[tilespmem:v6+s23+$0x0] =	vst.idx.add.s32.msk $0xffff, v3  }
.LBB2_22:
0x36f: {  	s30 =	sadd.s32 $0x10, s30;
	[tilespmem:v5+s23+$0x0] =	vst.idx.add.s32.msk $0xffff, v3;
	s29 =	sadd.s32 $0x100, s29  }
0x370: {  	p0 =	slt.u32 s30, $0x7F0;
	[tilespmem:v4+s23+$0x0] =	vst.idx.add.s32.msk $0xffff, v3  }
0x371: {  	v4 =	vld [tilespmem:s29+$0xFFFFFFA0]  }
0x372: {  	v5 =	vld [tilespmem:s29+$0xFFFFFFB0]  }
0x373: {  	v6 =	vld [tilespmem:s29+$0xFFFFFF80]  }
0x374: {  	v7 =	vld [tilespmem:s29+$0x70]  }
0x375: {  	v8 =	vld [tilespmem:s29+$0x60]  }
0x376: {  	v9 =	vld [tilespmem:s29+$0x50]  }
0x377: {  	v10 =	vld [tilespmem:s29+$0x40]  }
0x378: {  	v6 =	vadd.f32 $8.388608000e+06, v6;
	v11 =	vld [tilespmem:s29+$0x30]  }
0x379: {  	v12 =	vld [tilespmem:s29+$0x20];
	v7 =	vadd.f32 $8.388608000e+06, v7  }
0x37a: {  	v6 =	vshll.u32 v6, $0x4;
	v13 =	vld [tilespmem:s29+$0x10];
	v8 =	vadd.f32 $8.388608000e+06, v8  }
0x37b: {  	v6 =	vadd.s32 v2, v6;
	v14 =	vld [tilespmem:s29+$0x0];
	v9 =	vadd.f32 $8.388608000e+06, v9;
	v7 =	vshll.u32 v7, $0x4  }
0x37c: {  	v15 =	vld [tilespmem:s29+$0xFFFFFFF0];
	v10 =	vadd.f32 $8.388608000e+06, v10;
	v7 =	vadd.s32 v2, v7  }
0x37d: {  	v8 =	vshll.u32 v8, $0x4;
	v16 =	vld [tilespmem:s29+$0xFFFFFFE0];
	v11 =	vadd.f32 $8.388608000e+06, v11;
	v9 =	vshll.u32 v9, $0x4  }
0x37e: {  	v17 =	vld [tilespmem:s29+$0xFFFFFFD0];
	v12 =	vadd.f32 $8.388608000e+06, v12;
	v10 =	vshll.u32 v10, $0x4;
	v9 =	vadd.s32 v2, v9  }
0x37f: {  	v18 =	vld [tilespmem:s29+$0xFFFFFFC0];
	v13 =	vadd.f32 $8.388608000e+06, v13;
	v11 =	vshll.u32 v11, $0x4;
	v10 =	vadd.s32 v2, v10  }
0x380: {  	[tilespmem:v6+s23+$0x0] =	vst.idx.add.s32.msk $0xffff, v3;
	v6 =	vadd.f32 $8.388608000e+06, v14;
	v12 =	vshll.u32 v12, $0x4;
	v11 =	vadd.s32 v2, v11  }
0x381: {  	v8 =	vadd.s32 v2, v8;
	v14 =	vadd.f32 $8.388608000e+06, v15;
	v12 =	vadd.s32 v2, v12;
	[tilespmem:v7+s23+$0x0] =	vst.idx.add.s32.msk $0xffff, v3  }
0x382: {  	v13 =	vshll.u32 v13, $0x4;
	v7 =	vld [tilespmem:s29+$0xFFFFFF90];
	v15 =	vadd.f32 $8.388608000e+06, v16;
	v6 =	vshll.u32 v6, $0x4  }
0x383: {  	v16 =	vadd.f32 $8.388608000e+06, v17;
	v14 =	vshll.u32 v14, $0x4;
	v6 =	vadd.s32 v2, v6;
	[tilespmem:v9+s23+$0x0] =	vst.idx.add.s32.msk $0xffff, v3  }
0x384: {  	v9 =	vadd.f32 $8.388608000e+06, v18;
	v15 =	vshll.u32 v15, $0x4;
	v14 =	vadd.s32 v2, v14;
	[tilespmem:v10+s23+$0x0] =	vst.idx.add.s32.msk $0xffff, v3  }
0x385: {  	v5 =	vadd.f32 $8.388608000e+06, v5;
	v10 =	vshll.u32 v16, $0x4;
	v15 =	vadd.s32 v2, v15;
	[tilespmem:v11+s23+$0x0] =	vst.idx.add.s32.msk $0xffff, v3  }
0x386: {  	v4 =	vadd.f32 $8.388608000e+06, v4;
	v9 =	vshll.u32 v9, $0x4;
	v10 =	vadd.s32 v2, v10;
	[tilespmem:v12+s23+$0x0] =	vst.idx.add.s32.msk $0xffff, v3  }
0x387: {  	v5 =	vshll.u32 v5, $0x4;
	v7 =	vadd.f32 $8.388608000e+06, v7;
	v9 =	vadd.s32 v2, v9;
	[tilespmem:v8+s23+$0x0] =	vst.idx.add.s32.msk $0xffff, v3  }
0x388: {  	v4 =	vshll.u32 v4, $0x4;
	v8 =	vadd.s32 v2, v5;
	[tilespmem:v6+s23+$0x0] =	vst.idx.add.s32.msk $0xffff, v3  }
0x389: {  	v6 =	vadd.s32 v2, v4;
	v5 =	vshll.u32 v7, $0x4;
	[tilespmem:v14+s23+$0x0] =	vst.idx.add.s32.msk $0xffff, v3  }
.Ltmp10:
0x38a: {  	v4 =	vadd.s32 v2, v13;
	v5 =	vadd.s32 v2, v5;
	[tilespmem:v15+s23+$0x0] =	vst.idx.add.s32.msk $0xffff, v3;
	(pc) =	sbr.rel @p0 .LBB2_22-.Ltmp10, $4  }
0x38b: {  	[tilespmem:v10+s23+$0x0] =	vst.idx.add.s32.msk $0xffff, v3  }
0x38c: {  	[tilespmem:v9+s23+$0x0] =	vst.idx.add.s32.msk $0xffff, v3  }
0x38d: {  	[tilespmem:v8+s23+$0x0] =	vst.idx.add.s32.msk $0xffff, v3  }
0x38e: {  	[tilespmem:v6+s23+$0x0] =	vst.idx.add.s32.msk $0xffff, v3  }
0x38f: {  	_ =	sdelay $0x3  }
0x390: {  	[tilespmem:v5+s23+$0x0] =	vst.idx.add.s32.msk $0xffff, v3  }
0x391: {  	[tilespmem:v4+s23+$0x0] =	vst.idx.add.s32.msk $0xffff, v3  }
0x392: {  	[tilespmem:s2], [sflag:$0x1] =	stream.linear.gather [hbm4b:s15+s2], $0x8000, $0x38;
	[tilespmem:$0x10880] =	vst v63  }
0x393: {  	_ =	swait.ge [sflag:s24], $0x8000  }
0x394: {  	[sflag:s24] =	ssyncset.done $0x0  }
0x395: {  	s29 =	simm.s32 $0x8080;
	[sflag:s24] =	ssyncadd.s32 $0xFFFF8000  }
0x396: {  	v4 =	vld [tilespmem:s29+$0xFFFFFFA0]  }
0x397: {  	v5 =	vld [tilespmem:s29+$0xFFFFFFB0]  }
0x398: {  	v6 =	vld [tilespmem:s29+$0xFFFFFF80]  }
0x399: {  	v7 =	vld [tilespmem:s29+$0x70]  }
0x39a: {  	v9 =	vld [tilespmem:s29+$0x50]  }
0x39b: {  	v10 =	vld [tilespmem:s29+$0x40]  }
0x39c: {  	v11 =	vld [tilespmem:s29+$0x30]  }
0x39d: {  	v12 =	vld [tilespmem:s29+$0x20];
	v6 =	vadd.f32 $8.388608000e+06, v6  }
0x39e: {  	v8 =	vld [tilespmem:s29+$0x60];
	v7 =	vadd.f32 $8.388608000e+06, v7  }
0x39f: {  	v13 =	vld [tilespmem:s29+$0x10];
	v6 =	vshll.u32 v6, $0x4  }
0x3a0: {  	v14 =	vld [tilespmem:s29+$0x0];
	v9 =	vadd.f32 $8.388608000e+06, v9;
	v7 =	vshll.u32 v7, $0x4;
	v6 =	vadd.s32 v2, v6  }
0x3a1: {  	v15 =	vld [tilespmem:s29+$0xFFFFFFF0];
	v10 =	vadd.f32 $8.388608000e+06, v10;
	v7 =	vadd.s32 v2, v7  }
0x3a2: {  	v16 =	vld [tilespmem:s29+$0xFFFFFFE0];
	v11 =	vadd.f32 $8.388608000e+06, v11;
	v12 =	vadd.f32 $8.388608000e+06, v12;
	v9 =	vshll.u32 v9, $0x4  }
0x3a3: {  	v17 =	vld [tilespmem:s29+$0xFFFFFFD0];
	v8 =	vadd.f32 $8.388608000e+06, v8;
	v10 =	vshll.u32 v10, $0x4;
	v9 =	vadd.s32 v2, v9  }
0x3a4: {  	v18 =	vld [tilespmem:s29+$0xFFFFFFC0];
	v5 =	vadd.f32 $8.388608000e+06, v5;
	v11 =	vshll.u32 v11, $0x4;
	v10 =	vadd.s32 v2, v10  }
0x3a5: {  	v12 =	vshll.u32 v12, $0x4;
	v11 =	vadd.s32 v2, v11;
	[tilespmem:v6+s23+$0x0] =	vst.idx.add.s32.msk $0xffff, v3;
	v6 =	vadd.f32 $8.388608000e+06, v14  }
0x3a6: {  	v4 =	vadd.f32 $8.388608000e+06, v4;
	v8 =	vshll.u32 v8, $0x4;
	v12 =	vadd.s32 v2, v12;
	[tilespmem:v7+s23+$0x0] =	vst.idx.add.s32.msk $0xffff, v3  }
0x3a7: {  	v14 =	vadd.f32 $8.388608000e+06, v15;
	v7 =	vadd.s32 v2, v8;
	v8 =	vld [tilespmem:s29+$0xFFFFFF90];
	v6 =	vshll.u32 v6, $0x4  }
0x3a8: {  	v5 =	vshll.u32 v5, $0x4;
	v15 =	vadd.f32 $8.388608000e+06, v16;
	[tilespmem:v9+s23+$0x0] =	vst.idx.add.s32.msk $0xffff, v3;
	v6 =	vadd.s32 v2, v6  }
0x3a9: {  	v5 =	vadd.s32 v2, v5;
	v16 =	vadd.f32 $8.388608000e+06, v17;
	[tilespmem:v10+s23+$0x0] =	vst.idx.add.s32.msk $0xffff, v3;
	v14 =	vshll.u32 v14, $0x4  }
0x3aa: {  	v9 =	vadd.f32 $8.388608000e+06, v18;
	[tilespmem:v11+s23+$0x0] =	vst.idx.add.s32.msk $0xffff, v3;
	v15 =	vshll.u32 v15, $0x4;
	v14 =	vadd.s32 v2, v14  }
0x3ab: {  	v4 =	vshll.u32 v4, $0x4;
	[tilespmem:v12+s23+$0x0] =	vst.idx.add.s32.msk $0xffff, v3;
	v10 =	vshll.u32 v16, $0x4;
	v15 =	vadd.s32 v2, v15  }
0x3ac: {  	v9 =	vshll.u32 v9, $0x4;
	v10 =	vadd.s32 v2, v10;
	[tilespmem:v7+s23+$0x0] =	vst.idx.add.s32.msk $0xffff, v3;
	v7 =	vadd.f32 $8.388608000e+06, v8  }
0x3ad: {  	v9 =	vadd.s32 v2, v9;
	[tilespmem:v6+s23+$0x0] =	vst.idx.add.s32.msk $0xffff, v3;
	v6 =	vadd.s32 v2, v4;
	v4 =	vadd.f32 $8.388608000e+06, v13  }
0x3ae: {  	[tilespmem:v5+s23+$0x0] =	vst.idx.add.s32.msk $0xffff, v3;
	v7 =	vshll.u32 v7, $0x4  }
0x3af: {  	[tilespmem:v14+s23+$0x0] =	vst.idx.add.s32.msk $0xffff, v3;
	v5 =	vadd.s32 v2, v7;
	v4 =	vshll.u32 v4, $0x4  }
0x3b0: {  	[tilespmem:v15+s23+$0x0] =	vst.idx.add.s32.msk $0xffff, v3;
	v4 =	vadd.s32 v2, v4  }
0x3b1: {  	[tilespmem:v10+s23+$0x0] =	vst.idx.add.s32.msk $0xffff, v3  }
0x3b2: {  	[tilespmem:v9+s23+$0x0] =	vst.idx.add.s32.msk $0xffff, v3  }
0x3b3: {  	s30 =	simm.s32 $0x0;
	[tilespmem:v6+s23+$0x0] =	vst.idx.add.s32.msk $0xffff, v3  }
.LBB2_24:
0x3b4: {  	s30 =	sadd.s32 $0x10, s30;
	[tilespmem:v5+s23+$0x0] =	vst.idx.add.s32.msk $0xffff, v3;
	s29 =	sadd.s32 $0x100, s29  }
0x3b5: {  	p0 =	slt.u32 s30, $0x7F0;
	[tilespmem:v4+s23+$0x0] =	vst.idx.add.s32.msk $0xffff, v3  }
0x3b6: {  	v4 =	vld [tilespmem:s29+$0xFFFFFFA0]  }
0x3b7: {  	v5 =	vld [tilespmem:s29+$0xFFFFFFB0]  }
0x3b8: {  	v6 =	vld [tilespmem:s29+$0xFFFFFF80]  }
0x3b9: {  	v7 =	vld [tilespmem:s29+$0x70]  }
0x3ba: {  	v8 =	vld [tilespmem:s29+$0x60]  }
0x3bb: {  	v9 =	vld [tilespmem:s29+$0x50]  }
0x3bc: {  	v10 =	vld [tilespmem:s29+$0x40]  }
0x3bd: {  	v6 =	vadd.f32 $8.388608000e+06, v6;
	v11 =	vld [tilespmem:s29+$0x30]  }
0x3be: {  	v12 =	vld [tilespmem:s29+$0x20];
	v7 =	vadd.f32 $8.388608000e+06, v7  }
0x3bf: {  	v6 =	vshll.u32 v6, $0x4;
	v13 =	vld [tilespmem:s29+$0x10];
	v8 =	vadd.f32 $8.388608000e+06, v8  }
0x3c0: {  	v6 =	vadd.s32 v2, v6;
	v14 =	vld [tilespmem:s29+$0x0];
	v9 =	vadd.f32 $8.388608000e+06, v9;
	v7 =	vshll.u32 v7, $0x4  }
0x3c1: {  	v15 =	vld [tilespmem:s29+$0xFFFFFFF0];
	v10 =	vadd.f32 $8.388608000e+06, v10;
	v7 =	vadd.s32 v2, v7  }
0x3c2: {  	v8 =	vshll.u32 v8, $0x4;
	v16 =	vld [tilespmem:s29+$0xFFFFFFE0];
	v11 =	vadd.f32 $8.388608000e+06, v11;
	v9 =	vshll.u32 v9, $0x4  }
0x3c3: {  	v17 =	vld [tilespmem:s29+$0xFFFFFFD0];
	v12 =	vadd.f32 $8.388608000e+06, v12;
	v10 =	vshll.u32 v10, $0x4;
	v9 =	vadd.s32 v2, v9  }
0x3c4: {  	v18 =	vld [tilespmem:s29+$0xFFFFFFC0];
	v13 =	vadd.f32 $8.388608000e+06, v13;
	v11 =	vshll.u32 v11, $0x4;
	v10 =	vadd.s32 v2, v10  }
0x3c5: {  	[tilespmem:v6+s23+$0x0] =	vst.idx.add.s32.msk $0xffff, v3;
	v6 =	vadd.f32 $8.388608000e+06, v14;
	v12 =	vshll.u32 v12, $0x4;
	v11 =	vadd.s32 v2, v11  }
0x3c6: {  	v8 =	vadd.s32 v2, v8;
	v14 =	vadd.f32 $8.388608000e+06, v15;
	v12 =	vadd.s32 v2, v12;
	[tilespmem:v7+s23+$0x0] =	vst.idx.add.s32.msk $0xffff, v3  }
0x3c7: {  	v13 =	vshll.u32 v13, $0x4;
	v7 =	vld [tilespmem:s29+$0xFFFFFF90];
	v15 =	vadd.f32 $8.388608000e+06, v16;
	v6 =	vshll.u32 v6, $0x4  }
0x3c8: {  	v16 =	vadd.f32 $8.388608000e+06, v17;
	v14 =	vshll.u32 v14, $0x4;
	v6 =	vadd.s32 v2, v6;
	[tilespmem:v9+s23+$0x0] =	vst.idx.add.s32.msk $0xffff, v3  }
0x3c9: {  	v9 =	vadd.f32 $8.388608000e+06, v18;
	v15 =	vshll.u32 v15, $0x4;
	v14 =	vadd.s32 v2, v14;
	[tilespmem:v10+s23+$0x0] =	vst.idx.add.s32.msk $0xffff, v3  }
0x3ca: {  	v5 =	vadd.f32 $8.388608000e+06, v5;
	v10 =	vshll.u32 v16, $0x4;
	v15 =	vadd.s32 v2, v15;
	[tilespmem:v11+s23+$0x0] =	vst.idx.add.s32.msk $0xffff, v3  }
0x3cb: {  	v4 =	vadd.f32 $8.388608000e+06, v4;
	v9 =	vshll.u32 v9, $0x4;
	v10 =	vadd.s32 v2, v10;
	[tilespmem:v12+s23+$0x0] =	vst.idx.add.s32.msk $0xffff, v3  }
0x3cc: {  	v5 =	vshll.u32 v5, $0x4;
	v7 =	vadd.f32 $8.388608000e+06, v7;
	v9 =	vadd.s32 v2, v9;
	[tilespmem:v8+s23+$0x0] =	vst.idx.add.s32.msk $0xffff, v3  }
0x3cd: {  	v4 =	vshll.u32 v4, $0x4;
	v8 =	vadd.s32 v2, v5;
	[tilespmem:v6+s23+$0x0] =	vst.idx.add.s32.msk $0xffff, v3  }
0x3ce: {  	v6 =	vadd.s32 v2, v4;
	v5 =	vshll.u32 v7, $0x4;
	[tilespmem:v14+s23+$0x0] =	vst.idx.add.s32.msk $0xffff, v3  }
.Ltmp11:
0x3cf: {  	v4 =	vadd.s32 v2, v13;
	v5 =	vadd.s32 v2, v5;
	[tilespmem:v15+s23+$0x0] =	vst.idx.add.s32.msk $0xffff, v3;
	(pc) =	sbr.rel @p0 .LBB2_24-.Ltmp11, $4  }
0x3d0: {  	[tilespmem:v10+s23+$0x0] =	vst.idx.add.s32.msk $0xffff, v3  }
0x3d1: {  	[tilespmem:v9+s23+$0x0] =	vst.idx.add.s32.msk $0xffff, v3  }
0x3d2: {  	[tilespmem:v8+s23+$0x0] =	vst.idx.add.s32.msk $0xffff, v3  }
0x3d3: {  	[tilespmem:v6+s23+$0x0] =	vst.idx.add.s32.msk $0xffff, v3  }
0x3d4: {  	_ =	sdelay $0x3  }
0x3d5: {  	[tilespmem:v5+s23+$0x0] =	vst.idx.add.s32.msk $0xffff, v3  }
0x3d6: {  	[tilespmem:v4+s23+$0x0] =	vst.idx.add.s32.msk $0xffff, v3  }
0x3d7: {  	[tilespmem:s21], [sflag:$0x2] =	stream.linear.gather [hbm4b:s16+s2], $0x8000, $0x38;
	[tilespmem:$0x10880] =	vst v63  }
0x3d8: {  	_ =	swait.ge [sflag:s22], $0x8000  }
0x3d9: {  	[sflag:s22] =	ssyncset.done $0x0  }
0x3da: {  	s29 =	simm.s32 $0x80;
	[sflag:s22] =	ssyncadd.s32 $0xFFFF8000  }
0x3db: {  	v4 =	vld [tilespmem:s29+$0xFFFFFFA0]  }
0x3dc: {  	v5 =	vld [tilespmem:s29+$0xFFFFFFB0]  }
0x3dd: {  	v6 =	vld [tilespmem:s29+$0xFFFFFF80]  }
0x3de: {  	v7 =	vld [tilespmem:s29+$0x70]  }
0x3df: {  	v9 =	vld [tilespmem:s29+$0x50]  }
0x3e0: {  	v10 =	vld [tilespmem:s29+$0x40]  }
0x3e1: {  	v11 =	vld [tilespmem:s29+$0x30]  }
0x3e2: {  	v12 =	vld [tilespmem:s29+$0x20];
	v6 =	vadd.f32 $8.388608000e+06, v6  }
0x3e3: {  	v8 =	vld [tilespmem:s29+$0x60];
	v7 =	vadd.f32 $8.388608000e+06, v7  }
0x3e4: {  	v13 =	vld [tilespmem:s29+$0x10];
	v6 =	vshll.u32 v6, $0x4  }
0x3e5: {  	v14 =	vld [tilespmem:s29+$0x0];
	v9 =	vadd.f32 $8.388608000e+06, v9;
	v7 =	vshll.u32 v7, $0x4;
	v6 =	vadd.s32 v2, v6  }
0x3e6: {  	v15 =	vld [tilespmem:s29+$0xFFFFFFF0];
	v10 =	vadd.f32 $8.388608000e+06, v10;
	v7 =	vadd.s32 v2, v7  }
0x3e7: {  	v16 =	vld [tilespmem:s29+$0xFFFFFFE0];
	v11 =	vadd.f32 $8.388608000e+06, v11;
	v12 =	vadd.f32 $8.388608000e+06, v12;
	v9 =	vshll.u32 v9, $0x4  }
0x3e8: {  	v17 =	vld [tilespmem:s29+$0xFFFFFFD0];
	v8 =	vadd.f32 $8.388608000e+06, v8;
	v10 =	vshll.u32 v10, $0x4;
	v9 =	vadd.s32 v2, v9  }
0x3e9: {  	v18 =	vld [tilespmem:s29+$0xFFFFFFC0];
	v5 =	vadd.f32 $8.388608000e+06, v5;
	v11 =	vshll.u32 v11, $0x4;
	v10 =	vadd.s32 v2, v10  }
0x3ea: {  	v12 =	vshll.u32 v12, $0x4;
	v11 =	vadd.s32 v2, v11;
	[tilespmem:v6+s23+$0x0] =	vst.idx.add.s32.msk $0xffff, v3;
	v6 =	vadd.f32 $8.388608000e+06, v14  }
0x3eb: {  	v4 =	vadd.f32 $8.388608000e+06, v4;
	v8 =	vshll.u32 v8, $0x4;
	v12 =	vadd.s32 v2, v12;
	[tilespmem:v7+s23+$0x0] =	vst.idx.add.s32.msk $0xffff, v3  }
0x3ec: {  	v14 =	vadd.f32 $8.388608000e+06, v15;
	v7 =	vadd.s32 v2, v8;
	v8 =	vld [tilespmem:s29+$0xFFFFFF90];
	v6 =	vshll.u32 v6, $0x4  }
0x3ed: {  	v5 =	vshll.u32 v5, $0x4;
	v15 =	vadd.f32 $8.388608000e+06, v16;
	[tilespmem:v9+s23+$0x0] =	vst.idx.add.s32.msk $0xffff, v3;
	v6 =	vadd.s32 v2, v6  }
0x3ee: {  	v5 =	vadd.s32 v2, v5;
	v16 =	vadd.f32 $8.388608000e+06, v17;
	[tilespmem:v10+s23+$0x0] =	vst.idx.add.s32.msk $0xffff, v3;
	v14 =	vshll.u32 v14, $0x4  }
0x3ef: {  	v9 =	vadd.f32 $8.388608000e+06, v18;
	[tilespmem:v11+s23+$0x0] =	vst.idx.add.s32.msk $0xffff, v3;
	v15 =	vshll.u32 v15, $0x4;
	v14 =	vadd.s32 v2, v14  }
0x3f0: {  	v4 =	vshll.u32 v4, $0x4;
	[tilespmem:v12+s23+$0x0] =	vst.idx.add.s32.msk $0xffff, v3;
	v10 =	vshll.u32 v16, $0x4;
	v15 =	vadd.s32 v2, v15  }
0x3f1: {  	v9 =	vshll.u32 v9, $0x4;
	v10 =	vadd.s32 v2, v10;
	[tilespmem:v7+s23+$0x0] =	vst.idx.add.s32.msk $0xffff, v3;
	v7 =	vadd.f32 $8.388608000e+06, v8  }
0x3f2: {  	v9 =	vadd.s32 v2, v9;
	[tilespmem:v6+s23+$0x0] =	vst.idx.add.s32.msk $0xffff, v3;
	v6 =	vadd.s32 v2, v4;
	v4 =	vadd.f32 $8.388608000e+06, v13  }
0x3f3: {  	[tilespmem:v5+s23+$0x0] =	vst.idx.add.s32.msk $0xffff, v3;
	v7 =	vshll.u32 v7, $0x4  }
0x3f4: {  	[tilespmem:v14+s23+$0x0] =	vst.idx.add.s32.msk $0xffff, v3;
	v5 =	vadd.s32 v2, v7;
	v4 =	vshll.u32 v4, $0x4  }
0x3f5: {  	[tilespmem:v15+s23+$0x0] =	vst.idx.add.s32.msk $0xffff, v3;
	v4 =	vadd.s32 v2, v4  }
0x3f6: {  	[tilespmem:v10+s23+$0x0] =	vst.idx.add.s32.msk $0xffff, v3  }
0x3f7: {  	[tilespmem:v9+s23+$0x0] =	vst.idx.add.s32.msk $0xffff, v3  }
0x3f8: {  	s30 =	simm.s32 $0x0;
	[tilespmem:v6+s23+$0x0] =	vst.idx.add.s32.msk $0xffff, v3  }
.LBB2_26:
0x3f9: {  	s30 =	sadd.s32 $0x10, s30;
	[tilespmem:v5+s23+$0x0] =	vst.idx.add.s32.msk $0xffff, v3;
	s29 =	sadd.s32 $0x100, s29  }
0x3fa: {  	p0 =	slt.u32 s30, $0x7F0;
	[tilespmem:v4+s23+$0x0] =	vst.idx.add.s32.msk $0xffff, v3  }
0x3fb: {  	v4 =	vld [tilespmem:s29+$0xFFFFFFA0]  }
0x3fc: {  	v5 =	vld [tilespmem:s29+$0xFFFFFFB0]  }
0x3fd: {  	v6 =	vld [tilespmem:s29+$0xFFFFFF80]  }
0x3fe: {  	v7 =	vld [tilespmem:s29+$0x70]  }
0x3ff: {  	v8 =	vld [tilespmem:s29+$0x60]  }
0x400: {  	v9 =	vld [tilespmem:s29+$0x50]  }
0x401: {  	v10 =	vld [tilespmem:s29+$0x40]  }
0x402: {  	v6 =	vadd.f32 $8.388608000e+06, v6;
	v11 =	vld [tilespmem:s29+$0x30]  }
0x403: {  	v12 =	vld [tilespmem:s29+$0x20];
	v7 =	vadd.f32 $8.388608000e+06, v7  }
0x404: {  	v6 =	vshll.u32 v6, $0x4;
	v13 =	vld [tilespmem:s29+$0x10];
	v8 =	vadd.f32 $8.388608000e+06, v8  }
0x405: {  	v6 =	vadd.s32 v2, v6;
	v14 =	vld [tilespmem:s29+$0x0];
	v9 =	vadd.f32 $8.388608000e+06, v9;
	v7 =	vshll.u32 v7, $0x4  }
0x406: {  	v15 =	vld [tilespmem:s29+$0xFFFFFFF0];
	v10 =	vadd.f32 $8.388608000e+06, v10;
	v7 =	vadd.s32 v2, v7  }
0x407: {  	v8 =	vshll.u32 v8, $0x4;
	v16 =	vld [tilespmem:s29+$0xFFFFFFE0];
	v11 =	vadd.f32 $8.388608000e+06, v11;
	v9 =	vshll.u32 v9, $0x4  }
0x408: {  	v17 =	vld [tilespmem:s29+$0xFFFFFFD0];
	v12 =	vadd.f32 $8.388608000e+06, v12;
	v10 =	vshll.u32 v10, $0x4;
	v9 =	vadd.s32 v2, v9  }
0x409: {  	v18 =	vld [tilespmem:s29+$0xFFFFFFC0];
	v13 =	vadd.f32 $8.388608000e+06, v13;
	v11 =	vshll.u32 v11, $0x4;
	v10 =	vadd.s32 v2, v10  }
0x40a: {  	[tilespmem:v6+s23+$0x0] =	vst.idx.add.s32.msk $0xffff, v3;
	v6 =	vadd.f32 $8.388608000e+06, v14;
	v12 =	vshll.u32 v12, $0x4;
	v11 =	vadd.s32 v2, v11  }
0x40b: {  	v8 =	vadd.s32 v2, v8;
	v14 =	vadd.f32 $8.388608000e+06, v15;
	v12 =	vadd.s32 v2, v12;
	[tilespmem:v7+s23+$0x0] =	vst.idx.add.s32.msk $0xffff, v3  }
0x40c: {  	v13 =	vshll.u32 v13, $0x4;
	v7 =	vld [tilespmem:s29+$0xFFFFFF90];
	v15 =	vadd.f32 $8.388608000e+06, v16;
	v6 =	vshll.u32 v6, $0x4  }
0x40d: {  	v16 =	vadd.f32 $8.388608000e+06, v17;
	v14 =	vshll.u32 v14, $0x4;
	v6 =	vadd.s32 v2, v6;
	[tilespmem:v9+s23+$0x0] =	vst.idx.add.s32.msk $0xffff, v3  }
0x40e: {  	v9 =	vadd.f32 $8.388608000e+06, v18;
	v15 =	vshll.u32 v15, $0x4;
	v14 =	vadd.s32 v2, v14;
	[tilespmem:v10+s23+$0x0] =	vst.idx.add.s32.msk $0xffff, v3  }
0x40f: {  	v5 =	vadd.f32 $8.388608000e+06, v5;
	v10 =	vshll.u32 v16, $0x4;
	v15 =	vadd.s32 v2, v15;
	[tilespmem:v11+s23+$0x0] =	vst.idx.add.s32.msk $0xffff, v3  }
0x410: {  	v4 =	vadd.f32 $8.388608000e+06, v4;
	v9 =	vshll.u32 v9, $0x4;
	v10 =	vadd.s32 v2, v10;
	[tilespmem:v12+s23+$0x0] =	vst.idx.add.s32.msk $0xffff, v3  }
0x411: {  	v5 =	vshll.u32 v5, $0x4;
	v7 =	vadd.f32 $8.388608000e+06, v7;
	v9 =	vadd.s32 v2, v9;
	[tilespmem:v8+s23+$0x0] =	vst.idx.add.s32.msk $0xffff, v3  }
0x412: {  	v4 =	vshll.u32 v4, $0x4;
	v8 =	vadd.s32 v2, v5;
	[tilespmem:v6+s23+$0x0] =	vst.idx.add.s32.msk $0xffff, v3  }
0x413: {  	v6 =	vadd.s32 v2, v4;
	v5 =	vshll.u32 v7, $0x4;
	[tilespmem:v14+s23+$0x0] =	vst.idx.add.s32.msk $0xffff, v3  }
.Ltmp12:
0x414: {  	v4 =	vadd.s32 v2, v13;
	v5 =	vadd.s32 v2, v5;
	[tilespmem:v15+s23+$0x0] =	vst.idx.add.s32.msk $0xffff, v3;
	(pc) =	sbr.rel @p0 .LBB2_26-.Ltmp12, $4  }
0x415: {  	[tilespmem:v10+s23+$0x0] =	vst.idx.add.s32.msk $0xffff, v3  }
0x416: {  	[tilespmem:v9+s23+$0x0] =	vst.idx.add.s32.msk $0xffff, v3  }
0x417: {  	[tilespmem:v8+s23+$0x0] =	vst.idx.add.s32.msk $0xffff, v3  }
0x418: {  	[tilespmem:v6+s23+$0x0] =	vst.idx.add.s32.msk $0xffff, v3  }
0x419: {  	_ =	sdelay $0x3  }
0x41a: {  	[tilespmem:v5+s23+$0x0] =	vst.idx.add.s32.msk $0xffff, v3  }
0x41b: {  	[tilespmem:v4+s23+$0x0] =	vst.idx.add.s32.msk $0xffff, v3  }
0x41c: {  	[tilespmem:s2], [sflag:$0x1] =	stream.linear.gather [hbm4b:s17+s2], $0x8000, $0x38;
	[tilespmem:$0x10880] =	vst v63  }
0x41d: {  	_ =	swait.ge [sflag:s24], $0x8000  }
0x41e: {  	[sflag:s24] =	ssyncset.done $0x0  }
0x41f: {  	s29 =	simm.s32 $0x8080;
	[sflag:s24] =	ssyncadd.s32 $0xFFFF8000  }
0x420: {  	v4 =	vld [tilespmem:s29+$0xFFFFFFA0]  }
0x421: {  	v5 =	vld [tilespmem:s29+$0xFFFFFFB0]  }
0x422: {  	v6 =	vld [tilespmem:s29+$0xFFFFFF80]  }
0x423: {  	v7 =	vld [tilespmem:s29+$0x70]  }
0x424: {  	v9 =	vld [tilespmem:s29+$0x50]  }
0x425: {  	v10 =	vld [tilespmem:s29+$0x40]  }
0x426: {  	v11 =	vld [tilespmem:s29+$0x30]  }
0x427: {  	v12 =	vld [tilespmem:s29+$0x20];
	v6 =	vadd.f32 $8.388608000e+06, v6  }
0x428: {  	v8 =	vld [tilespmem:s29+$0x60];
	v7 =	vadd.f32 $8.388608000e+06, v7  }
0x429: {  	v13 =	vld [tilespmem:s29+$0x10];
	v6 =	vshll.u32 v6, $0x4  }
0x42a: {  	v14 =	vld [tilespmem:s29+$0x0];
	v9 =	vadd.f32 $8.388608000e+06, v9;
	v7 =	vshll.u32 v7, $0x4;
	v6 =	vadd.s32 v2, v6  }
0x42b: {  	v15 =	vld [tilespmem:s29+$0xFFFFFFF0];
	v10 =	vadd.f32 $8.388608000e+06, v10;
	v7 =	vadd.s32 v2, v7  }
0x42c: {  	v16 =	vld [tilespmem:s29+$0xFFFFFFE0];
	v11 =	vadd.f32 $8.388608000e+06, v11;
	v12 =	vadd.f32 $8.388608000e+06, v12;
	v9 =	vshll.u32 v9, $0x4  }
0x42d: {  	v17 =	vld [tilespmem:s29+$0xFFFFFFD0];
	v8 =	vadd.f32 $8.388608000e+06, v8;
	v10 =	vshll.u32 v10, $0x4;
	v9 =	vadd.s32 v2, v9  }
0x42e: {  	v18 =	vld [tilespmem:s29+$0xFFFFFFC0];
	v5 =	vadd.f32 $8.388608000e+06, v5;
	v11 =	vshll.u32 v11, $0x4;
	v10 =	vadd.s32 v2, v10  }
0x42f: {  	v12 =	vshll.u32 v12, $0x4;
	v11 =	vadd.s32 v2, v11;
	[tilespmem:v6+s23+$0x0] =	vst.idx.add.s32.msk $0xffff, v3;
	v6 =	vadd.f32 $8.388608000e+06, v14  }
0x430: {  	v4 =	vadd.f32 $8.388608000e+06, v4;
	v8 =	vshll.u32 v8, $0x4;
	v12 =	vadd.s32 v2, v12;
	[tilespmem:v7+s23+$0x0] =	vst.idx.add.s32.msk $0xffff, v3  }
0x431: {  	v14 =	vadd.f32 $8.388608000e+06, v15;
	v7 =	vadd.s32 v2, v8;
	v8 =	vld [tilespmem:s29+$0xFFFFFF90];
	v6 =	vshll.u32 v6, $0x4  }
0x432: {  	v5 =	vshll.u32 v5, $0x4;
	v15 =	vadd.f32 $8.388608000e+06, v16;
	[tilespmem:v9+s23+$0x0] =	vst.idx.add.s32.msk $0xffff, v3;
	v6 =	vadd.s32 v2, v6  }
0x433: {  	v5 =	vadd.s32 v2, v5;
	v16 =	vadd.f32 $8.388608000e+06, v17;
	[tilespmem:v10+s23+$0x0] =	vst.idx.add.s32.msk $0xffff, v3;
	v14 =	vshll.u32 v14, $0x4  }
0x434: {  	v9 =	vadd.f32 $8.388608000e+06, v18;
	[tilespmem:v11+s23+$0x0] =	vst.idx.add.s32.msk $0xffff, v3;
	v15 =	vshll.u32 v15, $0x4;
	v14 =	vadd.s32 v2, v14  }
0x435: {  	v4 =	vshll.u32 v4, $0x4;
	[tilespmem:v12+s23+$0x0] =	vst.idx.add.s32.msk $0xffff, v3;
	v10 =	vshll.u32 v16, $0x4;
	v15 =	vadd.s32 v2, v15  }
0x436: {  	v9 =	vshll.u32 v9, $0x4;
	v10 =	vadd.s32 v2, v10;
	[tilespmem:v7+s23+$0x0] =	vst.idx.add.s32.msk $0xffff, v3;
	v7 =	vadd.f32 $8.388608000e+06, v8  }
0x437: {  	v9 =	vadd.s32 v2, v9;
	[tilespmem:v6+s23+$0x0] =	vst.idx.add.s32.msk $0xffff, v3;
	v6 =	vadd.s32 v2, v4;
	v4 =	vadd.f32 $8.388608000e+06, v13  }
0x438: {  	[tilespmem:v5+s23+$0x0] =	vst.idx.add.s32.msk $0xffff, v3;
	v7 =	vshll.u32 v7, $0x4  }
0x439: {  	[tilespmem:v14+s23+$0x0] =	vst.idx.add.s32.msk $0xffff, v3;
	v5 =	vadd.s32 v2, v7;
	v4 =	vshll.u32 v4, $0x4  }
0x43a: {  	[tilespmem:v15+s23+$0x0] =	vst.idx.add.s32.msk $0xffff, v3;
	v4 =	vadd.s32 v2, v4  }
0x43b: {  	[tilespmem:v10+s23+$0x0] =	vst.idx.add.s32.msk $0xffff, v3  }
0x43c: {  	[tilespmem:v9+s23+$0x0] =	vst.idx.add.s32.msk $0xffff, v3  }
0x43d: {  	s30 =	simm.s32 $0x0;
	[tilespmem:v6+s23+$0x0] =	vst.idx.add.s32.msk $0xffff, v3  }
.LBB2_28:
0x43e: {  	s30 =	sadd.s32 $0x10, s30;
	[tilespmem:v5+s23+$0x0] =	vst.idx.add.s32.msk $0xffff, v3;
	s29 =	sadd.s32 $0x100, s29  }
0x43f: {  	p0 =	slt.u32 s30, $0x7F0;
	[tilespmem:v4+s23+$0x0] =	vst.idx.add.s32.msk $0xffff, v3  }
0x440: {  	v4 =	vld [tilespmem:s29+$0xFFFFFFA0]  }
0x441: {  	v5 =	vld [tilespmem:s29+$0xFFFFFFB0]  }
0x442: {  	v6 =	vld [tilespmem:s29+$0xFFFFFF80]  }
0x443: {  	v7 =	vld [tilespmem:s29+$0x70]  }
0x444: {  	v8 =	vld [tilespmem:s29+$0x60]  }
0x445: {  	v9 =	vld [tilespmem:s29+$0x50]  }
0x446: {  	v10 =	vld [tilespmem:s29+$0x40]  }
0x447: {  	v6 =	vadd.f32 $8.388608000e+06, v6;
	v11 =	vld [tilespmem:s29+$0x30]  }
0x448: {  	v12 =	vld [tilespmem:s29+$0x20];
	v7 =	vadd.f32 $8.388608000e+06, v7  }
0x449: {  	v6 =	vshll.u32 v6, $0x4;
	v13 =	vld [tilespmem:s29+$0x10];
	v8 =	vadd.f32 $8.388608000e+06, v8  }
0x44a: {  	v6 =	vadd.s32 v2, v6;
	v14 =	vld [tilespmem:s29+$0x0];
	v9 =	vadd.f32 $8.388608000e+06, v9;
	v7 =	vshll.u32 v7, $0x4  }
0x44b: {  	v15 =	vld [tilespmem:s29+$0xFFFFFFF0];
	v10 =	vadd.f32 $8.388608000e+06, v10;
	v7 =	vadd.s32 v2, v7  }
0x44c: {  	v8 =	vshll.u32 v8, $0x4;
	v16 =	vld [tilespmem:s29+$0xFFFFFFE0];
	v11 =	vadd.f32 $8.388608000e+06, v11;
	v9 =	vshll.u32 v9, $0x4  }
0x44d: {  	v17 =	vld [tilespmem:s29+$0xFFFFFFD0];
	v12 =	vadd.f32 $8.388608000e+06, v12;
	v10 =	vshll.u32 v10, $0x4;
	v9 =	vadd.s32 v2, v9  }
0x44e: {  	v18 =	vld [tilespmem:s29+$0xFFFFFFC0];
	v13 =	vadd.f32 $8.388608000e+06, v13;
	v11 =	vshll.u32 v11, $0x4;
	v10 =	vadd.s32 v2, v10  }
0x44f: {  	[tilespmem:v6+s23+$0x0] =	vst.idx.add.s32.msk $0xffff, v3;
	v6 =	vadd.f32 $8.388608000e+06, v14;
	v12 =	vshll.u32 v12, $0x4;
	v11 =	vadd.s32 v2, v11  }
0x450: {  	v8 =	vadd.s32 v2, v8;
	v14 =	vadd.f32 $8.388608000e+06, v15;
	v12 =	vadd.s32 v2, v12;
	[tilespmem:v7+s23+$0x0] =	vst.idx.add.s32.msk $0xffff, v3  }
0x451: {  	v13 =	vshll.u32 v13, $0x4;
	v7 =	vld [tilespmem:s29+$0xFFFFFF90];
	v15 =	vadd.f32 $8.388608000e+06, v16;
	v6 =	vshll.u32 v6, $0x4  }
0x452: {  	v16 =	vadd.f32 $8.388608000e+06, v17;
	v14 =	vshll.u32 v14, $0x4;
	v6 =	vadd.s32 v2, v6;
	[tilespmem:v9+s23+$0x0] =	vst.idx.add.s32.msk $0xffff, v3  }
0x453: {  	v9 =	vadd.f32 $8.388608000e+06, v18;
	v15 =	vshll.u32 v15, $0x4;
	v14 =	vadd.s32 v2, v14;
	[tilespmem:v10+s23+$0x0] =	vst.idx.add.s32.msk $0xffff, v3  }
0x454: {  	v5 =	vadd.f32 $8.388608000e+06, v5;
	v10 =	vshll.u32 v16, $0x4;
	v15 =	vadd.s32 v2, v15;
	[tilespmem:v11+s23+$0x0] =	vst.idx.add.s32.msk $0xffff, v3  }
0x455: {  	v4 =	vadd.f32 $8.388608000e+06, v4;
	v9 =	vshll.u32 v9, $0x4;
	v10 =	vadd.s32 v2, v10;
	[tilespmem:v12+s23+$0x0] =	vst.idx.add.s32.msk $0xffff, v3  }
0x456: {  	v5 =	vshll.u32 v5, $0x4;
	v7 =	vadd.f32 $8.388608000e+06, v7;
	v9 =	vadd.s32 v2, v9;
	[tilespmem:v8+s23+$0x0] =	vst.idx.add.s32.msk $0xffff, v3  }
0x457: {  	v4 =	vshll.u32 v4, $0x4;
	v8 =	vadd.s32 v2, v5;
	[tilespmem:v6+s23+$0x0] =	vst.idx.add.s32.msk $0xffff, v3  }
0x458: {  	v6 =	vadd.s32 v2, v4;
	v5 =	vshll.u32 v7, $0x4;
	[tilespmem:v14+s23+$0x0] =	vst.idx.add.s32.msk $0xffff, v3  }
.Ltmp13:
0x459: {  	v4 =	vadd.s32 v2, v13;
	v5 =	vadd.s32 v2, v5;
	[tilespmem:v15+s23+$0x0] =	vst.idx.add.s32.msk $0xffff, v3;
	(pc) =	sbr.rel @p0 .LBB2_28-.Ltmp13, $4  }
0x45a: {  	[tilespmem:v10+s23+$0x0] =	vst.idx.add.s32.msk $0xffff, v3  }
0x45b: {  	[tilespmem:v9+s23+$0x0] =	vst.idx.add.s32.msk $0xffff, v3  }
0x45c: {  	[tilespmem:v8+s23+$0x0] =	vst.idx.add.s32.msk $0xffff, v3  }
0x45d: {  	[tilespmem:v6+s23+$0x0] =	vst.idx.add.s32.msk $0xffff, v3  }
0x45e: {  	_ =	sdelay $0x3  }
0x45f: {  	[tilespmem:v5+s23+$0x0] =	vst.idx.add.s32.msk $0xffff, v3  }
0x460: {  	[tilespmem:v4+s23+$0x0] =	vst.idx.add.s32.msk $0xffff, v3  }
0x461: {  	[tilespmem:s21], [sflag:$0x2] =	stream.linear.gather [hbm4b:s18+s2], $0x8000, $0x38;
	[tilespmem:$0x10880] =	vst v63  }
0x462: {  	_ =	swait.ge [sflag:s22], $0x8000  }
0x463: {  	[sflag:s22] =	ssyncset.done $0x0  }
0x464: {  	s29 =	simm.s32 $0x80;
	[sflag:s22] =	ssyncadd.s32 $0xFFFF8000  }
0x465: {  	v4 =	vld [tilespmem:s29+$0xFFFFFFA0]  }
0x466: {  	v5 =	vld [tilespmem:s29+$0xFFFFFFB0]  }
0x467: {  	v6 =	vld [tilespmem:s29+$0xFFFFFF80]  }
0x468: {  	v7 =	vld [tilespmem:s29+$0x70]  }
0x469: {  	v9 =	vld [tilespmem:s29+$0x50]  }
0x46a: {  	v10 =	vld [tilespmem:s29+$0x40]  }
0x46b: {  	v11 =	vld [tilespmem:s29+$0x30]  }
0x46c: {  	v12 =	vld [tilespmem:s29+$0x20];
	v6 =	vadd.f32 $8.388608000e+06, v6  }
0x46d: {  	v8 =	vld [tilespmem:s29+$0x60];
	v7 =	vadd.f32 $8.388608000e+06, v7  }
0x46e: {  	v13 =	vld [tilespmem:s29+$0x10];
	v6 =	vshll.u32 v6, $0x4  }
0x46f: {  	v14 =	vld [tilespmem:s29+$0x0];
	v9 =	vadd.f32 $8.388608000e+06, v9;
	v7 =	vshll.u32 v7, $0x4;
	v6 =	vadd.s32 v2, v6  }
0x470: {  	v15 =	vld [tilespmem:s29+$0xFFFFFFF0];
	v10 =	vadd.f32 $8.388608000e+06, v10;
	v7 =	vadd.s32 v2, v7  }
0x471: {  	v16 =	vld [tilespmem:s29+$0xFFFFFFE0];
	v11 =	vadd.f32 $8.388608000e+06, v11;
	v12 =	vadd.f32 $8.388608000e+06, v12;
	v9 =	vshll.u32 v9, $0x4  }
0x472: {  	v17 =	vld [tilespmem:s29+$0xFFFFFFD0];
	v8 =	vadd.f32 $8.388608000e+06, v8;
	v10 =	vshll.u32 v10, $0x4;
	v9 =	vadd.s32 v2, v9  }
0x473: {  	v18 =	vld [tilespmem:s29+$0xFFFFFFC0];
	v5 =	vadd.f32 $8.388608000e+06, v5;
	v11 =	vshll.u32 v11, $0x4;
	v10 =	vadd.s32 v2, v10  }
0x474: {  	v12 =	vshll.u32 v12, $0x4;
	v11 =	vadd.s32 v2, v11;
	[tilespmem:v6+s23+$0x0] =	vst.idx.add.s32.msk $0xffff, v3;
	v6 =	vadd.f32 $8.388608000e+06, v14  }
0x475: {  	v4 =	vadd.f32 $8.388608000e+06, v4;
	v8 =	vshll.u32 v8, $0x4;
	v12 =	vadd.s32 v2, v12;
	[tilespmem:v7+s23+$0x0] =	vst.idx.add.s32.msk $0xffff, v3  }
0x476: {  	v14 =	vadd.f32 $8.388608000e+06, v15;
	v7 =	vadd.s32 v2, v8;
	v8 =	vld [tilespmem:s29+$0xFFFFFF90];
	v6 =	vshll.u32 v6, $0x4  }
0x477: {  	v5 =	vshll.u32 v5, $0x4;
	v15 =	vadd.f32 $8.388608000e+06, v16;
	[tilespmem:v9+s23+$0x0] =	vst.idx.add.s32.msk $0xffff, v3;
	v6 =	vadd.s32 v2, v6  }
0x478: {  	v5 =	vadd.s32 v2, v5;
	v16 =	vadd.f32 $8.388608000e+06, v17;
	[tilespmem:v10+s23+$0x0] =	vst.idx.add.s32.msk $0xffff, v3;
	v14 =	vshll.u32 v14, $0x4  }
0x479: {  	v9 =	vadd.f32 $8.388608000e+06, v18;
	[tilespmem:v11+s23+$0x0] =	vst.idx.add.s32.msk $0xffff, v3;
	v15 =	vshll.u32 v15, $0x4;
	v14 =	vadd.s32 v2, v14  }
0x47a: {  	v4 =	vshll.u32 v4, $0x4;
	[tilespmem:v12+s23+$0x0] =	vst.idx.add.s32.msk $0xffff, v3;
	v10 =	vshll.u32 v16, $0x4;
	v15 =	vadd.s32 v2, v15  }
0x47b: {  	v9 =	vshll.u32 v9, $0x4;
	v10 =	vadd.s32 v2, v10;
	[tilespmem:v7+s23+$0x0] =	vst.idx.add.s32.msk $0xffff, v3;
	v7 =	vadd.f32 $8.388608000e+06, v8  }
0x47c: {  	v9 =	vadd.s32 v2, v9;
	[tilespmem:v6+s23+$0x0] =	vst.idx.add.s32.msk $0xffff, v3;
	v6 =	vadd.s32 v2, v4;
	v4 =	vadd.f32 $8.388608000e+06, v13  }
0x47d: {  	[tilespmem:v5+s23+$0x0] =	vst.idx.add.s32.msk $0xffff, v3;
	v7 =	vshll.u32 v7, $0x4  }
0x47e: {  	[tilespmem:v14+s23+$0x0] =	vst.idx.add.s32.msk $0xffff, v3;
	v5 =	vadd.s32 v2, v7;
	v4 =	vshll.u32 v4, $0x4  }
0x47f: {  	[tilespmem:v15+s23+$0x0] =	vst.idx.add.s32.msk $0xffff, v3;
	v4 =	vadd.s32 v2, v4  }
0x480: {  	[tilespmem:v10+s23+$0x0] =	vst.idx.add.s32.msk $0xffff, v3  }
0x481: {  	[tilespmem:v9+s23+$0x0] =	vst.idx.add.s32.msk $0xffff, v3  }
0x482: {  	s30 =	simm.s32 $0x0;
	[tilespmem:v6+s23+$0x0] =	vst.idx.add.s32.msk $0xffff, v3  }
.LBB2_30:
0x483: {  	s30 =	sadd.s32 $0x10, s30;
	[tilespmem:v5+s23+$0x0] =	vst.idx.add.s32.msk $0xffff, v3;
	s29 =	sadd.s32 $0x100, s29  }
0x484: {  	p0 =	slt.u32 s30, $0x7F0;
	[tilespmem:v4+s23+$0x0] =	vst.idx.add.s32.msk $0xffff, v3  }
0x485: {  	v4 =	vld [tilespmem:s29+$0xFFFFFFA0]  }
0x486: {  	v5 =	vld [tilespmem:s29+$0xFFFFFFB0]  }
0x487: {  	v6 =	vld [tilespmem:s29+$0xFFFFFF80]  }
0x488: {  	v7 =	vld [tilespmem:s29+$0x70]  }
0x489: {  	v8 =	vld [tilespmem:s29+$0x60]  }
0x48a: {  	v9 =	vld [tilespmem:s29+$0x50]  }
0x48b: {  	v10 =	vld [tilespmem:s29+$0x40]  }
0x48c: {  	v6 =	vadd.f32 $8.388608000e+06, v6;
	v11 =	vld [tilespmem:s29+$0x30]  }
0x48d: {  	v12 =	vld [tilespmem:s29+$0x20];
	v7 =	vadd.f32 $8.388608000e+06, v7  }
0x48e: {  	v6 =	vshll.u32 v6, $0x4;
	v13 =	vld [tilespmem:s29+$0x10];
	v8 =	vadd.f32 $8.388608000e+06, v8  }
0x48f: {  	v6 =	vadd.s32 v2, v6;
	v14 =	vld [tilespmem:s29+$0x0];
	v9 =	vadd.f32 $8.388608000e+06, v9;
	v7 =	vshll.u32 v7, $0x4  }
0x490: {  	v15 =	vld [tilespmem:s29+$0xFFFFFFF0];
	v10 =	vadd.f32 $8.388608000e+06, v10;
	v7 =	vadd.s32 v2, v7  }
0x491: {  	v8 =	vshll.u32 v8, $0x4;
	v16 =	vld [tilespmem:s29+$0xFFFFFFE0];
	v11 =	vadd.f32 $8.388608000e+06, v11;
	v9 =	vshll.u32 v9, $0x4  }
0x492: {  	v17 =	vld [tilespmem:s29+$0xFFFFFFD0];
	v12 =	vadd.f32 $8.388608000e+06, v12;
	v10 =	vshll.u32 v10, $0x4;
	v9 =	vadd.s32 v2, v9  }
0x493: {  	v18 =	vld [tilespmem:s29+$0xFFFFFFC0];
	v13 =	vadd.f32 $8.388608000e+06, v13;
	v11 =	vshll.u32 v11, $0x4;
	v10 =	vadd.s32 v2, v10  }
0x494: {  	[tilespmem:v6+s23+$0x0] =	vst.idx.add.s32.msk $0xffff, v3;
	v6 =	vadd.f32 $8.388608000e+06, v14;
	v12 =	vshll.u32 v12, $0x4;
	v11 =	vadd.s32 v2, v11  }
0x495: {  	v8 =	vadd.s32 v2, v8;
	v14 =	vadd.f32 $8.388608000e+06, v15;
	v12 =	vadd.s32 v2, v12;
	[tilespmem:v7+s23+$0x0] =	vst.idx.add.s32.msk $0xffff, v3  }
0x496: {  	v13 =	vshll.u32 v13, $0x4;
	v7 =	vld [tilespmem:s29+$0xFFFFFF90];
	v15 =	vadd.f32 $8.388608000e+06, v16;
	v6 =	vshll.u32 v6, $0x4  }
0x497: {  	v16 =	vadd.f32 $8.388608000e+06, v17;
	v14 =	vshll.u32 v14, $0x4;
	v6 =	vadd.s32 v2, v6;
	[tilespmem:v9+s23+$0x0] =	vst.idx.add.s32.msk $0xffff, v3  }
0x498: {  	v9 =	vadd.f32 $8.388608000e+06, v18;
	v15 =	vshll.u32 v15, $0x4;
	v14 =	vadd.s32 v2, v14;
	[tilespmem:v10+s23+$0x0] =	vst.idx.add.s32.msk $0xffff, v3  }
0x499: {  	v5 =	vadd.f32 $8.388608000e+06, v5;
	v10 =	vshll.u32 v16, $0x4;
	v15 =	vadd.s32 v2, v15;
	[tilespmem:v11+s23+$0x0] =	vst.idx.add.s32.msk $0xffff, v3  }
0x49a: {  	v4 =	vadd.f32 $8.388608000e+06, v4;
	v9 =	vshll.u32 v9, $0x4;
	v10 =	vadd.s32 v2, v10;
	[tilespmem:v12+s23+$0x0] =	vst.idx.add.s32.msk $0xffff, v3  }
0x49b: {  	v5 =	vshll.u32 v5, $0x4;
	v7 =	vadd.f32 $8.388608000e+06, v7;
	v9 =	vadd.s32 v2, v9;
	[tilespmem:v8+s23+$0x0] =	vst.idx.add.s32.msk $0xffff, v3  }
0x49c: {  	v4 =	vshll.u32 v4, $0x4;
	v8 =	vadd.s32 v2, v5;
	[tilespmem:v6+s23+$0x0] =	vst.idx.add.s32.msk $0xffff, v3  }
0x49d: {  	v6 =	vadd.s32 v2, v4;
	v5 =	vshll.u32 v7, $0x4;
	[tilespmem:v14+s23+$0x0] =	vst.idx.add.s32.msk $0xffff, v3  }
.Ltmp14:
0x49e: {  	v4 =	vadd.s32 v2, v13;
	v5 =	vadd.s32 v2, v5;
	[tilespmem:v15+s23+$0x0] =	vst.idx.add.s32.msk $0xffff, v3;
	(pc) =	sbr.rel @p0 .LBB2_30-.Ltmp14, $4  }
0x49f: {  	[tilespmem:v10+s23+$0x0] =	vst.idx.add.s32.msk $0xffff, v3  }
0x4a0: {  	[tilespmem:v9+s23+$0x0] =	vst.idx.add.s32.msk $0xffff, v3  }
0x4a1: {  	[tilespmem:v8+s23+$0x0] =	vst.idx.add.s32.msk $0xffff, v3  }
0x4a2: {  	[tilespmem:v6+s23+$0x0] =	vst.idx.add.s32.msk $0xffff, v3  }
0x4a3: {  	_ =	sdelay $0x3  }
0x4a4: {  	[tilespmem:v5+s23+$0x0] =	vst.idx.add.s32.msk $0xffff, v3  }
0x4a5: {  	[tilespmem:v4+s23+$0x0] =	vst.idx.add.s32.msk $0xffff, v3  }
0x4a6: {  	_ =	swait.ge [sflag:s24], $0x8000  }
0x4a7: {  	[sflag:s24] =	ssyncset.done $0x0  }
0x4a8: {  	s29 =	simm.s32 $0x8080;
	[sflag:s24] =	ssyncadd.s32 $0xFFFF8000  }
0x4a9: {  	v4 =	vld [tilespmem:s29+$0xFFFFFFA0]  }
0x4aa: {  	v5 =	vld [tilespmem:s29+$0xFFFFFFB0]  }
0x4ab: {  	v6 =	vld [tilespmem:s29+$0xFFFFFF80]  }
0x4ac: {  	v7 =	vld [tilespmem:s29+$0x70]  }
0x4ad: {  	v9 =	vld [tilespmem:s29+$0x50]  }
0x4ae: {  	v10 =	vld [tilespmem:s29+$0x40]  }
0x4af: {  	v11 =	vld [tilespmem:s29+$0x30]  }
0x4b0: {  	v12 =	vld [tilespmem:s29+$0x20];
	v6 =	vadd.f32 $8.388608000e+06, v6  }
0x4b1: {  	v8 =	vld [tilespmem:s29+$0x60];
	v7 =	vadd.f32 $8.388608000e+06, v7  }
0x4b2: {  	v13 =	vld [tilespmem:s29+$0x10];
	v6 =	vshll.u32 v6, $0x4  }
0x4b3: {  	v14 =	vld [tilespmem:s29+$0x0];
	v9 =	vadd.f32 $8.388608000e+06, v9;
	v7 =	vshll.u32 v7, $0x4;
	v6 =	vadd.s32 v2, v6  }
0x4b4: {  	v15 =	vld [tilespmem:s29+$0xFFFFFFF0];
	v10 =	vadd.f32 $8.388608000e+06, v10;
	v7 =	vadd.s32 v2, v7  }
0x4b5: {  	v16 =	vld [tilespmem:s29+$0xFFFFFFE0];
	v11 =	vadd.f32 $8.388608000e+06, v11;
	v12 =	vadd.f32 $8.388608000e+06, v12;
	v9 =	vshll.u32 v9, $0x4  }
0x4b6: {  	v17 =	vld [tilespmem:s29+$0xFFFFFFD0];
	v8 =	vadd.f32 $8.388608000e+06, v8;
	v10 =	vshll.u32 v10, $0x4;
	v9 =	vadd.s32 v2, v9  }
0x4b7: {  	v18 =	vld [tilespmem:s29+$0xFFFFFFC0];
	v5 =	vadd.f32 $8.388608000e+06, v5;
	v11 =	vshll.u32 v11, $0x4;
	v10 =	vadd.s32 v2, v10  }
0x4b8: {  	v12 =	vshll.u32 v12, $0x4;
	v11 =	vadd.s32 v2, v11;
	[tilespmem:v6+s23+$0x0] =	vst.idx.add.s32.msk $0xffff, v3;
	v6 =	vadd.f32 $8.388608000e+06, v14  }
0x4b9: {  	v4 =	vadd.f32 $8.388608000e+06, v4;
	v8 =	vshll.u32 v8, $0x4;
	v12 =	vadd.s32 v2, v12;
	[tilespmem:v7+s23+$0x0] =	vst.idx.add.s32.msk $0xffff, v3  }
0x4ba: {  	v14 =	vadd.f32 $8.388608000e+06, v15;
	v7 =	vadd.s32 v2, v8;
	v8 =	vld [tilespmem:s29+$0xFFFFFF90];
	v6 =	vshll.u32 v6, $0x4  }
0x4bb: {  	v5 =	vshll.u32 v5, $0x4;
	v15 =	vadd.f32 $8.388608000e+06, v16;
	[tilespmem:v9+s23+$0x0] =	vst.idx.add.s32.msk $0xffff, v3;
	v6 =	vadd.s32 v2, v6  }
0x4bc: {  	v5 =	vadd.s32 v2, v5;
	v16 =	vadd.f32 $8.388608000e+06, v17;
	[tilespmem:v10+s23+$0x0] =	vst.idx.add.s32.msk $0xffff, v3;
	v14 =	vshll.u32 v14, $0x4  }
0x4bd: {  	v9 =	vadd.f32 $8.388608000e+06, v18;
	[tilespmem:v11+s23+$0x0] =	vst.idx.add.s32.msk $0xffff, v3;
	v15 =	vshll.u32 v15, $0x4;
	v14 =	vadd.s32 v2, v14  }
0x4be: {  	v4 =	vshll.u32 v4, $0x4;
	[tilespmem:v12+s23+$0x0] =	vst.idx.add.s32.msk $0xffff, v3;
	v10 =	vshll.u32 v16, $0x4;
	v15 =	vadd.s32 v2, v15  }
0x4bf: {  	v9 =	vshll.u32 v9, $0x4;
	v10 =	vadd.s32 v2, v10;
	[tilespmem:v7+s23+$0x0] =	vst.idx.add.s32.msk $0xffff, v3;
	v7 =	vadd.f32 $8.388608000e+06, v8  }
0x4c0: {  	v9 =	vadd.s32 v2, v9;
	[tilespmem:v6+s23+$0x0] =	vst.idx.add.s32.msk $0xffff, v3;
	v6 =	vadd.s32 v2, v4;
	v4 =	vadd.f32 $8.388608000e+06, v13  }
0x4c1: {  	[tilespmem:v5+s23+$0x0] =	vst.idx.add.s32.msk $0xffff, v3;
	v7 =	vshll.u32 v7, $0x4  }
0x4c2: {  	[tilespmem:v14+s23+$0x0] =	vst.idx.add.s32.msk $0xffff, v3;
	v5 =	vadd.s32 v2, v7;
	v4 =	vshll.u32 v4, $0x4  }
0x4c3: {  	[tilespmem:v15+s23+$0x0] =	vst.idx.add.s32.msk $0xffff, v3;
	v4 =	vadd.s32 v2, v4  }
0x4c4: {  	[tilespmem:v10+s23+$0x0] =	vst.idx.add.s32.msk $0xffff, v3  }
0x4c5: {  	[tilespmem:v9+s23+$0x0] =	vst.idx.add.s32.msk $0xffff, v3  }
0x4c6: {  	s30 =	simm.s32 $0x0;
	[tilespmem:v6+s23+$0x0] =	vst.idx.add.s32.msk $0xffff, v3  }
.LBB2_32:
0x4c7: {  	s30 =	sadd.s32 $0x10, s30;
	[tilespmem:v5+s23+$0x0] =	vst.idx.add.s32.msk $0xffff, v3;
	s29 =	sadd.s32 $0x100, s29  }
0x4c8: {  	p0 =	slt.u32 s30, $0x7F0;
	[tilespmem:v4+s23+$0x0] =	vst.idx.add.s32.msk $0xffff, v3  }
0x4c9: {  	v4 =	vld [tilespmem:s29+$0xFFFFFFA0]  }
0x4ca: {  	v5 =	vld [tilespmem:s29+$0xFFFFFFB0]  }
0x4cb: {  	v6 =	vld [tilespmem:s29+$0xFFFFFF80]  }
0x4cc: {  	v7 =	vld [tilespmem:s29+$0x70]  }
0x4cd: {  	v8 =	vld [tilespmem:s29+$0x60]  }
0x4ce: {  	v9 =	vld [tilespmem:s29+$0x50]  }
0x4cf: {  	v10 =	vld [tilespmem:s29+$0x40]  }
0x4d0: {  	v6 =	vadd.f32 $8.388608000e+06, v6;
	v11 =	vld [tilespmem:s29+$0x30]  }
0x4d1: {  	v12 =	vld [tilespmem:s29+$0x20];
	v7 =	vadd.f32 $8.388608000e+06, v7  }
0x4d2: {  	v6 =	vshll.u32 v6, $0x4;
	v13 =	vld [tilespmem:s29+$0x10];
	v8 =	vadd.f32 $8.388608000e+06, v8  }
0x4d3: {  	v6 =	vadd.s32 v2, v6;
	v14 =	vld [tilespmem:s29+$0x0];
	v9 =	vadd.f32 $8.388608000e+06, v9;
	v7 =	vshll.u32 v7, $0x4  }
0x4d4: {  	v15 =	vld [tilespmem:s29+$0xFFFFFFF0];
	v10 =	vadd.f32 $8.388608000e+06, v10;
	v7 =	vadd.s32 v2, v7  }
0x4d5: {  	v8 =	vshll.u32 v8, $0x4;
	v16 =	vld [tilespmem:s29+$0xFFFFFFE0];
	v11 =	vadd.f32 $8.388608000e+06, v11;
	v9 =	vshll.u32 v9, $0x4  }
0x4d6: {  	v17 =	vld [tilespmem:s29+$0xFFFFFFD0];
	v12 =	vadd.f32 $8.388608000e+06, v12;
	v10 =	vshll.u32 v10, $0x4;
	v9 =	vadd.s32 v2, v9  }
0x4d7: {  	v18 =	vld [tilespmem:s29+$0xFFFFFFC0];
	v13 =	vadd.f32 $8.388608000e+06, v13;
	v11 =	vshll.u32 v11, $0x4;
	v10 =	vadd.s32 v2, v10  }
0x4d8: {  	[tilespmem:v6+s23+$0x0] =	vst.idx.add.s32.msk $0xffff, v3;
	v6 =	vadd.f32 $8.388608000e+06, v14;
	v12 =	vshll.u32 v12, $0x4;
	v11 =	vadd.s32 v2, v11  }
0x4d9: {  	v8 =	vadd.s32 v2, v8;
	v14 =	vadd.f32 $8.388608000e+06, v15;
	v12 =	vadd.s32 v2, v12;
	[tilespmem:v7+s23+$0x0] =	vst.idx.add.s32.msk $0xffff, v3  }
0x4da: {  	v13 =	vshll.u32 v13, $0x4;
	v7 =	vld [tilespmem:s29+$0xFFFFFF90];
	v15 =	vadd.f32 $8.388608000e+06, v16;
	v6 =	vshll.u32 v6, $0x4  }
0x4db: {  	v16 =	vadd.f32 $8.388608000e+06, v17;
	v14 =	vshll.u32 v14, $0x4;
	v6 =	vadd.s32 v2, v6;
	[tilespmem:v9+s23+$0x0] =	vst.idx.add.s32.msk $0xffff, v3  }
0x4dc: {  	v9 =	vadd.f32 $8.388608000e+06, v18;
	v15 =	vshll.u32 v15, $0x4;
	v14 =	vadd.s32 v2, v14;
	[tilespmem:v10+s23+$0x0] =	vst.idx.add.s32.msk $0xffff, v3  }
0x4dd: {  	v5 =	vadd.f32 $8.388608000e+06, v5;
	v10 =	vshll.u32 v16, $0x4;
	v15 =	vadd.s32 v2, v15;
	[tilespmem:v11+s23+$0x0] =	vst.idx.add.s32.msk $0xffff, v3  }
0x4de: {  	v4 =	vadd.f32 $8.388608000e+06, v4;
	v9 =	vshll.u32 v9, $0x4;
	v10 =	vadd.s32 v2, v10;
	[tilespmem:v12+s23+$0x0] =	vst.idx.add.s32.msk $0xffff, v3  }
0x4df: {  	v5 =	vshll.u32 v5, $0x4;
	v7 =	vadd.f32 $8.388608000e+06, v7;
	v9 =	vadd.s32 v2, v9;
	[tilespmem:v8+s23+$0x0] =	vst.idx.add.s32.msk $0xffff, v3  }
0x4e0: {  	v4 =	vshll.u32 v4, $0x4;
	v8 =	vadd.s32 v2, v5;
	[tilespmem:v6+s23+$0x0] =	vst.idx.add.s32.msk $0xffff, v3  }
0x4e1: {  	v6 =	vadd.s32 v2, v4;
	v5 =	vshll.u32 v7, $0x4;
	[tilespmem:v14+s23+$0x0] =	vst.idx.add.s32.msk $0xffff, v3  }
.Ltmp15:
0x4e2: {  	v4 =	vadd.s32 v2, v13;
	v5 =	vadd.s32 v2, v5;
	[tilespmem:v15+s23+$0x0] =	vst.idx.add.s32.msk $0xffff, v3;
	(pc) =	sbr.rel @p0 .LBB2_32-.Ltmp15, $4  }
0x4e3: {  	[tilespmem:v10+s23+$0x0] =	vst.idx.add.s32.msk $0xffff, v3  }
0x4e4: {  	[tilespmem:v9+s23+$0x0] =	vst.idx.add.s32.msk $0xffff, v3  }
0x4e5: {  	[tilespmem:v8+s23+$0x0] =	vst.idx.add.s32.msk $0xffff, v3  }
0x4e6: {  	[tilespmem:v6+s23+$0x0] =	vst.idx.add.s32.msk $0xffff, v3  }
0x4e7: {  	_ =	sdelay $0x3  }
0x4e8: {  	[tilespmem:v5+s23+$0x0] =	vst.idx.add.s32.msk $0xffff, v3  }
0x4e9: {  	[tilespmem:v4+s23+$0x0] =	vst.idx.add.s32.msk $0xffff, v3  }
0x4ea: {  	v5 =	vld [tilespmem:$0x1FF10];
	_ =	sdelay $0x5  }
0x4eb: {  	v4 =	vld.idx.msk [tilespmem:v0+s23+$0x0], $0xffff  }
0x4ec: {  	v6 =	vld [tilespmem:$0x1FF20]  }
0x4ed: {  	v5 =	vld.idx.msk [tilespmem:v5+s23+$0x0], $0xffff  }
0x4ee: {  	v7 =	vld [tilespmem:$0x1FF30]  }
0x4ef: {  	v8 =	vld [tilespmem:$0x1FF40]  }
0x4f0: {  	v9 =	vld [tilespmem:$0x1FF50]  }
0x4f1: {  	v13 =	vld [tilespmem:$0x1FF70]  }
0x4f2: {  	v4 =	vadd.s32 v4, v5;
	v5 =	vld [tilespmem:$0x1FF60]  }
0x4f3: {  	v14 =	vld [tilespmem:$0x1FF80]  }
0x4f4: {  	v15 =	vld [tilespmem:$0x1FF90]  }
0x4f5: {  	v12 =	vld [tilespmem:$0x1FFA0]  }
0x4f6: {  	v6 =	vld.idx.msk [tilespmem:v6+s23+$0x0], $0xffff  }
0x4f7: {  	v7 =	vld.idx.msk [tilespmem:v7+s23+$0x0], $0xffff  }
0x4f8: {  	v8 =	vld.idx.msk [tilespmem:v8+s23+$0x0], $0xffff  }
0x4f9: {  	v9 =	vld.idx.msk [tilespmem:v9+s23+$0x0], $0xffff  }
0x4fa: {  	v5 =	vld.idx.msk [tilespmem:v5+s23+$0x0], $0xffff  }
0x4fb: {  	v4 =	vadd.s32 v6, v4;
	v6 =	vld.idx.msk [tilespmem:v13+s23+$0x0], $0xffff  }
0x4fc: {  	v13 =	vld [tilespmem:$0x1FFC0];
	v4 =	vadd.s32 v7, v4  }
0x4fd: {  	v7 =	vld.idx.msk [tilespmem:v14+s23+$0x0], $0xffff;
	v4 =	vadd.s32 v8, v4  }
0x4fe: {  	v14 =	vld [tilespmem:$0x1FFD0];
	v4 =	vadd.s32 v9, v4  }
0x4ff: {  	v4 =	vadd.s32 v5, v4;
	v5 =	vld [tilespmem:$0x1FFB0]  }
0x500: {  	v8 =	vld.idx.msk [tilespmem:v15+s23+$0x0], $0xffff  }
0x501: {  	v15 =	vld [tilespmem:$0x1FFE0]  }
0x502: {  	v9 =	vld.idx.msk [tilespmem:v12+s23+$0x0], $0xffff  }
0x503: {  	v12 =	vld [tilespmem:$0x1FFF0];
	_ =	sdelay $0x3  }
0x504: {  	v5 =	vld.idx.msk [tilespmem:v5+s23+$0x0], $0xffff  }
0x505: {  	v4 =	vadd.s32 v6, v4;
	v6 =	vld.idx.msk [tilespmem:v13+s23+$0x0], $0xffff  }
0x506: {  	v4 =	vadd.s32 v7, v4;
	v7 =	vld.idx.msk [tilespmem:v14+s23+$0x0], $0xffff  }
0x507: {  	v4 =	vadd.s32 v8, v4;
	v8 =	vld.idx.msk [tilespmem:v15+s23+$0x0], $0xffff  }
0x508: {  	v4 =	vadd.s32 v9, v4;
	v9 =	vld.idx.msk [tilespmem:v12+s23+$0x0], $0xffff  }
0x509: {  	v4 =	vadd.s32 v5, v4  }
0x50a: {  	v4 =	vadd.s32 v6, v4  }
0x50b: {  	v4 =	vadd.s32 v7, v4  }
0x50c: {  	v4 =	vadd.s32 v8, v4  }
0x50d: {  	v4 =	vadd.s32 v9, v4  }
0x50e: {  	[tilespmem:$0x10800] =	vst v4  }
0x50f: {  	v4 =	vld.idx.msk [tilespmem:v19+s23+$0x0], $0xffff  }
0x510: {  	v5 =	vld.idx.msk [tilespmem:v20+s23+$0x0], $0xffff  }
0x511: {  	v13 =	vld.idx.msk [tilespmem:v21+s23+$0x0], $0xffff  }
0x512: {  	v14 =	vld.idx.msk [tilespmem:v22+s23+$0x0], $0xffff  }
0x513: {  	v15 =	vld.idx.msk [tilespmem:v23+s23+$0x0], $0xffff  }
0x514: {  	v12 =	vld.idx.msk [tilespmem:v24+s23+$0x0], $0xffff  }
0x515: {  	v4 =	vadd.s32 v4, v5;
	v5 =	vld.idx.msk [tilespmem:v25+s23+$0x0], $0xffff  }
0x516: {  	v4 =	vadd.s32 v13, v4;
	v13 =	vld.idx.msk [tilespmem:v26+s23+$0x0], $0xffff  }
0x517: {  	v4 =	vadd.s32 v14, v4;
	v14 =	vld.idx.msk [tilespmem:v27+s23+$0x0], $0xffff  }
0x518: {  	v4 =	vadd.s32 v15, v4;
	v15 =	vld.idx.msk [tilespmem:v28+s23+$0x0], $0xffff  }
0x519: {  	v4 =	vadd.s32 v12, v4;
	v12 =	vld.idx.msk [tilespmem:v29+s23+$0x0], $0xffff  }
0x51a: {  	v4 =	vadd.s32 v5, v4;
	v5 =	vld.idx.msk [tilespmem:v30+s23+$0x0], $0xffff  }
0x51b: {  	v4 =	vadd.s32 v13, v4;
	v13 =	vld.idx.msk [tilespmem:v31+s23+$0x0], $0xffff  }
0x51c: {  	v4 =	vadd.s32 v14, v4;
	v14 =	vld.idx.msk [tilespmem:v32+s23+$0x0], $0xffff  }
0x51d: {  	v4 =	vadd.s32 v15, v4;
	v15 =	vld.idx.msk [tilespmem:v33+s23+$0x0], $0xffff  }
0x51e: {  	v4 =	vadd.s32 v12, v4;
	v12 =	vld.idx.msk [tilespmem:v34+s23+$0x0], $0xffff  }
0x51f: {  	v4 =	vadd.s32 v5, v4  }
0x520: {  	v4 =	vadd.s32 v13, v4  }
0x521: {  	v4 =	vadd.s32 v14, v4  }
0x522: {  	v4 =	vadd.s32 v15, v4  }
0x523: {  	v4 =	vadd.s32 v12, v4  }
0x524: {  	[tilespmem:$0x10810] =	vst v4  }
0x525: {  	v4 =	vld.idx.msk [tilespmem:v35+s23+$0x0], $0xffff  }
0x526: {  	v5 =	vld.idx.msk [tilespmem:v36+s23+$0x0], $0xffff  }
0x527: {  	v13 =	vld.idx.msk [tilespmem:v37+s23+$0x0], $0xffff  }
0x528: {  	v14 =	vld.idx.msk [tilespmem:v38+s23+$0x0], $0xffff  }
0x529: {  	v15 =	vld.idx.msk [tilespmem:v39+s23+$0x0], $0xffff  }
0x52a: {  	v12 =	vld.idx.msk [tilespmem:v40+s23+$0x0], $0xffff  }
0x52b: {  	v4 =	vadd.s32 v4, v5;
	v5 =	vld.idx.msk [tilespmem:v41+s23+$0x0], $0xffff  }
0x52c: {  	v4 =	vadd.s32 v13, v4;
	v13 =	vld.idx.msk [tilespmem:v42+s23+$0x0], $0xffff  }
0x52d: {  	v4 =	vadd.s32 v14, v4;
	v14 =	vld.idx.msk [tilespmem:v43+s23+$0x0], $0xffff  }
0x52e: {  	v4 =	vadd.s32 v15, v4;
	v15 =	vld.idx.msk [tilespmem:v44+s23+$0x0], $0xffff  }
0x52f: {  	v4 =	vadd.s32 v12, v4;
	v12 =	vld.idx.msk [tilespmem:v45+s23+$0x0], $0xffff  }
0x530: {  	v4 =	vadd.s32 v5, v4;
	v5 =	vld.idx.msk [tilespmem:v46+s23+$0x0], $0xffff  }
0x531: {  	v4 =	vadd.s32 v13, v4;
	v13 =	vld.idx.msk [tilespmem:v47+s23+$0x0], $0xffff  }
0x532: {  	v4 =	vadd.s32 v14, v4;
	v14 =	vld.idx.msk [tilespmem:v48+s23+$0x0], $0xffff  }
0x533: {  	v4 =	vadd.s32 v15, v4;
	v15 =	vld.idx.msk [tilespmem:v49+s23+$0x0], $0xffff  }
0x534: {  	v4 =	vadd.s32 v12, v4;
	v12 =	vld.idx.msk [tilespmem:v50+s23+$0x0], $0xffff  }
0x535: {  	v4 =	vadd.s32 v5, v4  }
0x536: {  	v4 =	vadd.s32 v13, v4  }
0x537: {  	v4 =	vadd.s32 v14, v4  }
0x538: {  	v4 =	vadd.s32 v15, v4  }
0x539: {  	v4 =	vadd.s32 v12, v4  }
0x53a: {  	[tilespmem:$0x10820] =	vst v4  }
0x53b: {  	v4 =	vld.idx.msk [tilespmem:v51+s23+$0x0], $0xffff  }
0x53c: {  	v5 =	vld.idx.msk [tilespmem:v52+s23+$0x0], $0xffff  }
0x53d: {  	v13 =	vld.idx.msk [tilespmem:v53+s23+$0x0], $0xffff  }
0x53e: {  	v14 =	vld.idx.msk [tilespmem:v54+s23+$0x0], $0xffff  }
0x53f: {  	v15 =	vld.idx.msk [tilespmem:v55+s23+$0x0], $0xffff  }
0x540: {  	v12 =	vld.idx.msk [tilespmem:v56+s23+$0x0], $0xffff  }
0x541: {  	v4 =	vadd.s32 v4, v5;
	v5 =	vld.idx.msk [tilespmem:v57+s23+$0x0], $0xffff  }
0x542: {  	v6 =	vld.idx.msk [tilespmem:v58+s23+$0x0], $0xffff;
	v4 =	vadd.s32 v13, v4  }
0x543: {  	v10 =	vor.u32 $0x30D, v0;
	v7 =	vld.idx.msk [tilespmem:v59+s23+$0x0], $0xffff;
	v4 =	vadd.s32 v14, v4  }
0x544: {  	v11 =	vor.u32 $0x30E, v0;
	v8 =	vld.idx.msk [tilespmem:v60+s23+$0x0], $0xffff;
	v4 =	vadd.s32 v15, v4  }
0x545: {  	v9 =	vld.idx.msk [tilespmem:v61+s23+$0x0], $0xffff;
	v4 =	vadd.s32 v12, v4;
	v12 =	vor.u32 $0x30F, v0  }
0x546: {  	v4 =	vadd.s32 v5, v4;
	v5 =	vld.idx.msk [tilespmem:v62+s23+$0x0], $0xffff  }
0x547: {  	v4 =	vadd.s32 v6, v4;
	v6 =	vld.idx.msk [tilespmem:v63+s23+$0x0], $0xffff  }
0x548: {  	v13 =	vld.idx.msk [tilespmem:v10+s23+$0x0], $0xffff;
	v4 =	vadd.s32 v7, v4  }
0x549: {  	v14 =	vld.idx.msk [tilespmem:v11+s23+$0x0], $0xffff;
	v4 =	vadd.s32 v8, v4  }
0x54a: {  	v4 =	vadd.s32 v9, v4;
	v15 =	vld.idx.msk [tilespmem:v12+s23+$0x0], $0xffff  }
0x54b: {  	v4 =	vadd.s32 v5, v4  }
0x54c: {  	v5 =	vor.u32 $0x400, v0;
	v4 =	vadd.s32 v6, v4  }
0x54d: {  	v12 =	vor.u32 $0x401, v0;
	v4 =	vadd.s32 v13, v4  }
0x54e: {  	v13 =	vor.u32 $0x402, v0;
	v4 =	vadd.s32 v14, v4  }
0x54f: {  	v14 =	vor.u32 $0x403, v0;
	v4 =	vadd.s32 v15, v4  }
0x550: {  	[tilespmem:$0x10830] =	vst v4;
	v4 =	vor.u32 $0x404, v0  }
0x551: {  	v9 =	vor.u32 $0x405, v0;
	v5 =	vld.idx.msk [tilespmem:v5+s23+$0x0], $0xffff  }
0x552: {  	v10 =	vor.u32 $0x406, v0;
	v6 =	vld.idx.msk [tilespmem:v12+s23+$0x0], $0xffff  }
0x553: {  	v11 =	vor.u32 $0x407, v0;
	v7 =	vld.idx.msk [tilespmem:v13+s23+$0x0], $0xffff  }
0x554: {  	v12 =	vor.u32 $0x408, v0;
	v8 =	vld.idx.msk [tilespmem:v14+s23+$0x0], $0xffff  }
0x555: {  	v13 =	vor.u32 $0x409, v0;
	v4 =	vld.idx.msk [tilespmem:v4+s23+$0x0], $0xffff  }
0x556: {  	v9 =	vld.idx.msk [tilespmem:v9+s23+$0x0], $0xffff;
	v14 =	vor.u32 $0x40A, v0  }
0x557: {  	v5 =	vadd.s32 v5, v6;
	v6 =	vld.idx.msk [tilespmem:v10+s23+$0x0], $0xffff;
	v10 =	vor.u32 $0x40B, v0  }
0x558: {  	v5 =	vadd.s32 v7, v5;
	v7 =	vld.idx.msk [tilespmem:v11+s23+$0x0], $0xffff;
	v11 =	vor.u32 $0x40C, v0  }
0x559: {  	v5 =	vadd.s32 v8, v5;
	v8 =	vld.idx.msk [tilespmem:v12+s23+$0x0], $0xffff;
	v12 =	vor.u32 $0x40D, v0  }
0x55a: {  	v4 =	vadd.s32 v4, v5;
	v5 =	vld.idx.msk [tilespmem:v13+s23+$0x0], $0xffff;
	v13 =	vor.u32 $0x40E, v0  }
0x55b: {  	v4 =	vadd.s32 v9, v4;
	v9 =	vld.idx.msk [tilespmem:v14+s23+$0x0], $0xffff;
	v14 =	vor.u32 $0x40F, v0  }
0x55c: {  	v4 =	vadd.s32 v6, v4;
	v6 =	vld.idx.msk [tilespmem:v10+s23+$0x0], $0xffff  }
0x55d: {  	v4 =	vadd.s32 v7, v4;
	v7 =	vld.idx.msk [tilespmem:v11+s23+$0x0], $0xffff  }
0x55e: {  	v4 =	vadd.s32 v8, v4;
	v8 =	vld.idx.msk [tilespmem:v12+s23+$0x0], $0xffff  }
0x55f: {  	v4 =	vadd.s32 v5, v4;
	v5 =	vld.idx.msk [tilespmem:v13+s23+$0x0], $0xffff  }
0x560: {  	v4 =	vadd.s32 v9, v4;
	v15 =	vld.idx.msk [tilespmem:v14+s23+$0x0], $0xffff  }
0x561: {  	v4 =	vadd.s32 v6, v4  }
0x562: {  	v12 =	vor.u32 $0x500, v0;
	v4 =	vadd.s32 v7, v4  }
0x563: {  	v13 =	vor.u32 $0x501, v0;
	v4 =	vadd.s32 v8, v4  }
0x564: {  	v4 =	vadd.s32 v5, v4;
	v5 =	vor.u32 $0x502, v0  }
0x565: {  	v14 =	vor.u32 $0x503, v0;
	v4 =	vadd.s32 v15, v4  }
0x566: {  	[tilespmem:$0x10840] =	vst v4;
	v4 =	vor.u32 $0x504, v0  }
0x567: {  	v9 =	vor.u32 $0x505, v0;
	v6 =	vld.idx.msk [tilespmem:v12+s23+$0x0], $0xffff  }
0x568: {  	v10 =	vor.u32 $0x506, v0;
	v7 =	vld.idx.msk [tilespmem:v13+s23+$0x0], $0xffff  }
0x569: {  	v11 =	vor.u32 $0x507, v0;
	v5 =	vld.idx.msk [tilespmem:v5+s23+$0x0], $0xffff  }
0x56a: {  	v8 =	vld.idx.msk [tilespmem:v14+s23+$0x0], $0xffff;
	v12 =	vor.u32 $0x508, v0  }
0x56b: {  	v13 =	vor.u32 $0x509, v0;
	v4 =	vld.idx.msk [tilespmem:v4+s23+$0x0], $0xffff  }
0x56c: {  	v9 =	vld.idx.msk [tilespmem:v9+s23+$0x0], $0xffff;
	v14 =	vor.u32 $0x50A, v0  }
0x56d: {  	v6 =	vadd.s32 v6, v7;
	v7 =	vld.idx.msk [tilespmem:v10+s23+$0x0], $0xffff;
	v10 =	vor.u32 $0x50B, v0  }
0x56e: {  	v5 =	vadd.s32 v5, v6;
	v6 =	vld.idx.msk [tilespmem:v11+s23+$0x0], $0xffff;
	v11 =	vor.u32 $0x50C, v0  }
0x56f: {  	v5 =	vadd.s32 v8, v5;
	v8 =	vld.idx.msk [tilespmem:v12+s23+$0x0], $0xffff;
	v12 =	vor.u32 $0x50D, v0  }
0x570: {  	v4 =	vadd.s32 v4, v5;
	v5 =	vld.idx.msk [tilespmem:v13+s23+$0x0], $0xffff;
	v13 =	vor.u32 $0x50E, v0  }
0x571: {  	v4 =	vadd.s32 v9, v4;
	v9 =	vld.idx.msk [tilespmem:v14+s23+$0x0], $0xffff;
	v14 =	vor.u32 $0x50F, v0  }
0x572: {  	v4 =	vadd.s32 v7, v4;
	v7 =	vld.idx.msk [tilespmem:v10+s23+$0x0], $0xffff  }
0x573: {  	v4 =	vadd.s32 v6, v4;
	v6 =	vld.idx.msk [tilespmem:v11+s23+$0x0], $0xffff  }
0x574: {  	v4 =	vadd.s32 v8, v4;
	v8 =	vld.idx.msk [tilespmem:v12+s23+$0x0], $0xffff  }
0x575: {  	v4 =	vadd.s32 v5, v4;
	v5 =	vld.idx.msk [tilespmem:v13+s23+$0x0], $0xffff  }
0x576: {  	v4 =	vadd.s32 v9, v4;
	v15 =	vld.idx.msk [tilespmem:v14+s23+$0x0], $0xffff  }
0x577: {  	v4 =	vadd.s32 v7, v4  }
0x578: {  	v12 =	vor.u32 $0x600, v0;
	v4 =	vadd.s32 v6, v4  }
0x579: {  	v13 =	vor.u32 $0x601, v0;
	v4 =	vadd.s32 v8, v4  }
0x57a: {  	v4 =	vadd.s32 v5, v4;
	v5 =	vor.u32 $0x602, v0  }
0x57b: {  	v14 =	vor.u32 $0x603, v0;
	v4 =	vadd.s32 v15, v4  }
0x57c: {  	[tilespmem:$0x10850] =	vst v4;
	v4 =	vor.u32 $0x604, v0  }
0x57d: {  	v9 =	vor.u32 $0x605, v0;
	v6 =	vld.idx.msk [tilespmem:v12+s23+$0x0], $0xffff  }
0x57e: {  	v10 =	vor.u32 $0x606, v0;
	v7 =	vld.idx.msk [tilespmem:v13+s23+$0x0], $0xffff  }
0x57f: {  	v11 =	vor.u32 $0x607, v0;
	v5 =	vld.idx.msk [tilespmem:v5+s23+$0x0], $0xffff  }
0x580: {  	v8 =	vld.idx.msk [tilespmem:v14+s23+$0x0], $0xffff;
	v12 =	vor.u32 $0x608, v0  }
0x581: {  	v13 =	vor.u32 $0x609, v0;
	v4 =	vld.idx.msk [tilespmem:v4+s23+$0x0], $0xffff  }
0x582: {  	v9 =	vld.idx.msk [tilespmem:v9+s23+$0x0], $0xffff;
	v14 =	vor.u32 $0x60A, v0  }
0x583: {  	v6 =	vadd.s32 v6, v7;
	v7 =	vld.idx.msk [tilespmem:v10+s23+$0x0], $0xffff;
	v10 =	vor.u32 $0x60B, v0  }
0x584: {  	v5 =	vadd.s32 v5, v6;
	v6 =	vld.idx.msk [tilespmem:v11+s23+$0x0], $0xffff;
	v11 =	vor.u32 $0x60C, v0  }
0x585: {  	v5 =	vadd.s32 v8, v5;
	v8 =	vld.idx.msk [tilespmem:v12+s23+$0x0], $0xffff;
	v12 =	vor.u32 $0x60D, v0  }
0x586: {  	v4 =	vadd.s32 v4, v5;
	v5 =	vld.idx.msk [tilespmem:v13+s23+$0x0], $0xffff;
	v13 =	vor.u32 $0x60E, v0  }
0x587: {  	v4 =	vadd.s32 v9, v4;
	v9 =	vld.idx.msk [tilespmem:v14+s23+$0x0], $0xffff;
	v14 =	vor.u32 $0x60F, v0  }
0x588: {  	v4 =	vadd.s32 v7, v4;
	v7 =	vld.idx.msk [tilespmem:v10+s23+$0x0], $0xffff  }
0x589: {  	v4 =	vadd.s32 v6, v4;
	v6 =	vld.idx.msk [tilespmem:v11+s23+$0x0], $0xffff  }
0x58a: {  	v4 =	vadd.s32 v8, v4;
	v15 =	vld.idx.msk [tilespmem:v12+s23+$0x0], $0xffff  }
0x58b: {  	v4 =	vadd.s32 v5, v4;
	v5 =	vld.idx.msk [tilespmem:v13+s23+$0x0], $0xffff  }
0x58c: {  	v4 =	vadd.s32 v9, v4;
	v12 =	vld.idx.msk [tilespmem:v14+s23+$0x0], $0xffff  }
0x58d: {  	v4 =	vadd.s32 v7, v4  }
0x58e: {  	v13 =	vor.u32 $0x700, v0;
	v4 =	vadd.s32 v6, v4  }
0x58f: {  	v14 =	vor.u32 $0x701, v0;
	v4 =	vadd.s32 v15, v4  }
0x590: {  	v4 =	vadd.s32 v5, v4;
	v5 =	vor.u32 $0x702, v0  }
0x591: {  	v15 =	vor.u32 $0x703, v0;
	v4 =	vadd.s32 v12, v4  }
0x592: {  	[tilespmem:$0x10860] =	vst v4;
	v4 =	vor.u32 $0x704, v0  }
0x593: {  	v9 =	vor.u32 $0x705, v0;
	v6 =	vld.idx.msk [tilespmem:v13+s23+$0x0], $0xffff  }
0x594: {  	v10 =	vor.u32 $0x706, v0;
	v7 =	vld.idx.msk [tilespmem:v14+s23+$0x0], $0xffff  }
0x595: {  	v11 =	vor.u32 $0x707, v0;
	v5 =	vld.idx.msk [tilespmem:v5+s23+$0x0], $0xffff  }
0x596: {  	v12 =	vor.u32 $0x708, v0;
	v8 =	vld.idx.msk [tilespmem:v15+s23+$0x0], $0xffff  }
0x597: {  	v13 =	vor.u32 $0x709, v0;
	v4 =	vld.idx.msk [tilespmem:v4+s23+$0x0], $0xffff  }
0x598: {  	v9 =	vld.idx.msk [tilespmem:v9+s23+$0x0], $0xffff;
	v14 =	vor.u32 $0x70A, v0  }
0x599: {  	v6 =	vadd.s32 v6, v7;
	v7 =	vld.idx.msk [tilespmem:v10+s23+$0x0], $0xffff;
	v10 =	vor.u32 $0x70B, v0  }
0x59a: {  	v5 =	vadd.s32 v5, v6;
	v6 =	vld.idx.msk [tilespmem:v11+s23+$0x0], $0xffff;
	v11 =	vor.u32 $0x70C, v0  }
0x59b: {  	v5 =	vadd.s32 v8, v5;
	v8 =	vld.idx.msk [tilespmem:v12+s23+$0x0], $0xffff;
	v12 =	vor.u32 $0x70D, v0  }
0x59c: {  	v4 =	vadd.s32 v4, v5;
	v5 =	vld.idx.msk [tilespmem:v13+s23+$0x0], $0xffff;
	v13 =	vor.u32 $0x70E, v0  }
0x59d: {  	v4 =	vadd.s32 v9, v4;
	v9 =	vld.idx.msk [tilespmem:v14+s23+$0x0], $0xffff;
	v14 =	vor.u32 $0x70F, v0  }
0x59e: {  	v4 =	vadd.s32 v7, v4;
	v7 =	vld.idx.msk [tilespmem:v10+s23+$0x0], $0xffff  }
0x59f: {  	v4 =	vadd.s32 v6, v4;
	v6 =	vld.idx.msk [tilespmem:v11+s23+$0x0], $0xffff  }
0x5a0: {  	v4 =	vadd.s32 v8, v4;
	v12 =	vld.idx.msk [tilespmem:v12+s23+$0x0], $0xffff  }
0x5a1: {  	v4 =	vadd.s32 v5, v4;
	v5 =	vld.idx.msk [tilespmem:v13+s23+$0x0], $0xffff  }
0x5a2: {  	v4 =	vadd.s32 v9, v4;
	v15 =	vld.idx.msk [tilespmem:v14+s23+$0x0], $0xffff  }
0x5a3: {  	v4 =	vadd.s32 v7, v4  }
0x5a4: {  	v4 =	vadd.s32 v6, v4  }
0x5a5: {  	v4 =	vadd.s32 v12, v4  }
0x5a6: {  	s28 =	sadd.s32 $0x1, s28;
	v4 =	vadd.s32 v5, v4  }
0x5a7: {  	p0 =	sne.s32 s28, s20;
	v4 =	vadd.s32 v15, v4  }
.Ltmp16:
0x5a8: {  	[tilespmem:$0x10870] =	vst v4;
	(pc) =	sbr.rel @p0 .LBB2_1-.Ltmp16, $4  }
0x5a9: {  	[hbm4b:s19+s2] =	stream.linear.scatter [tilespmem:s25], [sflag:$0x3], $0x80, $0x38;
	[tilespmem:$0x10880] =	vst v63  }
0x5aa: {  	_ =	swait.ge [sflag:s26], $0x80  }
0x5ab: {  	[sflag:s26] =	ssyncset.done $0x0  }
0x5ac: {  	[sflag:s26] =	ssyncadd.s32 $0xFFFFFF80  }
0x5ad: {  	_ =	sfence.sel $0x180000  }
0x5ae: {  	[bflag:$0x0] =	sbarrier.arrive $0xFFFF  }
0x5af: {  	p0 =	sne.s32 s1, $0x0;
	_ =	strace $0x90000047  }
0x5b0: {  	s0 =	sadd.s32 @!p0 $0x100000, s0;
	[bflag:$0x2] =	sbarrier.arrive $0xFFFF  }
0x5b1: {  	[sflag:s0] =	ssyncadd.tile.s32 @!p0 $0x1;
	_ =	shalt  }
.Lfunc_end2:
_tile_overlayer_lowered:
.L_overlay_start_2:
0x5b2: {  	(tag) =	ssettag $0x2  }
0x5b3: {  	s0 =	rddreg [dreg:$0x0];
	s2 =	stileid.u32  }
0x5b4: {  	s1 =	rddreg [dreg:$0x1];
	p0 =	sne.s32 s2, $0x0  }
0x5b5: {  	s3 =	rddreg [dreg:$0x2];
	[bflag:$0x3] =	sbarrier.arrive $0xFFFF;
	s2 =	simm.s32 @!p0 $0x1C03  }
0x5b6: {  	[timem:s3], [sflag:s2] =	dma.local @!p0 [hbm:s0], s1  }
0x5b7: {  	s0 =	simm.s32 @!p0 $0x3  }
0x5b8: {  	_ =	swait.ge @!p0 [sflag:s0], s1  }
0x5b9: {  	s1 =	ssub.s32 @!p0 $0x0, s1;
	[sflag:s0] =	ssyncset.done @!p0 $0x0  }
0x5ba: {  	[sflag:s0] =	ssyncadd.s32 @!p0 s1  }
0x5bb: {  	[bflag:$0x3] =	sbarrier.arrive $0xFFFF  }
0x5bc: {  	_ =	shalt  }

</sc_bundles>
